<compile_context>
chip_gen: v7x
topology: tpu7x:2x2x1
jax: 0.10.2.dev20260603
libtpu: 0.0.44.dev20260713+nightly
codegen_flags: <defaults>
</compile_context>

<pallas_src>
import functools

import jax
import jax.numpy as jnp
from jax import lax
from jax.experimental import pallas as pl
from jax.experimental.pallas import tpu as pltpu
from jax.experimental.pallas import tpu_sc as plsc

B, S, D = 4, 8192, 1024
K = 2048
ROWS = 2048


def _fused_body(x_ref, out_ref, ss_ref):
    x = x_ref[0]
    p = None
    for c in range(8):
        xc = x[:, c * 128:(c + 1) * 128]
        sq = xc * xc
        p = sq if p is None else sq + p
    pt = jnp.transpose(p)
    a = None
    for t in range(16):
        at = pt[8 * t:8 * t + 8, :]
        a = at if a is None else at + a
    b1 = a[0:4, :] + a[4:8, :]
    b2 = b1[0:2, :] + b1[2:4, :]
    s = b2[0:1, :] + b2[1:2, :]
    i = pl.program_id(0)
    ss_ref[pl.ds(i * (ROWS // 128), ROWS // 128)] = s.reshape(
        ROWS // 128, 128)

    @pl.when(i == B * S // ROWS - 1)
    def _sort():
        _topk_from_ss(ss_ref, out_ref)


def _fused(x):
    xr = x.reshape(B * S // ROWS, ROWS, D)
    out = pl.pallas_call(
        _fused_body,
        grid=(B * S // ROWS,),
        in_specs=[pl.BlockSpec((1, ROWS, D), lambda i: (i, 0, 0))],
        out_specs=pl.BlockSpec((B, 16, 128), lambda i: (0, 0, 0)),
        out_shape=jax.ShapeDtypeStruct((B, 16, 128), jnp.int32),
        scratch_shapes=[pltpu.VMEM((B * S // 128, 128), jnp.float32)],
    )(xr)
    return out.reshape(B * K)


def _cx(k, idx, pos, j, asc):
    m = 1 << j
    am_low = (pos & m) == 0
    if j < 7:
        ax, sh = 2, m
    else:
        ax, sh = 1, m >> 7
    kp = jnp.where(am_low, jnp.roll(k, -sh, axis=ax),
                   jnp.roll(k, sh, axis=ax))
    ip = jnp.where(am_low, jnp.roll(idx, -sh, axis=ax),
                   jnp.roll(idx, sh, axis=ax))
    pw = (kp > k) | ((kp == k) & (ip < idx))
    take = (pw == am_low) != asc
    return jnp.where(take, kp, k), jnp.where(take, ip, idx)


def _first(k1, i1, k0, i0):
    return (k1 > k0) | ((k1 == k0) & (i1 < i0))


def _topk_from_ss(n_ref, out_ref):
    k = jnp.sqrt(n_ref[...].reshape(B, 64, 128))
    row = lax.broadcasted_iota(jnp.int32, (B, 64, 128), 1)
    col = lax.broadcasted_iota(jnp.int32, (B, 64, 128), 2)
    tok = row * 128 + col
    idx = tok
    for p in range(11):
        asc = ((tok >> (p + 1)) & 1) == 1
        for j in range(p, -1, -1):
            k, idx = _cx(k, idx, tok, j, asc)
    f01 = _first(k[:, 16:32], idx[:, 16:32], k[:, 0:16], idx[:, 0:16])
    f23 = _first(k[:, 48:64], idx[:, 48:64], k[:, 32:48], idx[:, 32:48])
    km = jnp.concatenate(
        [jnp.where(f01, k[:, 16:32], k[:, 0:16]),
         jnp.where(f23, k[:, 48:64], k[:, 32:48])], axis=1)
    im = jnp.concatenate(
        [jnp.where(f01, idx[:, 16:32], idx[:, 0:16]),
         jnp.where(f23, idx[:, 48:64], idx[:, 32:48])], axis=1)
    row2 = lax.broadcasted_iota(jnp.int32, (B, 32, 128), 1)
    col2 = lax.broadcasted_iota(jnp.int32, (B, 32, 128), 2)
    pos2 = (row2 % 16) * 128 + col2
    asc2 = row2 >= 16
    for j in range(10, -1, -1):
        km, im = _cx(km, im, pos2, j, asc2)
    ff = _first(km[:, 16:32], im[:, 16:32], km[:, 0:16], im[:, 0:16])
    kf = jnp.where(ff, km[:, 16:32], km[:, 0:16])
    idf = jnp.where(ff, im[:, 16:32], im[:, 0:16])
    row3 = lax.broadcasted_iota(jnp.int32, (B, 16, 128), 1)
    col3 = lax.broadcasted_iota(jnp.int32, (B, 16, 128), 2)
    pos3 = row3 * 128 + col3
    asc3 = jnp.zeros((B, 16, 128), jnp.bool_)
    for j in range(10, -1, -1):
        kf, idf = _cx(kf, idf, pos3, j, asc3)
    b = lax.broadcasted_iota(jnp.int32, (B, 16, 128), 0)
    out_ref[...] = idf + b * S


def _topk(norms):
    out = pl.pallas_call(
        _topk_body,
        in_specs=[pl.BlockSpec((B, 64, 128), lambda: (0, 0, 0))],
        out_specs=pl.BlockSpec((B, 16, 128), lambda: (0, 0, 0)),
        out_shape=jax.ShapeDtypeStruct((B, 16, 128), jnp.int32),
    )(norms.reshape(B, 64, 128))
    return out.reshape(B * K)


def _sc_gather(xf, gid):
    info = plsc.get_sparse_core_info()
    nw = info.num_cores * info.num_subcores
    rows_w = (B * K) // nw
    chunks = (120, 120, 16)
    mesh = plsc.VectorSubcoreMesh(core_axis_name="c", subcore_axis_name="s")

    @functools.partial(
        pl.kernel, mesh=mesh,
        out_type=jax.ShapeDtypeStruct((B * K, D), jnp.float32),
        scratch_types=[
            pltpu.VMEM((rows_w,), jnp.int32),
            pltpu.VMEM((chunks[0], D), jnp.float32),
            pltpu.SemaphoreType.DMA,
        ],
    )
    def gather_k(x_hbm, gid_hbm, out_hbm, idx_v, rows_v, sem):
        wid = lax.axis_index("s") * info.num_cores + lax.axis_index("c")
        base = wid * rows_w
        pltpu.sync_copy(gid_hbm.at[wid], idx_v)
        off = 0
        for sz in chunks:
            pltpu.async_copy(x_hbm.at[idx_v.at[pl.ds(off, sz)]],
                             rows_v.at[pl.ds(0, sz)], sem).wait()
            pltpu.sync_copy(rows_v.at[pl.ds(0, sz)],
                            out_hbm.at[pl.ds(base + off, sz)])
            off += sz

    return gather_k(xf, gid.reshape(nw, rows_w))


def kernel(x):
    gid = _fused(x)
    out = _sc_gather(x.reshape(B * S, D), gid)
    return out.reshape(B, K, D)

# --- scband reference (transcript-rebuilt; emitter-appended) ---
"""Pipeline reference for scband-sparse-information-extraction-730144441097 (READ-ONLY COPY).

The authoritative reference and input builder live on the scoring server;
editing this copy changes nothing except your own understanding.
"""

import jax, jax.numpy as jnp
import numpy as np

B, S, D = 4, 8192, 1024
SPARSITY = 0.25

def setup_inputs(seed: int = 0) -> dict:
    key = jax.random.key(seed)
    x = jax.random.normal(key, (B, S, D), dtype=jnp.float32)
    return {"x": x}

def reference(x):
    # token_norms = ||x||_2 along last dim -> (B, S)
    token_norms = jnp.sqrt(jnp.sum(x * x, axis=-1))
    k = int(SPARSITY * x.shape[1])
    # top-k over seq dim
    _, topk_indices = jax.lax.top_k(token_norms, k)  # (B, k)
    # gather tokens: (B, k, D)
    idx = topk_indices[:, :, None]  # (B, k, 1)
    sparse_x = jnp.take_along_axis(x, jnp.broadcast_to(idx, (x.shape[0], k, x.shape[2])), axis=1)
    return sparse_x

if __name__ == "__main__":
    import jax
    _d = setup_inputs()
    print(jax.jit(kernel)(*tuple(_d.values())))

</pallas_src>

<mosaic_0001>
#map = affine_map<(d0, d1) -> (0, 0)>
module attributes {stable_mosaic.version = 14 : i64} {
  func.func @gather_k(%arg0: i32, %arg1: i32, %arg2: memref<32768x1024xf32, #tpu.memory_space<hbm>>, %arg3: memref<32x256xi32, #tpu.memory_space<hbm>>, %arg4: memref<8192x1024xf32, #tpu.memory_space<hbm>>, %arg5: memref<256xi32, #tpu.memory_space<vmem>>, %arg6: memref<120x1024xf32, #tpu.memory_space<vmem>>, %arg7: memref<!tpu.dma_semaphore, #tpu.memory_space<semaphore_mem>>) attributes {dimension_semantics = [#tpu.dimension_semantics<core_parallel>, #tpu.dimension_semantics<subcore_parallel>], iteration_bounds = array<i64: 2, 16>, scalar_prefetch = 0 : i64, scratch_operands = 3 : i64, tpu.core_type = #tpu.core_type<sc_vector_subcore>, window_params = [{transform_indices = #map}, {transform_indices = #map}, {transform_indices = #map}]} {
    %mul3A = arith.constant 2 : i32
    %mul3A_0 = arith.muli %arg1, %mul3A : i32
    %add3A = arith.addi %mul3A_0, %arg0 : i32
    %mul3A_1 = arith.constant 256 : i32
    %mul3A_2 = arith.muli %add3A, %mul3A_1 : i32
    "tpu.region"() ({
      %run_scoped3A = tpu.sem_alloc : memref<!tpu.dma_semaphore, #tpu.memory_space<semaphore_mem>>
      %dma_start3A_55 = arith.constant 0 : i32
      %dma_start3A_56 = tpu.memref_slice %arg3[%add3A, %dma_start3A_55] : memref<32x256xi32, #tpu.memory_space<hbm>> -> memref<1x256xi32, #tpu.memory_space<hbm>>
      %dma_start3A_57 = tpu.memref_squeeze %dma_start3A_56 : memref<1x256xi32, #tpu.memory_space<hbm>> -> memref<256xi32, #tpu.memory_space<hbm>>
      %dma_start3A_58 = arith.constant 0 : i32
      %dma_start3A_59 = tpu.memref_slice %arg3[%add3A, %dma_start3A_58] : memref<32x256xi32, #tpu.memory_space<hbm>> -> memref<1x256xi32, #tpu.memory_space<hbm>>
      %dma_start3A_60 = tpu.memref_squeeze %dma_start3A_59 : memref<1x256xi32, #tpu.memory_space<hbm>> -> memref<256xi32, #tpu.memory_space<hbm>>
      tpu.enqueue_dma source(%dma_start3A_60 : memref<256xi32, #tpu.memory_space<hbm>>) target(%arg5 : memref<256xi32, #tpu.memory_space<vmem>>) target_semaphore(%run_scoped3A : memref<!tpu.dma_semaphore, #tpu.memory_space<semaphore_mem>>)
      %dma_wait3A_61 = arith.constant 0 : i32
      %dma_wait3A_62 = tpu.memref_slice %arg3[%add3A, %dma_wait3A_61] : memref<32x256xi32, #tpu.memory_space<hbm>> -> memref<1x256xi32, #tpu.memory_space<hbm>>
      %dma_wait3A_63 = tpu.memref_squeeze %dma_wait3A_62 : memref<1x256xi32, #tpu.memory_space<hbm>> -> memref<256xi32, #tpu.memory_space<hbm>>
      %dma_wait3A_64 = arith.constant 0 : i32
      %dma_wait3A_65 = tpu.memref_slice %arg3[%add3A, %dma_wait3A_64] : memref<32x256xi32, #tpu.memory_space<hbm>> -> memref<1x256xi32, #tpu.memory_space<hbm>>
      %dma_wait3A_66 = tpu.memref_squeeze %dma_wait3A_65 : memref<1x256xi32, #tpu.memory_space<hbm>> -> memref<256xi32, #tpu.memory_space<hbm>>
      tpu.wait_dma2 semaphore(%run_scoped3A : memref<!tpu.dma_semaphore, #tpu.memory_space<semaphore_mem>>) src(%dma_wait3A_66 : memref<256xi32, #tpu.memory_space<hbm>>) dst(%arg5 : memref<256xi32, #tpu.memory_space<vmem>>)
      tpu.yield
    }) : () -> ()
    %dma_start3A = arith.constant 0 : i32
    %dma_start3A_3 = arith.constant 0 : i32
    %dma_start3A_4 = tpu.memref_slice %arg6[%dma_start3A, %dma_start3A_3] : memref<120x1024xf32, #tpu.memory_space<vmem>> -> memref<120x1024xf32, #tpu.memory_space<vmem>>
    %dma_start3A_5 = arith.constant 0 : i32
    %dma_start3A_6 = tpu.memref_slice %arg5[%dma_start3A_5] : memref<256xi32, #tpu.memory_space<vmem>> -> memref<120xi32, #tpu.memory_space<vmem>>
    %dma_start3A_7 = arith.constant 0 : i32
    %dma_start3A_8 = arith.constant 0 : i32
    %dma_start3A_9 = tpu.memref_slice %arg2[%dma_start3A_7, %dma_start3A_8] : memref<32768x1024xf32, #tpu.memory_space<hbm>> -> memref<32768x1024xf32, #tpu.memory_space<hbm>>
    tpu.enqueue_indirect_dma source(%dma_start3A_9 : memref<32768x1024xf32, #tpu.memory_space<hbm>>) target(%dma_start3A_4 : memref<120x1024xf32, #tpu.memory_space<vmem>>) offsets(%dma_start3A_6 : memref<120xi32, #tpu.memory_space<vmem>>) semaphore(%arg7 : memref<!tpu.dma_semaphore, #tpu.memory_space<semaphore_mem>>)
    %dma_wait3A = arith.constant 0 : i32
    %dma_wait3A_10 = arith.constant 0 : i32
    %dma_wait3A_11 = tpu.memref_slice %arg6[%dma_wait3A, %dma_wait3A_10] : memref<120x1024xf32, #tpu.memory_space<vmem>> -> memref<120x1024xf32, #tpu.memory_space<vmem>>
    %dma_wait3A_12 = arith.constant 0 : i32
    %dma_wait3A_13 = tpu.memref_slice %arg5[%dma_wait3A_12] : memref<256xi32, #tpu.memory_space<vmem>> -> memref<120xi32, #tpu.memory_space<vmem>>
    %dma_wait3A_14 = arith.constant 0 : i32
    %dma_wait3A_15 = arith.constant 0 : i32
    %dma_wait3A_16 = tpu.memref_slice %arg2[%dma_wait3A_14, %dma_wait3A_15] : memref<32768x1024xf32, #tpu.memory_space<hbm>> -> memref<32768x1024xf32, #tpu.memory_space<hbm>>
    tpu.wait_indirect_dma semaphore(%arg7 : memref<!tpu.dma_semaphore, #tpu.memory_space<semaphore_mem>>) src(%dma_wait3A_16 : memref<32768x1024xf32, #tpu.memory_space<hbm>>) dst(%dma_wait3A_11 : memref<120x1024xf32, #tpu.memory_space<vmem>>)
    %add3A_17 = arith.constant 0 : i32
    %add3A_18 = arith.addi %mul3A_2, %add3A_17 : i32
    "tpu.region"() ({
      %run_scoped3A = tpu.sem_alloc : memref<!tpu.dma_semaphore, #tpu.memory_space<semaphore_mem>>
      %dma_start3A_55 = arith.constant 0 : i32
      %dma_start3A_56 = arith.constant 0 : i32
      %dma_start3A_57 = tpu.memref_slice %arg6[%dma_start3A_55, %dma_start3A_56] : memref<120x1024xf32, #tpu.memory_space<vmem>> -> memref<120x1024xf32, #tpu.memory_space<vmem>>
      %dma_start3A_58 = arith.constant 0 : i32
      %dma_start3A_59 = tpu.memref_slice %arg4[%add3A_18, %dma_start3A_58] : memref<8192x1024xf32, #tpu.memory_space<hbm>> -> memref<120x1024xf32, #tpu.memory_space<hbm>>
      %dma_start3A_60 = arith.constant 0 : i32
      %dma_start3A_61 = tpu.memref_slice %arg4[%add3A_18, %dma_start3A_60] : memref<8192x1024xf32, #tpu.memory_space<hbm>> -> memref<120x1024xf32, #tpu.memory_space<hbm>>
      %dma_start3A_62 = arith.constant 0 : i32
      %dma_start3A_63 = arith.constant 0 : i32
      %dma_start3A_64 = tpu.memref_slice %arg6[%dma_start3A_62, %dma_start3A_63] : memref<120x1024xf32, #tpu.memory_space<vmem>> -> memref<120x1024xf32, #tpu.memory_space<vmem>>
      tpu.enqueue_dma source(%dma_start3A_64 : memref<120x1024xf32, #tpu.memory_space<vmem>>) target(%dma_start3A_61 : memref<120x1024xf32, #tpu.memory_space<hbm>>) target_semaphore(%run_scoped3A : memref<!tpu.dma_semaphore, #tpu.memory_space<semaphore_mem>>)
      %dma_wait3A_65 = arith.constant 0 : i32
      %dma_wait3A_66 = arith.constant 0 : i32
      %dma_wait3A_67 = tpu.memref_slice %arg6[%dma_wait3A_65, %dma_wait3A_66] : memref<120x1024xf32, #tpu.memory_space<vmem>> -> memref<120x1024xf32, #tpu.memory_space<vmem>>
      %dma_wait3A_68 = arith.constant 0 : i32
      %dma_wait3A_69 = tpu.memref_slice %arg4[%add3A_18, %dma_wait3A_68] : memref<8192x1024xf32, #tpu.memory_space<hbm>> -> memref<120x1024xf32, #tpu.memory_space<hbm>>
      %dma_wait3A_70 = arith.constant 0 : i32
      %dma_wait3A_71 = tpu.memref_slice %arg4[%add3A_18, %dma_wait3A_70] : memref<8192x1024xf32, #tpu.memory_space<hbm>> -> memref<120x1024xf32, #tpu.memory_space<hbm>>
      %dma_wait3A_72 = arith.constant 0 : i32
      %dma_wait3A_73 = arith.constant 0 : i32
      %dma_wait3A_74 = tpu.memref_slice %arg6[%dma_wait3A_72, %dma_wait3A_73] : memref<120x1024xf32, #tpu.memory_space<vmem>> -> memref<120x1024xf32, #tpu.memory_space<vmem>>
      tpu.wait_dma2 semaphore(%run_scoped3A : memref<!tpu.dma_semaphore, #tpu.memory_space<semaphore_mem>>) src(%dma_wait3A_74 : memref<120x1024xf32, #tpu.memory_space<vmem>>) dst(%dma_wait3A_71 : memref<120x1024xf32, #tpu.memory_space<hbm>>)
      tpu.yield
    }) : () -> ()
    %dma_start3A_19 = arith.constant 0 : i32
    %dma_start3A_20 = arith.constant 0 : i32
    %dma_start3A_21 = tpu.memref_slice %arg6[%dma_start3A_19, %dma_start3A_20] : memref<120x1024xf32, #tpu.memory_space<vmem>> -> memref<120x1024xf32, #tpu.memory_space<vmem>>
    %dma_start3A_22 = arith.constant 120 : i32
    %dma_start3A_23 = tpu.memref_slice %arg5[%dma_start3A_22] : memref<256xi32, #tpu.memory_space<vmem>> -> memref<120xi32, #tpu.memory_space<vmem>>
    %dma_start3A_24 = arith.constant 0 : i32
    %dma_start3A_25 = arith.constant 0 : i32
    %dma_start3A_26 = tpu.memref_slice %arg2[%dma_start3A_24, %dma_start3A_25] : memref<32768x1024xf32, #tpu.memory_space<hbm>> -> memref<32768x1024xf32, #tpu.memory_space<hbm>>
    tpu.enqueue_indirect_dma source(%dma_start3A_26 : memref<32768x1024xf32, #tpu.memory_space<hbm>>) target(%dma_start3A_21 : memref<120x1024xf32, #tpu.memory_space<vmem>>) offsets(%dma_start3A_23 : memref<120xi32, #tpu.memory_space<vmem>>) semaphore(%arg7 : memref<!tpu.dma_semaphore, #tpu.memory_space<semaphore_mem>>)
    %dma_wait3A_27 = arith.constant 0 : i32
    %dma_wait3A_28 = arith.constant 0 : i32
    %dma_wait3A_29 = tpu.memref_slice %arg6[%dma_wait3A_27, %dma_wait3A_28] : memref<120x1024xf32, #tpu.memory_space<vmem>> -> memref<120x1024xf32, #tpu.memory_space<vmem>>
    %dma_wait3A_30 = arith.constant 120 : i32
    %dma_wait3A_31 = tpu.memref_slice %arg5[%dma_wait3A_30] : memref<256xi32, #tpu.memory_space<vmem>> -> memref<120xi32, #tpu.memory_space<vmem>>
    %dma_wait3A_32 = arith.constant 0 : i32
    %dma_wait3A_33 = arith.constant 0 : i32
    %dma_wait3A_34 = tpu.memref_slice %arg2[%dma_wait3A_32, %dma_wait3A_33] : memref<32768x1024xf32, #tpu.memory_space<hbm>> -> memref<32768x1024xf32, #tpu.memory_space<hbm>>
    tpu.wait_indirect_dma semaphore(%arg7 : memref<!tpu.dma_semaphore, #tpu.memory_space<semaphore_mem>>) src(%dma_wait3A_34 : memref<32768x1024xf32, #tpu.memory_space<hbm>>) dst(%dma_wait3A_29 : memref<120x1024xf32, #tpu.memory_space<vmem>>)
    %add3A_35 = arith.constant 120 : i32
    %add3A_36 = arith.addi %mul3A_2, %add3A_35 : i32
    "tpu.region"() ({
      %run_scoped3A = tpu.sem_alloc : memref<!tpu.dma_semaphore, #tpu.memory_space<semaphore_mem>>
      %dma_start3A_55 = arith.constant 0 : i32
      %dma_start3A_56 = arith.constant 0 : i32
      %dma_start3A_57 = tpu.memref_slice %arg6[%dma_start3A_55, %dma_start3A_56] : memref<120x1024xf32, #tpu.memory_space<vmem>> -> memref<120x1024xf32, #tpu.memory_space<vmem>>
      %dma_start3A_58 = arith.constant 0 : i32
      %dma_start3A_59 = tpu.memref_slice %arg4[%add3A_36, %dma_start3A_58] : memref<8192x1024xf32, #tpu.memory_space<hbm>> -> memref<120x1024xf32, #tpu.memory_space<hbm>>
      %dma_start3A_60 = arith.constant 0 : i32
      %dma_start3A_61 = tpu.memref_slice %arg4[%add3A_36, %dma_start3A_60] : memref<8192x1024xf32, #tpu.memory_space<hbm>> -> memref<120x1024xf32, #tpu.memory_space<hbm>>
      %dma_start3A_62 = arith.constant 0 : i32
      %dma_start3A_63 = arith.constant 0 : i32
      %dma_start3A_64 = tpu.memref_slice %arg6[%dma_start3A_62, %dma_start3A_63] : memref<120x1024xf32, #tpu.memory_space<vmem>> -> memref<120x1024xf32, #tpu.memory_space<vmem>>
      tpu.enqueue_dma source(%dma_start3A_64 : memref<120x1024xf32, #tpu.memory_space<vmem>>) target(%dma_start3A_61 : memref<120x1024xf32, #tpu.memory_space<hbm>>) target_semaphore(%run_scoped3A : memref<!tpu.dma_semaphore, #tpu.memory_space<semaphore_mem>>)
      %dma_wait3A_65 = arith.constant 0 : i32
      %dma_wait3A_66 = arith.constant 0 : i32
      %dma_wait3A_67 = tpu.memref_slice %arg6[%dma_wait3A_65, %dma_wait3A_66] : memref<120x1024xf32, #tpu.memory_space<vmem>> -> memref<120x1024xf32, #tpu.memory_space<vmem>>
      %dma_wait3A_68 = arith.constant 0 : i32
      %dma_wait3A_69 = tpu.memref_slice %arg4[%add3A_36, %dma_wait3A_68] : memref<8192x1024xf32, #tpu.memory_space<hbm>> -> memref<120x1024xf32, #tpu.memory_space<hbm>>
      %dma_wait3A_70 = arith.constant 0 : i32
      %dma_wait3A_71 = tpu.memref_slice %arg4[%add3A_36, %dma_wait3A_70] : memref<8192x1024xf32, #tpu.memory_space<hbm>> -> memref<120x1024xf32, #tpu.memory_space<hbm>>
      %dma_wait3A_72 = arith.constant 0 : i32
      %dma_wait3A_73 = arith.constant 0 : i32
      %dma_wait3A_74 = tpu.memref_slice %arg6[%dma_wait3A_72, %dma_wait3A_73] : memref<120x1024xf32, #tpu.memory_space<vmem>> -> memref<120x1024xf32, #tpu.memory_space<vmem>>
      tpu.wait_dma2 semaphore(%run_scoped3A : memref<!tpu.dma_semaphore, #tpu.memory_space<semaphore_mem>>) src(%dma_wait3A_74 : memref<120x1024xf32, #tpu.memory_space<vmem>>) dst(%dma_wait3A_71 : memref<120x1024xf32, #tpu.memory_space<hbm>>)
      tpu.yield
    }) : () -> ()
    %dma_start3A_37 = arith.constant 0 : i32
    %dma_start3A_38 = arith.constant 0 : i32
    %dma_start3A_39 = tpu.memref_slice %arg6[%dma_start3A_37, %dma_start3A_38] : memref<120x1024xf32, #tpu.memory_space<vmem>> -> memref<16x1024xf32, #tpu.memory_space<vmem>>
    %dma_start3A_40 = arith.constant 240 : i32
    %dma_start3A_41 = tpu.memref_slice %arg5[%dma_start3A_40] : memref<256xi32, #tpu.memory_space<vmem>> -> memref<16xi32, #tpu.memory_space<vmem>>
    %dma_start3A_42 = arith.constant 0 : i32
    %dma_start3A_43 = arith.constant 0 : i32
    %dma_start3A_44 = tpu.memref_slice %arg2[%dma_start3A_42, %dma_start3A_43] : memref<32768x1024xf32, #tpu.memory_space<hbm>> -> memref<32768x1024xf32, #tpu.memory_space<hbm>>
    tpu.enqueue_indirect_dma source(%dma_start3A_44 : memref<32768x1024xf32, #tpu.memory_space<hbm>>) target(%dma_start3A_39 : memref<16x1024xf32, #tpu.memory_space<vmem>>) offsets(%dma_start3A_41 : memref<16xi32, #tpu.memory_space<vmem>>) semaphore(%arg7 : memref<!tpu.dma_semaphore, #tpu.memory_space<semaphore_mem>>)
    %dma_wait3A_45 = arith.constant 0 : i32
    %dma_wait3A_46 = arith.constant 0 : i32
    %dma_wait3A_47 = tpu.memref_slice %arg6[%dma_wait3A_45, %dma_wait3A_46] : memref<120x1024xf32, #tpu.memory_space<vmem>> -> memref<16x1024xf32, #tpu.memory_space<vmem>>
    %dma_wait3A_48 = arith.constant 240 : i32
    %dma_wait3A_49 = tpu.memref_slice %arg5[%dma_wait3A_48] : memref<256xi32, #tpu.memory_space<vmem>> -> memref<16xi32, #tpu.memory_space<vmem>>
    %dma_wait3A_50 = arith.constant 0 : i32
    %dma_wait3A_51 = arith.constant 0 : i32
    %dma_wait3A_52 = tpu.memref_slice %arg2[%dma_wait3A_50, %dma_wait3A_51] : memref<32768x1024xf32, #tpu.memory_space<hbm>> -> memref<32768x1024xf32, #tpu.memory_space<hbm>>
    tpu.wait_indirect_dma semaphore(%arg7 : memref<!tpu.dma_semaphore, #tpu.memory_space<semaphore_mem>>) src(%dma_wait3A_52 : memref<32768x1024xf32, #tpu.memory_space<hbm>>) dst(%dma_wait3A_47 : memref<16x1024xf32, #tpu.memory_space<vmem>>)
    %add3A_53 = arith.constant 240 : i32
    %add3A_54 = arith.addi %mul3A_2, %add3A_53 : i32
    "tpu.region"() ({
      %run_scoped3A = tpu.sem_alloc : memref<!tpu.dma_semaphore, #tpu.memory_space<semaphore_mem>>
      %dma_start3A_55 = arith.constant 0 : i32
      %dma_start3A_56 = arith.constant 0 : i32
      %dma_start3A_57 = tpu.memref_slice %arg6[%dma_start3A_55, %dma_start3A_56] : memref<120x1024xf32, #tpu.memory_space<vmem>> -> memref<16x1024xf32, #tpu.memory_space<vmem>>
      %dma_start3A_58 = arith.constant 0 : i32
      %dma_start3A_59 = tpu.memref_slice %arg4[%add3A_54, %dma_start3A_58] : memref<8192x1024xf32, #tpu.memory_space<hbm>> -> memref<16x1024xf32, #tpu.memory_space<hbm>>
      %dma_start3A_60 = arith.constant 0 : i32
      %dma_start3A_61 = tpu.memref_slice %arg4[%add3A_54, %dma_start3A_60] : memref<8192x1024xf32, #tpu.memory_space<hbm>> -> memref<16x1024xf32, #tpu.memory_space<hbm>>
      %dma_start3A_62 = arith.constant 0 : i32
      %dma_start3A_63 = arith.constant 0 : i32
      %dma_start3A_64 = tpu.memref_slice %arg6[%dma_start3A_62, %dma_start3A_63] : memref<120x1024xf32, #tpu.memory_space<vmem>> -> memref<16x1024xf32, #tpu.memory_space<vmem>>
      tpu.enqueue_dma source(%dma_start3A_64 : memref<16x1024xf32, #tpu.memory_space<vmem>>) target(%dma_start3A_61 : memref<16x1024xf32, #tpu.memory_space<hbm>>) target_semaphore(%run_scoped3A : memref<!tpu.dma_semaphore, #tpu.memory_space<semaphore_mem>>)
      %dma_wait3A_65 = arith.constant 0 : i32
      %dma_wait3A_66 = arith.constant 0 : i32
      %dma_wait3A_67 = tpu.memref_slice %arg6[%dma_wait3A_65, %dma_wait3A_66] : memref<120x1024xf32, #tpu.memory_space<vmem>> -> memref<16x1024xf32, #tpu.memory_space<vmem>>
      %dma_wait3A_68 = arith.constant 0 : i32
      %dma_wait3A_69 = tpu.memref_slice %arg4[%add3A_54, %dma_wait3A_68] : memref<8192x1024xf32, #tpu.memory_space<hbm>> -> memref<16x1024xf32, #tpu.memory_space<hbm>>
      %dma_wait3A_70 = arith.constant 0 : i32
      %dma_wait3A_71 = tpu.memref_slice %arg4[%add3A_54, %dma_wait3A_70] : memref<8192x1024xf32, #tpu.memory_space<hbm>> -> memref<16x1024xf32, #tpu.memory_space<hbm>>
      %dma_wait3A_72 = arith.constant 0 : i32
      %dma_wait3A_73 = arith.constant 0 : i32
      %dma_wait3A_74 = tpu.memref_slice %arg6[%dma_wait3A_72, %dma_wait3A_73] : memref<120x1024xf32, #tpu.memory_space<vmem>> -> memref<16x1024xf32, #tpu.memory_space<vmem>>
      tpu.wait_dma2 semaphore(%run_scoped3A : memref<!tpu.dma_semaphore, #tpu.memory_space<semaphore_mem>>) src(%dma_wait3A_74 : memref<16x1024xf32, #tpu.memory_space<vmem>>) dst(%dma_wait3A_71 : memref<16x1024xf32, #tpu.memory_space<hbm>>)
      tpu.yield
    }) : () -> ()
    return
  }
}

module attributes {stable_mosaic.version = 14 : i64} {
  func.func @_fused_body(%arg0: i32, %arg1: memref<1x2048x1024xf32, #tpu.memory_space<vmem>>, %arg2: memref<4x16x128xi32, #tpu.memory_space<vmem>>, %arg3: memref<256x128xf32, #tpu.memory_space<vmem>>) attributes {dimension_semantics = [#tpu.dimension_semantics<arbitrary>], iteration_bounds = array<i64: 16>, scalar_prefetch = 0 : i64, scratch_operands = 1 : i64, tpu.core_type = #tpu.core_type<tc>, window_params = [{transform_indices = @transform_0, window_bounds = array<i64: 1, 2048, 1024>}, {pipeline_mode = #tpu.pipeline_mode<synchronous>, transform_indices = @transform_1, window_bounds = array<i64: 4, 16, 128>}]} {
    %get3A = arith.constant 0 : index
    %get3A_0 = arith.constant 0 : index
    %get3A_1 = arith.constant 0 : index
    %get3A_2 = vector.load %arg1[%get3A, %get3A_0, %get3A_1] : memref<1x2048x1024xf32, #tpu.memory_space<vmem>>, vector<1x2048x1024xf32>
    %get3A_3 = vector.shape_cast %get3A_2 : vector<1x2048x1024xf32> to vector<2048x1024xf32>
    %slice3A = vector.extract_strided_slice %get3A_3 {offsets = [0, 0], sizes = [2048, 128], strides = [1, 1]} : vector<2048x1024xf32> to vector<2048x128xf32>
    %mul3A = arith.mulf %slice3A, %slice3A : vector<2048x128xf32>
    %slice3A_4 = vector.extract_strided_slice %get3A_3 {offsets = [0, 128], sizes = [2048, 128], strides = [1, 1]} : vector<2048x1024xf32> to vector<2048x128xf32>
    %mul3A_5 = arith.mulf %slice3A_4, %slice3A_4 : vector<2048x128xf32>
    %add3A = arith.addf %mul3A_5, %mul3A : vector<2048x128xf32>
    %slice3A_6 = vector.extract_strided_slice %get3A_3 {offsets = [0, 256], sizes = [2048, 128], strides = [1, 1]} : vector<2048x1024xf32> to vector<2048x128xf32>
    %mul3A_7 = arith.mulf %slice3A_6, %slice3A_6 : vector<2048x128xf32>
    %add3A_8 = arith.addf %mul3A_7, %add3A : vector<2048x128xf32>
    %slice3A_9 = vector.extract_strided_slice %get3A_3 {offsets = [0, 384], sizes = [2048, 128], strides = [1, 1]} : vector<2048x1024xf32> to vector<2048x128xf32>
    %mul3A_10 = arith.mulf %slice3A_9, %slice3A_9 : vector<2048x128xf32>
    %add3A_11 = arith.addf %mul3A_10, %add3A_8 : vector<2048x128xf32>
    %slice3A_12 = vector.extract_strided_slice %get3A_3 {offsets = [0, 512], sizes = [2048, 128], strides = [1, 1]} : vector<2048x1024xf32> to vector<2048x128xf32>
    %mul3A_13 = arith.mulf %slice3A_12, %slice3A_12 : vector<2048x128xf32>
    %add3A_14 = arith.addf %mul3A_13, %add3A_11 : vector<2048x128xf32>
    %slice3A_15 = vector.extract_strided_slice %get3A_3 {offsets = [0, 640], sizes = [2048, 128], strides = [1, 1]} : vector<2048x1024xf32> to vector<2048x128xf32>
    %mul3A_16 = arith.mulf %slice3A_15, %slice3A_15 : vector<2048x128xf32>
    %add3A_17 = arith.addf %mul3A_16, %add3A_14 : vector<2048x128xf32>
    %slice3A_18 = vector.extract_strided_slice %get3A_3 {offsets = [0, 768], sizes = [2048, 128], strides = [1, 1]} : vector<2048x1024xf32> to vector<2048x128xf32>
    %mul3A_19 = arith.mulf %slice3A_18, %slice3A_18 : vector<2048x128xf32>
    %add3A_20 = arith.addf %mul3A_19, %add3A_17 : vector<2048x128xf32>
    %slice3A_21 = vector.extract_strided_slice %get3A_3 {offsets = [0, 896], sizes = [2048, 128], strides = [1, 1]} : vector<2048x1024xf32> to vector<2048x128xf32>
    %mul3A_22 = arith.mulf %slice3A_21, %slice3A_21 : vector<2048x128xf32>
    %add3A_23 = arith.addf %mul3A_22, %add3A_20 : vector<2048x128xf32>
    %transpose3A = tpu.transpose %add3A_23, [1, 0] : vector<2048x128xf32> -> vector<128x2048xf32>
    %slice3A_24 = vector.extract_strided_slice %transpose3A {offsets = [0, 0], sizes = [8, 2048], strides = [1, 1]} : vector<128x2048xf32> to vector<8x2048xf32>
    %slice3A_25 = vector.extract_strided_slice %transpose3A {offsets = [8, 0], sizes = [8, 2048], strides = [1, 1]} : vector<128x2048xf32> to vector<8x2048xf32>
    %add3A_26 = arith.addf %slice3A_25, %slice3A_24 : vector<8x2048xf32>
    %slice3A_27 = vector.extract_strided_slice %transpose3A {offsets = [16, 0], sizes = [8, 2048], strides = [1, 1]} : vector<128x2048xf32> to vector<8x2048xf32>
    %add3A_28 = arith.addf %slice3A_27, %add3A_26 : vector<8x2048xf32>
    %slice3A_29 = vector.extract_strided_slice %transpose3A {offsets = [24, 0], sizes = [8, 2048], strides = [1, 1]} : vector<128x2048xf32> to vector<8x2048xf32>
    %add3A_30 = arith.addf %slice3A_29, %add3A_28 : vector<8x2048xf32>
    %slice3A_31 = vector.extract_strided_slice %transpose3A {offsets = [32, 0], sizes = [8, 2048], strides = [1, 1]} : vector<128x2048xf32> to vector<8x2048xf32>
    %add3A_32 = arith.addf %slice3A_31, %add3A_30 : vector<8x2048xf32>
    %slice3A_33 = vector.extract_strided_slice %transpose3A {offsets = [40, 0], sizes = [8, 2048], strides = [1, 1]} : vector<128x2048xf32> to vector<8x2048xf32>
    %add3A_34 = arith.addf %slice3A_33, %add3A_32 : vector<8x2048xf32>
    %slice3A_35 = vector.extract_strided_slice %transpose3A {offsets = [48, 0], sizes = [8, 2048], strides = [1, 1]} : vector<128x2048xf32> to vector<8x2048xf32>
    %add3A_36 = arith.addf %slice3A_35, %add3A_34 : vector<8x2048xf32>
    %slice3A_37 = vector.extract_strided_slice %transpose3A {offsets = [56, 0], sizes = [8, 2048], strides = [1, 1]} : vector<128x2048xf32> to vector<8x2048xf32>
    %add3A_38 = arith.addf %slice3A_37, %add3A_36 : vector<8x2048xf32>
    %slice3A_39 = vector.extract_strided_slice %transpose3A {offsets = [64, 0], sizes = [8, 2048], strides = [1, 1]} : vector<128x2048xf32> to vector<8x2048xf32>
    %add3A_40 = arith.addf %slice3A_39, %add3A_38 : vector<8x2048xf32>
    %slice3A_41 = vector.extract_strided_slice %transpose3A {offsets = [72, 0], sizes = [8, 2048], strides = [1, 1]} : vector<128x2048xf32> to vector<8x2048xf32>
    %add3A_42 = arith.addf %slice3A_41, %add3A_40 : vector<8x2048xf32>
    %slice3A_43 = vector.extract_strided_slice %transpose3A {offsets = [80, 0], sizes = [8, 2048], strides = [1, 1]} : vector<128x2048xf32> to vector<8x2048xf32>
    %add3A_44 = arith.addf %slice3A_43, %add3A_42 : vector<8x2048xf32>
    %slice3A_45 = vector.extract_strided_slice %transpose3A {offsets = [88, 0], sizes = [8, 2048], strides = [1, 1]} : vector<128x2048xf32> to vector<8x2048xf32>
    %add3A_46 = arith.addf %slice3A_45, %add3A_44 : vector<8x2048xf32>
    %slice3A_47 = vector.extract_strided_slice %transpose3A {offsets = [96, 0], sizes = [8, 2048], strides = [1, 1]} : vector<128x2048xf32> to vector<8x2048xf32>
    %add3A_48 = arith.addf %slice3A_47, %add3A_46 : vector<8x2048xf32>
    %slice3A_49 = vector.extract_strided_slice %transpose3A {offsets = [104, 0], sizes = [8, 2048], strides = [1, 1]} : vector<128x2048xf32> to vector<8x2048xf32>
    %add3A_50 = arith.addf %slice3A_49, %add3A_48 : vector<8x2048xf32>
    %slice3A_51 = vector.extract_strided_slice %transpose3A {offsets = [112, 0], sizes = [8, 2048], strides = [1, 1]} : vector<128x2048xf32> to vector<8x2048xf32>
    %add3A_52 = arith.addf %slice3A_51, %add3A_50 : vector<8x2048xf32>
    %slice3A_53 = vector.extract_strided_slice %transpose3A {offsets = [120, 0], sizes = [8, 2048], strides = [1, 1]} : vector<128x2048xf32> to vector<8x2048xf32>
    %add3A_54 = arith.addf %slice3A_53, %add3A_52 : vector<8x2048xf32>
    %slice3A_55 = vector.extract_strided_slice %add3A_54 {offsets = [0, 0], sizes = [4, 2048], strides = [1, 1]} : vector<8x2048xf32> to vector<4x2048xf32>
    %slice3A_56 = vector.extract_strided_slice %add3A_54 {offsets = [4, 0], sizes = [4, 2048], strides = [1, 1]} : vector<8x2048xf32> to vector<4x2048xf32>
    %add3A_57 = arith.addf %slice3A_55, %slice3A_56 : vector<4x2048xf32>
    %slice3A_58 = vector.extract_strided_slice %add3A_57 {offsets = [0, 0], sizes = [2, 2048], strides = [1, 1]} : vector<4x2048xf32> to vector<2x2048xf32>
    %slice3A_59 = vector.extract_strided_slice %add3A_57 {offsets = [2, 0], sizes = [2, 2048], strides = [1, 1]} : vector<4x2048xf32> to vector<2x2048xf32>
    %add3A_60 = arith.addf %slice3A_58, %slice3A_59 : vector<2x2048xf32>
    %slice3A_61 = vector.extract_strided_slice %add3A_60 {offsets = [0, 0], sizes = [1, 2048], strides = [1, 1]} : vector<2x2048xf32> to vector<1x2048xf32>
    %slice3A_62 = vector.extract_strided_slice %add3A_60 {offsets = [1, 0], sizes = [1, 2048], strides = [1, 1]} : vector<2x2048xf32> to vector<1x2048xf32>
    %add3A_63 = arith.addf %slice3A_61, %slice3A_62 : vector<1x2048xf32>
    %reshape3A = vector.shape_cast %add3A_63 : vector<1x2048xf32> to vector<16x128xf32>
    %mul3A_64 = arith.constant 16 : i32
    %mul3A_65 = arith.muli %arg0, %mul3A_64 : i32
    %swap3A = arith.index_cast %mul3A_65 : i32 to index
    %swap3A_66 = arith.constant 0 : index
    %swap3A_67 = vector.load %arg3[%swap3A, %swap3A_66] : memref<256x128xf32, #tpu.memory_space<vmem>>, vector<16x128xf32>
    tpu.vector_store %arg3[%swap3A, %swap3A_66], %reshape3A {strides = array<i32>} : memref<256x128xf32, #tpu.memory_space<vmem>>, vector<16x128xf32>,
    %eq3A = arith.constant 15 : i32
    %eq3A_68 = arith.cmpi eq, %arg0, %eq3A : i32
    %convert_element_type3A = arith.extui %eq3A_68 : i1 to i32
    %cond3A = arith.constant 0 : i32
    %cond3A_69 = arith.cmpi ne, %convert_element_type3A, %cond3A : i32
    scf.if %cond3A_69 {
      %get3A_70 = arith.constant 0 : index
      %get3A_71 = arith.constant 0 : index
      %get3A_72 = vector.load %arg3[%get3A_70, %get3A_71] : memref<256x128xf32, #tpu.memory_space<vmem>>, vector<256x128xf32>
      %reshape3A_73 = vector.shape_cast %get3A_72 : vector<256x128xf32> to vector<4x64x128xf32>
      %sqrt3A = math.sqrt %reshape3A_73 : vector<4x64x128xf32>
      %iota3A = tpu.iota {dimensions = array<i32: 1>} : vector<4x64x128xi32>
      %iota3A_74 = tpu.iota {dimensions = array<i32: 2>} : vector<4x64x128xi32>
      %mul3A_75 = arith.constant 128 : i32
      %mul3A_76 = vector.broadcast %mul3A_75 : i32 to vector<4x64x128xi32>
      %mul3A_77 = arith.muli %iota3A, %mul3A_76 : vector<4x64x128xi32>
      %add3A_78 = arith.addi %mul3A_77, %iota3A_74 : vector<4x64x128xi32>
      %shift_right_arithmetic3A = arith.constant 1 : i32
      %shift_right_arithmetic3A_79 = vector.broadcast %shift_right_arithmetic3A : i32 to vector<4x64x128xi32>
      %shift_right_arithmetic3A_80 = arith.shrsi %add3A_78, %shift_right_arithmetic3A_79 : vector<4x64x128xi32>
      %and3A = arith.constant 1 : i32
      %and3A_81 = vector.broadcast %and3A : i32 to vector<4x64x128xi32>
      %and3A_82 = arith.andi %shift_right_arithmetic3A_80, %and3A_81 : vector<4x64x128xi32>
      %eq3A_83 = arith.constant 1 : i32
      %eq3A_84 = vector.broadcast %eq3A_83 : i32 to vector<4x64x128xi32>
      %eq3A_85 = arith.cmpi eq, %and3A_82, %eq3A_84 : vector<4x64x128xi32>
      %and3A_86 = arith.constant 1 : i32
      %and3A_87 = vector.broadcast %and3A_86 : i32 to vector<4x64x128xi32>
      %and3A_88 = arith.andi %add3A_78, %and3A_87 : vector<4x64x128xi32>
      %eq3A_89 = arith.constant 0 : i32
      %eq3A_90 = vector.broadcast %eq3A_89 : i32 to vector<4x64x128xi32>
      %eq3A_91 = arith.cmpi eq, %and3A_88, %eq3A_90 : vector<4x64x128xi32>
      %slice3A_92 = vector.extract_strided_slice %sqrt3A {offsets = [0, 0, 1], sizes = [4, 64, 127], strides = [1, 1, 1]} : vector<4x64x128xf32> to vector<4x64x127xf32>
      %slice3A_93 = vector.extract_strided_slice %sqrt3A {offsets = [0, 0, 0], sizes = [4, 64, 1], strides = [1, 1, 1]} : vector<4x64x128xf32> to vector<4x64x1xf32>
      %concatenate3A = tpu.concatenate %slice3A_92, %slice3A_93 in 2 : vector<4x64x127xf32>, vector<4x64x1xf32> -> vector<4x64x128xf32>
      %slice3A_94 = vector.extract_strided_slice %sqrt3A {offsets = [0, 0, 127], sizes = [4, 64, 1], strides = [1, 1, 1]} : vector<4x64x128xf32> to vector<4x64x1xf32>
      %slice3A_95 = vector.extract_strided_slice %sqrt3A {offsets = [0, 0, 0], sizes = [4, 64, 127], strides = [1, 1, 1]} : vector<4x64x128xf32> to vector<4x64x127xf32>
      %concatenate3A_96 = tpu.concatenate %slice3A_94, %slice3A_95 in 2 : vector<4x64x1xf32>, vector<4x64x127xf32> -> vector<4x64x128xf32>
      %select_n3A = arith.select %eq3A_91, %concatenate3A, %concatenate3A_96 : vector<4x64x128xi1>, vector<4x64x128xf32>
      %slice3A_97 = vector.extract_strided_slice %add3A_78 {offsets = [0, 0, 1], sizes = [4, 64, 127], strides = [1, 1, 1]} : vector<4x64x128xi32> to vector<4x64x127xi32>
      %slice3A_98 = vector.extract_strided_slice %add3A_78 {offsets = [0, 0, 0], sizes = [4, 64, 1], strides = [1, 1, 1]} : vector<4x64x128xi32> to vector<4x64x1xi32>
      %concatenate3A_99 = tpu.concatenate %slice3A_97, %slice3A_98 in 2 : vector<4x64x127xi32>, vector<4x64x1xi32> -> vector<4x64x128xi32>
      %slice3A_100 = vector.extract_strided_slice %add3A_78 {offsets = [0, 0, 127], sizes = [4, 64, 1], strides = [1, 1, 1]} : vector<4x64x128xi32> to vector<4x64x1xi32>
      %slice3A_101 = vector.extract_strided_slice %add3A_78 {offsets = [0, 0, 0], sizes = [4, 64, 127], strides = [1, 1, 1]} : vector<4x64x128xi32> to vector<4x64x127xi32>
      %concatenate3A_102 = tpu.concatenate %slice3A_100, %slice3A_101 in 2 : vector<4x64x1xi32>, vector<4x64x127xi32> -> vector<4x64x128xi32>
      %select_n3A_103 = arith.select %eq3A_91, %concatenate3A_99, %concatenate3A_102 : vector<4x64x128xi1>, vector<4x64x128xi32>
      %gt3A = arith.cmpf ogt, %select_n3A, %sqrt3A : vector<4x64x128xf32>
      %eq3A_104 = arith.cmpf oeq, %select_n3A, %sqrt3A : vector<4x64x128xf32>
      %lt3A = arith.cmpi slt, %select_n3A_103, %add3A_78 : vector<4x64x128xi32>
      %and3A_105 = arith.andi %eq3A_104, %lt3A : vector<4x64x128xi1>
      %or3A = arith.ori %gt3A, %and3A_105 : vector<4x64x128xi1>
      %eq3A_106 = arith.xori %or3A, %eq3A_91 : vector<4x64x128xi1>
      %eq3A_107 = arith.constant dense<true> : vector<4x64x128xi1>
      %eq3A_108 = arith.xori %eq3A_106, %eq3A_107 : vector<4x64x128xi1>
      %ne3A = arith.xori %eq3A_108, %eq3A_85 : vector<4x64x128xi1>
      %select_n3A_109 = arith.select %ne3A, %select_n3A, %sqrt3A : vector<4x64x128xi1>, vector<4x64x128xf32>
      %select_n3A_110 = arith.select %ne3A, %select_n3A_103, %add3A_78 : vector<4x64x128xi1>, vector<4x64x128xi32>
      %shift_right_arithmetic3A_111 = arith.constant 2 : i32
      %shift_right_arithmetic3A_112 = vector.broadcast %shift_right_arithmetic3A_111 : i32 to vector<4x64x128xi32>
      %shift_right_arithmetic3A_113 = arith.shrsi %add3A_78, %shift_right_arithmetic3A_112 : vector<4x64x128xi32>
      %and3A_114 = arith.constant 1 : i32
      %and3A_115 = vector.broadcast %and3A_114 : i32 to vector<4x64x128xi32>
      %and3A_116 = arith.andi %shift_right_arithmetic3A_113, %and3A_115 : vector<4x64x128xi32>
      %eq3A_117 = arith.constant 1 : i32
      %eq3A_118 = vector.broadcast %eq3A_117 : i32 to vector<4x64x128xi32>
      %eq3A_119 = arith.cmpi eq, %and3A_116, %eq3A_118 : vector<4x64x128xi32>
      %and3A_120 = arith.constant 2 : i32
      %and3A_121 = vector.broadcast %and3A_120 : i32 to vector<4x64x128xi32>
      %and3A_122 = arith.andi %add3A_78, %and3A_121 : vector<4x64x128xi32>
      %eq3A_123 = arith.constant 0 : i32
      %eq3A_124 = vector.broadcast %eq3A_123 : i32 to vector<4x64x128xi32>
      %eq3A_125 = arith.cmpi eq, %and3A_122, %eq3A_124 : vector<4x64x128xi32>
      %slice3A_126 = vector.extract_strided_slice %select_n3A_109 {offsets = [0, 0, 2], sizes = [4, 64, 126], strides = [1, 1, 1]} : vector<4x64x128xf32> to vector<4x64x126xf32>
      %slice3A_127 = vector.extract_strided_slice %select_n3A_109 {offsets = [0, 0, 0], sizes = [4, 64, 2], strides = [1, 1, 1]} : vector<4x64x128xf32> to vector<4x64x2xf32>
      %concatenate3A_128 = tpu.concatenate %slice3A_126, %slice3A_127 in 2 : vector<4x64x126xf32>, vector<4x64x2xf32> -> vector<4x64x128xf32>
      %slice3A_129 = vector.extract_strided_slice %select_n3A_109 {offsets = [0, 0, 126], sizes = [4, 64, 2], strides = [1, 1, 1]} : vector<4x64x128xf32> to vector<4x64x2xf32>
      %slice3A_130 = vector.extract_strided_slice %select_n3A_109 {offsets = [0, 0, 0], sizes = [4, 64, 126], strides = [1, 1, 1]} : vector<4x64x128xf32> to vector<4x64x126xf32>
      %concatenate3A_131 = tpu.concatenate %slice3A_129, %slice3A_130 in 2 : vector<4x64x2xf32>, vector<4x64x126xf32> -> vector<4x64x128xf32>
      %select_n3A_132 = arith.select %eq3A_125, %concatenate3A_128, %concatenate3A_131 : vector<4x64x128xi1>, vector<4x64x128xf32>
      %slice3A_133 = vector.extract_strided_slice %select_n3A_110 {offsets = [0, 0, 2], sizes = [4, 64, 126], strides = [1, 1, 1]} : vector<4x64x128xi32> to vector<4x64x126xi32>
      %slice3A_134 = vector.extract_strided_slice %select_n3A_110 {offsets = [0, 0, 0], sizes = [4, 64, 2], strides = [1, 1, 1]} : vector<4x64x128xi32> to vector<4x64x2xi32>
      %concatenate3A_135 = tpu.concatenate %slice3A_133, %slice3A_134 in 2 : vector<4x64x126xi32>, vector<4x64x2xi32> -> vector<4x64x128xi32>
      %slice3A_136 = vector.extract_strided_slice %select_n3A_110 {offsets = [0, 0, 126], sizes = [4, 64, 2], strides = [1, 1, 1]} : vector<4x64x128xi32> to vector<4x64x2xi32>
      %slice3A_137 = vector.extract_strided_slice %select_n3A_110 {offsets = [0, 0, 0], sizes = [4, 64, 126], strides = [1, 1, 1]} : vector<4x64x128xi32> to vector<4x64x126xi32>
      %concatenate3A_138 = tpu.concatenate %slice3A_136, %slice3A_137 in 2 : vector<4x64x2xi32>, vector<4x64x126xi32> -> vector<4x64x128xi32>
      %select_n3A_139 = arith.select %eq3A_125, %concatenate3A_135, %concatenate3A_138 : vector<4x64x128xi1>, vector<4x64x128xi32>
      %gt3A_140 = arith.cmpf ogt, %select_n3A_132, %select_n3A_109 : vector<4x64x128xf32>
      %eq3A_141 = arith.cmpf oeq, %select_n3A_132, %select_n3A_109 : vector<4x64x128xf32>
      %lt3A_142 = arith.cmpi slt, %select_n3A_139, %select_n3A_110 : vector<4x64x128xi32>
      %and3A_143 = arith.andi %eq3A_141, %lt3A_142 : vector<4x64x128xi1>
      %or3A_144 = arith.ori %gt3A_140, %and3A_143 : vector<4x64x128xi1>
      %eq3A_145 = arith.xori %or3A_144, %eq3A_125 : vector<4x64x128xi1>
      %eq3A_146 = arith.constant dense<true> : vector<4x64x128xi1>
      %eq3A_147 = arith.xori %eq3A_145, %eq3A_146 : vector<4x64x128xi1>
      %ne3A_148 = arith.xori %eq3A_147, %eq3A_119 : vector<4x64x128xi1>
      %select_n3A_149 = arith.select %ne3A_148, %select_n3A_132, %select_n3A_109 : vector<4x64x128xi1>, vector<4x64x128xf32>
      %select_n3A_150 = arith.select %ne3A_148, %select_n3A_139, %select_n3A_110 : vector<4x64x128xi1>, vector<4x64x128xi32>
      %and3A_151 = arith.constant 1 : i32
      %and3A_152 = vector.broadcast %and3A_151 : i32 to vector<4x64x128xi32>
      %and3A_153 = arith.andi %add3A_78, %and3A_152 : vector<4x64x128xi32>
      %eq3A_154 = arith.constant 0 : i32
      %eq3A_155 = vector.broadcast %eq3A_154 : i32 to vector<4x64x128xi32>
      %eq3A_156 = arith.cmpi eq, %and3A_153, %eq3A_155 : vector<4x64x128xi32>
      %slice3A_157 = vector.extract_strided_slice %select_n3A_149 {offsets = [0, 0, 1], sizes = [4, 64, 127], strides = [1, 1, 1]} : vector<4x64x128xf32> to vector<4x64x127xf32>
      %slice3A_158 = vector.extract_strided_slice %select_n3A_149 {offsets = [0, 0, 0], sizes = [4, 64, 1], strides = [1, 1, 1]} : vector<4x64x128xf32> to vector<4x64x1xf32>
      %concatenate3A_159 = tpu.concatenate %slice3A_157, %slice3A_158 in 2 : vector<4x64x127xf32>, vector<4x64x1xf32> -> vector<4x64x128xf32>
      %slice3A_160 = vector.extract_strided_slice %select_n3A_149 {offsets = [0, 0, 127], sizes = [4, 64, 1], strides = [1, 1, 1]} : vector<4x64x128xf32> to vector<4x64x1xf32>
      %slice3A_161 = vector.extract_strided_slice %select_n3A_149 {offsets = [0, 0, 0], sizes = [4, 64, 127], strides = [1, 1, 1]} : vector<4x64x128xf32> to vector<4x64x127xf32>
      %concatenate3A_162 = tpu.concatenate %slice3A_160, %slice3A_161 in 2 : vector<4x64x1xf32>, vector<4x64x127xf32> -> vector<4x64x128xf32>
      %select_n3A_163 = arith.select %eq3A_156, %concatenate3A_159, %concatenate3A_162 : vector<4x64x128xi1>, vector<4x64x128xf32>
      %slice3A_164 = vector.extract_strided_slice %select_n3A_150 {offsets = [0, 0, 1], sizes = [4, 64, 127], strides = [1, 1, 1]} : vector<4x64x128xi32> to vector<4x64x127xi32>
      %slice3A_165 = vector.extract_strided_slice %select_n3A_150 {offsets = [0, 0, 0], sizes = [4, 64, 1], strides = [1, 1, 1]} : vector<4x64x128xi32> to vector<4x64x1xi32>
      %concatenate3A_166 = tpu.concatenate %slice3A_164, %slice3A_165 in 2 : vector<4x64x127xi32>, vector<4x64x1xi32> -> vector<4x64x128xi32>
      %slice3A_167 = vector.extract_strided_slice %select_n3A_150 {offsets = [0, 0, 127], sizes = [4, 64, 1], strides = [1, 1, 1]} : vector<4x64x128xi32> to vector<4x64x1xi32>
      %slice3A_168 = vector.extract_strided_slice %select_n3A_150 {offsets = [0, 0, 0], sizes = [4, 64, 127], strides = [1, 1, 1]} : vector<4x64x128xi32> to vector<4x64x127xi32>
      %concatenate3A_169 = tpu.concatenate %slice3A_167, %slice3A_168 in 2 : vector<4x64x1xi32>, vector<4x64x127xi32> -> vector<4x64x128xi32>
      %select_n3A_170 = arith.select %eq3A_156, %concatenate3A_166, %concatenate3A_169 : vector<4x64x128xi1>, vector<4x64x128xi32>
      %gt3A_171 = arith.cmpf ogt, %select_n3A_163, %select_n3A_149 : vector<4x64x128xf32>
      %eq3A_172 = arith.cmpf oeq, %select_n3A_163, %select_n3A_149 : vector<4x64x128xf32>
      %lt3A_173 = arith.cmpi slt, %select_n3A_170, %select_n3A_150 : vector<4x64x128xi32>
      %and3A_174 = arith.andi %eq3A_172, %lt3A_173 : vector<4x64x128xi1>
      %or3A_175 = arith.ori %gt3A_171, %and3A_174 : vector<4x64x128xi1>
      %eq3A_176 = arith.xori %or3A_175, %eq3A_156 : vector<4x64x128xi1>
      %eq3A_177 = arith.constant dense<true> : vector<4x64x128xi1>
      %eq3A_178 = arith.xori %eq3A_176, %eq3A_177 : vector<4x64x128xi1>
      %ne3A_179 = arith.xori %eq3A_178, %eq3A_119 : vector<4x64x128xi1>
      %select_n3A_180 = arith.select %ne3A_179, %select_n3A_163, %select_n3A_149 : vector<4x64x128xi1>, vector<4x64x128xf32>
      %select_n3A_181 = arith.select %ne3A_179, %select_n3A_170, %select_n3A_150 : vector<4x64x128xi1>, vector<4x64x128xi32>
      %shift_right_arithmetic3A_182 = arith.constant 3 : i32
      %shift_right_arithmetic3A_183 = vector.broadcast %shift_right_arithmetic3A_182 : i32 to vector<4x64x128xi32>
      %shift_right_arithmetic3A_184 = arith.shrsi %add3A_78, %shift_right_arithmetic3A_183 : vector<4x64x128xi32>
      %and3A_185 = arith.constant 1 : i32
      %and3A_186 = vector.broadcast %and3A_185 : i32 to vector<4x64x128xi32>
      %and3A_187 = arith.andi %shift_right_arithmetic3A_184, %and3A_186 : vector<4x64x128xi32>
      %eq3A_188 = arith.constant 1 : i32
      %eq3A_189 = vector.broadcast %eq3A_188 : i32 to vector<4x64x128xi32>
      %eq3A_190 = arith.cmpi eq, %and3A_187, %eq3A_189 : vector<4x64x128xi32>
      %and3A_191 = arith.constant 4 : i32
      %and3A_192 = vector.broadcast %and3A_191 : i32 to vector<4x64x128xi32>
      %and3A_193 = arith.andi %add3A_78, %and3A_192 : vector<4x64x128xi32>
      %eq3A_194 = arith.constant 0 : i32
      %eq3A_195 = vector.broadcast %eq3A_194 : i32 to vector<4x64x128xi32>
      %eq3A_196 = arith.cmpi eq, %and3A_193, %eq3A_195 : vector<4x64x128xi32>
      %slice3A_197 = vector.extract_strided_slice %select_n3A_180 {offsets = [0, 0, 4], sizes = [4, 64, 124], strides = [1, 1, 1]} : vector<4x64x128xf32> to vector<4x64x124xf32>
      %slice3A_198 = vector.extract_strided_slice %select_n3A_180 {offsets = [0, 0, 0], sizes = [4, 64, 4], strides = [1, 1, 1]} : vector<4x64x128xf32> to vector<4x64x4xf32>
      %concatenate3A_199 = tpu.concatenate %slice3A_197, %slice3A_198 in 2 : vector<4x64x124xf32>, vector<4x64x4xf32> -> vector<4x64x128xf32>
      %slice3A_200 = vector.extract_strided_slice %select_n3A_180 {offsets = [0, 0, 124], sizes = [4, 64, 4], strides = [1, 1, 1]} : vector<4x64x128xf32> to vector<4x64x4xf32>
      %slice3A_201 = vector.extract_strided_slice %select_n3A_180 {offsets = [0, 0, 0], sizes = [4, 64, 124], strides = [1, 1, 1]} : vector<4x64x128xf32> to vector<4x64x124xf32>
      %concatenate3A_202 = tpu.concatenate %slice3A_200, %slice3A_201 in 2 : vector<4x64x4xf32>, vector<4x64x124xf32> -> vector<4x64x128xf32>
      %select_n3A_203 = arith.select %eq3A_196, %concatenate3A_199, %concatenate3A_202 : vector<4x64x128xi1>, vector<4x64x128xf32>
      %slice3A_204 = vector.extract_strided_slice %select_n3A_181 {offsets = [0, 0, 4], sizes = [4, 64, 124], strides = [1, 1, 1]} : vector<4x64x128xi32> to vector<4x64x124xi32>
      %slice3A_205 = vector.extract_strided_slice %select_n3A_181 {offsets = [0, 0, 0], sizes = [4, 64, 4], strides = [1, 1, 1]} : vector<4x64x128xi32> to vector<4x64x4xi32>
      %concatenate3A_206 = tpu.concatenate %slice3A_204, %slice3A_205 in 2 : vector<4x64x124xi32>, vector<4x64x4xi32> -> vector<4x64x128xi32>
      %slice3A_207 = vector.extract_strided_slice %select_n3A_181 {offsets = [0, 0, 124], sizes = [4, 64, 4], strides = [1, 1, 1]} : vector<4x64x128xi32> to vector<4x64x4xi32>
      %slice3A_208 = vector.extract_strided_slice %select_n3A_181 {offsets = [0, 0, 0], sizes = [4, 64, 124], strides = [1, 1, 1]} : vector<4x64x128xi32> to vector<4x64x124xi32>
      %concatenate3A_209 = tpu.concatenate %slice3A_207, %slice3A_208 in 2 : vector<4x64x4xi32>, vector<4x64x124xi32> -> vector<4x64x128xi32>
      %select_n3A_210 = arith.select %eq3A_196, %concatenate3A_206, %concatenate3A_209 : vector<4x64x128xi1>, vector<4x64x128xi32>
      %gt3A_211 = arith.cmpf ogt, %select_n3A_203, %select_n3A_180 : vector<4x64x128xf32>
      %eq3A_212 = arith.cmpf oeq, %select_n3A_203, %select_n3A_180 : vector<4x64x128xf32>
      %lt3A_213 = arith.cmpi slt, %select_n3A_210, %select_n3A_181 : vector<4x64x128xi32>
      %and3A_214 = arith.andi %eq3A_212, %lt3A_213 : vector<4x64x128xi1>
      %or3A_215 = arith.ori %gt3A_211, %and3A_214 : vector<4x64x128xi1>
      %eq3A_216 = arith.xori %or3A_215, %eq3A_196 : vector<4x64x128xi1>
      %eq3A_217 = arith.constant dense<true> : vector<4x64x128xi1>
      %eq3A_218 = arith.xori %eq3A_216, %eq3A_217 : vector<4x64x128xi1>
      %ne3A_219 = arith.xori %eq3A_218, %eq3A_190 : vector<4x64x128xi1>
      %select_n3A_220 = arith.select %ne3A_219, %select_n3A_203, %select_n3A_180 : vector<4x64x128xi1>, vector<4x64x128xf32>
      %select_n3A_221 = arith.select %ne3A_219, %select_n3A_210, %select_n3A_181 : vector<4x64x128xi1>, vector<4x64x128xi32>
      %and3A_222 = arith.constant 2 : i32
      %and3A_223 = vector.broadcast %and3A_222 : i32 to vector<4x64x128xi32>
      %and3A_224 = arith.andi %add3A_78, %and3A_223 : vector<4x64x128xi32>
      %eq3A_225 = arith.constant 0 : i32
      %eq3A_226 = vector.broadcast %eq3A_225 : i32 to vector<4x64x128xi32>
      %eq3A_227 = arith.cmpi eq, %and3A_224, %eq3A_226 : vector<4x64x128xi32>
      %slice3A_228 = vector.extract_strided_slice %select_n3A_220 {offsets = [0, 0, 2], sizes = [4, 64, 126], strides = [1, 1, 1]} : vector<4x64x128xf32> to vector<4x64x126xf32>
      %slice3A_229 = vector.extract_strided_slice %select_n3A_220 {offsets = [0, 0, 0], sizes = [4, 64, 2], strides = [1, 1, 1]} : vector<4x64x128xf32> to vector<4x64x2xf32>
      %concatenate3A_230 = tpu.concatenate %slice3A_228, %slice3A_229 in 2 : vector<4x64x126xf32>, vector<4x64x2xf32> -> vector<4x64x128xf32>
      %slice3A_231 = vector.extract_strided_slice %select_n3A_220 {offsets = [0, 0, 126], sizes = [4, 64, 2], strides = [1, 1, 1]} : vector<4x64x128xf32> to vector<4x64x2xf32>
      %slice3A_232 = vector.extract_strided_slice %select_n3A_220 {offsets = [0, 0, 0], sizes = [4, 64, 126], strides = [1, 1, 1]} : vector<4x64x128xf32> to vector<4x64x126xf32>
      %concatenate3A_233 = tpu.concatenate %slice3A_231, %slice3A_232 in 2 : vector<4x64x2xf32>, vector<4x64x126xf32> -> vector<4x64x128xf32>
      %select_n3A_234 = arith.select %eq3A_227, %concatenate3A_230, %concatenate3A_233 : vector<4x64x128xi1>, vector<4x64x128xf32>
      %slice3A_235 = vector.extract_strided_slice %select_n3A_221 {offsets = [0, 0, 2], sizes = [4, 64, 126], strides = [1, 1, 1]} : vector<4x64x128xi32> to vector<4x64x126xi32>
      %slice3A_236 = vector.extract_strided_slice %select_n3A_221 {offsets = [0, 0, 0], sizes = [4, 64, 2], strides = [1, 1, 1]} : vector<4x64x128xi32> to vector<4x64x2xi32>
      %concatenate3A_237 = tpu.concatenate %slice3A_235, %slice3A_236 in 2 : vector<4x64x126xi32>, vector<4x64x2xi32> -> vector<4x64x128xi32>
      %slice3A_238 = vector.extract_strided_slice %select_n3A_221 {offsets = [0, 0, 126], sizes = [4, 64, 2], strides = [1, 1, 1]} : vector<4x64x128xi32> to vector<4x64x2xi32>
      %slice3A_239 = vector.extract_strided_slice %select_n3A_221 {offsets = [0, 0, 0], sizes = [4, 64, 126], strides = [1, 1, 1]} : vector<4x64x128xi32> to vector<4x64x126xi32>
      %concatenate3A_240 = tpu.concatenate %slice3A_238, %slice3A_239 in 2 : vector<4x64x2xi32>, vector<4x64x126xi32> -> vector<4x64x128xi32>
      %select_n3A_241 = arith.select %eq3A_227, %concatenate3A_237, %concatenate3A_240 : vector<4x64x128xi1>, vector<4x64x128xi32>
      %gt3A_242 = arith.cmpf ogt, %select_n3A_234, %select_n3A_220 : vector<4x64x128xf32>
      %eq3A_243 = arith.cmpf oeq, %select_n3A_234, %select_n3A_220 : vector<4x64x128xf32>
      %lt3A_244 = arith.cmpi slt, %select_n3A_241, %select_n3A_221 : vector<4x64x128xi32>
      %and3A_245 = arith.andi %eq3A_243, %lt3A_244 : vector<4x64x128xi1>
      %or3A_246 = arith.ori %gt3A_242, %and3A_245 : vector<4x64x128xi1>
      %eq3A_247 = arith.xori %or3A_246, %eq3A_227 : vector<4x64x128xi1>
      %eq3A_248 = arith.constant dense<true> : vector<4x64x128xi1>
      %eq3A_249 = arith.xori %eq3A_247, %eq3A_248 : vector<4x64x128xi1>
      %ne3A_250 = arith.xori %eq3A_249, %eq3A_190 : vector<4x64x128xi1>
      %select_n3A_251 = arith.select %ne3A_250, %select_n3A_234, %select_n3A_220 : vector<4x64x128xi1>, vector<4x64x128xf32>
      %select_n3A_252 = arith.select %ne3A_250, %select_n3A_241, %select_n3A_221 : vector<4x64x128xi1>, vector<4x64x128xi32>
      %and3A_253 = arith.constant 1 : i32
      %and3A_254 = vector.broadcast %and3A_253 : i32 to vector<4x64x128xi32>
      %and3A_255 = arith.andi %add3A_78, %and3A_254 : vector<4x64x128xi32>
      %eq3A_256 = arith.constant 0 : i32
      %eq3A_257 = vector.broadcast %eq3A_256 : i32 to vector<4x64x128xi32>
      %eq3A_258 = arith.cmpi eq, %and3A_255, %eq3A_257 : vector<4x64x128xi32>
      %slice3A_259 = vector.extract_strided_slice %select_n3A_251 {offsets = [0, 0, 1], sizes = [4, 64, 127], strides = [1, 1, 1]} : vector<4x64x128xf32> to vector<4x64x127xf32>
      %slice3A_260 = vector.extract_strided_slice %select_n3A_251 {offsets = [0, 0, 0], sizes = [4, 64, 1], strides = [1, 1, 1]} : vector<4x64x128xf32> to vector<4x64x1xf32>
      %concatenate3A_261 = tpu.concatenate %slice3A_259, %slice3A_260 in 2 : vector<4x64x127xf32>, vector<4x64x1xf32> -> vector<4x64x128xf32>
      %slice3A_262 = vector.extract_strided_slice %select_n3A_251 {offsets = [0, 0, 127], sizes = [4, 64, 1], strides = [1, 1, 1]} : vector<4x64x128xf32> to vector<4x64x1xf32>
      %slice3A_263 = vector.extract_strided_slice %select_n3A_251 {offsets = [0, 0, 0], sizes = [4, 64, 127], strides = [1, 1, 1]} : vector<4x64x128xf32> to vector<4x64x127xf32>
      %concatenate3A_264 = tpu.concatenate %slice3A_262, %slice3A_263 in 2 : vector<4x64x1xf32>, vector<4x64x127xf32> -> vector<4x64x128xf32>
      %select_n3A_265 = arith.select %eq3A_258, %concatenate3A_261, %concatenate3A_264 : vector<4x64x128xi1>, vector<4x64x128xf32>
      %slice3A_266 = vector.extract_strided_slice %select_n3A_252 {offsets = [0, 0, 1], sizes = [4, 64, 127], strides = [1, 1, 1]} : vector<4x64x128xi32> to vector<4x64x127xi32>
      %slice3A_267 = vector.extract_strided_slice %select_n3A_252 {offsets = [0, 0, 0], sizes = [4, 64, 1], strides = [1, 1, 1]} : vector<4x64x128xi32> to vector<4x64x1xi32>
      %concatenate3A_268 = tpu.concatenate %slice3A_266, %slice3A_267 in 2 : vector<4x64x127xi32>, vector<4x64x1xi32> -> vector<4x64x128xi32>
      %slice3A_269 = vector.extract_strided_slice %select_n3A_252 {offsets = [0, 0, 127], sizes = [4, 64, 1], strides = [1, 1, 1]} : vector<4x64x128xi32> to vector<4x64x1xi32>
      %slice3A_270 = vector.extract_strided_slice %select_n3A_252 {offsets = [0, 0, 0], sizes = [4, 64, 127], strides = [1, 1, 1]} : vector<4x64x128xi32> to vector<4x64x127xi32>
      %concatenate3A_271 = tpu.concatenate %slice3A_269, %slice3A_270 in 2 : vector<4x64x1xi32>, vector<4x64x127xi32> -> vector<4x64x128xi32>
      %select_n3A_272 = arith.select %eq3A_258, %concatenate3A_268, %concatenate3A_271 : vector<4x64x128xi1>, vector<4x64x128xi32>
      %gt3A_273 = arith.cmpf ogt, %select_n3A_265, %select_n3A_251 : vector<4x64x128xf32>
      %eq3A_274 = arith.cmpf oeq, %select_n3A_265, %select_n3A_251 : vector<4x64x128xf32>
      %lt3A_275 = arith.cmpi slt, %select_n3A_272, %select_n3A_252 : vector<4x64x128xi32>
      %and3A_276 = arith.andi %eq3A_274, %lt3A_275 : vector<4x64x128xi1>
      %or3A_277 = arith.ori %gt3A_273, %and3A_276 : vector<4x64x128xi1>
      %eq3A_278 = arith.xori %or3A_277, %eq3A_258 : vector<4x64x128xi1>
      %eq3A_279 = arith.constant dense<true> : vector<4x64x128xi1>
      %eq3A_280 = arith.xori %eq3A_278, %eq3A_279 : vector<4x64x128xi1>
      %ne3A_281 = arith.xori %eq3A_280, %eq3A_190 : vector<4x64x128xi1>
      %select_n3A_282 = arith.select %ne3A_281, %select_n3A_265, %select_n3A_251 : vector<4x64x128xi1>, vector<4x64x128xf32>
      %select_n3A_283 = arith.select %ne3A_281, %select_n3A_272, %select_n3A_252 : vector<4x64x128xi1>, vector<4x64x128xi32>
      %shift_right_arithmetic3A_284 = arith.constant 4 : i32
      %shift_right_arithmetic3A_285 = vector.broadcast %shift_right_arithmetic3A_284 : i32 to vector<4x64x128xi32>
      %shift_right_arithmetic3A_286 = arith.shrsi %add3A_78, %shift_right_arithmetic3A_285 : vector<4x64x128xi32>
      %and3A_287 = arith.constant 1 : i32
      %and3A_288 = vector.broadcast %and3A_287 : i32 to vector<4x64x128xi32>
      %and3A_289 = arith.andi %shift_right_arithmetic3A_286, %and3A_288 : vector<4x64x128xi32>
      %eq3A_290 = arith.constant 1 : i32
      %eq3A_291 = vector.broadcast %eq3A_290 : i32 to vector<4x64x128xi32>
      %eq3A_292 = arith.cmpi eq, %and3A_289, %eq3A_291 : vector<4x64x128xi32>
      %and3A_293 = arith.constant 8 : i32
      %and3A_294 = vector.broadcast %and3A_293 : i32 to vector<4x64x128xi32>
      %and3A_295 = arith.andi %add3A_78, %and3A_294 : vector<4x64x128xi32>
      %eq3A_296 = arith.constant 0 : i32
      %eq3A_297 = vector.broadcast %eq3A_296 : i32 to vector<4x64x128xi32>
      %eq3A_298 = arith.cmpi eq, %and3A_295, %eq3A_297 : vector<4x64x128xi32>
      %slice3A_299 = vector.extract_strided_slice %select_n3A_282 {offsets = [0, 0, 8], sizes = [4, 64, 120], strides = [1, 1, 1]} : vector<4x64x128xf32> to vector<4x64x120xf32>
      %slice3A_300 = vector.extract_strided_slice %select_n3A_282 {offsets = [0, 0, 0], sizes = [4, 64, 8], strides = [1, 1, 1]} : vector<4x64x128xf32> to vector<4x64x8xf32>
      %concatenate3A_301 = tpu.concatenate %slice3A_299, %slice3A_300 in 2 : vector<4x64x120xf32>, vector<4x64x8xf32> -> vector<4x64x128xf32>
      %slice3A_302 = vector.extract_strided_slice %select_n3A_282 {offsets = [0, 0, 120], sizes = [4, 64, 8], strides = [1, 1, 1]} : vector<4x64x128xf32> to vector<4x64x8xf32>
      %slice3A_303 = vector.extract_strided_slice %select_n3A_282 {offsets = [0, 0, 0], sizes = [4, 64, 120], strides = [1, 1, 1]} : vector<4x64x128xf32> to vector<4x64x120xf32>
      %concatenate3A_304 = tpu.concatenate %slice3A_302, %slice3A_303 in 2 : vector<4x64x8xf32>, vector<4x64x120xf32> -> vector<4x64x128xf32>
      %select_n3A_305 = arith.select %eq3A_298, %concatenate3A_301, %concatenate3A_304 : vector<4x64x128xi1>, vector<4x64x128xf32>
      %slice3A_306 = vector.extract_strided_slice %select_n3A_283 {offsets = [0, 0, 8], sizes = [4, 64, 120], strides = [1, 1, 1]} : vector<4x64x128xi32> to vector<4x64x120xi32>
      %slice3A_307 = vector.extract_strided_slice %select_n3A_283 {offsets = [0, 0, 0], sizes = [4, 64, 8], strides = [1, 1, 1]} : vector<4x64x128xi32> to vector<4x64x8xi32>
      %concatenate3A_308 = tpu.concatenate %slice3A_306, %slice3A_307 in 2 : vector<4x64x120xi32>, vector<4x64x8xi32> -> vector<4x64x128xi32>
      %slice3A_309 = vector.extract_strided_slice %select_n3A_283 {offsets = [0, 0, 120], sizes = [4, 64, 8], strides = [1, 1, 1]} : vector<4x64x128xi32> to vector<4x64x8xi32>
      %slice3A_310 = vector.extract_strided_slice %select_n3A_283 {offsets = [0, 0, 0], sizes = [4, 64, 120], strides = [1, 1, 1]} : vector<4x64x128xi32> to vector<4x64x120xi32>
      %concatenate3A_311 = tpu.concatenate %slice3A_309, %slice3A_310 in 2 : vector<4x64x8xi32>, vector<4x64x120xi32> -> vector<4x64x128xi32>
      %select_n3A_312 = arith.select %eq3A_298, %concatenate3A_308, %concatenate3A_311 : vector<4x64x128xi1>, vector<4x64x128xi32>
      %gt3A_313 = arith.cmpf ogt, %select_n3A_305, %select_n3A_282 : vector<4x64x128xf32>
      %eq3A_314 = arith.cmpf oeq, %select_n3A_305, %select_n3A_282 : vector<4x64x128xf32>
      %lt3A_315 = arith.cmpi slt, %select_n3A_312, %select_n3A_283 : vector<4x64x128xi32>
      %and3A_316 = arith.andi %eq3A_314, %lt3A_315 : vector<4x64x128xi1>
      %or3A_317 = arith.ori %gt3A_313, %and3A_316 : vector<4x64x128xi1>
      %eq3A_318 = arith.xori %or3A_317, %eq3A_298 : vector<4x64x128xi1>
      %eq3A_319 = arith.constant dense<true> : vector<4x64x128xi1>
      %eq3A_320 = arith.xori %eq3A_318, %eq3A_319 : vector<4x64x128xi1>
      %ne3A_321 = arith.xori %eq3A_320, %eq3A_292 : vector<4x64x128xi1>
      %select_n3A_322 = arith.select %ne3A_321, %select_n3A_305, %select_n3A_282 : vector<4x64x128xi1>, vector<4x64x128xf32>
      %select_n3A_323 = arith.select %ne3A_321, %select_n3A_312, %select_n3A_283 : vector<4x64x128xi1>, vector<4x64x128xi32>
      %and3A_324 = arith.constant 4 : i32
      %and3A_325 = vector.broadcast %and3A_324 : i32 to vector<4x64x128xi32>
      %and3A_326 = arith.andi %add3A_78, %and3A_325 : vector<4x64x128xi32>
      %eq3A_327 = arith.constant 0 : i32
      %eq3A_328 = vector.broadcast %eq3A_327 : i32 to vector<4x64x128xi32>
      %eq3A_329 = arith.cmpi eq, %and3A_326, %eq3A_328 : vector<4x64x128xi32>
      %slice3A_330 = vector.extract_strided_slice %select_n3A_322 {offsets = [0, 0, 4], sizes = [4, 64, 124], strides = [1, 1, 1]} : vector<4x64x128xf32> to vector<4x64x124xf32>
      %slice3A_331 = vector.extract_strided_slice %select_n3A_322 {offsets = [0, 0, 0], sizes = [4, 64, 4], strides = [1, 1, 1]} : vector<4x64x128xf32> to vector<4x64x4xf32>
      %concatenate3A_332 = tpu.concatenate %slice3A_330, %slice3A_331 in 2 : vector<4x64x124xf32>, vector<4x64x4xf32> -> vector<4x64x128xf32>
      %slice3A_333 = vector.extract_strided_slice %select_n3A_322 {offsets = [0, 0, 124], sizes = [4, 64, 4], strides = [1, 1, 1]} : vector<4x64x128xf32> to vector<4x64x4xf32>
      %slice3A_334 = vector.extract_strided_slice %select_n3A_322 {offsets = [0, 0, 0], sizes = [4, 64, 124], strides = [1, 1, 1]} : vector<4x64x128xf32> to vector<4x64x124xf32>
      %concatenate3A_335 = tpu.concatenate %slice3A_333, %slice3A_334 in 2 : vector<4x64x4xf32>, vector<4x64x124xf32> -> vector<4x64x128xf32>
      %select_n3A_336 = arith.select %eq3A_329, %concatenate3A_332, %concatenate3A_335 : vector<4x64x128xi1>, vector<4x64x128xf32>
      %slice3A_337 = vector.extract_strided_slice %select_n3A_323 {offsets = [0, 0, 4], sizes = [4, 64, 124], strides = [1, 1, 1]} : vector<4x64x128xi32> to vector<4x64x124xi32>
      %slice3A_338 = vector.extract_strided_slice %select_n3A_323 {offsets = [0, 0, 0], sizes = [4, 64, 4], strides = [1, 1, 1]} : vector<4x64x128xi32> to vector<4x64x4xi32>
      %concatenate3A_339 = tpu.concatenate %slice3A_337, %slice3A_338 in 2 : vector<4x64x124xi32>, vector<4x64x4xi32> -> vector<4x64x128xi32>
      %slice3A_340 = vector.extract_strided_slice %select_n3A_323 {offsets = [0, 0, 124], sizes = [4, 64, 4], strides = [1, 1, 1]} : vector<4x64x128xi32> to vector<4x64x4xi32>
      %slice3A_341 = vector.extract_strided_slice %select_n3A_323 {offsets = [0, 0, 0], sizes = [4, 64, 124], strides = [1, 1, 1]} : vector<4x64x128xi32> to vector<4x64x124xi32>
      %concatenate3A_342 = tpu.concatenate %slice3A_340, %slice3A_341 in 2 : vector<4x64x4xi32>, vector<4x64x124xi32> -> vector<4x64x128xi32>
      %select_n3A_343 = arith.select %eq3A_329, %concatenate3A_339, %concatenate3A_342 : vector<4x64x128xi1>, vector<4x64x128xi32>
      %gt3A_344 = arith.cmpf ogt, %select_n3A_336, %select_n3A_322 : vector<4x64x128xf32>
      %eq3A_345 = arith.cmpf oeq, %select_n3A_336, %select_n3A_322 : vector<4x64x128xf32>
      %lt3A_346 = arith.cmpi slt, %select_n3A_343, %select_n3A_323 : vector<4x64x128xi32>
      %and3A_347 = arith.andi %eq3A_345, %lt3A_346 : vector<4x64x128xi1>
      %or3A_348 = arith.ori %gt3A_344, %and3A_347 : vector<4x64x128xi1>
      %eq3A_349 = arith.xori %or3A_348, %eq3A_329 : vector<4x64x128xi1>
      %eq3A_350 = arith.constant dense<true> : vector<4x64x128xi1>
      %eq3A_351 = arith.xori %eq3A_349, %eq3A_350 : vector<4x64x128xi1>
      %ne3A_352 = arith.xori %eq3A_351, %eq3A_292 : vector<4x64x128xi1>
      %select_n3A_353 = arith.select %ne3A_352, %select_n3A_336, %select_n3A_322 : vector<4x64x128xi1>, vector<4x64x128xf32>
      %select_n3A_354 = arith.select %ne3A_352, %select_n3A_343, %select_n3A_323 : vector<4x64x128xi1>, vector<4x64x128xi32>
      %and3A_355 = arith.constant 2 : i32
      %and3A_356 = vector.broadcast %and3A_355 : i32 to vector<4x64x128xi32>
      %and3A_357 = arith.andi %add3A_78, %and3A_356 : vector<4x64x128xi32>
      %eq3A_358 = arith.constant 0 : i32
      %eq3A_359 = vector.broadcast %eq3A_358 : i32 to vector<4x64x128xi32>
      %eq3A_360 = arith.cmpi eq, %and3A_357, %eq3A_359 : vector<4x64x128xi32>
      %slice3A_361 = vector.extract_strided_slice %select_n3A_353 {offsets = [0, 0, 2], sizes = [4, 64, 126], strides = [1, 1, 1]} : vector<4x64x128xf32> to vector<4x64x126xf32>
      %slice3A_362 = vector.extract_strided_slice %select_n3A_353 {offsets = [0, 0, 0], sizes = [4, 64, 2], strides = [1, 1, 1]} : vector<4x64x128xf32> to vector<4x64x2xf32>
      %concatenate3A_363 = tpu.concatenate %slice3A_361, %slice3A_362 in 2 : vector<4x64x126xf32>, vector<4x64x2xf32> -> vector<4x64x128xf32>
      %slice3A_364 = vector.extract_strided_slice %select_n3A_353 {offsets = [0, 0, 126], sizes = [4, 64, 2], strides = [1, 1, 1]} : vector<4x64x128xf32> to vector<4x64x2xf32>
      %slice3A_365 = vector.extract_strided_slice %select_n3A_353 {offsets = [0, 0, 0], sizes = [4, 64, 126], strides = [1, 1, 1]} : vector<4x64x128xf32> to vector<4x64x126xf32>
      %concatenate3A_366 = tpu.concatenate %slice3A_364, %slice3A_365 in 2 : vector<4x64x2xf32>, vector<4x64x126xf32> -> vector<4x64x128xf32>
      %select_n3A_367 = arith.select %eq3A_360, %concatenate3A_363, %concatenate3A_366 : vector<4x64x128xi1>, vector<4x64x128xf32>
      %slice3A_368 = vector.extract_strided_slice %select_n3A_354 {offsets = [0, 0, 2], sizes = [4, 64, 126], strides = [1, 1, 1]} : vector<4x64x128xi32> to vector<4x64x126xi32>
      %slice3A_369 = vector.extract_strided_slice %select_n3A_354 {offsets = [0, 0, 0], sizes = [4, 64, 2], strides = [1, 1, 1]} : vector<4x64x128xi32> to vector<4x64x2xi32>
      %concatenate3A_370 = tpu.concatenate %slice3A_368, %slice3A_369 in 2 : vector<4x64x126xi32>, vector<4x64x2xi32> -> vector<4x64x128xi32>
      %slice3A_371 = vector.extract_strided_slice %select_n3A_354 {offsets = [0, 0, 126], sizes = [4, 64, 2], strides = [1, 1, 1]} : vector<4x64x128xi32> to vector<4x64x2xi32>
      %slice3A_372 = vector.extract_strided_slice %select_n3A_354 {offsets = [0, 0, 0], sizes = [4, 64, 126], strides = [1, 1, 1]} : vector<4x64x128xi32> to vector<4x64x126xi32>
      %concatenate3A_373 = tpu.concatenate %slice3A_371, %slice3A_372 in 2 : vector<4x64x2xi32>, vector<4x64x126xi32> -> vector<4x64x128xi32>
      %select_n3A_374 = arith.select %eq3A_360, %concatenate3A_370, %concatenate3A_373 : vector<4x64x128xi1>, vector<4x64x128xi32>
      %gt3A_375 = arith.cmpf ogt, %select_n3A_367, %select_n3A_353 : vector<4x64x128xf32>
      %eq3A_376 = arith.cmpf oeq, %select_n3A_367, %select_n3A_353 : vector<4x64x128xf32>
      %lt3A_377 = arith.cmpi slt, %select_n3A_374, %select_n3A_354 : vector<4x64x128xi32>
      %and3A_378 = arith.andi %eq3A_376, %lt3A_377 : vector<4x64x128xi1>
      %or3A_379 = arith.ori %gt3A_375, %and3A_378 : vector<4x64x128xi1>
      %eq3A_380 = arith.xori %or3A_379, %eq3A_360 : vector<4x64x128xi1>
      %eq3A_381 = arith.constant dense<true> : vector<4x64x128xi1>
      %eq3A_382 = arith.xori %eq3A_380, %eq3A_381 : vector<4x64x128xi1>
      %ne3A_383 = arith.xori %eq3A_382, %eq3A_292 : vector<4x64x128xi1>
      %select_n3A_384 = arith.select %ne3A_383, %select_n3A_367, %select_n3A_353 : vector<4x64x128xi1>, vector<4x64x128xf32>
      %select_n3A_385 = arith.select %ne3A_383, %select_n3A_374, %select_n3A_354 : vector<4x64x128xi1>, vector<4x64x128xi32>
      %and3A_386 = arith.constant 1 : i32
      %and3A_387 = vector.broadcast %and3A_386 : i32 to vector<4x64x128xi32>
      %and3A_388 = arith.andi %add3A_78, %and3A_387 : vector<4x64x128xi32>
      %eq3A_389 = arith.constant 0 : i32
      %eq3A_390 = vector.broadcast %eq3A_389 : i32 to vector<4x64x128xi32>
      %eq3A_391 = arith.cmpi eq, %and3A_388, %eq3A_390 : vector<4x64x128xi32>
      %slice3A_392 = vector.extract_strided_slice %select_n3A_384 {offsets = [0, 0, 1], sizes = [4, 64, 127], strides = [1, 1, 1]} : vector<4x64x128xf32> to vector<4x64x127xf32>
      %slice3A_393 = vector.extract_strided_slice %select_n3A_384 {offsets = [0, 0, 0], sizes = [4, 64, 1], strides = [1, 1, 1]} : vector<4x64x128xf32> to vector<4x64x1xf32>
      %concatenate3A_394 = tpu.concatenate %slice3A_392, %slice3A_393 in 2 : vector<4x64x127xf32>, vector<4x64x1xf32> -> vector<4x64x128xf32>
      %slice3A_395 = vector.extract_strided_slice %select_n3A_384 {offsets = [0, 0, 127], sizes = [4, 64, 1], strides = [1, 1, 1]} : vector<4x64x128xf32> to vector<4x64x1xf32>
      %slice3A_396 = vector.extract_strided_slice %select_n3A_384 {offsets = [0, 0, 0], sizes = [4, 64, 127], strides = [1, 1, 1]} : vector<4x64x128xf32> to vector<4x64x127xf32>
      %concatenate3A_397 = tpu.concatenate %slice3A_395, %slice3A_396 in 2 : vector<4x64x1xf32>, vector<4x64x127xf32> -> vector<4x64x128xf32>
      %select_n3A_398 = arith.select %eq3A_391, %concatenate3A_394, %concatenate3A_397 : vector<4x64x128xi1>, vector<4x64x128xf32>
      %slice3A_399 = vector.extract_strided_slice %select_n3A_385 {offsets = [0, 0, 1], sizes = [4, 64, 127], strides = [1, 1, 1]} : vector<4x64x128xi32> to vector<4x64x127xi32>
      %slice3A_400 = vector.extract_strided_slice %select_n3A_385 {offsets = [0, 0, 0], sizes = [4, 64, 1], strides = [1, 1, 1]} : vector<4x64x128xi32> to vector<4x64x1xi32>
      %concatenate3A_401 = tpu.concatenate %slice3A_399, %slice3A_400 in 2 : vector<4x64x127xi32>, vector<4x64x1xi32> -> vector<4x64x128xi32>
      %slice3A_402 = vector.extract_strided_slice %select_n3A_385 {offsets = [0, 0, 127], sizes = [4, 64, 1], strides = [1, 1, 1]} : vector<4x64x128xi32> to vector<4x64x1xi32>
      %slice3A_403 = vector.extract_strided_slice %select_n3A_385 {offsets = [0, 0, 0], sizes = [4, 64, 127], strides = [1, 1, 1]} : vector<4x64x128xi32> to vector<4x64x127xi32>
      %concatenate3A_404 = tpu.concatenate %slice3A_402, %slice3A_403 in 2 : vector<4x64x1xi32>, vector<4x64x127xi32> -> vector<4x64x128xi32>
      %select_n3A_405 = arith.select %eq3A_391, %concatenate3A_401, %concatenate3A_404 : vector<4x64x128xi1>, vector<4x64x128xi32>
      %gt3A_406 = arith.cmpf ogt, %select_n3A_398, %select_n3A_384 : vector<4x64x128xf32>
      %eq3A_407 = arith.cmpf oeq, %select_n3A_398, %select_n3A_384 : vector<4x64x128xf32>
      %lt3A_408 = arith.cmpi slt, %select_n3A_405, %select_n3A_385 : vector<4x64x128xi32>
      %and3A_409 = arith.andi %eq3A_407, %lt3A_408 : vector<4x64x128xi1>
      %or3A_410 = arith.ori %gt3A_406, %and3A_409 : vector<4x64x128xi1>
      %eq3A_411 = arith.xori %or3A_410, %eq3A_391 : vector<4x64x128xi1>
      %eq3A_412 = arith.constant dense<true> : vector<4x64x128xi1>
      %eq3A_413 = arith.xori %eq3A_411, %eq3A_412 : vector<4x64x128xi1>
      %ne3A_414 = arith.xori %eq3A_413, %eq3A_292 : vector<4x64x128xi1>
      %select_n3A_415 = arith.select %ne3A_414, %select_n3A_398, %select_n3A_384 : vector<4x64x128xi1>, vector<4x64x128xf32>
      %select_n3A_416 = arith.select %ne3A_414, %select_n3A_405, %select_n3A_385 : vector<4x64x128xi1>, vector<4x64x128xi32>
      %shift_right_arithmetic3A_417 = arith.constant 5 : i32
      %shift_right_arithmetic3A_418 = vector.broadcast %shift_right_arithmetic3A_417 : i32 to vector<4x64x128xi32>
      %shift_right_arithmetic3A_419 = arith.shrsi %add3A_78, %shift_right_arithmetic3A_418 : vector<4x64x128xi32>
      %and3A_420 = arith.constant 1 : i32
      %and3A_421 = vector.broadcast %and3A_420 : i32 to vector<4x64x128xi32>
      %and3A_422 = arith.andi %shift_right_arithmetic3A_419, %and3A_421 : vector<4x64x128xi32>
      %eq3A_423 = arith.constant 1 : i32
      %eq3A_424 = vector.broadcast %eq3A_423 : i32 to vector<4x64x128xi32>
      %eq3A_425 = arith.cmpi eq, %and3A_422, %eq3A_424 : vector<4x64x128xi32>
      %and3A_426 = arith.constant 16 : i32
      %and3A_427 = vector.broadcast %and3A_426 : i32 to vector<4x64x128xi32>
      %and3A_428 = arith.andi %add3A_78, %and3A_427 : vector<4x64x128xi32>
      %eq3A_429 = arith.constant 0 : i32
      %eq3A_430 = vector.broadcast %eq3A_429 : i32 to vector<4x64x128xi32>
      %eq3A_431 = arith.cmpi eq, %and3A_428, %eq3A_430 : vector<4x64x128xi32>
      %slice3A_432 = vector.extract_strided_slice %select_n3A_415 {offsets = [0, 0, 16], sizes = [4, 64, 112], strides = [1, 1, 1]} : vector<4x64x128xf32> to vector<4x64x112xf32>
      %slice3A_433 = vector.extract_strided_slice %select_n3A_415 {offsets = [0, 0, 0], sizes = [4, 64, 16], strides = [1, 1, 1]} : vector<4x64x128xf32> to vector<4x64x16xf32>
      %concatenate3A_434 = tpu.concatenate %slice3A_432, %slice3A_433 in 2 : vector<4x64x112xf32>, vector<4x64x16xf32> -> vector<4x64x128xf32>
      %slice3A_435 = vector.extract_strided_slice %select_n3A_415 {offsets = [0, 0, 112], sizes = [4, 64, 16], strides = [1, 1, 1]} : vector<4x64x128xf32> to vector<4x64x16xf32>
      %slice3A_436 = vector.extract_strided_slice %select_n3A_415 {offsets = [0, 0, 0], sizes = [4, 64, 112], strides = [1, 1, 1]} : vector<4x64x128xf32> to vector<4x64x112xf32>
      %concatenate3A_437 = tpu.concatenate %slice3A_435, %slice3A_436 in 2 : vector<4x64x16xf32>, vector<4x64x112xf32> -> vector<4x64x128xf32>
      %select_n3A_438 = arith.select %eq3A_431, %concatenate3A_434, %concatenate3A_437 : vector<4x64x128xi1>, vector<4x64x128xf32>
      %slice3A_439 = vector.extract_strided_slice %select_n3A_416 {offsets = [0, 0, 16], sizes = [4, 64, 112], strides = [1, 1, 1]} : vector<4x64x128xi32> to vector<4x64x112xi32>
      %slice3A_440 = vector.extract_strided_slice %select_n3A_416 {offsets = [0, 0, 0], sizes = [4, 64, 16], strides = [1, 1, 1]} : vector<4x64x128xi32> to vector<4x64x16xi32>
      %concatenate3A_441 = tpu.concatenate %slice3A_439, %slice3A_440 in 2 : vector<4x64x112xi32>, vector<4x64x16xi32> -> vector<4x64x128xi32>
      %slice3A_442 = vector.extract_strided_slice %select_n3A_416 {offsets = [0, 0, 112], sizes = [4, 64, 16], strides = [1, 1, 1]} : vector<4x64x128xi32> to vector<4x64x16xi32>
      %slice3A_443 = vector.extract_strided_slice %select_n3A_416 {offsets = [0, 0, 0], sizes = [4, 64, 112], strides = [1, 1, 1]} : vector<4x64x128xi32> to vector<4x64x112xi32>
      %concatenate3A_444 = tpu.concatenate %slice3A_442, %slice3A_443 in 2 : vector<4x64x16xi32>, vector<4x64x112xi32> -> vector<4x64x128xi32>
      %select_n3A_445 = arith.select %eq3A_431, %concatenate3A_441, %concatenate3A_444 : vector<4x64x128xi1>, vector<4x64x128xi32>
      %gt3A_446 = arith.cmpf ogt, %select_n3A_438, %select_n3A_415 : vector<4x64x128xf32>
      %eq3A_447 = arith.cmpf oeq, %select_n3A_438, %select_n3A_415 : vector<4x64x128xf32>
      %lt3A_448 = arith.cmpi slt, %select_n3A_445, %select_n3A_416 : vector<4x64x128xi32>
      %and3A_449 = arith.andi %eq3A_447, %lt3A_448 : vector<4x64x128xi1>
      %or3A_450 = arith.ori %gt3A_446, %and3A_449 : vector<4x64x128xi1>
      %eq3A_451 = arith.xori %or3A_450, %eq3A_431 : vector<4x64x128xi1>
      %eq3A_452 = arith.constant dense<true> : vector<4x64x128xi1>
      %eq3A_453 = arith.xori %eq3A_451, %eq3A_452 : vector<4x64x128xi1>
      %ne3A_454 = arith.xori %eq3A_453, %eq3A_425 : vector<4x64x128xi1>
      %select_n3A_455 = arith.select %ne3A_454, %select_n3A_438, %select_n3A_415 : vector<4x64x128xi1>, vector<4x64x128xf32>
      %select_n3A_456 = arith.select %ne3A_454, %select_n3A_445, %select_n3A_416 : vector<4x64x128xi1>, vector<4x64x128xi32>
      %and3A_457 = arith.constant 8 : i32
      %and3A_458 = vector.broadcast %and3A_457 : i32 to vector<4x64x128xi32>
      %and3A_459 = arith.andi %add3A_78, %and3A_458 : vector<4x64x128xi32>
      %eq3A_460 = arith.constant 0 : i32
      %eq3A_461 = vector.broadcast %eq3A_460 : i32 to vector<4x64x128xi32>
      %eq3A_462 = arith.cmpi eq, %and3A_459, %eq3A_461 : vector<4x64x128xi32>
      %slice3A_463 = vector.extract_strided_slice %select_n3A_455 {offsets = [0, 0, 8], sizes = [4, 64, 120], strides = [1, 1, 1]} : vector<4x64x128xf32> to vector<4x64x120xf32>
      %slice3A_464 = vector.extract_strided_slice %select_n3A_455 {offsets = [0, 0, 0], sizes = [4, 64, 8], strides = [1, 1, 1]} : vector<4x64x128xf32> to vector<4x64x8xf32>
      %concatenate3A_465 = tpu.concatenate %slice3A_463, %slice3A_464 in 2 : vector<4x64x120xf32>, vector<4x64x8xf32> -> vector<4x64x128xf32>
      %slice3A_466 = vector.extract_strided_slice %select_n3A_455 {offsets = [0, 0, 120], sizes = [4, 64, 8], strides = [1, 1, 1]} : vector<4x64x128xf32> to vector<4x64x8xf32>
      %slice3A_467 = vector.extract_strided_slice %select_n3A_455 {offsets = [0, 0, 0], sizes = [4, 64, 120], strides = [1, 1, 1]} : vector<4x64x128xf32> to vector<4x64x120xf32>
      %concatenate3A_468 = tpu.concatenate %slice3A_466, %slice3A_467 in 2 : vector<4x64x8xf32>, vector<4x64x120xf32> -> vector<4x64x128xf32>
      %select_n3A_469 = arith.select %eq3A_462, %concatenate3A_465, %concatenate3A_468 : vector<4x64x128xi1>, vector<4x64x128xf32>
      %slice3A_470 = vector.extract_strided_slice %select_n3A_456 {offsets = [0, 0, 8], sizes = [4, 64, 120], strides = [1, 1, 1]} : vector<4x64x128xi32> to vector<4x64x120xi32>
      %slice3A_471 = vector.extract_strided_slice %select_n3A_456 {offsets = [0, 0, 0], sizes = [4, 64, 8], strides = [1, 1, 1]} : vector<4x64x128xi32> to vector<4x64x8xi32>
      %concatenate3A_472 = tpu.concatenate %slice3A_470, %slice3A_471 in 2 : vector<4x64x120xi32>, vector<4x64x8xi32> -> vector<4x64x128xi32>
      %slice3A_473 = vector.extract_strided_slice %select_n3A_456 {offsets = [0, 0, 120], sizes = [4, 64, 8], strides = [1, 1, 1]} : vector<4x64x128xi32> to vector<4x64x8xi32>
      %slice3A_474 = vector.extract_strided_slice %select_n3A_456 {offsets = [0, 0, 0], sizes = [4, 64, 120], strides = [1, 1, 1]} : vector<4x64x128xi32> to vector<4x64x120xi32>
      %concatenate3A_475 = tpu.concatenate %slice3A_473, %slice3A_474 in 2 : vector<4x64x8xi32>, vector<4x64x120xi32> -> vector<4x64x128xi32>
      %select_n3A_476 = arith.select %eq3A_462, %concatenate3A_472, %concatenate3A_475 : vector<4x64x128xi1>, vector<4x64x128xi32>
      %gt3A_477 = arith.cmpf ogt, %select_n3A_469, %select_n3A_455 : vector<4x64x128xf32>
      %eq3A_478 = arith.cmpf oeq, %select_n3A_469, %select_n3A_455 : vector<4x64x128xf32>
      %lt3A_479 = arith.cmpi slt, %select_n3A_476, %select_n3A_456 : vector<4x64x128xi32>
      %and3A_480 = arith.andi %eq3A_478, %lt3A_479 : vector<4x64x128xi1>
      %or3A_481 = arith.ori %gt3A_477, %and3A_480 : vector<4x64x128xi1>
      %eq3A_482 = arith.xori %or3A_481, %eq3A_462 : vector<4x64x128xi1>
      %eq3A_483 = arith.constant dense<true> : vector<4x64x128xi1>
      %eq3A_484 = arith.xori %eq3A_482, %eq3A_483 : vector<4x64x128xi1>
      %ne3A_485 = arith.xori %eq3A_484, %eq3A_425 : vector<4x64x128xi1>
      %select_n3A_486 = arith.select %ne3A_485, %select_n3A_469, %select_n3A_455 : vector<4x64x128xi1>, vector<4x64x128xf32>
      %select_n3A_487 = arith.select %ne3A_485, %select_n3A_476, %select_n3A_456 : vector<4x64x128xi1>, vector<4x64x128xi32>
      %and3A_488 = arith.constant 4 : i32
      %and3A_489 = vector.broadcast %and3A_488 : i32 to vector<4x64x128xi32>
      %and3A_490 = arith.andi %add3A_78, %and3A_489 : vector<4x64x128xi32>
      %eq3A_491 = arith.constant 0 : i32
      %eq3A_492 = vector.broadcast %eq3A_491 : i32 to vector<4x64x128xi32>
      %eq3A_493 = arith.cmpi eq, %and3A_490, %eq3A_492 : vector<4x64x128xi32>
      %slice3A_494 = vector.extract_strided_slice %select_n3A_486 {offsets = [0, 0, 4], sizes = [4, 64, 124], strides = [1, 1, 1]} : vector<4x64x128xf32> to vector<4x64x124xf32>
      %slice3A_495 = vector.extract_strided_slice %select_n3A_486 {offsets = [0, 0, 0], sizes = [4, 64, 4], strides = [1, 1, 1]} : vector<4x64x128xf32> to vector<4x64x4xf32>
      %concatenate3A_496 = tpu.concatenate %slice3A_494, %slice3A_495 in 2 : vector<4x64x124xf32>, vector<4x64x4xf32> -> vector<4x64x128xf32>
      %slice3A_497 = vector.extract_strided_slice %select_n3A_486 {offsets = [0, 0, 124], sizes = [4, 64, 4], strides = [1, 1, 1]} : vector<4x64x128xf32> to vector<4x64x4xf32>
      %slice3A_498 = vector.extract_strided_slice %select_n3A_486 {offsets = [0, 0, 0], sizes = [4, 64, 124], strides = [1, 1, 1]} : vector<4x64x128xf32> to vector<4x64x124xf32>
      %concatenate3A_499 = tpu.concatenate %slice3A_497, %slice3A_498 in 2 : vector<4x64x4xf32>, vector<4x64x124xf32> -> vector<4x64x128xf32>
      %select_n3A_500 = arith.select %eq3A_493, %concatenate3A_496, %concatenate3A_499 : vector<4x64x128xi1>, vector<4x64x128xf32>
      %slice3A_501 = vector.extract_strided_slice %select_n3A_487 {offsets = [0, 0, 4], sizes = [4, 64, 124], strides = [1, 1, 1]} : vector<4x64x128xi32> to vector<4x64x124xi32>
      %slice3A_502 = vector.extract_strided_slice %select_n3A_487 {offsets = [0, 0, 0], sizes = [4, 64, 4], strides = [1, 1, 1]} : vector<4x64x128xi32> to vector<4x64x4xi32>
      %concatenate3A_503 = tpu.concatenate %slice3A_501, %slice3A_502 in 2 : vector<4x64x124xi32>, vector<4x64x4xi32> -> vector<4x64x128xi32>
      %slice3A_504 = vector.extract_strided_slice %select_n3A_487 {offsets = [0, 0, 124], sizes = [4, 64, 4], strides = [1, 1, 1]} : vector<4x64x128xi32> to vector<4x64x4xi32>
      %slice3A_505 = vector.extract_strided_slice %select_n3A_487 {offsets = [0, 0, 0], sizes = [4, 64, 124], strides = [1, 1, 1]} : vector<4x64x128xi32> to vector<4x64x124xi32>
      %concatenate3A_506 = tpu.concatenate %slice3A_504, %slice3A_505 in 2 : vector<4x64x4xi32>, vector<4x64x124xi32> -> vector<4x64x128xi32>
      %select_n3A_507 = arith.select %eq3A_493, %concatenate3A_503, %concatenate3A_506 : vector<4x64x128xi1>, vector<4x64x128xi32>
      %gt3A_508 = arith.cmpf ogt, %select_n3A_500, %select_n3A_486 : vector<4x64x128xf32>
      %eq3A_509 = arith.cmpf oeq, %select_n3A_500, %select_n3A_486 : vector<4x64x128xf32>
      %lt3A_510 = arith.cmpi slt, %select_n3A_507, %select_n3A_487 : vector<4x64x128xi32>
      %and3A_511 = arith.andi %eq3A_509, %lt3A_510 : vector<4x64x128xi1>
      %or3A_512 = arith.ori %gt3A_508, %and3A_511 : vector<4x64x128xi1>
      %eq3A_513 = arith.xori %or3A_512, %eq3A_493 : vector<4x64x128xi1>
      %eq3A_514 = arith.constant dense<true> : vector<4x64x128xi1>
      %eq3A_515 = arith.xori %eq3A_513, %eq3A_514 : vector<4x64x128xi1>
      %ne3A_516 = arith.xori %eq3A_515, %eq3A_425 : vector<4x64x128xi1>
      %select_n3A_517 = arith.select %ne3A_516, %select_n3A_500, %select_n3A_486 : vector<4x64x128xi1>, vector<4x64x128xf32>
      %select_n3A_518 = arith.select %ne3A_516, %select_n3A_507, %select_n3A_487 : vector<4x64x128xi1>, vector<4x64x128xi32>
      %and3A_519 = arith.constant 2 : i32
      %and3A_520 = vector.broadcast %and3A_519 : i32 to vector<4x64x128xi32>
      %and3A_521 = arith.andi %add3A_78, %and3A_520 : vector<4x64x128xi32>
      %eq3A_522 = arith.constant 0 : i32
      %eq3A_523 = vector.broadcast %eq3A_522 : i32 to vector<4x64x128xi32>
      %eq3A_524 = arith.cmpi eq, %and3A_521, %eq3A_523 : vector<4x64x128xi32>
      %slice3A_525 = vector.extract_strided_slice %select_n3A_517 {offsets = [0, 0, 2], sizes = [4, 64, 126], strides = [1, 1, 1]} : vector<4x64x128xf32> to vector<4x64x126xf32>
      %slice3A_526 = vector.extract_strided_slice %select_n3A_517 {offsets = [0, 0, 0], sizes = [4, 64, 2], strides = [1, 1, 1]} : vector<4x64x128xf32> to vector<4x64x2xf32>
      %concatenate3A_527 = tpu.concatenate %slice3A_525, %slice3A_526 in 2 : vector<4x64x126xf32>, vector<4x64x2xf32> -> vector<4x64x128xf32>
      %slice3A_528 = vector.extract_strided_slice %select_n3A_517 {offsets = [0, 0, 126], sizes = [4, 64, 2], strides = [1, 1, 1]} : vector<4x64x128xf32> to vector<4x64x2xf32>
      %slice3A_529 = vector.extract_strided_slice %select_n3A_517 {offsets = [0, 0, 0], sizes = [4, 64, 126], strides = [1, 1, 1]} : vector<4x64x128xf32> to vector<4x64x126xf32>
      %concatenate3A_530 = tpu.concatenate %slice3A_528, %slice3A_529 in 2 : vector<4x64x2xf32>, vector<4x64x126xf32> -> vector<4x64x128xf32>
      %select_n3A_531 = arith.select %eq3A_524, %concatenate3A_527, %concatenate3A_530 : vector<4x64x128xi1>, vector<4x64x128xf32>
      %slice3A_532 = vector.extract_strided_slice %select_n3A_518 {offsets = [0, 0, 2], sizes = [4, 64, 126], strides = [1, 1, 1]} : vector<4x64x128xi32> to vector<4x64x126xi32>
      %slice3A_533 = vector.extract_strided_slice %select_n3A_518 {offsets = [0, 0, 0], sizes = [4, 64, 2], strides = [1, 1, 1]} : vector<4x64x128xi32> to vector<4x64x2xi32>
      %concatenate3A_534 = tpu.concatenate %slice3A_532, %slice3A_533 in 2 : vector<4x64x126xi32>, vector<4x64x2xi32> -> vector<4x64x128xi32>
      %slice3A_535 = vector.extract_strided_slice %select_n3A_518 {offsets = [0, 0, 126], sizes = [4, 64, 2], strides = [1, 1, 1]} : vector<4x64x128xi32> to vector<4x64x2xi32>
      %slice3A_536 = vector.extract_strided_slice %select_n3A_518 {offsets = [0, 0, 0], sizes = [4, 64, 126], strides = [1, 1, 1]} : vector<4x64x128xi32> to vector<4x64x126xi32>
      %concatenate3A_537 = tpu.concatenate %slice3A_535, %slice3A_536 in 2 : vector<4x64x2xi32>, vector<4x64x126xi32> -> vector<4x64x128xi32>
      %select_n3A_538 = arith.select %eq3A_524, %concatenate3A_534, %concatenate3A_537 : vector<4x64x128xi1>, vector<4x64x128xi32>
      %gt3A_539 = arith.cmpf ogt, %select_n3A_531, %select_n3A_517 : vector<4x64x128xf32>
      %eq3A_540 = arith.cmpf oeq, %select_n3A_531, %select_n3A_517 : vector<4x64x128xf32>
      %lt3A_541 = arith.cmpi slt, %select_n3A_538, %select_n3A_518 : vector<4x64x128xi32>
      %and3A_542 = arith.andi %eq3A_540, %lt3A_541 : vector<4x64x128xi1>
      %or3A_543 = arith.ori %gt3A_539, %and3A_542 : vector<4x64x128xi1>
      %eq3A_544 = arith.xori %or3A_543, %eq3A_524 : vector<4x64x128xi1>
      %eq3A_545 = arith.constant dense<true> : vector<4x64x128xi1>
      %eq3A_546 = arith.xori %eq3A_544, %eq3A_545 : vector<4x64x128xi1>
      %ne3A_547 = arith.xori %eq3A_546, %eq3A_425 : vector<4x64x128xi1>
      %select_n3A_548 = arith.select %ne3A_547, %select_n3A_531, %select_n3A_517 : vector<4x64x128xi1>, vector<4x64x128xf32>
      %select_n3A_549 = arith.select %ne3A_547, %select_n3A_538, %select_n3A_518 : vector<4x64x128xi1>, vector<4x64x128xi32>
      %and3A_550 = arith.constant 1 : i32
      %and3A_551 = vector.broadcast %and3A_550 : i32 to vector<4x64x128xi32>
      %and3A_552 = arith.andi %add3A_78, %and3A_551 : vector<4x64x128xi32>
      %eq3A_553 = arith.constant 0 : i32
      %eq3A_554 = vector.broadcast %eq3A_553 : i32 to vector<4x64x128xi32>
      %eq3A_555 = arith.cmpi eq, %and3A_552, %eq3A_554 : vector<4x64x128xi32>
      %slice3A_556 = vector.extract_strided_slice %select_n3A_548 {offsets = [0, 0, 1], sizes = [4, 64, 127], strides = [1, 1, 1]} : vector<4x64x128xf32> to vector<4x64x127xf32>
      %slice3A_557 = vector.extract_strided_slice %select_n3A_548 {offsets = [0, 0, 0], sizes = [4, 64, 1], strides = [1, 1, 1]} : vector<4x64x128xf32> to vector<4x64x1xf32>
      %concatenate3A_558 = tpu.concatenate %slice3A_556, %slice3A_557 in 2 : vector<4x64x127xf32>, vector<4x64x1xf32> -> vector<4x64x128xf32>
      %slice3A_559 = vector.extract_strided_slice %select_n3A_548 {offsets = [0, 0, 127], sizes = [4, 64, 1], strides = [1, 1, 1]} : vector<4x64x128xf32> to vector<4x64x1xf32>
      %slice3A_560 = vector.extract_strided_slice %select_n3A_548 {offsets = [0, 0, 0], sizes = [4, 64, 127], strides = [1, 1, 1]} : vector<4x64x128xf32> to vector<4x64x127xf32>
      %concatenate3A_561 = tpu.concatenate %slice3A_559, %slice3A_560 in 2 : vector<4x64x1xf32>, vector<4x64x127xf32> -> vector<4x64x128xf32>
      %select_n3A_562 = arith.select %eq3A_555, %concatenate3A_558, %concatenate3A_561 : vector<4x64x128xi1>, vector<4x64x128xf32>
      %slice3A_563 = vector.extract_strided_slice %select_n3A_549 {offsets = [0, 0, 1], sizes = [4, 64, 127], strides = [1, 1, 1]} : vector<4x64x128xi32> to vector<4x64x127xi32>
      %slice3A_564 = vector.extract_strided_slice %select_n3A_549 {offsets = [0, 0, 0], sizes = [4, 64, 1], strides = [1, 1, 1]} : vector<4x64x128xi32> to vector<4x64x1xi32>
      %concatenate3A_565 = tpu.concatenate %slice3A_563, %slice3A_564 in 2 : vector<4x64x127xi32>, vector<4x64x1xi32> -> vector<4x64x128xi32>
      %slice3A_566 = vector.extract_strided_slice %select_n3A_549 {offsets = [0, 0, 127], sizes = [4, 64, 1], strides = [1, 1, 1]} : vector<4x64x128xi32> to vector<4x64x1xi32>
      %slice3A_567 = vector.extract_strided_slice %select_n3A_549 {offsets = [0, 0, 0], sizes = [4, 64, 127], strides = [1, 1, 1]} : vector<4x64x128xi32> to vector<4x64x127xi32>
      %concatenate3A_568 = tpu.concatenate %slice3A_566, %slice3A_567 in 2 : vector<4x64x1xi32>, vector<4x64x127xi32> -> vector<4x64x128xi32>
      %select_n3A_569 = arith.select %eq3A_555, %concatenate3A_565, %concatenate3A_568 : vector<4x64x128xi1>, vector<4x64x128xi32>
      %gt3A_570 = arith.cmpf ogt, %select_n3A_562, %select_n3A_548 : vector<4x64x128xf32>
      %eq3A_571 = arith.cmpf oeq, %select_n3A_562, %select_n3A_548 : vector<4x64x128xf32>
      %lt3A_572 = arith.cmpi slt, %select_n3A_569, %select_n3A_549 : vector<4x64x128xi32>
      %and3A_573 = arith.andi %eq3A_571, %lt3A_572 : vector<4x64x128xi1>
      %or3A_574 = arith.ori %gt3A_570, %and3A_573 : vector<4x64x128xi1>
      %eq3A_575 = arith.xori %or3A_574, %eq3A_555 : vector<4x64x128xi1>
      %eq3A_576 = arith.constant dense<true> : vector<4x64x128xi1>
      %eq3A_577 = arith.xori %eq3A_575, %eq3A_576 : vector<4x64x128xi1>
      %ne3A_578 = arith.xori %eq3A_577, %eq3A_425 : vector<4x64x128xi1>
      %select_n3A_579 = arith.select %ne3A_578, %select_n3A_562, %select_n3A_548 : vector<4x64x128xi1>, vector<4x64x128xf32>
      %select_n3A_580 = arith.select %ne3A_578, %select_n3A_569, %select_n3A_549 : vector<4x64x128xi1>, vector<4x64x128xi32>
      %shift_right_arithmetic3A_581 = arith.constant 6 : i32
      %shift_right_arithmetic3A_582 = vector.broadcast %shift_right_arithmetic3A_581 : i32 to vector<4x64x128xi32>
      %shift_right_arithmetic3A_583 = arith.shrsi %add3A_78, %shift_right_arithmetic3A_582 : vector<4x64x128xi32>
      %and3A_584 = arith.constant 1 : i32
      %and3A_585 = vector.broadcast %and3A_584 : i32 to vector<4x64x128xi32>
      %and3A_586 = arith.andi %shift_right_arithmetic3A_583, %and3A_585 : vector<4x64x128xi32>
      %eq3A_587 = arith.constant 1 : i32
      %eq3A_588 = vector.broadcast %eq3A_587 : i32 to vector<4x64x128xi32>
      %eq3A_589 = arith.cmpi eq, %and3A_586, %eq3A_588 : vector<4x64x128xi32>
      %and3A_590 = arith.constant 32 : i32
      %and3A_591 = vector.broadcast %and3A_590 : i32 to vector<4x64x128xi32>
      %and3A_592 = arith.andi %add3A_78, %and3A_591 : vector<4x64x128xi32>
      %eq3A_593 = arith.constant 0 : i32
      %eq3A_594 = vector.broadcast %eq3A_593 : i32 to vector<4x64x128xi32>
      %eq3A_595 = arith.cmpi eq, %and3A_592, %eq3A_594 : vector<4x64x128xi32>
      %slice3A_596 = vector.extract_strided_slice %select_n3A_579 {offsets = [0, 0, 32], sizes = [4, 64, 96], strides = [1, 1, 1]} : vector<4x64x128xf32> to vector<4x64x96xf32>
      %slice3A_597 = vector.extract_strided_slice %select_n3A_579 {offsets = [0, 0, 0], sizes = [4, 64, 32], strides = [1, 1, 1]} : vector<4x64x128xf32> to vector<4x64x32xf32>
      %concatenate3A_598 = tpu.concatenate %slice3A_596, %slice3A_597 in 2 : vector<4x64x96xf32>, vector<4x64x32xf32> -> vector<4x64x128xf32>
      %slice3A_599 = vector.extract_strided_slice %select_n3A_579 {offsets = [0, 0, 96], sizes = [4, 64, 32], strides = [1, 1, 1]} : vector<4x64x128xf32> to vector<4x64x32xf32>
      %slice3A_600 = vector.extract_strided_slice %select_n3A_579 {offsets = [0, 0, 0], sizes = [4, 64, 96], strides = [1, 1, 1]} : vector<4x64x128xf32> to vector<4x64x96xf32>
      %concatenate3A_601 = tpu.concatenate %slice3A_599, %slice3A_600 in 2 : vector<4x64x32xf32>, vector<4x64x96xf32> -> vector<4x64x128xf32>
      %select_n3A_602 = arith.select %eq3A_595, %concatenate3A_598, %concatenate3A_601 : vector<4x64x128xi1>, vector<4x64x128xf32>
      %slice3A_603 = vector.extract_strided_slice %select_n3A_580 {offsets = [0, 0, 32], sizes = [4, 64, 96], strides = [1, 1, 1]} : vector<4x64x128xi32> to vector<4x64x96xi32>
      %slice3A_604 = vector.extract_strided_slice %select_n3A_580 {offsets = [0, 0, 0], sizes = [4, 64, 32], strides = [1, 1, 1]} : vector<4x64x128xi32> to vector<4x64x32xi32>
      %concatenate3A_605 = tpu.concatenate %slice3A_603, %slice3A_604 in 2 : vector<4x64x96xi32>, vector<4x64x32xi32> -> vector<4x64x128xi32>
      %slice3A_606 = vector.extract_strided_slice %select_n3A_580 {offsets = [0, 0, 96], sizes = [4, 64, 32], strides = [1, 1, 1]} : vector<4x64x128xi32> to vector<4x64x32xi32>
      %slice3A_607 = vector.extract_strided_slice %select_n3A_580 {offsets = [0, 0, 0], sizes = [4, 64, 96], strides = [1, 1, 1]} : vector<4x64x128xi32> to vector<4x64x96xi32>
      %concatenate3A_608 = tpu.concatenate %slice3A_606, %slice3A_607 in 2 : vector<4x64x32xi32>, vector<4x64x96xi32> -> vector<4x64x128xi32>
      %select_n3A_609 = arith.select %eq3A_595, %concatenate3A_605, %concatenate3A_608 : vector<4x64x128xi1>, vector<4x64x128xi32>
      %gt3A_610 = arith.cmpf ogt, %select_n3A_602, %select_n3A_579 : vector<4x64x128xf32>
      %eq3A_611 = arith.cmpf oeq, %select_n3A_602, %select_n3A_579 : vector<4x64x128xf32>
      %lt3A_612 = arith.cmpi slt, %select_n3A_609, %select_n3A_580 : vector<4x64x128xi32>
      %and3A_613 = arith.andi %eq3A_611, %lt3A_612 : vector<4x64x128xi1>
      %or3A_614 = arith.ori %gt3A_610, %and3A_613 : vector<4x64x128xi1>
      %eq3A_615 = arith.xori %or3A_614, %eq3A_595 : vector<4x64x128xi1>
      %eq3A_616 = arith.constant dense<true> : vector<4x64x128xi1>
      %eq3A_617 = arith.xori %eq3A_615, %eq3A_616 : vector<4x64x128xi1>
      %ne3A_618 = arith.xori %eq3A_617, %eq3A_589 : vector<4x64x128xi1>
      %select_n3A_619 = arith.select %ne3A_618, %select_n3A_602, %select_n3A_579 : vector<4x64x128xi1>, vector<4x64x128xf32>
      %select_n3A_620 = arith.select %ne3A_618, %select_n3A_609, %select_n3A_580 : vector<4x64x128xi1>, vector<4x64x128xi32>
      %and3A_621 = arith.constant 16 : i32
      %and3A_622 = vector.broadcast %and3A_621 : i32 to vector<4x64x128xi32>
      %and3A_623 = arith.andi %add3A_78, %and3A_622 : vector<4x64x128xi32>
      %eq3A_624 = arith.constant 0 : i32
      %eq3A_625 = vector.broadcast %eq3A_624 : i32 to vector<4x64x128xi32>
      %eq3A_626 = arith.cmpi eq, %and3A_623, %eq3A_625 : vector<4x64x128xi32>
      %slice3A_627 = vector.extract_strided_slice %select_n3A_619 {offsets = [0, 0, 16], sizes = [4, 64, 112], strides = [1, 1, 1]} : vector<4x64x128xf32> to vector<4x64x112xf32>
      %slice3A_628 = vector.extract_strided_slice %select_n3A_619 {offsets = [0, 0, 0], sizes = [4, 64, 16], strides = [1, 1, 1]} : vector<4x64x128xf32> to vector<4x64x16xf32>
      %concatenate3A_629 = tpu.concatenate %slice3A_627, %slice3A_628 in 2 : vector<4x64x112xf32>, vector<4x64x16xf32> -> vector<4x64x128xf32>
      %slice3A_630 = vector.extract_strided_slice %select_n3A_619 {offsets = [0, 0, 112], sizes = [4, 64, 16], strides = [1, 1, 1]} : vector<4x64x128xf32> to vector<4x64x16xf32>
      %slice3A_631 = vector.extract_strided_slice %select_n3A_619 {offsets = [0, 0, 0], sizes = [4, 64, 112], strides = [1, 1, 1]} : vector<4x64x128xf32> to vector<4x64x112xf32>
      %concatenate3A_632 = tpu.concatenate %slice3A_630, %slice3A_631 in 2 : vector<4x64x16xf32>, vector<4x64x112xf32> -> vector<4x64x128xf32>
      %select_n3A_633 = arith.select %eq3A_626, %concatenate3A_629, %concatenate3A_632 : vector<4x64x128xi1>, vector<4x64x128xf32>
      %slice3A_634 = vector.extract_strided_slice %select_n3A_620 {offsets = [0, 0, 16], sizes = [4, 64, 112], strides = [1, 1, 1]} : vector<4x64x128xi32> to vector<4x64x112xi32>
      %slice3A_635 = vector.extract_strided_slice %select_n3A_620 {offsets = [0, 0, 0], sizes = [4, 64, 16], strides = [1, 1, 1]} : vector<4x64x128xi32> to vector<4x64x16xi32>
      %concatenate3A_636 = tpu.concatenate %slice3A_634, %slice3A_635 in 2 : vector<4x64x112xi32>, vector<4x64x16xi32> -> vector<4x64x128xi32>
      %slice3A_637 = vector.extract_strided_slice %select_n3A_620 {offsets = [0, 0, 112], sizes = [4, 64, 16], strides = [1, 1, 1]} : vector<4x64x128xi32> to vector<4x64x16xi32>
      %slice3A_638 = vector.extract_strided_slice %select_n3A_620 {offsets = [0, 0, 0], sizes = [4, 64, 112], strides = [1, 1, 1]} : vector<4x64x128xi32> to vector<4x64x112xi32>
      %concatenate3A_639 = tpu.concatenate %slice3A_637, %slice3A_638 in 2 : vector<4x64x16xi32>, vector<4x64x112xi32> -> vector<4x64x128xi32>
      %select_n3A_640 = arith.select %eq3A_626, %concatenate3A_636, %concatenate3A_639 : vector<4x64x128xi1>, vector<4x64x128xi32>
      %gt3A_641 = arith.cmpf ogt, %select_n3A_633, %select_n3A_619 : vector<4x64x128xf32>
      %eq3A_642 = arith.cmpf oeq, %select_n3A_633, %select_n3A_619 : vector<4x64x128xf32>
      %lt3A_643 = arith.cmpi slt, %select_n3A_640, %select_n3A_620 : vector<4x64x128xi32>
      %and3A_644 = arith.andi %eq3A_642, %lt3A_643 : vector<4x64x128xi1>
      %or3A_645 = arith.ori %gt3A_641, %and3A_644 : vector<4x64x128xi1>
      %eq3A_646 = arith.xori %or3A_645, %eq3A_626 : vector<4x64x128xi1>
      %eq3A_647 = arith.constant dense<true> : vector<4x64x128xi1>
      %eq3A_648 = arith.xori %eq3A_646, %eq3A_647 : vector<4x64x128xi1>
      %ne3A_649 = arith.xori %eq3A_648, %eq3A_589 : vector<4x64x128xi1>
      %select_n3A_650 = arith.select %ne3A_649, %select_n3A_633, %select_n3A_619 : vector<4x64x128xi1>, vector<4x64x128xf32>
      %select_n3A_651 = arith.select %ne3A_649, %select_n3A_640, %select_n3A_620 : vector<4x64x128xi1>, vector<4x64x128xi32>
      %and3A_652 = arith.constant 8 : i32
      %and3A_653 = vector.broadcast %and3A_652 : i32 to vector<4x64x128xi32>
      %and3A_654 = arith.andi %add3A_78, %and3A_653 : vector<4x64x128xi32>
      %eq3A_655 = arith.constant 0 : i32
      %eq3A_656 = vector.broadcast %eq3A_655 : i32 to vector<4x64x128xi32>
      %eq3A_657 = arith.cmpi eq, %and3A_654, %eq3A_656 : vector<4x64x128xi32>
      %slice3A_658 = vector.extract_strided_slice %select_n3A_650 {offsets = [0, 0, 8], sizes = [4, 64, 120], strides = [1, 1, 1]} : vector<4x64x128xf32> to vector<4x64x120xf32>
      %slice3A_659 = vector.extract_strided_slice %select_n3A_650 {offsets = [0, 0, 0], sizes = [4, 64, 8], strides = [1, 1, 1]} : vector<4x64x128xf32> to vector<4x64x8xf32>
      %concatenate3A_660 = tpu.concatenate %slice3A_658, %slice3A_659 in 2 : vector<4x64x120xf32>, vector<4x64x8xf32> -> vector<4x64x128xf32>
      %slice3A_661 = vector.extract_strided_slice %select_n3A_650 {offsets = [0, 0, 120], sizes = [4, 64, 8], strides = [1, 1, 1]} : vector<4x64x128xf32> to vector<4x64x8xf32>
      %slice3A_662 = vector.extract_strided_slice %select_n3A_650 {offsets = [0, 0, 0], sizes = [4, 64, 120], strides = [1, 1, 1]} : vector<4x64x128xf32> to vector<4x64x120xf32>
      %concatenate3A_663 = tpu.concatenate %slice3A_661, %slice3A_662 in 2 : vector<4x64x8xf32>, vector<4x64x120xf32> -> vector<4x64x128xf32>
      %select_n3A_664 = arith.select %eq3A_657, %concatenate3A_660, %concatenate3A_663 : vector<4x64x128xi1>, vector<4x64x128xf32>
      %slice3A_665 = vector.extract_strided_slice %select_n3A_651 {offsets = [0, 0, 8], sizes = [4, 64, 120], strides = [1, 1, 1]} : vector<4x64x128xi32> to vector<4x64x120xi32>
      %slice3A_666 = vector.extract_strided_slice %select_n3A_651 {offsets = [0, 0, 0], sizes = [4, 64, 8], strides = [1, 1, 1]} : vector<4x64x128xi32> to vector<4x64x8xi32>
      %concatenate3A_667 = tpu.concatenate %slice3A_665, %slice3A_666 in 2 : vector<4x64x120xi32>, vector<4x64x8xi32> -> vector<4x64x128xi32>
      %slice3A_668 = vector.extract_strided_slice %select_n3A_651 {offsets = [0, 0, 120], sizes = [4, 64, 8], strides = [1, 1, 1]} : vector<4x64x128xi32> to vector<4x64x8xi32>
      %slice3A_669 = vector.extract_strided_slice %select_n3A_651 {offsets = [0, 0, 0], sizes = [4, 64, 120], strides = [1, 1, 1]} : vector<4x64x128xi32> to vector<4x64x120xi32>
      %concatenate3A_670 = tpu.concatenate %slice3A_668, %slice3A_669 in 2 : vector<4x64x8xi32>, vector<4x64x120xi32> -> vector<4x64x128xi32>
      %select_n3A_671 = arith.select %eq3A_657, %concatenate3A_667, %concatenate3A_670 : vector<4x64x128xi1>, vector<4x64x128xi32>
      %gt3A_672 = arith.cmpf ogt, %select_n3A_664, %select_n3A_650 : vector<4x64x128xf32>
      %eq3A_673 = arith.cmpf oeq, %select_n3A_664, %select_n3A_650 : vector<4x64x128xf32>
      %lt3A_674 = arith.cmpi slt, %select_n3A_671, %select_n3A_651 : vector<4x64x128xi32>
      %and3A_675 = arith.andi %eq3A_673, %lt3A_674 : vector<4x64x128xi1>
      %or3A_676 = arith.ori %gt3A_672, %and3A_675 : vector<4x64x128xi1>
      %eq3A_677 = arith.xori %or3A_676, %eq3A_657 : vector<4x64x128xi1>
      %eq3A_678 = arith.constant dense<true> : vector<4x64x128xi1>
      %eq3A_679 = arith.xori %eq3A_677, %eq3A_678 : vector<4x64x128xi1>
      %ne3A_680 = arith.xori %eq3A_679, %eq3A_589 : vector<4x64x128xi1>
      %select_n3A_681 = arith.select %ne3A_680, %select_n3A_664, %select_n3A_650 : vector<4x64x128xi1>, vector<4x64x128xf32>
      %select_n3A_682 = arith.select %ne3A_680, %select_n3A_671, %select_n3A_651 : vector<4x64x128xi1>, vector<4x64x128xi32>
      %and3A_683 = arith.constant 4 : i32
      %and3A_684 = vector.broadcast %and3A_683 : i32 to vector<4x64x128xi32>
      %and3A_685 = arith.andi %add3A_78, %and3A_684 : vector<4x64x128xi32>
      %eq3A_686 = arith.constant 0 : i32
      %eq3A_687 = vector.broadcast %eq3A_686 : i32 to vector<4x64x128xi32>
      %eq3A_688 = arith.cmpi eq, %and3A_685, %eq3A_687 : vector<4x64x128xi32>
      %slice3A_689 = vector.extract_strided_slice %select_n3A_681 {offsets = [0, 0, 4], sizes = [4, 64, 124], strides = [1, 1, 1]} : vector<4x64x128xf32> to vector<4x64x124xf32>
      %slice3A_690 = vector.extract_strided_slice %select_n3A_681 {offsets = [0, 0, 0], sizes = [4, 64, 4], strides = [1, 1, 1]} : vector<4x64x128xf32> to vector<4x64x4xf32>
      %concatenate3A_691 = tpu.concatenate %slice3A_689, %slice3A_690 in 2 : vector<4x64x124xf32>, vector<4x64x4xf32> -> vector<4x64x128xf32>
      %slice3A_692 = vector.extract_strided_slice %select_n3A_681 {offsets = [0, 0, 124], sizes = [4, 64, 4], strides = [1, 1, 1]} : vector<4x64x128xf32> to vector<4x64x4xf32>
      %slice3A_693 = vector.extract_strided_slice %select_n3A_681 {offsets = [0, 0, 0], sizes = [4, 64, 124], strides = [1, 1, 1]} : vector<4x64x128xf32> to vector<4x64x124xf32>
      %concatenate3A_694 = tpu.concatenate %slice3A_692, %slice3A_693 in 2 : vector<4x64x4xf32>, vector<4x64x124xf32> -> vector<4x64x128xf32>
      %select_n3A_695 = arith.select %eq3A_688, %concatenate3A_691, %concatenate3A_694 : vector<4x64x128xi1>, vector<4x64x128xf32>
      %slice3A_696 = vector.extract_strided_slice %select_n3A_682 {offsets = [0, 0, 4], sizes = [4, 64, 124], strides = [1, 1, 1]} : vector<4x64x128xi32> to vector<4x64x124xi32>
      %slice3A_697 = vector.extract_strided_slice %select_n3A_682 {offsets = [0, 0, 0], sizes = [4, 64, 4], strides = [1, 1, 1]} : vector<4x64x128xi32> to vector<4x64x4xi32>
      %concatenate3A_698 = tpu.concatenate %slice3A_696, %slice3A_697 in 2 : vector<4x64x124xi32>, vector<4x64x4xi32> -> vector<4x64x128xi32>
      %slice3A_699 = vector.extract_strided_slice %select_n3A_682 {offsets = [0, 0, 124], sizes = [4, 64, 4], strides = [1, 1, 1]} : vector<4x64x128xi32> to vector<4x64x4xi32>
      %slice3A_700 = vector.extract_strided_slice %select_n3A_682 {offsets = [0, 0, 0], sizes = [4, 64, 124], strides = [1, 1, 1]} : vector<4x64x128xi32> to vector<4x64x124xi32>
      %concatenate3A_701 = tpu.concatenate %slice3A_699, %slice3A_700 in 2 : vector<4x64x4xi32>, vector<4x64x124xi32> -> vector<4x64x128xi32>
      %select_n3A_702 = arith.select %eq3A_688, %concatenate3A_698, %concatenate3A_701 : vector<4x64x128xi1>, vector<4x64x128xi32>
      %gt3A_703 = arith.cmpf ogt, %select_n3A_695, %select_n3A_681 : vector<4x64x128xf32>
      %eq3A_704 = arith.cmpf oeq, %select_n3A_695, %select_n3A_681 : vector<4x64x128xf32>
      %lt3A_705 = arith.cmpi slt, %select_n3A_702, %select_n3A_682 : vector<4x64x128xi32>
      %and3A_706 = arith.andi %eq3A_704, %lt3A_705 : vector<4x64x128xi1>
      %or3A_707 = arith.ori %gt3A_703, %and3A_706 : vector<4x64x128xi1>
      %eq3A_708 = arith.xori %or3A_707, %eq3A_688 : vector<4x64x128xi1>
      %eq3A_709 = arith.constant dense<true> : vector<4x64x128xi1>
      %eq3A_710 = arith.xori %eq3A_708, %eq3A_709 : vector<4x64x128xi1>
      %ne3A_711 = arith.xori %eq3A_710, %eq3A_589 : vector<4x64x128xi1>
      %select_n3A_712 = arith.select %ne3A_711, %select_n3A_695, %select_n3A_681 : vector<4x64x128xi1>, vector<4x64x128xf32>
      %select_n3A_713 = arith.select %ne3A_711, %select_n3A_702, %select_n3A_682 : vector<4x64x128xi1>, vector<4x64x128xi32>
      %and3A_714 = arith.constant 2 : i32
      %and3A_715 = vector.broadcast %and3A_714 : i32 to vector<4x64x128xi32>
      %and3A_716 = arith.andi %add3A_78, %and3A_715 : vector<4x64x128xi32>
      %eq3A_717 = arith.constant 0 : i32
      %eq3A_718 = vector.broadcast %eq3A_717 : i32 to vector<4x64x128xi32>
      %eq3A_719 = arith.cmpi eq, %and3A_716, %eq3A_718 : vector<4x64x128xi32>
      %slice3A_720 = vector.extract_strided_slice %select_n3A_712 {offsets = [0, 0, 2], sizes = [4, 64, 126], strides = [1, 1, 1]} : vector<4x64x128xf32> to vector<4x64x126xf32>
      %slice3A_721 = vector.extract_strided_slice %select_n3A_712 {offsets = [0, 0, 0], sizes = [4, 64, 2], strides = [1, 1, 1]} : vector<4x64x128xf32> to vector<4x64x2xf32>
      %concatenate3A_722 = tpu.concatenate %slice3A_720, %slice3A_721 in 2 : vector<4x64x126xf32>, vector<4x64x2xf32> -> vector<4x64x128xf32>
      %slice3A_723 = vector.extract_strided_slice %select_n3A_712 {offsets = [0, 0, 126], sizes = [4, 64, 2], strides = [1, 1, 1]} : vector<4x64x128xf32> to vector<4x64x2xf32>
      %slice3A_724 = vector.extract_strided_slice %select_n3A_712 {offsets = [0, 0, 0], sizes = [4, 64, 126], strides = [1, 1, 1]} : vector<4x64x128xf32> to vector<4x64x126xf32>
      %concatenate3A_725 = tpu.concatenate %slice3A_723, %slice3A_724 in 2 : vector<4x64x2xf32>, vector<4x64x126xf32> -> vector<4x64x128xf32>
      %select_n3A_726 = arith.select %eq3A_719, %concatenate3A_722, %concatenate3A_725 : vector<4x64x128xi1>, vector<4x64x128xf32>
      %slice3A_727 = vector.extract_strided_slice %select_n3A_713 {offsets = [0, 0, 2], sizes = [4, 64, 126], strides = [1, 1, 1]} : vector<4x64x128xi32> to vector<4x64x126xi32>
      %slice3A_728 = vector.extract_strided_slice %select_n3A_713 {offsets = [0, 0, 0], sizes = [4, 64, 2], strides = [1, 1, 1]} : vector<4x64x128xi32> to vector<4x64x2xi32>
      %concatenate3A_729 = tpu.concatenate %slice3A_727, %slice3A_728 in 2 : vector<4x64x126xi32>, vector<4x64x2xi32> -> vector<4x64x128xi32>
      %slice3A_730 = vector.extract_strided_slice %select_n3A_713 {offsets = [0, 0, 126], sizes = [4, 64, 2], strides = [1, 1, 1]} : vector<4x64x128xi32> to vector<4x64x2xi32>
      %slice3A_731 = vector.extract_strided_slice %select_n3A_713 {offsets = [0, 0, 0], sizes = [4, 64, 126], strides = [1, 1, 1]} : vector<4x64x128xi32> to vector<4x64x126xi32>
      %concatenate3A_732 = tpu.concatenate %slice3A_730, %slice3A_731 in 2 : vector<4x64x2xi32>, vector<4x64x126xi32> -> vector<4x64x128xi32>
      %select_n3A_733 = arith.select %eq3A_719, %concatenate3A_729, %concatenate3A_732 : vector<4x64x128xi1>, vector<4x64x128xi32>
      %gt3A_734 = arith.cmpf ogt, %select_n3A_726, %select_n3A_712 : vector<4x64x128xf32>
      %eq3A_735 = arith.cmpf oeq, %select_n3A_726, %select_n3A_712 : vector<4x64x128xf32>
      %lt3A_736 = arith.cmpi slt, %select_n3A_733, %select_n3A_713 : vector<4x64x128xi32>
      %and3A_737 = arith.andi %eq3A_735, %lt3A_736 : vector<4x64x128xi1>
      %or3A_738 = arith.ori %gt3A_734, %and3A_737 : vector<4x64x128xi1>
      %eq3A_739 = arith.xori %or3A_738, %eq3A_719 : vector<4x64x128xi1>
      %eq3A_740 = arith.constant dense<true> : vector<4x64x128xi1>
      %eq3A_741 = arith.xori %eq3A_739, %eq3A_740 : vector<4x64x128xi1>
      %ne3A_742 = arith.xori %eq3A_741, %eq3A_589 : vector<4x64x128xi1>
      %select_n3A_743 = arith.select %ne3A_742, %select_n3A_726, %select_n3A_712 : vector<4x64x128xi1>, vector<4x64x128xf32>
      %select_n3A_744 = arith.select %ne3A_742, %select_n3A_733, %select_n3A_713 : vector<4x64x128xi1>, vector<4x64x128xi32>
      %and3A_745 = arith.constant 1 : i32
      %and3A_746 = vector.broadcast %and3A_745 : i32 to vector<4x64x128xi32>
      %and3A_747 = arith.andi %add3A_78, %and3A_746 : vector<4x64x128xi32>
      %eq3A_748 = arith.constant 0 : i32
      %eq3A_749 = vector.broadcast %eq3A_748 : i32 to vector<4x64x128xi32>
      %eq3A_750 = arith.cmpi eq, %and3A_747, %eq3A_749 : vector<4x64x128xi32>
      %slice3A_751 = vector.extract_strided_slice %select_n3A_743 {offsets = [0, 0, 1], sizes = [4, 64, 127], strides = [1, 1, 1]} : vector<4x64x128xf32> to vector<4x64x127xf32>
      %slice3A_752 = vector.extract_strided_slice %select_n3A_743 {offsets = [0, 0, 0], sizes = [4, 64, 1], strides = [1, 1, 1]} : vector<4x64x128xf32> to vector<4x64x1xf32>
      %concatenate3A_753 = tpu.concatenate %slice3A_751, %slice3A_752 in 2 : vector<4x64x127xf32>, vector<4x64x1xf32> -> vector<4x64x128xf32>
      %slice3A_754 = vector.extract_strided_slice %select_n3A_743 {offsets = [0, 0, 127], sizes = [4, 64, 1], strides = [1, 1, 1]} : vector<4x64x128xf32> to vector<4x64x1xf32>
      %slice3A_755 = vector.extract_strided_slice %select_n3A_743 {offsets = [0, 0, 0], sizes = [4, 64, 127], strides = [1, 1, 1]} : vector<4x64x128xf32> to vector<4x64x127xf32>
      %concatenate3A_756 = tpu.concatenate %slice3A_754, %slice3A_755 in 2 : vector<4x64x1xf32>, vector<4x64x127xf32> -> vector<4x64x128xf32>
      %select_n3A_757 = arith.select %eq3A_750, %concatenate3A_753, %concatenate3A_756 : vector<4x64x128xi1>, vector<4x64x128xf32>
      %slice3A_758 = vector.extract_strided_slice %select_n3A_744 {offsets = [0, 0, 1], sizes = [4, 64, 127], strides = [1, 1, 1]} : vector<4x64x128xi32> to vector<4x64x127xi32>
      %slice3A_759 = vector.extract_strided_slice %select_n3A_744 {offsets = [0, 0, 0], sizes = [4, 64, 1], strides = [1, 1, 1]} : vector<4x64x128xi32> to vector<4x64x1xi32>
      %concatenate3A_760 = tpu.concatenate %slice3A_758, %slice3A_759 in 2 : vector<4x64x127xi32>, vector<4x64x1xi32> -> vector<4x64x128xi32>
      %slice3A_761 = vector.extract_strided_slice %select_n3A_744 {offsets = [0, 0, 127], sizes = [4, 64, 1], strides = [1, 1, 1]} : vector<4x64x128xi32> to vector<4x64x1xi32>
      %slice3A_762 = vector.extract_strided_slice %select_n3A_744 {offsets = [0, 0, 0], sizes = [4, 64, 127], strides = [1, 1, 1]} : vector<4x64x128xi32> to vector<4x64x127xi32>
      %concatenate3A_763 = tpu.concatenate %slice3A_761, %slice3A_762 in 2 : vector<4x64x1xi32>, vector<4x64x127xi32> -> vector<4x64x128xi32>
      %select_n3A_764 = arith.select %eq3A_750, %concatenate3A_760, %concatenate3A_763 : vector<4x64x128xi1>, vector<4x64x128xi32>
      %gt3A_765 = arith.cmpf ogt, %select_n3A_757, %select_n3A_743 : vector<4x64x128xf32>
      %eq3A_766 = arith.cmpf oeq, %select_n3A_757, %select_n3A_743 : vector<4x64x128xf32>
      %lt3A_767 = arith.cmpi slt, %select_n3A_764, %select_n3A_744 : vector<4x64x128xi32>
      %and3A_768 = arith.andi %eq3A_766, %lt3A_767 : vector<4x64x128xi1>
      %or3A_769 = arith.ori %gt3A_765, %and3A_768 : vector<4x64x128xi1>
      %eq3A_770 = arith.xori %or3A_769, %eq3A_750 : vector<4x64x128xi1>
      %eq3A_771 = arith.constant dense<true> : vector<4x64x128xi1>
      %eq3A_772 = arith.xori %eq3A_770, %eq3A_771 : vector<4x64x128xi1>
      %ne3A_773 = arith.xori %eq3A_772, %eq3A_589 : vector<4x64x128xi1>
      %select_n3A_774 = arith.select %ne3A_773, %select_n3A_757, %select_n3A_743 : vector<4x64x128xi1>, vector<4x64x128xf32>
      %select_n3A_775 = arith.select %ne3A_773, %select_n3A_764, %select_n3A_744 : vector<4x64x128xi1>, vector<4x64x128xi32>
      %shift_right_arithmetic3A_776 = arith.constant 7 : i32
      %shift_right_arithmetic3A_777 = vector.broadcast %shift_right_arithmetic3A_776 : i32 to vector<4x64x128xi32>
      %shift_right_arithmetic3A_778 = arith.shrsi %add3A_78, %shift_right_arithmetic3A_777 : vector<4x64x128xi32>
      %and3A_779 = arith.constant 1 : i32
      %and3A_780 = vector.broadcast %and3A_779 : i32 to vector<4x64x128xi32>
      %and3A_781 = arith.andi %shift_right_arithmetic3A_778, %and3A_780 : vector<4x64x128xi32>
      %eq3A_782 = arith.constant 1 : i32
      %eq3A_783 = vector.broadcast %eq3A_782 : i32 to vector<4x64x128xi32>
      %eq3A_784 = arith.cmpi eq, %and3A_781, %eq3A_783 : vector<4x64x128xi32>
      %and3A_785 = arith.constant 64 : i32
      %and3A_786 = vector.broadcast %and3A_785 : i32 to vector<4x64x128xi32>
      %and3A_787 = arith.andi %add3A_78, %and3A_786 : vector<4x64x128xi32>
      %eq3A_788 = arith.constant 0 : i32
      %eq3A_789 = vector.broadcast %eq3A_788 : i32 to vector<4x64x128xi32>
      %eq3A_790 = arith.cmpi eq, %and3A_787, %eq3A_789 : vector<4x64x128xi32>
      %slice3A_791 = vector.extract_strided_slice %select_n3A_774 {offsets = [0, 0, 64], sizes = [4, 64, 64], strides = [1, 1, 1]} : vector<4x64x128xf32> to vector<4x64x64xf32>
      %slice3A_792 = vector.extract_strided_slice %select_n3A_774 {offsets = [0, 0, 0], sizes = [4, 64, 64], strides = [1, 1, 1]} : vector<4x64x128xf32> to vector<4x64x64xf32>
      %concatenate3A_793 = tpu.concatenate %slice3A_791, %slice3A_792 in 2 : vector<4x64x64xf32>, vector<4x64x64xf32> -> vector<4x64x128xf32>
      %slice3A_794 = vector.extract_strided_slice %select_n3A_774 {offsets = [0, 0, 64], sizes = [4, 64, 64], strides = [1, 1, 1]} : vector<4x64x128xf32> to vector<4x64x64xf32>
      %slice3A_795 = vector.extract_strided_slice %select_n3A_774 {offsets = [0, 0, 0], sizes = [4, 64, 64], strides = [1, 1, 1]} : vector<4x64x128xf32> to vector<4x64x64xf32>
      %concatenate3A_796 = tpu.concatenate %slice3A_794, %slice3A_795 in 2 : vector<4x64x64xf32>, vector<4x64x64xf32> -> vector<4x64x128xf32>
      %select_n3A_797 = arith.select %eq3A_790, %concatenate3A_793, %concatenate3A_796 : vector<4x64x128xi1>, vector<4x64x128xf32>
      %slice3A_798 = vector.extract_strided_slice %select_n3A_775 {offsets = [0, 0, 64], sizes = [4, 64, 64], strides = [1, 1, 1]} : vector<4x64x128xi32> to vector<4x64x64xi32>
      %slice3A_799 = vector.extract_strided_slice %select_n3A_775 {offsets = [0, 0, 0], sizes = [4, 64, 64], strides = [1, 1, 1]} : vector<4x64x128xi32> to vector<4x64x64xi32>
      %concatenate3A_800 = tpu.concatenate %slice3A_798, %slice3A_799 in 2 : vector<4x64x64xi32>, vector<4x64x64xi32> -> vector<4x64x128xi32>
      %slice3A_801 = vector.extract_strided_slice %select_n3A_775 {offsets = [0, 0, 64], sizes = [4, 64, 64], strides = [1, 1, 1]} : vector<4x64x128xi32> to vector<4x64x64xi32>
      %slice3A_802 = vector.extract_strided_slice %select_n3A_775 {offsets = [0, 0, 0], sizes = [4, 64, 64], strides = [1, 1, 1]} : vector<4x64x128xi32> to vector<4x64x64xi32>
      %concatenate3A_803 = tpu.concatenate %slice3A_801, %slice3A_802 in 2 : vector<4x64x64xi32>, vector<4x64x64xi32> -> vector<4x64x128xi32>
      %select_n3A_804 = arith.select %eq3A_790, %concatenate3A_800, %concatenate3A_803 : vector<4x64x128xi1>, vector<4x64x128xi32>
      %gt3A_805 = arith.cmpf ogt, %select_n3A_797, %select_n3A_774 : vector<4x64x128xf32>
      %eq3A_806 = arith.cmpf oeq, %select_n3A_797, %select_n3A_774 : vector<4x64x128xf32>
      %lt3A_807 = arith.cmpi slt, %select_n3A_804, %select_n3A_775 : vector<4x64x128xi32>
      %and3A_808 = arith.andi %eq3A_806, %lt3A_807 : vector<4x64x128xi1>
      %or3A_809 = arith.ori %gt3A_805, %and3A_808 : vector<4x64x128xi1>
      %eq3A_810 = arith.xori %or3A_809, %eq3A_790 : vector<4x64x128xi1>
      %eq3A_811 = arith.constant dense<true> : vector<4x64x128xi1>
      %eq3A_812 = arith.xori %eq3A_810, %eq3A_811 : vector<4x64x128xi1>
      %ne3A_813 = arith.xori %eq3A_812, %eq3A_784 : vector<4x64x128xi1>
      %select_n3A_814 = arith.select %ne3A_813, %select_n3A_797, %select_n3A_774 : vector<4x64x128xi1>, vector<4x64x128xf32>
      %select_n3A_815 = arith.select %ne3A_813, %select_n3A_804, %select_n3A_775 : vector<4x64x128xi1>, vector<4x64x128xi32>
      %and3A_816 = arith.constant 32 : i32
      %and3A_817 = vector.broadcast %and3A_816 : i32 to vector<4x64x128xi32>
      %and3A_818 = arith.andi %add3A_78, %and3A_817 : vector<4x64x128xi32>
      %eq3A_819 = arith.constant 0 : i32
      %eq3A_820 = vector.broadcast %eq3A_819 : i32 to vector<4x64x128xi32>
      %eq3A_821 = arith.cmpi eq, %and3A_818, %eq3A_820 : vector<4x64x128xi32>
      %slice3A_822 = vector.extract_strided_slice %select_n3A_814 {offsets = [0, 0, 32], sizes = [4, 64, 96], strides = [1, 1, 1]} : vector<4x64x128xf32> to vector<4x64x96xf32>
      %slice3A_823 = vector.extract_strided_slice %select_n3A_814 {offsets = [0, 0, 0], sizes = [4, 64, 32], strides = [1, 1, 1]} : vector<4x64x128xf32> to vector<4x64x32xf32>
      %concatenate3A_824 = tpu.concatenate %slice3A_822, %slice3A_823 in 2 : vector<4x64x96xf32>, vector<4x64x32xf32> -> vector<4x64x128xf32>
      %slice3A_825 = vector.extract_strided_slice %select_n3A_814 {offsets = [0, 0, 96], sizes = [4, 64, 32], strides = [1, 1, 1]} : vector<4x64x128xf32> to vector<4x64x32xf32>
      %slice3A_826 = vector.extract_strided_slice %select_n3A_814 {offsets = [0, 0, 0], sizes = [4, 64, 96], strides = [1, 1, 1]} : vector<4x64x128xf32> to vector<4x64x96xf32>
      %concatenate3A_827 = tpu.concatenate %slice3A_825, %slice3A_826 in 2 : vector<4x64x32xf32>, vector<4x64x96xf32> -> vector<4x64x128xf32>
      %select_n3A_828 = arith.select %eq3A_821, %concatenate3A_824, %concatenate3A_827 : vector<4x64x128xi1>, vector<4x64x128xf32>
      %slice3A_829 = vector.extract_strided_slice %select_n3A_815 {offsets = [0, 0, 32], sizes = [4, 64, 96], strides = [1, 1, 1]} : vector<4x64x128xi32> to vector<4x64x96xi32>
      %slice3A_830 = vector.extract_strided_slice %select_n3A_815 {offsets = [0, 0, 0], sizes = [4, 64, 32], strides = [1, 1, 1]} : vector<4x64x128xi32> to vector<4x64x32xi32>
      %concatenate3A_831 = tpu.concatenate %slice3A_829, %slice3A_830 in 2 : vector<4x64x96xi32>, vector<4x64x32xi32> -> vector<4x64x128xi32>
      %slice3A_832 = vector.extract_strided_slice %select_n3A_815 {offsets = [0, 0, 96], sizes = [4, 64, 32], strides = [1, 1, 1]} : vector<4x64x128xi32> to vector<4x64x32xi32>
      %slice3A_833 = vector.extract_strided_slice %select_n3A_815 {offsets = [0, 0, 0], sizes = [4, 64, 96], strides = [1, 1, 1]} : vector<4x64x128xi32> to vector<4x64x96xi32>
      %concatenate3A_834 = tpu.concatenate %slice3A_832, %slice3A_833 in 2 : vector<4x64x32xi32>, vector<4x64x96xi32> -> vector<4x64x128xi32>
      %select_n3A_835 = arith.select %eq3A_821, %concatenate3A_831, %concatenate3A_834 : vector<4x64x128xi1>, vector<4x64x128xi32>
      %gt3A_836 = arith.cmpf ogt, %select_n3A_828, %select_n3A_814 : vector<4x64x128xf32>
      %eq3A_837 = arith.cmpf oeq, %select_n3A_828, %select_n3A_814 : vector<4x64x128xf32>
      %lt3A_838 = arith.cmpi slt, %select_n3A_835, %select_n3A_815 : vector<4x64x128xi32>
      %and3A_839 = arith.andi %eq3A_837, %lt3A_838 : vector<4x64x128xi1>
      %or3A_840 = arith.ori %gt3A_836, %and3A_839 : vector<4x64x128xi1>
      %eq3A_841 = arith.xori %or3A_840, %eq3A_821 : vector<4x64x128xi1>
      %eq3A_842 = arith.constant dense<true> : vector<4x64x128xi1>
      %eq3A_843 = arith.xori %eq3A_841, %eq3A_842 : vector<4x64x128xi1>
      %ne3A_844 = arith.xori %eq3A_843, %eq3A_784 : vector<4x64x128xi1>
      %select_n3A_845 = arith.select %ne3A_844, %select_n3A_828, %select_n3A_814 : vector<4x64x128xi1>, vector<4x64x128xf32>
      %select_n3A_846 = arith.select %ne3A_844, %select_n3A_835, %select_n3A_815 : vector<4x64x128xi1>, vector<4x64x128xi32>
      %and3A_847 = arith.constant 16 : i32
      %and3A_848 = vector.broadcast %and3A_847 : i32 to vector<4x64x128xi32>
      %and3A_849 = arith.andi %add3A_78, %and3A_848 : vector<4x64x128xi32>
      %eq3A_850 = arith.constant 0 : i32
      %eq3A_851 = vector.broadcast %eq3A_850 : i32 to vector<4x64x128xi32>
      %eq3A_852 = arith.cmpi eq, %and3A_849, %eq3A_851 : vector<4x64x128xi32>
      %slice3A_853 = vector.extract_strided_slice %select_n3A_845 {offsets = [0, 0, 16], sizes = [4, 64, 112], strides = [1, 1, 1]} : vector<4x64x128xf32> to vector<4x64x112xf32>
      %slice3A_854 = vector.extract_strided_slice %select_n3A_845 {offsets = [0, 0, 0], sizes = [4, 64, 16], strides = [1, 1, 1]} : vector<4x64x128xf32> to vector<4x64x16xf32>
      %concatenate3A_855 = tpu.concatenate %slice3A_853, %slice3A_854 in 2 : vector<4x64x112xf32>, vector<4x64x16xf32> -> vector<4x64x128xf32>
      %slice3A_856 = vector.extract_strided_slice %select_n3A_845 {offsets = [0, 0, 112], sizes = [4, 64, 16], strides = [1, 1, 1]} : vector<4x64x128xf32> to vector<4x64x16xf32>
      %slice3A_857 = vector.extract_strided_slice %select_n3A_845 {offsets = [0, 0, 0], sizes = [4, 64, 112], strides = [1, 1, 1]} : vector<4x64x128xf32> to vector<4x64x112xf32>
      %concatenate3A_858 = tpu.concatenate %slice3A_856, %slice3A_857 in 2 : vector<4x64x16xf32>, vector<4x64x112xf32> -> vector<4x64x128xf32>
      %select_n3A_859 = arith.select %eq3A_852, %concatenate3A_855, %concatenate3A_858 : vector<4x64x128xi1>, vector<4x64x128xf32>
      %slice3A_860 = vector.extract_strided_slice %select_n3A_846 {offsets = [0, 0, 16], sizes = [4, 64, 112], strides = [1, 1, 1]} : vector<4x64x128xi32> to vector<4x64x112xi32>
      %slice3A_861 = vector.extract_strided_slice %select_n3A_846 {offsets = [0, 0, 0], sizes = [4, 64, 16], strides = [1, 1, 1]} : vector<4x64x128xi32> to vector<4x64x16xi32>
      %concatenate3A_862 = tpu.concatenate %slice3A_860, %slice3A_861 in 2 : vector<4x64x112xi32>, vector<4x64x16xi32> -> vector<4x64x128xi32>
      %slice3A_863 = vector.extract_strided_slice %select_n3A_846 {offsets = [0, 0, 112], sizes = [4, 64, 16], strides = [1, 1, 1]} : vector<4x64x128xi32> to vector<4x64x16xi32>
      %slice3A_864 = vector.extract_strided_slice %select_n3A_846 {offsets = [0, 0, 0], sizes = [4, 64, 112], strides = [1, 1, 1]} : vector<4x64x128xi32> to vector<4x64x112xi32>
      %concatenate3A_865 = tpu.concatenate %slice3A_863, %slice3A_864 in 2 : vector<4x64x16xi32>, vector<4x64x112xi32> -> vector<4x64x128xi32>
      %select_n3A_866 = arith.select %eq3A_852, %concatenate3A_862, %concatenate3A_865 : vector<4x64x128xi1>, vector<4x64x128xi32>
      %gt3A_867 = arith.cmpf ogt, %select_n3A_859, %select_n3A_845 : vector<4x64x128xf32>
      %eq3A_868 = arith.cmpf oeq, %select_n3A_859, %select_n3A_845 : vector<4x64x128xf32>
      %lt3A_869 = arith.cmpi slt, %select_n3A_866, %select_n3A_846 : vector<4x64x128xi32>
      %and3A_870 = arith.andi %eq3A_868, %lt3A_869 : vector<4x64x128xi1>
      %or3A_871 = arith.ori %gt3A_867, %and3A_870 : vector<4x64x128xi1>
      %eq3A_872 = arith.xori %or3A_871, %eq3A_852 : vector<4x64x128xi1>
      %eq3A_873 = arith.constant dense<true> : vector<4x64x128xi1>
      %eq3A_874 = arith.xori %eq3A_872, %eq3A_873 : vector<4x64x128xi1>
      %ne3A_875 = arith.xori %eq3A_874, %eq3A_784 : vector<4x64x128xi1>
      %select_n3A_876 = arith.select %ne3A_875, %select_n3A_859, %select_n3A_845 : vector<4x64x128xi1>, vector<4x64x128xf32>
      %select_n3A_877 = arith.select %ne3A_875, %select_n3A_866, %select_n3A_846 : vector<4x64x128xi1>, vector<4x64x128xi32>
      %and3A_878 = arith.constant 8 : i32
      %and3A_879 = vector.broadcast %and3A_878 : i32 to vector<4x64x128xi32>
      %and3A_880 = arith.andi %add3A_78, %and3A_879 : vector<4x64x128xi32>
      %eq3A_881 = arith.constant 0 : i32
      %eq3A_882 = vector.broadcast %eq3A_881 : i32 to vector<4x64x128xi32>
      %eq3A_883 = arith.cmpi eq, %and3A_880, %eq3A_882 : vector<4x64x128xi32>
      %slice3A_884 = vector.extract_strided_slice %select_n3A_876 {offsets = [0, 0, 8], sizes = [4, 64, 120], strides = [1, 1, 1]} : vector<4x64x128xf32> to vector<4x64x120xf32>
      %slice3A_885 = vector.extract_strided_slice %select_n3A_876 {offsets = [0, 0, 0], sizes = [4, 64, 8], strides = [1, 1, 1]} : vector<4x64x128xf32> to vector<4x64x8xf32>
      %concatenate3A_886 = tpu.concatenate %slice3A_884, %slice3A_885 in 2 : vector<4x64x120xf32>, vector<4x64x8xf32> -> vector<4x64x128xf32>
      %slice3A_887 = vector.extract_strided_slice %select_n3A_876 {offsets = [0, 0, 120], sizes = [4, 64, 8], strides = [1, 1, 1]} : vector<4x64x128xf32> to vector<4x64x8xf32>
      %slice3A_888 = vector.extract_strided_slice %select_n3A_876 {offsets = [0, 0, 0], sizes = [4, 64, 120], strides = [1, 1, 1]} : vector<4x64x128xf32> to vector<4x64x120xf32>
      %concatenate3A_889 = tpu.concatenate %slice3A_887, %slice3A_888 in 2 : vector<4x64x8xf32>, vector<4x64x120xf32> -> vector<4x64x128xf32>
      %select_n3A_890 = arith.select %eq3A_883, %concatenate3A_886, %concatenate3A_889 : vector<4x64x128xi1>, vector<4x64x128xf32>
      %slice3A_891 = vector.extract_strided_slice %select_n3A_877 {offsets = [0, 0, 8], sizes = [4, 64, 120], strides = [1, 1, 1]} : vector<4x64x128xi32> to vector<4x64x120xi32>
      %slice3A_892 = vector.extract_strided_slice %select_n3A_877 {offsets = [0, 0, 0], sizes = [4, 64, 8], strides = [1, 1, 1]} : vector<4x64x128xi32> to vector<4x64x8xi32>
      %concatenate3A_893 = tpu.concatenate %slice3A_891, %slice3A_892 in 2 : vector<4x64x120xi32>, vector<4x64x8xi32> -> vector<4x64x128xi32>
      %slice3A_894 = vector.extract_strided_slice %select_n3A_877 {offsets = [0, 0, 120], sizes = [4, 64, 8], strides = [1, 1, 1]} : vector<4x64x128xi32> to vector<4x64x8xi32>
      %slice3A_895 = vector.extract_strided_slice %select_n3A_877 {offsets = [0, 0, 0], sizes = [4, 64, 120], strides = [1, 1, 1]} : vector<4x64x128xi32> to vector<4x64x120xi32>
      %concatenate3A_896 = tpu.concatenate %slice3A_894, %slice3A_895 in 2 : vector<4x64x8xi32>, vector<4x64x120xi32> -> vector<4x64x128xi32>
      %select_n3A_897 = arith.select %eq3A_883, %concatenate3A_893, %concatenate3A_896 : vector<4x64x128xi1>, vector<4x64x128xi32>
      %gt3A_898 = arith.cmpf ogt, %select_n3A_890, %select_n3A_876 : vector<4x64x128xf32>
      %eq3A_899 = arith.cmpf oeq, %select_n3A_890, %select_n3A_876 : vector<4x64x128xf32>
      %lt3A_900 = arith.cmpi slt, %select_n3A_897, %select_n3A_877 : vector<4x64x128xi32>
      %and3A_901 = arith.andi %eq3A_899, %lt3A_900 : vector<4x64x128xi1>
      %or3A_902 = arith.ori %gt3A_898, %and3A_901 : vector<4x64x128xi1>
      %eq3A_903 = arith.xori %or3A_902, %eq3A_883 : vector<4x64x128xi1>
      %eq3A_904 = arith.constant dense<true> : vector<4x64x128xi1>
      %eq3A_905 = arith.xori %eq3A_903, %eq3A_904 : vector<4x64x128xi1>
      %ne3A_906 = arith.xori %eq3A_905, %eq3A_784 : vector<4x64x128xi1>
      %select_n3A_907 = arith.select %ne3A_906, %select_n3A_890, %select_n3A_876 : vector<4x64x128xi1>, vector<4x64x128xf32>
      %select_n3A_908 = arith.select %ne3A_906, %select_n3A_897, %select_n3A_877 : vector<4x64x128xi1>, vector<4x64x128xi32>
      %and3A_909 = arith.constant 4 : i32
      %and3A_910 = vector.broadcast %and3A_909 : i32 to vector<4x64x128xi32>
      %and3A_911 = arith.andi %add3A_78, %and3A_910 : vector<4x64x128xi32>
      %eq3A_912 = arith.constant 0 : i32
      %eq3A_913 = vector.broadcast %eq3A_912 : i32 to vector<4x64x128xi32>
      %eq3A_914 = arith.cmpi eq, %and3A_911, %eq3A_913 : vector<4x64x128xi32>
      %slice3A_915 = vector.extract_strided_slice %select_n3A_907 {offsets = [0, 0, 4], sizes = [4, 64, 124], strides = [1, 1, 1]} : vector<4x64x128xf32> to vector<4x64x124xf32>
      %slice3A_916 = vector.extract_strided_slice %select_n3A_907 {offsets = [0, 0, 0], sizes = [4, 64, 4], strides = [1, 1, 1]} : vector<4x64x128xf32> to vector<4x64x4xf32>
      %concatenate3A_917 = tpu.concatenate %slice3A_915, %slice3A_916 in 2 : vector<4x64x124xf32>, vector<4x64x4xf32> -> vector<4x64x128xf32>
      %slice3A_918 = vector.extract_strided_slice %select_n3A_907 {offsets = [0, 0, 124], sizes = [4, 64, 4], strides = [1, 1, 1]} : vector<4x64x128xf32> to vector<4x64x4xf32>
      %slice3A_919 = vector.extract_strided_slice %select_n3A_907 {offsets = [0, 0, 0], sizes = [4, 64, 124], strides = [1, 1, 1]} : vector<4x64x128xf32> to vector<4x64x124xf32>
      %concatenate3A_920 = tpu.concatenate %slice3A_918, %slice3A_919 in 2 : vector<4x64x4xf32>, vector<4x64x124xf32> -> vector<4x64x128xf32>
      %select_n3A_921 = arith.select %eq3A_914, %concatenate3A_917, %concatenate3A_920 : vector<4x64x128xi1>, vector<4x64x128xf32>
      %slice3A_922 = vector.extract_strided_slice %select_n3A_908 {offsets = [0, 0, 4], sizes = [4, 64, 124], strides = [1, 1, 1]} : vector<4x64x128xi32> to vector<4x64x124xi32>
      %slice3A_923 = vector.extract_strided_slice %select_n3A_908 {offsets = [0, 0, 0], sizes = [4, 64, 4], strides = [1, 1, 1]} : vector<4x64x128xi32> to vector<4x64x4xi32>
      %concatenate3A_924 = tpu.concatenate %slice3A_922, %slice3A_923 in 2 : vector<4x64x124xi32>, vector<4x64x4xi32> -> vector<4x64x128xi32>
      %slice3A_925 = vector.extract_strided_slice %select_n3A_908 {offsets = [0, 0, 124], sizes = [4, 64, 4], strides = [1, 1, 1]} : vector<4x64x128xi32> to vector<4x64x4xi32>
      %slice3A_926 = vector.extract_strided_slice %select_n3A_908 {offsets = [0, 0, 0], sizes = [4, 64, 124], strides = [1, 1, 1]} : vector<4x64x128xi32> to vector<4x64x124xi32>
      %concatenate3A_927 = tpu.concatenate %slice3A_925, %slice3A_926 in 2 : vector<4x64x4xi32>, vector<4x64x124xi32> -> vector<4x64x128xi32>
      %select_n3A_928 = arith.select %eq3A_914, %concatenate3A_924, %concatenate3A_927 : vector<4x64x128xi1>, vector<4x64x128xi32>
      %gt3A_929 = arith.cmpf ogt, %select_n3A_921, %select_n3A_907 : vector<4x64x128xf32>
      %eq3A_930 = arith.cmpf oeq, %select_n3A_921, %select_n3A_907 : vector<4x64x128xf32>
      %lt3A_931 = arith.cmpi slt, %select_n3A_928, %select_n3A_908 : vector<4x64x128xi32>
      %and3A_932 = arith.andi %eq3A_930, %lt3A_931 : vector<4x64x128xi1>
      %or3A_933 = arith.ori %gt3A_929, %and3A_932 : vector<4x64x128xi1>
      %eq3A_934 = arith.xori %or3A_933, %eq3A_914 : vector<4x64x128xi1>
      %eq3A_935 = arith.constant dense<true> : vector<4x64x128xi1>
      %eq3A_936 = arith.xori %eq3A_934, %eq3A_935 : vector<4x64x128xi1>
      %ne3A_937 = arith.xori %eq3A_936, %eq3A_784 : vector<4x64x128xi1>
      %select_n3A_938 = arith.select %ne3A_937, %select_n3A_921, %select_n3A_907 : vector<4x64x128xi1>, vector<4x64x128xf32>
      %select_n3A_939 = arith.select %ne3A_937, %select_n3A_928, %select_n3A_908 : vector<4x64x128xi1>, vector<4x64x128xi32>
      %and3A_940 = arith.constant 2 : i32
      %and3A_941 = vector.broadcast %and3A_940 : i32 to vector<4x64x128xi32>
      %and3A_942 = arith.andi %add3A_78, %and3A_941 : vector<4x64x128xi32>
      %eq3A_943 = arith.constant 0 : i32
      %eq3A_944 = vector.broadcast %eq3A_943 : i32 to vector<4x64x128xi32>
      %eq3A_945 = arith.cmpi eq, %and3A_942, %eq3A_944 : vector<4x64x128xi32>
      %slice3A_946 = vector.extract_strided_slice %select_n3A_938 {offsets = [0, 0, 2], sizes = [4, 64, 126], strides = [1, 1, 1]} : vector<4x64x128xf32> to vector<4x64x126xf32>
      %slice3A_947 = vector.extract_strided_slice %select_n3A_938 {offsets = [0, 0, 0], sizes = [4, 64, 2], strides = [1, 1, 1]} : vector<4x64x128xf32> to vector<4x64x2xf32>
      %concatenate3A_948 = tpu.concatenate %slice3A_946, %slice3A_947 in 2 : vector<4x64x126xf32>, vector<4x64x2xf32> -> vector<4x64x128xf32>
      %slice3A_949 = vector.extract_strided_slice %select_n3A_938 {offsets = [0, 0, 126], sizes = [4, 64, 2], strides = [1, 1, 1]} : vector<4x64x128xf32> to vector<4x64x2xf32>
      %slice3A_950 = vector.extract_strided_slice %select_n3A_938 {offsets = [0, 0, 0], sizes = [4, 64, 126], strides = [1, 1, 1]} : vector<4x64x128xf32> to vector<4x64x126xf32>
      %concatenate3A_951 = tpu.concatenate %slice3A_949, %slice3A_950 in 2 : vector<4x64x2xf32>, vector<4x64x126xf32> -> vector<4x64x128xf32>
      %select_n3A_952 = arith.select %eq3A_945, %concatenate3A_948, %concatenate3A_951 : vector<4x64x128xi1>, vector<4x64x128xf32>
      %slice3A_953 = vector.extract_strided_slice %select_n3A_939 {offsets = [0, 0, 2], sizes = [4, 64, 126], strides = [1, 1, 1]} : vector<4x64x128xi32> to vector<4x64x126xi32>
      %slice3A_954 = vector.extract_strided_slice %select_n3A_939 {offsets = [0, 0, 0], sizes = [4, 64, 2], strides = [1, 1, 1]} : vector<4x64x128xi32> to vector<4x64x2xi32>
      %concatenate3A_955 = tpu.concatenate %slice3A_953, %slice3A_954 in 2 : vector<4x64x126xi32>, vector<4x64x2xi32> -> vector<4x64x128xi32>
      %slice3A_956 = vector.extract_strided_slice %select_n3A_939 {offsets = [0, 0, 126], sizes = [4, 64, 2], strides = [1, 1, 1]} : vector<4x64x128xi32> to vector<4x64x2xi32>
      %slice3A_957 = vector.extract_strided_slice %select_n3A_939 {offsets = [0, 0, 0], sizes = [4, 64, 126], strides = [1, 1, 1]} : vector<4x64x128xi32> to vector<4x64x126xi32>
      %concatenate3A_958 = tpu.concatenate %slice3A_956, %slice3A_957 in 2 : vector<4x64x2xi32>, vector<4x64x126xi32> -> vector<4x64x128xi32>
      %select_n3A_959 = arith.select %eq3A_945, %concatenate3A_955, %concatenate3A_958 : vector<4x64x128xi1>, vector<4x64x128xi32>
      %gt3A_960 = arith.cmpf ogt, %select_n3A_952, %select_n3A_938 : vector<4x64x128xf32>
      %eq3A_961 = arith.cmpf oeq, %select_n3A_952, %select_n3A_938 : vector<4x64x128xf32>
      %lt3A_962 = arith.cmpi slt, %select_n3A_959, %select_n3A_939 : vector<4x64x128xi32>
      %and3A_963 = arith.andi %eq3A_961, %lt3A_962 : vector<4x64x128xi1>
      %or3A_964 = arith.ori %gt3A_960, %and3A_963 : vector<4x64x128xi1>
      %eq3A_965 = arith.xori %or3A_964, %eq3A_945 : vector<4x64x128xi1>
      %eq3A_966 = arith.constant dense<true> : vector<4x64x128xi1>
      %eq3A_967 = arith.xori %eq3A_965, %eq3A_966 : vector<4x64x128xi1>
      %ne3A_968 = arith.xori %eq3A_967, %eq3A_784 : vector<4x64x128xi1>
      %select_n3A_969 = arith.select %ne3A_968, %select_n3A_952, %select_n3A_938 : vector<4x64x128xi1>, vector<4x64x128xf32>
      %select_n3A_970 = arith.select %ne3A_968, %select_n3A_959, %select_n3A_939 : vector<4x64x128xi1>, vector<4x64x128xi32>
      %and3A_971 = arith.constant 1 : i32
      %and3A_972 = vector.broadcast %and3A_971 : i32 to vector<4x64x128xi32>
      %and3A_973 = arith.andi %add3A_78, %and3A_972 : vector<4x64x128xi32>
      %eq3A_974 = arith.constant 0 : i32
      %eq3A_975 = vector.broadcast %eq3A_974 : i32 to vector<4x64x128xi32>
      %eq3A_976 = arith.cmpi eq, %and3A_973, %eq3A_975 : vector<4x64x128xi32>
      %slice3A_977 = vector.extract_strided_slice %select_n3A_969 {offsets = [0, 0, 1], sizes = [4, 64, 127], strides = [1, 1, 1]} : vector<4x64x128xf32> to vector<4x64x127xf32>
      %slice3A_978 = vector.extract_strided_slice %select_n3A_969 {offsets = [0, 0, 0], sizes = [4, 64, 1], strides = [1, 1, 1]} : vector<4x64x128xf32> to vector<4x64x1xf32>
      %concatenate3A_979 = tpu.concatenate %slice3A_977, %slice3A_978 in 2 : vector<4x64x127xf32>, vector<4x64x1xf32> -> vector<4x64x128xf32>
      %slice3A_980 = vector.extract_strided_slice %select_n3A_969 {offsets = [0, 0, 127], sizes = [4, 64, 1], strides = [1, 1, 1]} : vector<4x64x128xf32> to vector<4x64x1xf32>
      %slice3A_981 = vector.extract_strided_slice %select_n3A_969 {offsets = [0, 0, 0], sizes = [4, 64, 127], strides = [1, 1, 1]} : vector<4x64x128xf32> to vector<4x64x127xf32>
      %concatenate3A_982 = tpu.concatenate %slice3A_980, %slice3A_981 in 2 : vector<4x64x1xf32>, vector<4x64x127xf32> -> vector<4x64x128xf32>
      %select_n3A_983 = arith.select %eq3A_976, %concatenate3A_979, %concatenate3A_982 : vector<4x64x128xi1>, vector<4x64x128xf32>
      %slice3A_984 = vector.extract_strided_slice %select_n3A_970 {offsets = [0, 0, 1], sizes = [4, 64, 127], strides = [1, 1, 1]} : vector<4x64x128xi32> to vector<4x64x127xi32>
      %slice3A_985 = vector.extract_strided_slice %select_n3A_970 {offsets = [0, 0, 0], sizes = [4, 64, 1], strides = [1, 1, 1]} : vector<4x64x128xi32> to vector<4x64x1xi32>
      %concatenate3A_986 = tpu.concatenate %slice3A_984, %slice3A_985 in 2 : vector<4x64x127xi32>, vector<4x64x1xi32> -> vector<4x64x128xi32>
      %slice3A_987 = vector.extract_strided_slice %select_n3A_970 {offsets = [0, 0, 127], sizes = [4, 64, 1], strides = [1, 1, 1]} : vector<4x64x128xi32> to vector<4x64x1xi32>
      %slice3A_988 = vector.extract_strided_slice %select_n3A_970 {offsets = [0, 0, 0], sizes = [4, 64, 127], strides = [1, 1, 1]} : vector<4x64x128xi32> to vector<4x64x127xi32>
      %concatenate3A_989 = tpu.concatenate %slice3A_987, %slice3A_988 in 2 : vector<4x64x1xi32>, vector<4x64x127xi32> -> vector<4x64x128xi32>
      %select_n3A_990 = arith.select %eq3A_976, %concatenate3A_986, %concatenate3A_989 : vector<4x64x128xi1>, vector<4x64x128xi32>
      %gt3A_991 = arith.cmpf ogt, %select_n3A_983, %select_n3A_969 : vector<4x64x128xf32>
      %eq3A_992 = arith.cmpf oeq, %select_n3A_983, %select_n3A_969 : vector<4x64x128xf32>
      %lt3A_993 = arith.cmpi slt, %select_n3A_990, %select_n3A_970 : vector<4x64x128xi32>
      %and3A_994 = arith.andi %eq3A_992, %lt3A_993 : vector<4x64x128xi1>
      %or3A_995 = arith.ori %gt3A_991, %and3A_994 : vector<4x64x128xi1>
      %eq3A_996 = arith.xori %or3A_995, %eq3A_976 : vector<4x64x128xi1>
      %eq3A_997 = arith.constant dense<true> : vector<4x64x128xi1>
      %eq3A_998 = arith.xori %eq3A_996, %eq3A_997 : vector<4x64x128xi1>
      %ne3A_999 = arith.xori %eq3A_998, %eq3A_784 : vector<4x64x128xi1>
      %select_n3A_1000 = arith.select %ne3A_999, %select_n3A_983, %select_n3A_969 : vector<4x64x128xi1>, vector<4x64x128xf32>
      %select_n3A_1001 = arith.select %ne3A_999, %select_n3A_990, %select_n3A_970 : vector<4x64x128xi1>, vector<4x64x128xi32>
      %shift_right_arithmetic3A_1002 = arith.constant 8 : i32
      %shift_right_arithmetic3A_1003 = vector.broadcast %shift_right_arithmetic3A_1002 : i32 to vector<4x64x128xi32>
      %shift_right_arithmetic3A_1004 = arith.shrsi %add3A_78, %shift_right_arithmetic3A_1003 : vector<4x64x128xi32>
      %and3A_1005 = arith.constant 1 : i32
      %and3A_1006 = vector.broadcast %and3A_1005 : i32 to vector<4x64x128xi32>
      %and3A_1007 = arith.andi %shift_right_arithmetic3A_1004, %and3A_1006 : vector<4x64x128xi32>
      %eq3A_1008 = arith.constant 1 : i32
      %eq3A_1009 = vector.broadcast %eq3A_1008 : i32 to vector<4x64x128xi32>
      %eq3A_1010 = arith.cmpi eq, %and3A_1007, %eq3A_1009 : vector<4x64x128xi32>
      %and3A_1011 = arith.constant 128 : i32
      %and3A_1012 = vector.broadcast %and3A_1011 : i32 to vector<4x64x128xi32>
      %and3A_1013 = arith.andi %add3A_78, %and3A_1012 : vector<4x64x128xi32>
      %eq3A_1014 = arith.constant 0 : i32
      %eq3A_1015 = vector.broadcast %eq3A_1014 : i32 to vector<4x64x128xi32>
      %eq3A_1016 = arith.cmpi eq, %and3A_1013, %eq3A_1015 : vector<4x64x128xi32>
      %slice3A_1017 = vector.extract_strided_slice %select_n3A_1000 {offsets = [0, 1, 0], sizes = [4, 63, 128], strides = [1, 1, 1]} : vector<4x64x128xf32> to vector<4x63x128xf32>
      %slice3A_1018 = vector.extract_strided_slice %select_n3A_1000 {offsets = [0, 0, 0], sizes = [4, 1, 128], strides = [1, 1, 1]} : vector<4x64x128xf32> to vector<4x1x128xf32>
      %concatenate3A_1019 = tpu.concatenate %slice3A_1017, %slice3A_1018 in 1 : vector<4x63x128xf32>, vector<4x1x128xf32> -> vector<4x64x128xf32>
      %slice3A_1020 = vector.extract_strided_slice %select_n3A_1000 {offsets = [0, 63, 0], sizes = [4, 1, 128], strides = [1, 1, 1]} : vector<4x64x128xf32> to vector<4x1x128xf32>
      %slice3A_1021 = vector.extract_strided_slice %select_n3A_1000 {offsets = [0, 0, 0], sizes = [4, 63, 128], strides = [1, 1, 1]} : vector<4x64x128xf32> to vector<4x63x128xf32>
      %concatenate3A_1022 = tpu.concatenate %slice3A_1020, %slice3A_1021 in 1 : vector<4x1x128xf32>, vector<4x63x128xf32> -> vector<4x64x128xf32>
      %select_n3A_1023 = arith.select %eq3A_1016, %concatenate3A_1019, %concatenate3A_1022 : vector<4x64x128xi1>, vector<4x64x128xf32>
      %slice3A_1024 = vector.extract_strided_slice %select_n3A_1001 {offsets = [0, 1, 0], sizes = [4, 63, 128], strides = [1, 1, 1]} : vector<4x64x128xi32> to vector<4x63x128xi32>
      %slice3A_1025 = vector.extract_strided_slice %select_n3A_1001 {offsets = [0, 0, 0], sizes = [4, 1, 128], strides = [1, 1, 1]} : vector<4x64x128xi32> to vector<4x1x128xi32>
      %concatenate3A_1026 = tpu.concatenate %slice3A_1024, %slice3A_1025 in 1 : vector<4x63x128xi32>, vector<4x1x128xi32> -> vector<4x64x128xi32>
      %slice3A_1027 = vector.extract_strided_slice %select_n3A_1001 {offsets = [0, 63, 0], sizes = [4, 1, 128], strides = [1, 1, 1]} : vector<4x64x128xi32> to vector<4x1x128xi32>
      %slice3A_1028 = vector.extract_strided_slice %select_n3A_1001 {offsets = [0, 0, 0], sizes = [4, 63, 128], strides = [1, 1, 1]} : vector<4x64x128xi32> to vector<4x63x128xi32>
      %concatenate3A_1029 = tpu.concatenate %slice3A_1027, %slice3A_1028 in 1 : vector<4x1x128xi32>, vector<4x63x128xi32> -> vector<4x64x128xi32>
      %select_n3A_1030 = arith.select %eq3A_1016, %concatenate3A_1026, %concatenate3A_1029 : vector<4x64x128xi1>, vector<4x64x128xi32>
      %gt3A_1031 = arith.cmpf ogt, %select_n3A_1023, %select_n3A_1000 : vector<4x64x128xf32>
      %eq3A_1032 = arith.cmpf oeq, %select_n3A_1023, %select_n3A_1000 : vector<4x64x128xf32>
      %lt3A_1033 = arith.cmpi slt, %select_n3A_1030, %select_n3A_1001 : vector<4x64x128xi32>
      %and3A_1034 = arith.andi %eq3A_1032, %lt3A_1033 : vector<4x64x128xi1>
      %or3A_1035 = arith.ori %gt3A_1031, %and3A_1034 : vector<4x64x128xi1>
      %eq3A_1036 = arith.xori %or3A_1035, %eq3A_1016 : vector<4x64x128xi1>
      %eq3A_1037 = arith.constant dense<true> : vector<4x64x128xi1>
      %eq3A_1038 = arith.xori %eq3A_1036, %eq3A_1037 : vector<4x64x128xi1>
      %ne3A_1039 = arith.xori %eq3A_1038, %eq3A_1010 : vector<4x64x128xi1>
      %select_n3A_1040 = arith.select %ne3A_1039, %select_n3A_1023, %select_n3A_1000 : vector<4x64x128xi1>, vector<4x64x128xf32>
      %select_n3A_1041 = arith.select %ne3A_1039, %select_n3A_1030, %select_n3A_1001 : vector<4x64x128xi1>, vector<4x64x128xi32>
      %and3A_1042 = arith.constant 64 : i32
      %and3A_1043 = vector.broadcast %and3A_1042 : i32 to vector<4x64x128xi32>
      %and3A_1044 = arith.andi %add3A_78, %and3A_1043 : vector<4x64x128xi32>
      %eq3A_1045 = arith.constant 0 : i32
      %eq3A_1046 = vector.broadcast %eq3A_1045 : i32 to vector<4x64x128xi32>
      %eq3A_1047 = arith.cmpi eq, %and3A_1044, %eq3A_1046 : vector<4x64x128xi32>
      %slice3A_1048 = vector.extract_strided_slice %select_n3A_1040 {offsets = [0, 0, 64], sizes = [4, 64, 64], strides = [1, 1, 1]} : vector<4x64x128xf32> to vector<4x64x64xf32>
      %slice3A_1049 = vector.extract_strided_slice %select_n3A_1040 {offsets = [0, 0, 0], sizes = [4, 64, 64], strides = [1, 1, 1]} : vector<4x64x128xf32> to vector<4x64x64xf32>
      %concatenate3A_1050 = tpu.concatenate %slice3A_1048, %slice3A_1049 in 2 : vector<4x64x64xf32>, vector<4x64x64xf32> -> vector<4x64x128xf32>
      %slice3A_1051 = vector.extract_strided_slice %select_n3A_1040 {offsets = [0, 0, 64], sizes = [4, 64, 64], strides = [1, 1, 1]} : vector<4x64x128xf32> to vector<4x64x64xf32>
      %slice3A_1052 = vector.extract_strided_slice %select_n3A_1040 {offsets = [0, 0, 0], sizes = [4, 64, 64], strides = [1, 1, 1]} : vector<4x64x128xf32> to vector<4x64x64xf32>
      %concatenate3A_1053 = tpu.concatenate %slice3A_1051, %slice3A_1052 in 2 : vector<4x64x64xf32>, vector<4x64x64xf32> -> vector<4x64x128xf32>
      %select_n3A_1054 = arith.select %eq3A_1047, %concatenate3A_1050, %concatenate3A_1053 : vector<4x64x128xi1>, vector<4x64x128xf32>
      %slice3A_1055 = vector.extract_strided_slice %select_n3A_1041 {offsets = [0, 0, 64], sizes = [4, 64, 64], strides = [1, 1, 1]} : vector<4x64x128xi32> to vector<4x64x64xi32>
      %slice3A_1056 = vector.extract_strided_slice %select_n3A_1041 {offsets = [0, 0, 0], sizes = [4, 64, 64], strides = [1, 1, 1]} : vector<4x64x128xi32> to vector<4x64x64xi32>
      %concatenate3A_1057 = tpu.concatenate %slice3A_1055, %slice3A_1056 in 2 : vector<4x64x64xi32>, vector<4x64x64xi32> -> vector<4x64x128xi32>
      %slice3A_1058 = vector.extract_strided_slice %select_n3A_1041 {offsets = [0, 0, 64], sizes = [4, 64, 64], strides = [1, 1, 1]} : vector<4x64x128xi32> to vector<4x64x64xi32>
      %slice3A_1059 = vector.extract_strided_slice %select_n3A_1041 {offsets = [0, 0, 0], sizes = [4, 64, 64], strides = [1, 1, 1]} : vector<4x64x128xi32> to vector<4x64x64xi32>
      %concatenate3A_1060 = tpu.concatenate %slice3A_1058, %slice3A_1059 in 2 : vector<4x64x64xi32>, vector<4x64x64xi32> -> vector<4x64x128xi32>
      %select_n3A_1061 = arith.select %eq3A_1047, %concatenate3A_1057, %concatenate3A_1060 : vector<4x64x128xi1>, vector<4x64x128xi32>
      %gt3A_1062 = arith.cmpf ogt, %select_n3A_1054, %select_n3A_1040 : vector<4x64x128xf32>
      %eq3A_1063 = arith.cmpf oeq, %select_n3A_1054, %select_n3A_1040 : vector<4x64x128xf32>
      %lt3A_1064 = arith.cmpi slt, %select_n3A_1061, %select_n3A_1041 : vector<4x64x128xi32>
      %and3A_1065 = arith.andi %eq3A_1063, %lt3A_1064 : vector<4x64x128xi1>
      %or3A_1066 = arith.ori %gt3A_1062, %and3A_1065 : vector<4x64x128xi1>
      %eq3A_1067 = arith.xori %or3A_1066, %eq3A_1047 : vector<4x64x128xi1>
      %eq3A_1068 = arith.constant dense<true> : vector<4x64x128xi1>
      %eq3A_1069 = arith.xori %eq3A_1067, %eq3A_1068 : vector<4x64x128xi1>
      %ne3A_1070 = arith.xori %eq3A_1069, %eq3A_1010 : vector<4x64x128xi1>
      %select_n3A_1071 = arith.select %ne3A_1070, %select_n3A_1054, %select_n3A_1040 : vector<4x64x128xi1>, vector<4x64x128xf32>
      %select_n3A_1072 = arith.select %ne3A_1070, %select_n3A_1061, %select_n3A_1041 : vector<4x64x128xi1>, vector<4x64x128xi32>
      %and3A_1073 = arith.constant 32 : i32
      %and3A_1074 = vector.broadcast %and3A_1073 : i32 to vector<4x64x128xi32>
      %and3A_1075 = arith.andi %add3A_78, %and3A_1074 : vector<4x64x128xi32>
      %eq3A_1076 = arith.constant 0 : i32
      %eq3A_1077 = vector.broadcast %eq3A_1076 : i32 to vector<4x64x128xi32>
      %eq3A_1078 = arith.cmpi eq, %and3A_1075, %eq3A_1077 : vector<4x64x128xi32>
      %slice3A_1079 = vector.extract_strided_slice %select_n3A_1071 {offsets = [0, 0, 32], sizes = [4, 64, 96], strides = [1, 1, 1]} : vector<4x64x128xf32> to vector<4x64x96xf32>
      %slice3A_1080 = vector.extract_strided_slice %select_n3A_1071 {offsets = [0, 0, 0], sizes = [4, 64, 32], strides = [1, 1, 1]} : vector<4x64x128xf32> to vector<4x64x32xf32>
      %concatenate3A_1081 = tpu.concatenate %slice3A_1079, %slice3A_1080 in 2 : vector<4x64x96xf32>, vector<4x64x32xf32> -> vector<4x64x128xf32>
      %slice3A_1082 = vector.extract_strided_slice %select_n3A_1071 {offsets = [0, 0, 96], sizes = [4, 64, 32], strides = [1, 1, 1]} : vector<4x64x128xf32> to vector<4x64x32xf32>
      %slice3A_1083 = vector.extract_strided_slice %select_n3A_1071 {offsets = [0, 0, 0], sizes = [4, 64, 96], strides = [1, 1, 1]} : vector<4x64x128xf32> to vector<4x64x96xf32>
      %concatenate3A_1084 = tpu.concatenate %slice3A_1082, %slice3A_1083 in 2 : vector<4x64x32xf32>, vector<4x64x96xf32> -> vector<4x64x128xf32>
      %select_n3A_1085 = arith.select %eq3A_1078, %concatenate3A_1081, %concatenate3A_1084 : vector<4x64x128xi1>, vector<4x64x128xf32>
      %slice3A_1086 = vector.extract_strided_slice %select_n3A_1072 {offsets = [0, 0, 32], sizes = [4, 64, 96], strides = [1, 1, 1]} : vector<4x64x128xi32> to vector<4x64x96xi32>
      %slice3A_1087 = vector.extract_strided_slice %select_n3A_1072 {offsets = [0, 0, 0], sizes = [4, 64, 32], strides = [1, 1, 1]} : vector<4x64x128xi32> to vector<4x64x32xi32>
      %concatenate3A_1088 = tpu.concatenate %slice3A_1086, %slice3A_1087 in 2 : vector<4x64x96xi32>, vector<4x64x32xi32> -> vector<4x64x128xi32>
      %slice3A_1089 = vector.extract_strided_slice %select_n3A_1072 {offsets = [0, 0, 96], sizes = [4, 64, 32], strides = [1, 1, 1]} : vector<4x64x128xi32> to vector<4x64x32xi32>
      %slice3A_1090 = vector.extract_strided_slice %select_n3A_1072 {offsets = [0, 0, 0], sizes = [4, 64, 96], strides = [1, 1, 1]} : vector<4x64x128xi32> to vector<4x64x96xi32>
      %concatenate3A_1091 = tpu.concatenate %slice3A_1089, %slice3A_1090 in 2 : vector<4x64x32xi32>, vector<4x64x96xi32> -> vector<4x64x128xi32>
      %select_n3A_1092 = arith.select %eq3A_1078, %concatenate3A_1088, %concatenate3A_1091 : vector<4x64x128xi1>, vector<4x64x128xi32>
      %gt3A_1093 = arith.cmpf ogt, %select_n3A_1085, %select_n3A_1071 : vector<4x64x128xf32>
      %eq3A_1094 = arith.cmpf oeq, %select_n3A_1085, %select_n3A_1071 : vector<4x64x128xf32>
      %lt3A_1095 = arith.cmpi slt, %select_n3A_1092, %select_n3A_1072 : vector<4x64x128xi32>
      %and3A_1096 = arith.andi %eq3A_1094, %lt3A_1095 : vector<4x64x128xi1>
      %or3A_1097 = arith.ori %gt3A_1093, %and3A_1096 : vector<4x64x128xi1>
      %eq3A_1098 = arith.xori %or3A_1097, %eq3A_1078 : vector<4x64x128xi1>
      %eq3A_1099 = arith.constant dense<true> : vector<4x64x128xi1>
      %eq3A_1100 = arith.xori %eq3A_1098, %eq3A_1099 : vector<4x64x128xi1>
      %ne3A_1101 = arith.xori %eq3A_1100, %eq3A_1010 : vector<4x64x128xi1>
      %select_n3A_1102 = arith.select %ne3A_1101, %select_n3A_1085, %select_n3A_1071 : vector<4x64x128xi1>, vector<4x64x128xf32>
      %select_n3A_1103 = arith.select %ne3A_1101, %select_n3A_1092, %select_n3A_1072 : vector<4x64x128xi1>, vector<4x64x128xi32>
      %and3A_1104 = arith.constant 16 : i32
      %and3A_1105 = vector.broadcast %and3A_1104 : i32 to vector<4x64x128xi32>
      %and3A_1106 = arith.andi %add3A_78, %and3A_1105 : vector<4x64x128xi32>
      %eq3A_1107 = arith.constant 0 : i32
      %eq3A_1108 = vector.broadcast %eq3A_1107 : i32 to vector<4x64x128xi32>
      %eq3A_1109 = arith.cmpi eq, %and3A_1106, %eq3A_1108 : vector<4x64x128xi32>
      %slice3A_1110 = vector.extract_strided_slice %select_n3A_1102 {offsets = [0, 0, 16], sizes = [4, 64, 112], strides = [1, 1, 1]} : vector<4x64x128xf32> to vector<4x64x112xf32>
      %slice3A_1111 = vector.extract_strided_slice %select_n3A_1102 {offsets = [0, 0, 0], sizes = [4, 64, 16], strides = [1, 1, 1]} : vector<4x64x128xf32> to vector<4x64x16xf32>
      %concatenate3A_1112 = tpu.concatenate %slice3A_1110, %slice3A_1111 in 2 : vector<4x64x112xf32>, vector<4x64x16xf32> -> vector<4x64x128xf32>
      %slice3A_1113 = vector.extract_strided_slice %select_n3A_1102 {offsets = [0, 0, 112], sizes = [4, 64, 16], strides = [1, 1, 1]} : vector<4x64x128xf32> to vector<4x64x16xf32>
      %slice3A_1114 = vector.extract_strided_slice %select_n3A_1102 {offsets = [0, 0, 0], sizes = [4, 64, 112], strides = [1, 1, 1]} : vector<4x64x128xf32> to vector<4x64x112xf32>
      %concatenate3A_1115 = tpu.concatenate %slice3A_1113, %slice3A_1114 in 2 : vector<4x64x16xf32>, vector<4x64x112xf32> -> vector<4x64x128xf32>
      %select_n3A_1116 = arith.select %eq3A_1109, %concatenate3A_1112, %concatenate3A_1115 : vector<4x64x128xi1>, vector<4x64x128xf32>
      %slice3A_1117 = vector.extract_strided_slice %select_n3A_1103 {offsets = [0, 0, 16], sizes = [4, 64, 112], strides = [1, 1, 1]} : vector<4x64x128xi32> to vector<4x64x112xi32>
      %slice3A_1118 = vector.extract_strided_slice %select_n3A_1103 {offsets = [0, 0, 0], sizes = [4, 64, 16], strides = [1, 1, 1]} : vector<4x64x128xi32> to vector<4x64x16xi32>
      %concatenate3A_1119 = tpu.concatenate %slice3A_1117, %slice3A_1118 in 2 : vector<4x64x112xi32>, vector<4x64x16xi32> -> vector<4x64x128xi32>
      %slice3A_1120 = vector.extract_strided_slice %select_n3A_1103 {offsets = [0, 0, 112], sizes = [4, 64, 16], strides = [1, 1, 1]} : vector<4x64x128xi32> to vector<4x64x16xi32>
      %slice3A_1121 = vector.extract_strided_slice %select_n3A_1103 {offsets = [0, 0, 0], sizes = [4, 64, 112], strides = [1, 1, 1]} : vector<4x64x128xi32> to vector<4x64x112xi32>
      %concatenate3A_1122 = tpu.concatenate %slice3A_1120, %slice3A_1121 in 2 : vector<4x64x16xi32>, vector<4x64x112xi32> -> vector<4x64x128xi32>
      %select_n3A_1123 = arith.select %eq3A_1109, %concatenate3A_1119, %concatenate3A_1122 : vector<4x64x128xi1>, vector<4x64x128xi32>
      %gt3A_1124 = arith.cmpf ogt, %select_n3A_1116, %select_n3A_1102 : vector<4x64x128xf32>
      %eq3A_1125 = arith.cmpf oeq, %select_n3A_1116, %select_n3A_1102 : vector<4x64x128xf32>
      %lt3A_1126 = arith.cmpi slt, %select_n3A_1123, %select_n3A_1103 : vector<4x64x128xi32>
      %and3A_1127 = arith.andi %eq3A_1125, %lt3A_1126 : vector<4x64x128xi1>
      %or3A_1128 = arith.ori %gt3A_1124, %and3A_1127 : vector<4x64x128xi1>
      %eq3A_1129 = arith.xori %or3A_1128, %eq3A_1109 : vector<4x64x128xi1>
      %eq3A_1130 = arith.constant dense<true> : vector<4x64x128xi1>
      %eq3A_1131 = arith.xori %eq3A_1129, %eq3A_1130 : vector<4x64x128xi1>
      %ne3A_1132 = arith.xori %eq3A_1131, %eq3A_1010 : vector<4x64x128xi1>
      %select_n3A_1133 = arith.select %ne3A_1132, %select_n3A_1116, %select_n3A_1102 : vector<4x64x128xi1>, vector<4x64x128xf32>
      %select_n3A_1134 = arith.select %ne3A_1132, %select_n3A_1123, %select_n3A_1103 : vector<4x64x128xi1>, vector<4x64x128xi32>
      %and3A_1135 = arith.constant 8 : i32
      %and3A_1136 = vector.broadcast %and3A_1135 : i32 to vector<4x64x128xi32>
      %and3A_1137 = arith.andi %add3A_78, %and3A_1136 : vector<4x64x128xi32>
      %eq3A_1138 = arith.constant 0 : i32
      %eq3A_1139 = vector.broadcast %eq3A_1138 : i32 to vector<4x64x128xi32>
      %eq3A_1140 = arith.cmpi eq, %and3A_1137, %eq3A_1139 : vector<4x64x128xi32>
      %slice3A_1141 = vector.extract_strided_slice %select_n3A_1133 {offsets = [0, 0, 8], sizes = [4, 64, 120], strides = [1, 1, 1]} : vector<4x64x128xf32> to vector<4x64x120xf32>
      %slice3A_1142 = vector.extract_strided_slice %select_n3A_1133 {offsets = [0, 0, 0], sizes = [4, 64, 8], strides = [1, 1, 1]} : vector<4x64x128xf32> to vector<4x64x8xf32>
      %concatenate3A_1143 = tpu.concatenate %slice3A_1141, %slice3A_1142 in 2 : vector<4x64x120xf32>, vector<4x64x8xf32> -> vector<4x64x128xf32>
      %slice3A_1144 = vector.extract_strided_slice %select_n3A_1133 {offsets = [0, 0, 120], sizes = [4, 64, 8], strides = [1, 1, 1]} : vector<4x64x128xf32> to vector<4x64x8xf32>
      %slice3A_1145 = vector.extract_strided_slice %select_n3A_1133 {offsets = [0, 0, 0], sizes = [4, 64, 120], strides = [1, 1, 1]} : vector<4x64x128xf32> to vector<4x64x120xf32>
      %concatenate3A_1146 = tpu.concatenate %slice3A_1144, %slice3A_1145 in 2 : vector<4x64x8xf32>, vector<4x64x120xf32> -> vector<4x64x128xf32>
      %select_n3A_1147 = arith.select %eq3A_1140, %concatenate3A_1143, %concatenate3A_1146 : vector<4x64x128xi1>, vector<4x64x128xf32>
      %slice3A_1148 = vector.extract_strided_slice %select_n3A_1134 {offsets = [0, 0, 8], sizes = [4, 64, 120], strides = [1, 1, 1]} : vector<4x64x128xi32> to vector<4x64x120xi32>
      %slice3A_1149 = vector.extract_strided_slice %select_n3A_1134 {offsets = [0, 0, 0], sizes = [4, 64, 8], strides = [1, 1, 1]} : vector<4x64x128xi32> to vector<4x64x8xi32>
      %concatenate3A_1150 = tpu.concatenate %slice3A_1148, %slice3A_1149 in 2 : vector<4x64x120xi32>, vector<4x64x8xi32> -> vector<4x64x128xi32>
      %slice3A_1151 = vector.extract_strided_slice %select_n3A_1134 {offsets = [0, 0, 120], sizes = [4, 64, 8], strides = [1, 1, 1]} : vector<4x64x128xi32> to vector<4x64x8xi32>
      %slice3A_1152 = vector.extract_strided_slice %select_n3A_1134 {offsets = [0, 0, 0], sizes = [4, 64, 120], strides = [1, 1, 1]} : vector<4x64x128xi32> to vector<4x64x120xi32>
      %concatenate3A_1153 = tpu.concatenate %slice3A_1151, %slice3A_1152 in 2 : vector<4x64x8xi32>, vector<4x64x120xi32> -> vector<4x64x128xi32>
      %select_n3A_1154 = arith.select %eq3A_1140, %concatenate3A_1150, %concatenate3A_1153 : vector<4x64x128xi1>, vector<4x64x128xi32>
      %gt3A_1155 = arith.cmpf ogt, %select_n3A_1147, %select_n3A_1133 : vector<4x64x128xf32>
      %eq3A_1156 = arith.cmpf oeq, %select_n3A_1147, %select_n3A_1133 : vector<4x64x128xf32>
      %lt3A_1157 = arith.cmpi slt, %select_n3A_1154, %select_n3A_1134 : vector<4x64x128xi32>
      %and3A_1158 = arith.andi %eq3A_1156, %lt3A_1157 : vector<4x64x128xi1>
      %or3A_1159 = arith.ori %gt3A_1155, %and3A_1158 : vector<4x64x128xi1>
      %eq3A_1160 = arith.xori %or3A_1159, %eq3A_1140 : vector<4x64x128xi1>
      %eq3A_1161 = arith.constant dense<true> : vector<4x64x128xi1>
      %eq3A_1162 = arith.xori %eq3A_1160, %eq3A_1161 : vector<4x64x128xi1>
      %ne3A_1163 = arith.xori %eq3A_1162, %eq3A_1010 : vector<4x64x128xi1>
      %select_n3A_1164 = arith.select %ne3A_1163, %select_n3A_1147, %select_n3A_1133 : vector<4x64x128xi1>, vector<4x64x128xf32>
      %select_n3A_1165 = arith.select %ne3A_1163, %select_n3A_1154, %select_n3A_1134 : vector<4x64x128xi1>, vector<4x64x128xi32>
      %and3A_1166 = arith.constant 4 : i32
      %and3A_1167 = vector.broadcast %and3A_1166 : i32 to vector<4x64x128xi32>
      %and3A_1168 = arith.andi %add3A_78, %and3A_1167 : vector<4x64x128xi32>
      %eq3A_1169 = arith.constant 0 : i32
      %eq3A_1170 = vector.broadcast %eq3A_1169 : i32 to vector<4x64x128xi32>
      %eq3A_1171 = arith.cmpi eq, %and3A_1168, %eq3A_1170 : vector<4x64x128xi32>
      %slice3A_1172 = vector.extract_strided_slice %select_n3A_1164 {offsets = [0, 0, 4], sizes = [4, 64, 124], strides = [1, 1, 1]} : vector<4x64x128xf32> to vector<4x64x124xf32>
      %slice3A_1173 = vector.extract_strided_slice %select_n3A_1164 {offsets = [0, 0, 0], sizes = [4, 64, 4], strides = [1, 1, 1]} : vector<4x64x128xf32> to vector<4x64x4xf32>
      %concatenate3A_1174 = tpu.concatenate %slice3A_1172, %slice3A_1173 in 2 : vector<4x64x124xf32>, vector<4x64x4xf32> -> vector<4x64x128xf32>
      %slice3A_1175 = vector.extract_strided_slice %select_n3A_1164 {offsets = [0, 0, 124], sizes = [4, 64, 4], strides = [1, 1, 1]} : vector<4x64x128xf32> to vector<4x64x4xf32>
      %slice3A_1176 = vector.extract_strided_slice %select_n3A_1164 {offsets = [0, 0, 0], sizes = [4, 64, 124], strides = [1, 1, 1]} : vector<4x64x128xf32> to vector<4x64x124xf32>
      %concatenate3A_1177 = tpu.concatenate %slice3A_1175, %slice3A_1176 in 2 : vector<4x64x4xf32>, vector<4x64x124xf32> -> vector<4x64x128xf32>
      %select_n3A_1178 = arith.select %eq3A_1171, %concatenate3A_1174, %concatenate3A_1177 : vector<4x64x128xi1>, vector<4x64x128xf32>
      %slice3A_1179 = vector.extract_strided_slice %select_n3A_1165 {offsets = [0, 0, 4], sizes = [4, 64, 124], strides = [1, 1, 1]} : vector<4x64x128xi32> to vector<4x64x124xi32>
      %slice3A_1180 = vector.extract_strided_slice %select_n3A_1165 {offsets = [0, 0, 0], sizes = [4, 64, 4], strides = [1, 1, 1]} : vector<4x64x128xi32> to vector<4x64x4xi32>
      %concatenate3A_1181 = tpu.concatenate %slice3A_1179, %slice3A_1180 in 2 : vector<4x64x124xi32>, vector<4x64x4xi32> -> vector<4x64x128xi32>
      %slice3A_1182 = vector.extract_strided_slice %select_n3A_1165 {offsets = [0, 0, 124], sizes = [4, 64, 4], strides = [1, 1, 1]} : vector<4x64x128xi32> to vector<4x64x4xi32>
      %slice3A_1183 = vector.extract_strided_slice %select_n3A_1165 {offsets = [0, 0, 0], sizes = [4, 64, 124], strides = [1, 1, 1]} : vector<4x64x128xi32> to vector<4x64x124xi32>
      %concatenate3A_1184 = tpu.concatenate %slice3A_1182, %slice3A_1183 in 2 : vector<4x64x4xi32>, vector<4x64x124xi32> -> vector<4x64x128xi32>
      %select_n3A_1185 = arith.select %eq3A_1171, %concatenate3A_1181, %concatenate3A_1184 : vector<4x64x128xi1>, vector<4x64x128xi32>
      %gt3A_1186 = arith.cmpf ogt, %select_n3A_1178, %select_n3A_1164 : vector<4x64x128xf32>
      %eq3A_1187 = arith.cmpf oeq, %select_n3A_1178, %select_n3A_1164 : vector<4x64x128xf32>
      %lt3A_1188 = arith.cmpi slt, %select_n3A_1185, %select_n3A_1165 : vector<4x64x128xi32>
      %and3A_1189 = arith.andi %eq3A_1187, %lt3A_1188 : vector<4x64x128xi1>
      %or3A_1190 = arith.ori %gt3A_1186, %and3A_1189 : vector<4x64x128xi1>
      %eq3A_1191 = arith.xori %or3A_1190, %eq3A_1171 : vector<4x64x128xi1>
      %eq3A_1192 = arith.constant dense<true> : vector<4x64x128xi1>
      %eq3A_1193 = arith.xori %eq3A_1191, %eq3A_1192 : vector<4x64x128xi1>
      %ne3A_1194 = arith.xori %eq3A_1193, %eq3A_1010 : vector<4x64x128xi1>
      %select_n3A_1195 = arith.select %ne3A_1194, %select_n3A_1178, %select_n3A_1164 : vector<4x64x128xi1>, vector<4x64x128xf32>
      %select_n3A_1196 = arith.select %ne3A_1194, %select_n3A_1185, %select_n3A_1165 : vector<4x64x128xi1>, vector<4x64x128xi32>
      %and3A_1197 = arith.constant 2 : i32
      %and3A_1198 = vector.broadcast %and3A_1197 : i32 to vector<4x64x128xi32>
      %and3A_1199 = arith.andi %add3A_78, %and3A_1198 : vector<4x64x128xi32>
      %eq3A_1200 = arith.constant 0 : i32
      %eq3A_1201 = vector.broadcast %eq3A_1200 : i32 to vector<4x64x128xi32>
      %eq3A_1202 = arith.cmpi eq, %and3A_1199, %eq3A_1201 : vector<4x64x128xi32>
      %slice3A_1203 = vector.extract_strided_slice %select_n3A_1195 {offsets = [0, 0, 2], sizes = [4, 64, 126], strides = [1, 1, 1]} : vector<4x64x128xf32> to vector<4x64x126xf32>
      %slice3A_1204 = vector.extract_strided_slice %select_n3A_1195 {offsets = [0, 0, 0], sizes = [4, 64, 2], strides = [1, 1, 1]} : vector<4x64x128xf32> to vector<4x64x2xf32>
      %concatenate3A_1205 = tpu.concatenate %slice3A_1203, %slice3A_1204 in 2 : vector<4x64x126xf32>, vector<4x64x2xf32> -> vector<4x64x128xf32>
      %slice3A_1206 = vector.extract_strided_slice %select_n3A_1195 {offsets = [0, 0, 126], sizes = [4, 64, 2], strides = [1, 1, 1]} : vector<4x64x128xf32> to vector<4x64x2xf32>
      %slice3A_1207 = vector.extract_strided_slice %select_n3A_1195 {offsets = [0, 0, 0], sizes = [4, 64, 126], strides = [1, 1, 1]} : vector<4x64x128xf32> to vector<4x64x126xf32>
      %concatenate3A_1208 = tpu.concatenate %slice3A_1206, %slice3A_1207 in 2 : vector<4x64x2xf32>, vector<4x64x126xf32> -> vector<4x64x128xf32>
      %select_n3A_1209 = arith.select %eq3A_1202, %concatenate3A_1205, %concatenate3A_1208 : vector<4x64x128xi1>, vector<4x64x128xf32>
      %slice3A_1210 = vector.extract_strided_slice %select_n3A_1196 {offsets = [0, 0, 2], sizes = [4, 64, 126], strides = [1, 1, 1]} : vector<4x64x128xi32> to vector<4x64x126xi32>
      %slice3A_1211 = vector.extract_strided_slice %select_n3A_1196 {offsets = [0, 0, 0], sizes = [4, 64, 2], strides = [1, 1, 1]} : vector<4x64x128xi32> to vector<4x64x2xi32>
      %concatenate3A_1212 = tpu.concatenate %slice3A_1210, %slice3A_1211 in 2 : vector<4x64x126xi32>, vector<4x64x2xi32> -> vector<4x64x128xi32>
      %slice3A_1213 = vector.extract_strided_slice %select_n3A_1196 {offsets = [0, 0, 126], sizes = [4, 64, 2], strides = [1, 1, 1]} : vector<4x64x128xi32> to vector<4x64x2xi32>
      %slice3A_1214 = vector.extract_strided_slice %select_n3A_1196 {offsets = [0, 0, 0], sizes = [4, 64, 126], strides = [1, 1, 1]} : vector<4x64x128xi32> to vector<4x64x126xi32>
      %concatenate3A_1215 = tpu.concatenate %slice3A_1213, %slice3A_1214 in 2 : vector<4x64x2xi32>, vector<4x64x126xi32> -> vector<4x64x128xi32>
      %select_n3A_1216 = arith.select %eq3A_1202, %concatenate3A_1212, %concatenate3A_1215 : vector<4x64x128xi1>, vector<4x64x128xi32>
      %gt3A_1217 = arith.cmpf ogt, %select_n3A_1209, %select_n3A_1195 : vector<4x64x128xf32>
      %eq3A_1218 = arith.cmpf oeq, %select_n3A_1209, %select_n3A_1195 : vector<4x64x128xf32>
      %lt3A_1219 = arith.cmpi slt, %select_n3A_1216, %select_n3A_1196 : vector<4x64x128xi32>
      %and3A_1220 = arith.andi %eq3A_1218, %lt3A_1219 : vector<4x64x128xi1>
      %or3A_1221 = arith.ori %gt3A_1217, %and3A_1220 : vector<4x64x128xi1>
      %eq3A_1222 = arith.xori %or3A_1221, %eq3A_1202 : vector<4x64x128xi1>
      %eq3A_1223 = arith.constant dense<true> : vector<4x64x128xi1>
      %eq3A_1224 = arith.xori %eq3A_1222, %eq3A_1223 : vector<4x64x128xi1>
      %ne3A_1225 = arith.xori %eq3A_1224, %eq3A_1010 : vector<4x64x128xi1>
      %select_n3A_1226 = arith.select %ne3A_1225, %select_n3A_1209, %select_n3A_1195 : vector<4x64x128xi1>, vector<4x64x128xf32>
      %select_n3A_1227 = arith.select %ne3A_1225, %select_n3A_1216, %select_n3A_1196 : vector<4x64x128xi1>, vector<4x64x128xi32>
      %and3A_1228 = arith.constant 1 : i32
      %and3A_1229 = vector.broadcast %and3A_1228 : i32 to vector<4x64x128xi32>
      %and3A_1230 = arith.andi %add3A_78, %and3A_1229 : vector<4x64x128xi32>
      %eq3A_1231 = arith.constant 0 : i32
      %eq3A_1232 = vector.broadcast %eq3A_1231 : i32 to vector<4x64x128xi32>
      %eq3A_1233 = arith.cmpi eq, %and3A_1230, %eq3A_1232 : vector<4x64x128xi32>
      %slice3A_1234 = vector.extract_strided_slice %select_n3A_1226 {offsets = [0, 0, 1], sizes = [4, 64, 127], strides = [1, 1, 1]} : vector<4x64x128xf32> to vector<4x64x127xf32>
      %slice3A_1235 = vector.extract_strided_slice %select_n3A_1226 {offsets = [0, 0, 0], sizes = [4, 64, 1], strides = [1, 1, 1]} : vector<4x64x128xf32> to vector<4x64x1xf32>
      %concatenate3A_1236 = tpu.concatenate %slice3A_1234, %slice3A_1235 in 2 : vector<4x64x127xf32>, vector<4x64x1xf32> -> vector<4x64x128xf32>
      %slice3A_1237 = vector.extract_strided_slice %select_n3A_1226 {offsets = [0, 0, 127], sizes = [4, 64, 1], strides = [1, 1, 1]} : vector<4x64x128xf32> to vector<4x64x1xf32>
      %slice3A_1238 = vector.extract_strided_slice %select_n3A_1226 {offsets = [0, 0, 0], sizes = [4, 64, 127], strides = [1, 1, 1]} : vector<4x64x128xf32> to vector<4x64x127xf32>
      %concatenate3A_1239 = tpu.concatenate %slice3A_1237, %slice3A_1238 in 2 : vector<4x64x1xf32>, vector<4x64x127xf32> -> vector<4x64x128xf32>
      %select_n3A_1240 = arith.select %eq3A_1233, %concatenate3A_1236, %concatenate3A_1239 : vector<4x64x128xi1>, vector<4x64x128xf32>
      %slice3A_1241 = vector.extract_strided_slice %select_n3A_1227 {offsets = [0, 0, 1], sizes = [4, 64, 127], strides = [1, 1, 1]} : vector<4x64x128xi32> to vector<4x64x127xi32>
      %slice3A_1242 = vector.extract_strided_slice %select_n3A_1227 {offsets = [0, 0, 0], sizes = [4, 64, 1], strides = [1, 1, 1]} : vector<4x64x128xi32> to vector<4x64x1xi32>
      %concatenate3A_1243 = tpu.concatenate %slice3A_1241, %slice3A_1242 in 2 : vector<4x64x127xi32>, vector<4x64x1xi32> -> vector<4x64x128xi32>
      %slice3A_1244 = vector.extract_strided_slice %select_n3A_1227 {offsets = [0, 0, 127], sizes = [4, 64, 1], strides = [1, 1, 1]} : vector<4x64x128xi32> to vector<4x64x1xi32>
      %slice3A_1245 = vector.extract_strided_slice %select_n3A_1227 {offsets = [0, 0, 0], sizes = [4, 64, 127], strides = [1, 1, 1]} : vector<4x64x128xi32> to vector<4x64x127xi32>
      %concatenate3A_1246 = tpu.concatenate %slice3A_1244, %slice3A_1245 in 2 : vector<4x64x1xi32>, vector<4x64x127xi32> -> vector<4x64x128xi32>
      %select_n3A_1247 = arith.select %eq3A_1233, %concatenate3A_1243, %concatenate3A_1246 : vector<4x64x128xi1>, vector<4x64x128xi32>
      %gt3A_1248 = arith.cmpf ogt, %select_n3A_1240, %select_n3A_1226 : vector<4x64x128xf32>
      %eq3A_1249 = arith.cmpf oeq, %select_n3A_1240, %select_n3A_1226 : vector<4x64x128xf32>
      %lt3A_1250 = arith.cmpi slt, %select_n3A_1247, %select_n3A_1227 : vector<4x64x128xi32>
      %and3A_1251 = arith.andi %eq3A_1249, %lt3A_1250 : vector<4x64x128xi1>
      %or3A_1252 = arith.ori %gt3A_1248, %and3A_1251 : vector<4x64x128xi1>
      %eq3A_1253 = arith.xori %or3A_1252, %eq3A_1233 : vector<4x64x128xi1>
      %eq3A_1254 = arith.constant dense<true> : vector<4x64x128xi1>
      %eq3A_1255 = arith.xori %eq3A_1253, %eq3A_1254 : vector<4x64x128xi1>
      %ne3A_1256 = arith.xori %eq3A_1255, %eq3A_1010 : vector<4x64x128xi1>
      %select_n3A_1257 = arith.select %ne3A_1256, %select_n3A_1240, %select_n3A_1226 : vector<4x64x128xi1>, vector<4x64x128xf32>
      %select_n3A_1258 = arith.select %ne3A_1256, %select_n3A_1247, %select_n3A_1227 : vector<4x64x128xi1>, vector<4x64x128xi32>
      %shift_right_arithmetic3A_1259 = arith.constant 9 : i32
      %shift_right_arithmetic3A_1260 = vector.broadcast %shift_right_arithmetic3A_1259 : i32 to vector<4x64x128xi32>
      %shift_right_arithmetic3A_1261 = arith.shrsi %add3A_78, %shift_right_arithmetic3A_1260 : vector<4x64x128xi32>
      %and3A_1262 = arith.constant 1 : i32
      %and3A_1263 = vector.broadcast %and3A_1262 : i32 to vector<4x64x128xi32>
      %and3A_1264 = arith.andi %shift_right_arithmetic3A_1261, %and3A_1263 : vector<4x64x128xi32>
      %eq3A_1265 = arith.constant 1 : i32
      %eq3A_1266 = vector.broadcast %eq3A_1265 : i32 to vector<4x64x128xi32>
      %eq3A_1267 = arith.cmpi eq, %and3A_1264, %eq3A_1266 : vector<4x64x128xi32>
      %and3A_1268 = arith.constant 256 : i32
      %and3A_1269 = vector.broadcast %and3A_1268 : i32 to vector<4x64x128xi32>
      %and3A_1270 = arith.andi %add3A_78, %and3A_1269 : vector<4x64x128xi32>
      %eq3A_1271 = arith.constant 0 : i32
      %eq3A_1272 = vector.broadcast %eq3A_1271 : i32 to vector<4x64x128xi32>
      %eq3A_1273 = arith.cmpi eq, %and3A_1270, %eq3A_1272 : vector<4x64x128xi32>
      %slice3A_1274 = vector.extract_strided_slice %select_n3A_1257 {offsets = [0, 2, 0], sizes = [4, 62, 128], strides = [1, 1, 1]} : vector<4x64x128xf32> to vector<4x62x128xf32>
      %slice3A_1275 = vector.extract_strided_slice %select_n3A_1257 {offsets = [0, 0, 0], sizes = [4, 2, 128], strides = [1, 1, 1]} : vector<4x64x128xf32> to vector<4x2x128xf32>
      %concatenate3A_1276 = tpu.concatenate %slice3A_1274, %slice3A_1275 in 1 : vector<4x62x128xf32>, vector<4x2x128xf32> -> vector<4x64x128xf32>
      %slice3A_1277 = vector.extract_strided_slice %select_n3A_1257 {offsets = [0, 62, 0], sizes = [4, 2, 128], strides = [1, 1, 1]} : vector<4x64x128xf32> to vector<4x2x128xf32>
      %slice3A_1278 = vector.extract_strided_slice %select_n3A_1257 {offsets = [0, 0, 0], sizes = [4, 62, 128], strides = [1, 1, 1]} : vector<4x64x128xf32> to vector<4x62x128xf32>
      %concatenate3A_1279 = tpu.concatenate %slice3A_1277, %slice3A_1278 in 1 : vector<4x2x128xf32>, vector<4x62x128xf32> -> vector<4x64x128xf32>
      %select_n3A_1280 = arith.select %eq3A_1273, %concatenate3A_1276, %concatenate3A_1279 : vector<4x64x128xi1>, vector<4x64x128xf32>
      %slice3A_1281 = vector.extract_strided_slice %select_n3A_1258 {offsets = [0, 2, 0], sizes = [4, 62, 128], strides = [1, 1, 1]} : vector<4x64x128xi32> to vector<4x62x128xi32>
      %slice3A_1282 = vector.extract_strided_slice %select_n3A_1258 {offsets = [0, 0, 0], sizes = [4, 2, 128], strides = [1, 1, 1]} : vector<4x64x128xi32> to vector<4x2x128xi32>
      %concatenate3A_1283 = tpu.concatenate %slice3A_1281, %slice3A_1282 in 1 : vector<4x62x128xi32>, vector<4x2x128xi32> -> vector<4x64x128xi32>
      %slice3A_1284 = vector.extract_strided_slice %select_n3A_1258 {offsets = [0, 62, 0], sizes = [4, 2, 128], strides = [1, 1, 1]} : vector<4x64x128xi32> to vector<4x2x128xi32>
      %slice3A_1285 = vector.extract_strided_slice %select_n3A_1258 {offsets = [0, 0, 0], sizes = [4, 62, 128], strides = [1, 1, 1]} : vector<4x64x128xi32> to vector<4x62x128xi32>
      %concatenate3A_1286 = tpu.concatenate %slice3A_1284, %slice3A_1285 in 1 : vector<4x2x128xi32>, vector<4x62x128xi32> -> vector<4x64x128xi32>
      %select_n3A_1287 = arith.select %eq3A_1273, %concatenate3A_1283, %concatenate3A_1286 : vector<4x64x128xi1>, vector<4x64x128xi32>
      %gt3A_1288 = arith.cmpf ogt, %select_n3A_1280, %select_n3A_1257 : vector<4x64x128xf32>
      %eq3A_1289 = arith.cmpf oeq, %select_n3A_1280, %select_n3A_1257 : vector<4x64x128xf32>
      %lt3A_1290 = arith.cmpi slt, %select_n3A_1287, %select_n3A_1258 : vector<4x64x128xi32>
      %and3A_1291 = arith.andi %eq3A_1289, %lt3A_1290 : vector<4x64x128xi1>
      %or3A_1292 = arith.ori %gt3A_1288, %and3A_1291 : vector<4x64x128xi1>
      %eq3A_1293 = arith.xori %or3A_1292, %eq3A_1273 : vector<4x64x128xi1>
      %eq3A_1294 = arith.constant dense<true> : vector<4x64x128xi1>
      %eq3A_1295 = arith.xori %eq3A_1293, %eq3A_1294 : vector<4x64x128xi1>
      %ne3A_1296 = arith.xori %eq3A_1295, %eq3A_1267 : vector<4x64x128xi1>
      %select_n3A_1297 = arith.select %ne3A_1296, %select_n3A_1280, %select_n3A_1257 : vector<4x64x128xi1>, vector<4x64x128xf32>
      %select_n3A_1298 = arith.select %ne3A_1296, %select_n3A_1287, %select_n3A_1258 : vector<4x64x128xi1>, vector<4x64x128xi32>
      %and3A_1299 = arith.constant 128 : i32
      %and3A_1300 = vector.broadcast %and3A_1299 : i32 to vector<4x64x128xi32>
      %and3A_1301 = arith.andi %add3A_78, %and3A_1300 : vector<4x64x128xi32>
      %eq3A_1302 = arith.constant 0 : i32
      %eq3A_1303 = vector.broadcast %eq3A_1302 : i32 to vector<4x64x128xi32>
      %eq3A_1304 = arith.cmpi eq, %and3A_1301, %eq3A_1303 : vector<4x64x128xi32>
      %slice3A_1305 = vector.extract_strided_slice %select_n3A_1297 {offsets = [0, 1, 0], sizes = [4, 63, 128], strides = [1, 1, 1]} : vector<4x64x128xf32> to vector<4x63x128xf32>
      %slice3A_1306 = vector.extract_strided_slice %select_n3A_1297 {offsets = [0, 0, 0], sizes = [4, 1, 128], strides = [1, 1, 1]} : vector<4x64x128xf32> to vector<4x1x128xf32>
      %concatenate3A_1307 = tpu.concatenate %slice3A_1305, %slice3A_1306 in 1 : vector<4x63x128xf32>, vector<4x1x128xf32> -> vector<4x64x128xf32>
      %slice3A_1308 = vector.extract_strided_slice %select_n3A_1297 {offsets = [0, 63, 0], sizes = [4, 1, 128], strides = [1, 1, 1]} : vector<4x64x128xf32> to vector<4x1x128xf32>
      %slice3A_1309 = vector.extract_strided_slice %select_n3A_1297 {offsets = [0, 0, 0], sizes = [4, 63, 128], strides = [1, 1, 1]} : vector<4x64x128xf32> to vector<4x63x128xf32>
      %concatenate3A_1310 = tpu.concatenate %slice3A_1308, %slice3A_1309 in 1 : vector<4x1x128xf32>, vector<4x63x128xf32> -> vector<4x64x128xf32>
      %select_n3A_1311 = arith.select %eq3A_1304, %concatenate3A_1307, %concatenate3A_1310 : vector<4x64x128xi1>, vector<4x64x128xf32>
      %slice3A_1312 = vector.extract_strided_slice %select_n3A_1298 {offsets = [0, 1, 0], sizes = [4, 63, 128], strides = [1, 1, 1]} : vector<4x64x128xi32> to vector<4x63x128xi32>
      %slice3A_1313 = vector.extract_strided_slice %select_n3A_1298 {offsets = [0, 0, 0], sizes = [4, 1, 128], strides = [1, 1, 1]} : vector<4x64x128xi32> to vector<4x1x128xi32>
      %concatenate3A_1314 = tpu.concatenate %slice3A_1312, %slice3A_1313 in 1 : vector<4x63x128xi32>, vector<4x1x128xi32> -> vector<4x64x128xi32>
      %slice3A_1315 = vector.extract_strided_slice %select_n3A_1298 {offsets = [0, 63, 0], sizes = [4, 1, 128], strides = [1, 1, 1]} : vector<4x64x128xi32> to vector<4x1x128xi32>
      %slice3A_1316 = vector.extract_strided_slice %select_n3A_1298 {offsets = [0, 0, 0], sizes = [4, 63, 128], strides = [1, 1, 1]} : vector<4x64x128xi32> to vector<4x63x128xi32>
      %concatenate3A_1317 = tpu.concatenate %slice3A_1315, %slice3A_1316 in 1 : vector<4x1x128xi32>, vector<4x63x128xi32> -> vector<4x64x128xi32>
      %select_n3A_1318 = arith.select %eq3A_1304, %concatenate3A_1314, %concatenate3A_1317 : vector<4x64x128xi1>, vector<4x64x128xi32>
      %gt3A_1319 = arith.cmpf ogt, %select_n3A_1311, %select_n3A_1297 : vector<4x64x128xf32>
      %eq3A_1320 = arith.cmpf oeq, %select_n3A_1311, %select_n3A_1297 : vector<4x64x128xf32>
      %lt3A_1321 = arith.cmpi slt, %select_n3A_1318, %select_n3A_1298 : vector<4x64x128xi32>
      %and3A_1322 = arith.andi %eq3A_1320, %lt3A_1321 : vector<4x64x128xi1>
      %or3A_1323 = arith.ori %gt3A_1319, %and3A_1322 : vector<4x64x128xi1>
      %eq3A_1324 = arith.xori %or3A_1323, %eq3A_1304 : vector<4x64x128xi1>
      %eq3A_1325 = arith.constant dense<true> : vector<4x64x128xi1>
      %eq3A_1326 = arith.xori %eq3A_1324, %eq3A_1325 : vector<4x64x128xi1>
      %ne3A_1327 = arith.xori %eq3A_1326, %eq3A_1267 : vector<4x64x128xi1>
      %select_n3A_1328 = arith.select %ne3A_1327, %select_n3A_1311, %select_n3A_1297 : vector<4x64x128xi1>, vector<4x64x128xf32>
      %select_n3A_1329 = arith.select %ne3A_1327, %select_n3A_1318, %select_n3A_1298 : vector<4x64x128xi1>, vector<4x64x128xi32>
      %and3A_1330 = arith.constant 64 : i32
      %and3A_1331 = vector.broadcast %and3A_1330 : i32 to vector<4x64x128xi32>
      %and3A_1332 = arith.andi %add3A_78, %and3A_1331 : vector<4x64x128xi32>
      %eq3A_1333 = arith.constant 0 : i32
      %eq3A_1334 = vector.broadcast %eq3A_1333 : i32 to vector<4x64x128xi32>
      %eq3A_1335 = arith.cmpi eq, %and3A_1332, %eq3A_1334 : vector<4x64x128xi32>
      %slice3A_1336 = vector.extract_strided_slice %select_n3A_1328 {offsets = [0, 0, 64], sizes = [4, 64, 64], strides = [1, 1, 1]} : vector<4x64x128xf32> to vector<4x64x64xf32>
      %slice3A_1337 = vector.extract_strided_slice %select_n3A_1328 {offsets = [0, 0, 0], sizes = [4, 64, 64], strides = [1, 1, 1]} : vector<4x64x128xf32> to vector<4x64x64xf32>
      %concatenate3A_1338 = tpu.concatenate %slice3A_1336, %slice3A_1337 in 2 : vector<4x64x64xf32>, vector<4x64x64xf32> -> vector<4x64x128xf32>
      %slice3A_1339 = vector.extract_strided_slice %select_n3A_1328 {offsets = [0, 0, 64], sizes = [4, 64, 64], strides = [1, 1, 1]} : vector<4x64x128xf32> to vector<4x64x64xf32>
      %slice3A_1340 = vector.extract_strided_slice %select_n3A_1328 {offsets = [0, 0, 0], sizes = [4, 64, 64], strides = [1, 1, 1]} : vector<4x64x128xf32> to vector<4x64x64xf32>
      %concatenate3A_1341 = tpu.concatenate %slice3A_1339, %slice3A_1340 in 2 : vector<4x64x64xf32>, vector<4x64x64xf32> -> vector<4x64x128xf32>
      %select_n3A_1342 = arith.select %eq3A_1335, %concatenate3A_1338, %concatenate3A_1341 : vector<4x64x128xi1>, vector<4x64x128xf32>
      %slice3A_1343 = vector.extract_strided_slice %select_n3A_1329 {offsets = [0, 0, 64], sizes = [4, 64, 64], strides = [1, 1, 1]} : vector<4x64x128xi32> to vector<4x64x64xi32>
      %slice3A_1344 = vector.extract_strided_slice %select_n3A_1329 {offsets = [0, 0, 0], sizes = [4, 64, 64], strides = [1, 1, 1]} : vector<4x64x128xi32> to vector<4x64x64xi32>
      %concatenate3A_1345 = tpu.concatenate %slice3A_1343, %slice3A_1344 in 2 : vector<4x64x64xi32>, vector<4x64x64xi32> -> vector<4x64x128xi32>
      %slice3A_1346 = vector.extract_strided_slice %select_n3A_1329 {offsets = [0, 0, 64], sizes = [4, 64, 64], strides = [1, 1, 1]} : vector<4x64x128xi32> to vector<4x64x64xi32>
      %slice3A_1347 = vector.extract_strided_slice %select_n3A_1329 {offsets = [0, 0, 0], sizes = [4, 64, 64], strides = [1, 1, 1]} : vector<4x64x128xi32> to vector<4x64x64xi32>
      %concatenate3A_1348 = tpu.concatenate %slice3A_1346, %slice3A_1347 in 2 : vector<4x64x64xi32>, vector<4x64x64xi32> -> vector<4x64x128xi32>
      %select_n3A_1349 = arith.select %eq3A_1335, %concatenate3A_1345, %concatenate3A_1348 : vector<4x64x128xi1>, vector<4x64x128xi32>
      %gt3A_1350 = arith.cmpf ogt, %select_n3A_1342, %select_n3A_1328 : vector<4x64x128xf32>
      %eq3A_1351 = arith.cmpf oeq, %select_n3A_1342, %select_n3A_1328 : vector<4x64x128xf32>
      %lt3A_1352 = arith.cmpi slt, %select_n3A_1349, %select_n3A_1329 : vector<4x64x128xi32>
      %and3A_1353 = arith.andi %eq3A_1351, %lt3A_1352 : vector<4x64x128xi1>
      %or3A_1354 = arith.ori %gt3A_1350, %and3A_1353 : vector<4x64x128xi1>
      %eq3A_1355 = arith.xori %or3A_1354, %eq3A_1335 : vector<4x64x128xi1>
      %eq3A_1356 = arith.constant dense<true> : vector<4x64x128xi1>
      %eq3A_1357 = arith.xori %eq3A_1355, %eq3A_1356 : vector<4x64x128xi1>
      %ne3A_1358 = arith.xori %eq3A_1357, %eq3A_1267 : vector<4x64x128xi1>
      %select_n3A_1359 = arith.select %ne3A_1358, %select_n3A_1342, %select_n3A_1328 : vector<4x64x128xi1>, vector<4x64x128xf32>
      %select_n3A_1360 = arith.select %ne3A_1358, %select_n3A_1349, %select_n3A_1329 : vector<4x64x128xi1>, vector<4x64x128xi32>
      %and3A_1361 = arith.constant 32 : i32
      %and3A_1362 = vector.broadcast %and3A_1361 : i32 to vector<4x64x128xi32>
      %and3A_1363 = arith.andi %add3A_78, %and3A_1362 : vector<4x64x128xi32>
      %eq3A_1364 = arith.constant 0 : i32
      %eq3A_1365 = vector.broadcast %eq3A_1364 : i32 to vector<4x64x128xi32>
      %eq3A_1366 = arith.cmpi eq, %and3A_1363, %eq3A_1365 : vector<4x64x128xi32>
      %slice3A_1367 = vector.extract_strided_slice %select_n3A_1359 {offsets = [0, 0, 32], sizes = [4, 64, 96], strides = [1, 1, 1]} : vector<4x64x128xf32> to vector<4x64x96xf32>
      %slice3A_1368 = vector.extract_strided_slice %select_n3A_1359 {offsets = [0, 0, 0], sizes = [4, 64, 32], strides = [1, 1, 1]} : vector<4x64x128xf32> to vector<4x64x32xf32>
      %concatenate3A_1369 = tpu.concatenate %slice3A_1367, %slice3A_1368 in 2 : vector<4x64x96xf32>, vector<4x64x32xf32> -> vector<4x64x128xf32>
      %slice3A_1370 = vector.extract_strided_slice %select_n3A_1359 {offsets = [0, 0, 96], sizes = [4, 64, 32], strides = [1, 1, 1]} : vector<4x64x128xf32> to vector<4x64x32xf32>
      %slice3A_1371 = vector.extract_strided_slice %select_n3A_1359 {offsets = [0, 0, 0], sizes = [4, 64, 96], strides = [1, 1, 1]} : vector<4x64x128xf32> to vector<4x64x96xf32>
      %concatenate3A_1372 = tpu.concatenate %slice3A_1370, %slice3A_1371 in 2 : vector<4x64x32xf32>, vector<4x64x96xf32> -> vector<4x64x128xf32>
      %select_n3A_1373 = arith.select %eq3A_1366, %concatenate3A_1369, %concatenate3A_1372 : vector<4x64x128xi1>, vector<4x64x128xf32>
      %slice3A_1374 = vector.extract_strided_slice %select_n3A_1360 {offsets = [0, 0, 32], sizes = [4, 64, 96], strides = [1, 1, 1]} : vector<4x64x128xi32> to vector<4x64x96xi32>
      %slice3A_1375 = vector.extract_strided_slice %select_n3A_1360 {offsets = [0, 0, 0], sizes = [4, 64, 32], strides = [1, 1, 1]} : vector<4x64x128xi32> to vector<4x64x32xi32>
      %concatenate3A_1376 = tpu.concatenate %slice3A_1374, %slice3A_1375 in 2 : vector<4x64x96xi32>, vector<4x64x32xi32> -> vector<4x64x128xi32>
      %slice3A_1377 = vector.extract_strided_slice %select_n3A_1360 {offsets = [0, 0, 96], sizes = [4, 64, 32], strides = [1, 1, 1]} : vector<4x64x128xi32> to vector<4x64x32xi32>
      %slice3A_1378 = vector.extract_strided_slice %select_n3A_1360 {offsets = [0, 0, 0], sizes = [4, 64, 96], strides = [1, 1, 1]} : vector<4x64x128xi32> to vector<4x64x96xi32>
      %concatenate3A_1379 = tpu.concatenate %slice3A_1377, %slice3A_1378 in 2 : vector<4x64x32xi32>, vector<4x64x96xi32> -> vector<4x64x128xi32>
      %select_n3A_1380 = arith.select %eq3A_1366, %concatenate3A_1376, %concatenate3A_1379 : vector<4x64x128xi1>, vector<4x64x128xi32>
      %gt3A_1381 = arith.cmpf ogt, %select_n3A_1373, %select_n3A_1359 : vector<4x64x128xf32>
      %eq3A_1382 = arith.cmpf oeq, %select_n3A_1373, %select_n3A_1359 : vector<4x64x128xf32>
      %lt3A_1383 = arith.cmpi slt, %select_n3A_1380, %select_n3A_1360 : vector<4x64x128xi32>
      %and3A_1384 = arith.andi %eq3A_1382, %lt3A_1383 : vector<4x64x128xi1>
      %or3A_1385 = arith.ori %gt3A_1381, %and3A_1384 : vector<4x64x128xi1>
      %eq3A_1386 = arith.xori %or3A_1385, %eq3A_1366 : vector<4x64x128xi1>
      %eq3A_1387 = arith.constant dense<true> : vector<4x64x128xi1>
      %eq3A_1388 = arith.xori %eq3A_1386, %eq3A_1387 : vector<4x64x128xi1>
      %ne3A_1389 = arith.xori %eq3A_1388, %eq3A_1267 : vector<4x64x128xi1>
      %select_n3A_1390 = arith.select %ne3A_1389, %select_n3A_1373, %select_n3A_1359 : vector<4x64x128xi1>, vector<4x64x128xf32>
      %select_n3A_1391 = arith.select %ne3A_1389, %select_n3A_1380, %select_n3A_1360 : vector<4x64x128xi1>, vector<4x64x128xi32>
      %and3A_1392 = arith.constant 16 : i32
      %and3A_1393 = vector.broadcast %and3A_1392 : i32 to vector<4x64x128xi32>
      %and3A_1394 = arith.andi %add3A_78, %and3A_1393 : vector<4x64x128xi32>
      %eq3A_1395 = arith.constant 0 : i32
      %eq3A_1396 = vector.broadcast %eq3A_1395 : i32 to vector<4x64x128xi32>
      %eq3A_1397 = arith.cmpi eq, %and3A_1394, %eq3A_1396 : vector<4x64x128xi32>
      %slice3A_1398 = vector.extract_strided_slice %select_n3A_1390 {offsets = [0, 0, 16], sizes = [4, 64, 112], strides = [1, 1, 1]} : vector<4x64x128xf32> to vector<4x64x112xf32>
      %slice3A_1399 = vector.extract_strided_slice %select_n3A_1390 {offsets = [0, 0, 0], sizes = [4, 64, 16], strides = [1, 1, 1]} : vector<4x64x128xf32> to vector<4x64x16xf32>
      %concatenate3A_1400 = tpu.concatenate %slice3A_1398, %slice3A_1399 in 2 : vector<4x64x112xf32>, vector<4x64x16xf32> -> vector<4x64x128xf32>
      %slice3A_1401 = vector.extract_strided_slice %select_n3A_1390 {offsets = [0, 0, 112], sizes = [4, 64, 16], strides = [1, 1, 1]} : vector<4x64x128xf32> to vector<4x64x16xf32>
      %slice3A_1402 = vector.extract_strided_slice %select_n3A_1390 {offsets = [0, 0, 0], sizes = [4, 64, 112], strides = [1, 1, 1]} : vector<4x64x128xf32> to vector<4x64x112xf32>
      %concatenate3A_1403 = tpu.concatenate %slice3A_1401, %slice3A_1402 in 2 : vector<4x64x16xf32>, vector<4x64x112xf32> -> vector<4x64x128xf32>
      %select_n3A_1404 = arith.select %eq3A_1397, %concatenate3A_1400, %concatenate3A_1403 : vector<4x64x128xi1>, vector<4x64x128xf32>
      %slice3A_1405 = vector.extract_strided_slice %select_n3A_1391 {offsets = [0, 0, 16], sizes = [4, 64, 112], strides = [1, 1, 1]} : vector<4x64x128xi32> to vector<4x64x112xi32>
      %slice3A_1406 = vector.extract_strided_slice %select_n3A_1391 {offsets = [0, 0, 0], sizes = [4, 64, 16], strides = [1, 1, 1]} : vector<4x64x128xi32> to vector<4x64x16xi32>
      %concatenate3A_1407 = tpu.concatenate %slice3A_1405, %slice3A_1406 in 2 : vector<4x64x112xi32>, vector<4x64x16xi32> -> vector<4x64x128xi32>
      %slice3A_1408 = vector.extract_strided_slice %select_n3A_1391 {offsets = [0, 0, 112], sizes = [4, 64, 16], strides = [1, 1, 1]} : vector<4x64x128xi32> to vector<4x64x16xi32>
      %slice3A_1409 = vector.extract_strided_slice %select_n3A_1391 {offsets = [0, 0, 0], sizes = [4, 64, 112], strides = [1, 1, 1]} : vector<4x64x128xi32> to vector<4x64x112xi32>
      %concatenate3A_1410 = tpu.concatenate %slice3A_1408, %slice3A_1409 in 2 : vector<4x64x16xi32>, vector<4x64x112xi32> -> vector<4x64x128xi32>
      %select_n3A_1411 = arith.select %eq3A_1397, %concatenate3A_1407, %concatenate3A_1410 : vector<4x64x128xi1>, vector<4x64x128xi32>
      %gt3A_1412 = arith.cmpf ogt, %select_n3A_1404, %select_n3A_1390 : vector<4x64x128xf32>
      %eq3A_1413 = arith.cmpf oeq, %select_n3A_1404, %select_n3A_1390 : vector<4x64x128xf32>
      %lt3A_1414 = arith.cmpi slt, %select_n3A_1411, %select_n3A_1391 : vector<4x64x128xi32>
      %and3A_1415 = arith.andi %eq3A_1413, %lt3A_1414 : vector<4x64x128xi1>
      %or3A_1416 = arith.ori %gt3A_1412, %and3A_1415 : vector<4x64x128xi1>
      %eq3A_1417 = arith.xori %or3A_1416, %eq3A_1397 : vector<4x64x128xi1>
      %eq3A_1418 = arith.constant dense<true> : vector<4x64x128xi1>
      %eq3A_1419 = arith.xori %eq3A_1417, %eq3A_1418 : vector<4x64x128xi1>
      %ne3A_1420 = arith.xori %eq3A_1419, %eq3A_1267 : vector<4x64x128xi1>
      %select_n3A_1421 = arith.select %ne3A_1420, %select_n3A_1404, %select_n3A_1390 : vector<4x64x128xi1>, vector<4x64x128xf32>
      %select_n3A_1422 = arith.select %ne3A_1420, %select_n3A_1411, %select_n3A_1391 : vector<4x64x128xi1>, vector<4x64x128xi32>
      %and3A_1423 = arith.constant 8 : i32
      %and3A_1424 = vector.broadcast %and3A_1423 : i32 to vector<4x64x128xi32>
      %and3A_1425 = arith.andi %add3A_78, %and3A_1424 : vector<4x64x128xi32>
      %eq3A_1426 = arith.constant 0 : i32
      %eq3A_1427 = vector.broadcast %eq3A_1426 : i32 to vector<4x64x128xi32>
      %eq3A_1428 = arith.cmpi eq, %and3A_1425, %eq3A_1427 : vector<4x64x128xi32>
      %slice3A_1429 = vector.extract_strided_slice %select_n3A_1421 {offsets = [0, 0, 8], sizes = [4, 64, 120], strides = [1, 1, 1]} : vector<4x64x128xf32> to vector<4x64x120xf32>
      %slice3A_1430 = vector.extract_strided_slice %select_n3A_1421 {offsets = [0, 0, 0], sizes = [4, 64, 8], strides = [1, 1, 1]} : vector<4x64x128xf32> to vector<4x64x8xf32>
      %concatenate3A_1431 = tpu.concatenate %slice3A_1429, %slice3A_1430 in 2 : vector<4x64x120xf32>, vector<4x64x8xf32> -> vector<4x64x128xf32>
      %slice3A_1432 = vector.extract_strided_slice %select_n3A_1421 {offsets = [0, 0, 120], sizes = [4, 64, 8], strides = [1, 1, 1]} : vector<4x64x128xf32> to vector<4x64x8xf32>
      %slice3A_1433 = vector.extract_strided_slice %select_n3A_1421 {offsets = [0, 0, 0], sizes = [4, 64, 120], strides = [1, 1, 1]} : vector<4x64x128xf32> to vector<4x64x120xf32>
      %concatenate3A_1434 = tpu.concatenate %slice3A_1432, %slice3A_1433 in 2 : vector<4x64x8xf32>, vector<4x64x120xf32> -> vector<4x64x128xf32>
      %select_n3A_1435 = arith.select %eq3A_1428, %concatenate3A_1431, %concatenate3A_1434 : vector<4x64x128xi1>, vector<4x64x128xf32>
      %slice3A_1436 = vector.extract_strided_slice %select_n3A_1422 {offsets = [0, 0, 8], sizes = [4, 64, 120], strides = [1, 1, 1]} : vector<4x64x128xi32> to vector<4x64x120xi32>
      %slice3A_1437 = vector.extract_strided_slice %select_n3A_1422 {offsets = [0, 0, 0], sizes = [4, 64, 8], strides = [1, 1, 1]} : vector<4x64x128xi32> to vector<4x64x8xi32>
      %concatenate3A_1438 = tpu.concatenate %slice3A_1436, %slice3A_1437 in 2 : vector<4x64x120xi32>, vector<4x64x8xi32> -> vector<4x64x128xi32>
      %slice3A_1439 = vector.extract_strided_slice %select_n3A_1422 {offsets = [0, 0, 120], sizes = [4, 64, 8], strides = [1, 1, 1]} : vector<4x64x128xi32> to vector<4x64x8xi32>
      %slice3A_1440 = vector.extract_strided_slice %select_n3A_1422 {offsets = [0, 0, 0], sizes = [4, 64, 120], strides = [1, 1, 1]} : vector<4x64x128xi32> to vector<4x64x120xi32>
      %concatenate3A_1441 = tpu.concatenate %slice3A_1439, %slice3A_1440 in 2 : vector<4x64x8xi32>, vector<4x64x120xi32> -> vector<4x64x128xi32>
      %select_n3A_1442 = arith.select %eq3A_1428, %concatenate3A_1438, %concatenate3A_1441 : vector<4x64x128xi1>, vector<4x64x128xi32>
      %gt3A_1443 = arith.cmpf ogt, %select_n3A_1435, %select_n3A_1421 : vector<4x64x128xf32>
      %eq3A_1444 = arith.cmpf oeq, %select_n3A_1435, %select_n3A_1421 : vector<4x64x128xf32>
      %lt3A_1445 = arith.cmpi slt, %select_n3A_1442, %select_n3A_1422 : vector<4x64x128xi32>
      %and3A_1446 = arith.andi %eq3A_1444, %lt3A_1445 : vector<4x64x128xi1>
      %or3A_1447 = arith.ori %gt3A_1443, %and3A_1446 : vector<4x64x128xi1>
      %eq3A_1448 = arith.xori %or3A_1447, %eq3A_1428 : vector<4x64x128xi1>
      %eq3A_1449 = arith.constant dense<true> : vector<4x64x128xi1>
      %eq3A_1450 = arith.xori %eq3A_1448, %eq3A_1449 : vector<4x64x128xi1>
      %ne3A_1451 = arith.xori %eq3A_1450, %eq3A_1267 : vector<4x64x128xi1>
      %select_n3A_1452 = arith.select %ne3A_1451, %select_n3A_1435, %select_n3A_1421 : vector<4x64x128xi1>, vector<4x64x128xf32>
      %select_n3A_1453 = arith.select %ne3A_1451, %select_n3A_1442, %select_n3A_1422 : vector<4x64x128xi1>, vector<4x64x128xi32>
      %and3A_1454 = arith.constant 4 : i32
      %and3A_1455 = vector.broadcast %and3A_1454 : i32 to vector<4x64x128xi32>
      %and3A_1456 = arith.andi %add3A_78, %and3A_1455 : vector<4x64x128xi32>
      %eq3A_1457 = arith.constant 0 : i32
      %eq3A_1458 = vector.broadcast %eq3A_1457 : i32 to vector<4x64x128xi32>
      %eq3A_1459 = arith.cmpi eq, %and3A_1456, %eq3A_1458 : vector<4x64x128xi32>
      %slice3A_1460 = vector.extract_strided_slice %select_n3A_1452 {offsets = [0, 0, 4], sizes = [4, 64, 124], strides = [1, 1, 1]} : vector<4x64x128xf32> to vector<4x64x124xf32>
      %slice3A_1461 = vector.extract_strided_slice %select_n3A_1452 {offsets = [0, 0, 0], sizes = [4, 64, 4], strides = [1, 1, 1]} : vector<4x64x128xf32> to vector<4x64x4xf32>
      %concatenate3A_1462 = tpu.concatenate %slice3A_1460, %slice3A_1461 in 2 : vector<4x64x124xf32>, vector<4x64x4xf32> -> vector<4x64x128xf32>
      %slice3A_1463 = vector.extract_strided_slice %select_n3A_1452 {offsets = [0, 0, 124], sizes = [4, 64, 4], strides = [1, 1, 1]} : vector<4x64x128xf32> to vector<4x64x4xf32>
      %slice3A_1464 = vector.extract_strided_slice %select_n3A_1452 {offsets = [0, 0, 0], sizes = [4, 64, 124], strides = [1, 1, 1]} : vector<4x64x128xf32> to vector<4x64x124xf32>
      %concatenate3A_1465 = tpu.concatenate %slice3A_1463, %slice3A_1464 in 2 : vector<4x64x4xf32>, vector<4x64x124xf32> -> vector<4x64x128xf32>
      %select_n3A_1466 = arith.select %eq3A_1459, %concatenate3A_1462, %concatenate3A_1465 : vector<4x64x128xi1>, vector<4x64x128xf32>
      %slice3A_1467 = vector.extract_strided_slice %select_n3A_1453 {offsets = [0, 0, 4], sizes = [4, 64, 124], strides = [1, 1, 1]} : vector<4x64x128xi32> to vector<4x64x124xi32>
      %slice3A_1468 = vector.extract_strided_slice %select_n3A_1453 {offsets = [0, 0, 0], sizes = [4, 64, 4], strides = [1, 1, 1]} : vector<4x64x128xi32> to vector<4x64x4xi32>
      %concatenate3A_1469 = tpu.concatenate %slice3A_1467, %slice3A_1468 in 2 : vector<4x64x124xi32>, vector<4x64x4xi32> -> vector<4x64x128xi32>
      %slice3A_1470 = vector.extract_strided_slice %select_n3A_1453 {offsets = [0, 0, 124], sizes = [4, 64, 4], strides = [1, 1, 1]} : vector<4x64x128xi32> to vector<4x64x4xi32>
      %slice3A_1471 = vector.extract_strided_slice %select_n3A_1453 {offsets = [0, 0, 0], sizes = [4, 64, 124], strides = [1, 1, 1]} : vector<4x64x128xi32> to vector<4x64x124xi32>
      %concatenate3A_1472 = tpu.concatenate %slice3A_1470, %slice3A_1471 in 2 : vector<4x64x4xi32>, vector<4x64x124xi32> -> vector<4x64x128xi32>
      %select_n3A_1473 = arith.select %eq3A_1459, %concatenate3A_1469, %concatenate3A_1472 : vector<4x64x128xi1>, vector<4x64x128xi32>
      %gt3A_1474 = arith.cmpf ogt, %select_n3A_1466, %select_n3A_1452 : vector<4x64x128xf32>
      %eq3A_1475 = arith.cmpf oeq, %select_n3A_1466, %select_n3A_1452 : vector<4x64x128xf32>
      %lt3A_1476 = arith.cmpi slt, %select_n3A_1473, %select_n3A_1453 : vector<4x64x128xi32>
      %and3A_1477 = arith.andi %eq3A_1475, %lt3A_1476 : vector<4x64x128xi1>
      %or3A_1478 = arith.ori %gt3A_1474, %and3A_1477 : vector<4x64x128xi1>
      %eq3A_1479 = arith.xori %or3A_1478, %eq3A_1459 : vector<4x64x128xi1>
      %eq3A_1480 = arith.constant dense<true> : vector<4x64x128xi1>
      %eq3A_1481 = arith.xori %eq3A_1479, %eq3A_1480 : vector<4x64x128xi1>
      %ne3A_1482 = arith.xori %eq3A_1481, %eq3A_1267 : vector<4x64x128xi1>
      %select_n3A_1483 = arith.select %ne3A_1482, %select_n3A_1466, %select_n3A_1452 : vector<4x64x128xi1>, vector<4x64x128xf32>
      %select_n3A_1484 = arith.select %ne3A_1482, %select_n3A_1473, %select_n3A_1453 : vector<4x64x128xi1>, vector<4x64x128xi32>
      %and3A_1485 = arith.constant 2 : i32
      %and3A_1486 = vector.broadcast %and3A_1485 : i32 to vector<4x64x128xi32>
      %and3A_1487 = arith.andi %add3A_78, %and3A_1486 : vector<4x64x128xi32>
      %eq3A_1488 = arith.constant 0 : i32
      %eq3A_1489 = vector.broadcast %eq3A_1488 : i32 to vector<4x64x128xi32>
      %eq3A_1490 = arith.cmpi eq, %and3A_1487, %eq3A_1489 : vector<4x64x128xi32>
      %slice3A_1491 = vector.extract_strided_slice %select_n3A_1483 {offsets = [0, 0, 2], sizes = [4, 64, 126], strides = [1, 1, 1]} : vector<4x64x128xf32> to vector<4x64x126xf32>
      %slice3A_1492 = vector.extract_strided_slice %select_n3A_1483 {offsets = [0, 0, 0], sizes = [4, 64, 2], strides = [1, 1, 1]} : vector<4x64x128xf32> to vector<4x64x2xf32>
      %concatenate3A_1493 = tpu.concatenate %slice3A_1491, %slice3A_1492 in 2 : vector<4x64x126xf32>, vector<4x64x2xf32> -> vector<4x64x128xf32>
      %slice3A_1494 = vector.extract_strided_slice %select_n3A_1483 {offsets = [0, 0, 126], sizes = [4, 64, 2], strides = [1, 1, 1]} : vector<4x64x128xf32> to vector<4x64x2xf32>
      %slice3A_1495 = vector.extract_strided_slice %select_n3A_1483 {offsets = [0, 0, 0], sizes = [4, 64, 126], strides = [1, 1, 1]} : vector<4x64x128xf32> to vector<4x64x126xf32>
      %concatenate3A_1496 = tpu.concatenate %slice3A_1494, %slice3A_1495 in 2 : vector<4x64x2xf32>, vector<4x64x126xf32> -> vector<4x64x128xf32>
      %select_n3A_1497 = arith.select %eq3A_1490, %concatenate3A_1493, %concatenate3A_1496 : vector<4x64x128xi1>, vector<4x64x128xf32>
      %slice3A_1498 = vector.extract_strided_slice %select_n3A_1484 {offsets = [0, 0, 2], sizes = [4, 64, 126], strides = [1, 1, 1]} : vector<4x64x128xi32> to vector<4x64x126xi32>
      %slice3A_1499 = vector.extract_strided_slice %select_n3A_1484 {offsets = [0, 0, 0], sizes = [4, 64, 2], strides = [1, 1, 1]} : vector<4x64x128xi32> to vector<4x64x2xi32>
      %concatenate3A_1500 = tpu.concatenate %slice3A_1498, %slice3A_1499 in 2 : vector<4x64x126xi32>, vector<4x64x2xi32> -> vector<4x64x128xi32>
      %slice3A_1501 = vector.extract_strided_slice %select_n3A_1484 {offsets = [0, 0, 126], sizes = [4, 64, 2], strides = [1, 1, 1]} : vector<4x64x128xi32> to vector<4x64x2xi32>
      %slice3A_1502 = vector.extract_strided_slice %select_n3A_1484 {offsets = [0, 0, 0], sizes = [4, 64, 126], strides = [1, 1, 1]} : vector<4x64x128xi32> to vector<4x64x126xi32>
      %concatenate3A_1503 = tpu.concatenate %slice3A_1501, %slice3A_1502 in 2 : vector<4x64x2xi32>, vector<4x64x126xi32> -> vector<4x64x128xi32>
      %select_n3A_1504 = arith.select %eq3A_1490, %concatenate3A_1500, %concatenate3A_1503 : vector<4x64x128xi1>, vector<4x64x128xi32>
      %gt3A_1505 = arith.cmpf ogt, %select_n3A_1497, %select_n3A_1483 : vector<4x64x128xf32>
      %eq3A_1506 = arith.cmpf oeq, %select_n3A_1497, %select_n3A_1483 : vector<4x64x128xf32>
      %lt3A_1507 = arith.cmpi slt, %select_n3A_1504, %select_n3A_1484 : vector<4x64x128xi32>
      %and3A_1508 = arith.andi %eq3A_1506, %lt3A_1507 : vector<4x64x128xi1>
      %or3A_1509 = arith.ori %gt3A_1505, %and3A_1508 : vector<4x64x128xi1>
      %eq3A_1510 = arith.xori %or3A_1509, %eq3A_1490 : vector<4x64x128xi1>
      %eq3A_1511 = arith.constant dense<true> : vector<4x64x128xi1>
      %eq3A_1512 = arith.xori %eq3A_1510, %eq3A_1511 : vector<4x64x128xi1>
      %ne3A_1513 = arith.xori %eq3A_1512, %eq3A_1267 : vector<4x64x128xi1>
      %select_n3A_1514 = arith.select %ne3A_1513, %select_n3A_1497, %select_n3A_1483 : vector<4x64x128xi1>, vector<4x64x128xf32>
      %select_n3A_1515 = arith.select %ne3A_1513, %select_n3A_1504, %select_n3A_1484 : vector<4x64x128xi1>, vector<4x64x128xi32>
      %and3A_1516 = arith.constant 1 : i32
      %and3A_1517 = vector.broadcast %and3A_1516 : i32 to vector<4x64x128xi32>
      %and3A_1518 = arith.andi %add3A_78, %and3A_1517 : vector<4x64x128xi32>
      %eq3A_1519 = arith.constant 0 : i32
      %eq3A_1520 = vector.broadcast %eq3A_1519 : i32 to vector<4x64x128xi32>
      %eq3A_1521 = arith.cmpi eq, %and3A_1518, %eq3A_1520 : vector<4x64x128xi32>
      %slice3A_1522 = vector.extract_strided_slice %select_n3A_1514 {offsets = [0, 0, 1], sizes = [4, 64, 127], strides = [1, 1, 1]} : vector<4x64x128xf32> to vector<4x64x127xf32>
      %slice3A_1523 = vector.extract_strided_slice %select_n3A_1514 {offsets = [0, 0, 0], sizes = [4, 64, 1], strides = [1, 1, 1]} : vector<4x64x128xf32> to vector<4x64x1xf32>
      %concatenate3A_1524 = tpu.concatenate %slice3A_1522, %slice3A_1523 in 2 : vector<4x64x127xf32>, vector<4x64x1xf32> -> vector<4x64x128xf32>
      %slice3A_1525 = vector.extract_strided_slice %select_n3A_1514 {offsets = [0, 0, 127], sizes = [4, 64, 1], strides = [1, 1, 1]} : vector<4x64x128xf32> to vector<4x64x1xf32>
      %slice3A_1526 = vector.extract_strided_slice %select_n3A_1514 {offsets = [0, 0, 0], sizes = [4, 64, 127], strides = [1, 1, 1]} : vector<4x64x128xf32> to vector<4x64x127xf32>
      %concatenate3A_1527 = tpu.concatenate %slice3A_1525, %slice3A_1526 in 2 : vector<4x64x1xf32>, vector<4x64x127xf32> -> vector<4x64x128xf32>
      %select_n3A_1528 = arith.select %eq3A_1521, %concatenate3A_1524, %concatenate3A_1527 : vector<4x64x128xi1>, vector<4x64x128xf32>
      %slice3A_1529 = vector.extract_strided_slice %select_n3A_1515 {offsets = [0, 0, 1], sizes = [4, 64, 127], strides = [1, 1, 1]} : vector<4x64x128xi32> to vector<4x64x127xi32>
      %slice3A_1530 = vector.extract_strided_slice %select_n3A_1515 {offsets = [0, 0, 0], sizes = [4, 64, 1], strides = [1, 1, 1]} : vector<4x64x128xi32> to vector<4x64x1xi32>
      %concatenate3A_1531 = tpu.concatenate %slice3A_1529, %slice3A_1530 in 2 : vector<4x64x127xi32>, vector<4x64x1xi32> -> vector<4x64x128xi32>
      %slice3A_1532 = vector.extract_strided_slice %select_n3A_1515 {offsets = [0, 0, 127], sizes = [4, 64, 1], strides = [1, 1, 1]} : vector<4x64x128xi32> to vector<4x64x1xi32>
      %slice3A_1533 = vector.extract_strided_slice %select_n3A_1515 {offsets = [0, 0, 0], sizes = [4, 64, 127], strides = [1, 1, 1]} : vector<4x64x128xi32> to vector<4x64x127xi32>
      %concatenate3A_1534 = tpu.concatenate %slice3A_1532, %slice3A_1533 in 2 : vector<4x64x1xi32>, vector<4x64x127xi32> -> vector<4x64x128xi32>
      %select_n3A_1535 = arith.select %eq3A_1521, %concatenate3A_1531, %concatenate3A_1534 : vector<4x64x128xi1>, vector<4x64x128xi32>
      %gt3A_1536 = arith.cmpf ogt, %select_n3A_1528, %select_n3A_1514 : vector<4x64x128xf32>
      %eq3A_1537 = arith.cmpf oeq, %select_n3A_1528, %select_n3A_1514 : vector<4x64x128xf32>
      %lt3A_1538 = arith.cmpi slt, %select_n3A_1535, %select_n3A_1515 : vector<4x64x128xi32>
      %and3A_1539 = arith.andi %eq3A_1537, %lt3A_1538 : vector<4x64x128xi1>
      %or3A_1540 = arith.ori %gt3A_1536, %and3A_1539 : vector<4x64x128xi1>
      %eq3A_1541 = arith.xori %or3A_1540, %eq3A_1521 : vector<4x64x128xi1>
      %eq3A_1542 = arith.constant dense<true> : vector<4x64x128xi1>
      %eq3A_1543 = arith.xori %eq3A_1541, %eq3A_1542 : vector<4x64x128xi1>
      %ne3A_1544 = arith.xori %eq3A_1543, %eq3A_1267 : vector<4x64x128xi1>
      %select_n3A_1545 = arith.select %ne3A_1544, %select_n3A_1528, %select_n3A_1514 : vector<4x64x128xi1>, vector<4x64x128xf32>
      %select_n3A_1546 = arith.select %ne3A_1544, %select_n3A_1535, %select_n3A_1515 : vector<4x64x128xi1>, vector<4x64x128xi32>
      %shift_right_arithmetic3A_1547 = arith.constant 10 : i32
      %shift_right_arithmetic3A_1548 = vector.broadcast %shift_right_arithmetic3A_1547 : i32 to vector<4x64x128xi32>
      %shift_right_arithmetic3A_1549 = arith.shrsi %add3A_78, %shift_right_arithmetic3A_1548 : vector<4x64x128xi32>
      %and3A_1550 = arith.constant 1 : i32
      %and3A_1551 = vector.broadcast %and3A_1550 : i32 to vector<4x64x128xi32>
      %and3A_1552 = arith.andi %shift_right_arithmetic3A_1549, %and3A_1551 : vector<4x64x128xi32>
      %eq3A_1553 = arith.constant 1 : i32
      %eq3A_1554 = vector.broadcast %eq3A_1553 : i32 to vector<4x64x128xi32>
      %eq3A_1555 = arith.cmpi eq, %and3A_1552, %eq3A_1554 : vector<4x64x128xi32>
      %and3A_1556 = arith.constant 512 : i32
      %and3A_1557 = vector.broadcast %and3A_1556 : i32 to vector<4x64x128xi32>
      %and3A_1558 = arith.andi %add3A_78, %and3A_1557 : vector<4x64x128xi32>
      %eq3A_1559 = arith.constant 0 : i32
      %eq3A_1560 = vector.broadcast %eq3A_1559 : i32 to vector<4x64x128xi32>
      %eq3A_1561 = arith.cmpi eq, %and3A_1558, %eq3A_1560 : vector<4x64x128xi32>
      %slice3A_1562 = vector.extract_strided_slice %select_n3A_1545 {offsets = [0, 4, 0], sizes = [4, 60, 128], strides = [1, 1, 1]} : vector<4x64x128xf32> to vector<4x60x128xf32>
      %slice3A_1563 = vector.extract_strided_slice %select_n3A_1545 {offsets = [0, 0, 0], sizes = [4, 4, 128], strides = [1, 1, 1]} : vector<4x64x128xf32> to vector<4x4x128xf32>
      %concatenate3A_1564 = tpu.concatenate %slice3A_1562, %slice3A_1563 in 1 : vector<4x60x128xf32>, vector<4x4x128xf32> -> vector<4x64x128xf32>
      %slice3A_1565 = vector.extract_strided_slice %select_n3A_1545 {offsets = [0, 60, 0], sizes = [4, 4, 128], strides = [1, 1, 1]} : vector<4x64x128xf32> to vector<4x4x128xf32>
      %slice3A_1566 = vector.extract_strided_slice %select_n3A_1545 {offsets = [0, 0, 0], sizes = [4, 60, 128], strides = [1, 1, 1]} : vector<4x64x128xf32> to vector<4x60x128xf32>
      %concatenate3A_1567 = tpu.concatenate %slice3A_1565, %slice3A_1566 in 1 : vector<4x4x128xf32>, vector<4x60x128xf32> -> vector<4x64x128xf32>
      %select_n3A_1568 = arith.select %eq3A_1561, %concatenate3A_1564, %concatenate3A_1567 : vector<4x64x128xi1>, vector<4x64x128xf32>
      %slice3A_1569 = vector.extract_strided_slice %select_n3A_1546 {offsets = [0, 4, 0], sizes = [4, 60, 128], strides = [1, 1, 1]} : vector<4x64x128xi32> to vector<4x60x128xi32>
      %slice3A_1570 = vector.extract_strided_slice %select_n3A_1546 {offsets = [0, 0, 0], sizes = [4, 4, 128], strides = [1, 1, 1]} : vector<4x64x128xi32> to vector<4x4x128xi32>
      %concatenate3A_1571 = tpu.concatenate %slice3A_1569, %slice3A_1570 in 1 : vector<4x60x128xi32>, vector<4x4x128xi32> -> vector<4x64x128xi32>
      %slice3A_1572 = vector.extract_strided_slice %select_n3A_1546 {offsets = [0, 60, 0], sizes = [4, 4, 128], strides = [1, 1, 1]} : vector<4x64x128xi32> to vector<4x4x128xi32>
      %slice3A_1573 = vector.extract_strided_slice %select_n3A_1546 {offsets = [0, 0, 0], sizes = [4, 60, 128], strides = [1, 1, 1]} : vector<4x64x128xi32> to vector<4x60x128xi32>
      %concatenate3A_1574 = tpu.concatenate %slice3A_1572, %slice3A_1573 in 1 : vector<4x4x128xi32>, vector<4x60x128xi32> -> vector<4x64x128xi32>
      %select_n3A_1575 = arith.select %eq3A_1561, %concatenate3A_1571, %concatenate3A_1574 : vector<4x64x128xi1>, vector<4x64x128xi32>
      %gt3A_1576 = arith.cmpf ogt, %select_n3A_1568, %select_n3A_1545 : vector<4x64x128xf32>
      %eq3A_1577 = arith.cmpf oeq, %select_n3A_1568, %select_n3A_1545 : vector<4x64x128xf32>
      %lt3A_1578 = arith.cmpi slt, %select_n3A_1575, %select_n3A_1546 : vector<4x64x128xi32>
      %and3A_1579 = arith.andi %eq3A_1577, %lt3A_1578 : vector<4x64x128xi1>
      %or3A_1580 = arith.ori %gt3A_1576, %and3A_1579 : vector<4x64x128xi1>
      %eq3A_1581 = arith.xori %or3A_1580, %eq3A_1561 : vector<4x64x128xi1>
      %eq3A_1582 = arith.constant dense<true> : vector<4x64x128xi1>
      %eq3A_1583 = arith.xori %eq3A_1581, %eq3A_1582 : vector<4x64x128xi1>
      %ne3A_1584 = arith.xori %eq3A_1583, %eq3A_1555 : vector<4x64x128xi1>
      %select_n3A_1585 = arith.select %ne3A_1584, %select_n3A_1568, %select_n3A_1545 : vector<4x64x128xi1>, vector<4x64x128xf32>
      %select_n3A_1586 = arith.select %ne3A_1584, %select_n3A_1575, %select_n3A_1546 : vector<4x64x128xi1>, vector<4x64x128xi32>
      %and3A_1587 = arith.constant 256 : i32
      %and3A_1588 = vector.broadcast %and3A_1587 : i32 to vector<4x64x128xi32>
      %and3A_1589 = arith.andi %add3A_78, %and3A_1588 : vector<4x64x128xi32>
      %eq3A_1590 = arith.constant 0 : i32
      %eq3A_1591 = vector.broadcast %eq3A_1590 : i32 to vector<4x64x128xi32>
      %eq3A_1592 = arith.cmpi eq, %and3A_1589, %eq3A_1591 : vector<4x64x128xi32>
      %slice3A_1593 = vector.extract_strided_slice %select_n3A_1585 {offsets = [0, 2, 0], sizes = [4, 62, 128], strides = [1, 1, 1]} : vector<4x64x128xf32> to vector<4x62x128xf32>
      %slice3A_1594 = vector.extract_strided_slice %select_n3A_1585 {offsets = [0, 0, 0], sizes = [4, 2, 128], strides = [1, 1, 1]} : vector<4x64x128xf32> to vector<4x2x128xf32>
      %concatenate3A_1595 = tpu.concatenate %slice3A_1593, %slice3A_1594 in 1 : vector<4x62x128xf32>, vector<4x2x128xf32> -> vector<4x64x128xf32>
      %slice3A_1596 = vector.extract_strided_slice %select_n3A_1585 {offsets = [0, 62, 0], sizes = [4, 2, 128], strides = [1, 1, 1]} : vector<4x64x128xf32> to vector<4x2x128xf32>
      %slice3A_1597 = vector.extract_strided_slice %select_n3A_1585 {offsets = [0, 0, 0], sizes = [4, 62, 128], strides = [1, 1, 1]} : vector<4x64x128xf32> to vector<4x62x128xf32>
      %concatenate3A_1598 = tpu.concatenate %slice3A_1596, %slice3A_1597 in 1 : vector<4x2x128xf32>, vector<4x62x128xf32> -> vector<4x64x128xf32>
      %select_n3A_1599 = arith.select %eq3A_1592, %concatenate3A_1595, %concatenate3A_1598 : vector<4x64x128xi1>, vector<4x64x128xf32>
      %slice3A_1600 = vector.extract_strided_slice %select_n3A_1586 {offsets = [0, 2, 0], sizes = [4, 62, 128], strides = [1, 1, 1]} : vector<4x64x128xi32> to vector<4x62x128xi32>
      %slice3A_1601 = vector.extract_strided_slice %select_n3A_1586 {offsets = [0, 0, 0], sizes = [4, 2, 128], strides = [1, 1, 1]} : vector<4x64x128xi32> to vector<4x2x128xi32>
      %concatenate3A_1602 = tpu.concatenate %slice3A_1600, %slice3A_1601 in 1 : vector<4x62x128xi32>, vector<4x2x128xi32> -> vector<4x64x128xi32>
      %slice3A_1603 = vector.extract_strided_slice %select_n3A_1586 {offsets = [0, 62, 0], sizes = [4, 2, 128], strides = [1, 1, 1]} : vector<4x64x128xi32> to vector<4x2x128xi32>
      %slice3A_1604 = vector.extract_strided_slice %select_n3A_1586 {offsets = [0, 0, 0], sizes = [4, 62, 128], strides = [1, 1, 1]} : vector<4x64x128xi32> to vector<4x62x128xi32>
      %concatenate3A_1605 = tpu.concatenate %slice3A_1603, %slice3A_1604 in 1 : vector<4x2x128xi32>, vector<4x62x128xi32> -> vector<4x64x128xi32>
      %select_n3A_1606 = arith.select %eq3A_1592, %concatenate3A_1602, %concatenate3A_1605 : vector<4x64x128xi1>, vector<4x64x128xi32>
      %gt3A_1607 = arith.cmpf ogt, %select_n3A_1599, %select_n3A_1585 : vector<4x64x128xf32>
      %eq3A_1608 = arith.cmpf oeq, %select_n3A_1599, %select_n3A_1585 : vector<4x64x128xf32>
      %lt3A_1609 = arith.cmpi slt, %select_n3A_1606, %select_n3A_1586 : vector<4x64x128xi32>
      %and3A_1610 = arith.andi %eq3A_1608, %lt3A_1609 : vector<4x64x128xi1>
      %or3A_1611 = arith.ori %gt3A_1607, %and3A_1610 : vector<4x64x128xi1>
      %eq3A_1612 = arith.xori %or3A_1611, %eq3A_1592 : vector<4x64x128xi1>
      %eq3A_1613 = arith.constant dense<true> : vector<4x64x128xi1>
      %eq3A_1614 = arith.xori %eq3A_1612, %eq3A_1613 : vector<4x64x128xi1>
      %ne3A_1615 = arith.xori %eq3A_1614, %eq3A_1555 : vector<4x64x128xi1>
      %select_n3A_1616 = arith.select %ne3A_1615, %select_n3A_1599, %select_n3A_1585 : vector<4x64x128xi1>, vector<4x64x128xf32>
      %select_n3A_1617 = arith.select %ne3A_1615, %select_n3A_1606, %select_n3A_1586 : vector<4x64x128xi1>, vector<4x64x128xi32>
      %and3A_1618 = arith.constant 128 : i32
      %and3A_1619 = vector.broadcast %and3A_1618 : i32 to vector<4x64x128xi32>
      %and3A_1620 = arith.andi %add3A_78, %and3A_1619 : vector<4x64x128xi32>
      %eq3A_1621 = arith.constant 0 : i32
      %eq3A_1622 = vector.broadcast %eq3A_1621 : i32 to vector<4x64x128xi32>
      %eq3A_1623 = arith.cmpi eq, %and3A_1620, %eq3A_1622 : vector<4x64x128xi32>
      %slice3A_1624 = vector.extract_strided_slice %select_n3A_1616 {offsets = [0, 1, 0], sizes = [4, 63, 128], strides = [1, 1, 1]} : vector<4x64x128xf32> to vector<4x63x128xf32>
      %slice3A_1625 = vector.extract_strided_slice %select_n3A_1616 {offsets = [0, 0, 0], sizes = [4, 1, 128], strides = [1, 1, 1]} : vector<4x64x128xf32> to vector<4x1x128xf32>
      %concatenate3A_1626 = tpu.concatenate %slice3A_1624, %slice3A_1625 in 1 : vector<4x63x128xf32>, vector<4x1x128xf32> -> vector<4x64x128xf32>
      %slice3A_1627 = vector.extract_strided_slice %select_n3A_1616 {offsets = [0, 63, 0], sizes = [4, 1, 128], strides = [1, 1, 1]} : vector<4x64x128xf32> to vector<4x1x128xf32>
      %slice3A_1628 = vector.extract_strided_slice %select_n3A_1616 {offsets = [0, 0, 0], sizes = [4, 63, 128], strides = [1, 1, 1]} : vector<4x64x128xf32> to vector<4x63x128xf32>
      %concatenate3A_1629 = tpu.concatenate %slice3A_1627, %slice3A_1628 in 1 : vector<4x1x128xf32>, vector<4x63x128xf32> -> vector<4x64x128xf32>
      %select_n3A_1630 = arith.select %eq3A_1623, %concatenate3A_1626, %concatenate3A_1629 : vector<4x64x128xi1>, vector<4x64x128xf32>
      %slice3A_1631 = vector.extract_strided_slice %select_n3A_1617 {offsets = [0, 1, 0], sizes = [4, 63, 128], strides = [1, 1, 1]} : vector<4x64x128xi32> to vector<4x63x128xi32>
      %slice3A_1632 = vector.extract_strided_slice %select_n3A_1617 {offsets = [0, 0, 0], sizes = [4, 1, 128], strides = [1, 1, 1]} : vector<4x64x128xi32> to vector<4x1x128xi32>
      %concatenate3A_1633 = tpu.concatenate %slice3A_1631, %slice3A_1632 in 1 : vector<4x63x128xi32>, vector<4x1x128xi32> -> vector<4x64x128xi32>
      %slice3A_1634 = vector.extract_strided_slice %select_n3A_1617 {offsets = [0, 63, 0], sizes = [4, 1, 128], strides = [1, 1, 1]} : vector<4x64x128xi32> to vector<4x1x128xi32>
      %slice3A_1635 = vector.extract_strided_slice %select_n3A_1617 {offsets = [0, 0, 0], sizes = [4, 63, 128], strides = [1, 1, 1]} : vector<4x64x128xi32> to vector<4x63x128xi32>
      %concatenate3A_1636 = tpu.concatenate %slice3A_1634, %slice3A_1635 in 1 : vector<4x1x128xi32>, vector<4x63x128xi32> -> vector<4x64x128xi32>
      %select_n3A_1637 = arith.select %eq3A_1623, %concatenate3A_1633, %concatenate3A_1636 : vector<4x64x128xi1>, vector<4x64x128xi32>
      %gt3A_1638 = arith.cmpf ogt, %select_n3A_1630, %select_n3A_1616 : vector<4x64x128xf32>
      %eq3A_1639 = arith.cmpf oeq, %select_n3A_1630, %select_n3A_1616 : vector<4x64x128xf32>
      %lt3A_1640 = arith.cmpi slt, %select_n3A_1637, %select_n3A_1617 : vector<4x64x128xi32>
      %and3A_1641 = arith.andi %eq3A_1639, %lt3A_1640 : vector<4x64x128xi1>
      %or3A_1642 = arith.ori %gt3A_1638, %and3A_1641 : vector<4x64x128xi1>
      %eq3A_1643 = arith.xori %or3A_1642, %eq3A_1623 : vector<4x64x128xi1>
      %eq3A_1644 = arith.constant dense<true> : vector<4x64x128xi1>
      %eq3A_1645 = arith.xori %eq3A_1643, %eq3A_1644 : vector<4x64x128xi1>
      %ne3A_1646 = arith.xori %eq3A_1645, %eq3A_1555 : vector<4x64x128xi1>
      %select_n3A_1647 = arith.select %ne3A_1646, %select_n3A_1630, %select_n3A_1616 : vector<4x64x128xi1>, vector<4x64x128xf32>
      %select_n3A_1648 = arith.select %ne3A_1646, %select_n3A_1637, %select_n3A_1617 : vector<4x64x128xi1>, vector<4x64x128xi32>
      %and3A_1649 = arith.constant 64 : i32
      %and3A_1650 = vector.broadcast %and3A_1649 : i32 to vector<4x64x128xi32>
      %and3A_1651 = arith.andi %add3A_78, %and3A_1650 : vector<4x64x128xi32>
      %eq3A_1652 = arith.constant 0 : i32
      %eq3A_1653 = vector.broadcast %eq3A_1652 : i32 to vector<4x64x128xi32>
      %eq3A_1654 = arith.cmpi eq, %and3A_1651, %eq3A_1653 : vector<4x64x128xi32>
      %slice3A_1655 = vector.extract_strided_slice %select_n3A_1647 {offsets = [0, 0, 64], sizes = [4, 64, 64], strides = [1, 1, 1]} : vector<4x64x128xf32> to vector<4x64x64xf32>
      %slice3A_1656 = vector.extract_strided_slice %select_n3A_1647 {offsets = [0, 0, 0], sizes = [4, 64, 64], strides = [1, 1, 1]} : vector<4x64x128xf32> to vector<4x64x64xf32>
      %concatenate3A_1657 = tpu.concatenate %slice3A_1655, %slice3A_1656 in 2 : vector<4x64x64xf32>, vector<4x64x64xf32> -> vector<4x64x128xf32>
      %slice3A_1658 = vector.extract_strided_slice %select_n3A_1647 {offsets = [0, 0, 64], sizes = [4, 64, 64], strides = [1, 1, 1]} : vector<4x64x128xf32> to vector<4x64x64xf32>
      %slice3A_1659 = vector.extract_strided_slice %select_n3A_1647 {offsets = [0, 0, 0], sizes = [4, 64, 64], strides = [1, 1, 1]} : vector<4x64x128xf32> to vector<4x64x64xf32>
      %concatenate3A_1660 = tpu.concatenate %slice3A_1658, %slice3A_1659 in 2 : vector<4x64x64xf32>, vector<4x64x64xf32> -> vector<4x64x128xf32>
      %select_n3A_1661 = arith.select %eq3A_1654, %concatenate3A_1657, %concatenate3A_1660 : vector<4x64x128xi1>, vector<4x64x128xf32>
      %slice3A_1662 = vector.extract_strided_slice %select_n3A_1648 {offsets = [0, 0, 64], sizes = [4, 64, 64], strides = [1, 1, 1]} : vector<4x64x128xi32> to vector<4x64x64xi32>
      %slice3A_1663 = vector.extract_strided_slice %select_n3A_1648 {offsets = [0, 0, 0], sizes = [4, 64, 64], strides = [1, 1, 1]} : vector<4x64x128xi32> to vector<4x64x64xi32>
      %concatenate3A_1664 = tpu.concatenate %slice3A_1662, %slice3A_1663 in 2 : vector<4x64x64xi32>, vector<4x64x64xi32> -> vector<4x64x128xi32>
      %slice3A_1665 = vector.extract_strided_slice %select_n3A_1648 {offsets = [0, 0, 64], sizes = [4, 64, 64], strides = [1, 1, 1]} : vector<4x64x128xi32> to vector<4x64x64xi32>
      %slice3A_1666 = vector.extract_strided_slice %select_n3A_1648 {offsets = [0, 0, 0], sizes = [4, 64, 64], strides = [1, 1, 1]} : vector<4x64x128xi32> to vector<4x64x64xi32>
      %concatenate3A_1667 = tpu.concatenate %slice3A_1665, %slice3A_1666 in 2 : vector<4x64x64xi32>, vector<4x64x64xi32> -> vector<4x64x128xi32>
      %select_n3A_1668 = arith.select %eq3A_1654, %concatenate3A_1664, %concatenate3A_1667 : vector<4x64x128xi1>, vector<4x64x128xi32>
      %gt3A_1669 = arith.cmpf ogt, %select_n3A_1661, %select_n3A_1647 : vector<4x64x128xf32>
      %eq3A_1670 = arith.cmpf oeq, %select_n3A_1661, %select_n3A_1647 : vector<4x64x128xf32>
      %lt3A_1671 = arith.cmpi slt, %select_n3A_1668, %select_n3A_1648 : vector<4x64x128xi32>
      %and3A_1672 = arith.andi %eq3A_1670, %lt3A_1671 : vector<4x64x128xi1>
      %or3A_1673 = arith.ori %gt3A_1669, %and3A_1672 : vector<4x64x128xi1>
      %eq3A_1674 = arith.xori %or3A_1673, %eq3A_1654 : vector<4x64x128xi1>
      %eq3A_1675 = arith.constant dense<true> : vector<4x64x128xi1>
      %eq3A_1676 = arith.xori %eq3A_1674, %eq3A_1675 : vector<4x64x128xi1>
      %ne3A_1677 = arith.xori %eq3A_1676, %eq3A_1555 : vector<4x64x128xi1>
      %select_n3A_1678 = arith.select %ne3A_1677, %select_n3A_1661, %select_n3A_1647 : vector<4x64x128xi1>, vector<4x64x128xf32>
      %select_n3A_1679 = arith.select %ne3A_1677, %select_n3A_1668, %select_n3A_1648 : vector<4x64x128xi1>, vector<4x64x128xi32>
      %and3A_1680 = arith.constant 32 : i32
      %and3A_1681 = vector.broadcast %and3A_1680 : i32 to vector<4x64x128xi32>
      %and3A_1682 = arith.andi %add3A_78, %and3A_1681 : vector<4x64x128xi32>
      %eq3A_1683 = arith.constant 0 : i32
      %eq3A_1684 = vector.broadcast %eq3A_1683 : i32 to vector<4x64x128xi32>
      %eq3A_1685 = arith.cmpi eq, %and3A_1682, %eq3A_1684 : vector<4x64x128xi32>
      %slice3A_1686 = vector.extract_strided_slice %select_n3A_1678 {offsets = [0, 0, 32], sizes = [4, 64, 96], strides = [1, 1, 1]} : vector<4x64x128xf32> to vector<4x64x96xf32>
      %slice3A_1687 = vector.extract_strided_slice %select_n3A_1678 {offsets = [0, 0, 0], sizes = [4, 64, 32], strides = [1, 1, 1]} : vector<4x64x128xf32> to vector<4x64x32xf32>
      %concatenate3A_1688 = tpu.concatenate %slice3A_1686, %slice3A_1687 in 2 : vector<4x64x96xf32>, vector<4x64x32xf32> -> vector<4x64x128xf32>
      %slice3A_1689 = vector.extract_strided_slice %select_n3A_1678 {offsets = [0, 0, 96], sizes = [4, 64, 32], strides = [1, 1, 1]} : vector<4x64x128xf32> to vector<4x64x32xf32>
      %slice3A_1690 = vector.extract_strided_slice %select_n3A_1678 {offsets = [0, 0, 0], sizes = [4, 64, 96], strides = [1, 1, 1]} : vector<4x64x128xf32> to vector<4x64x96xf32>
      %concatenate3A_1691 = tpu.concatenate %slice3A_1689, %slice3A_1690 in 2 : vector<4x64x32xf32>, vector<4x64x96xf32> -> vector<4x64x128xf32>
      %select_n3A_1692 = arith.select %eq3A_1685, %concatenate3A_1688, %concatenate3A_1691 : vector<4x64x128xi1>, vector<4x64x128xf32>
      %slice3A_1693 = vector.extract_strided_slice %select_n3A_1679 {offsets = [0, 0, 32], sizes = [4, 64, 96], strides = [1, 1, 1]} : vector<4x64x128xi32> to vector<4x64x96xi32>
      %slice3A_1694 = vector.extract_strided_slice %select_n3A_1679 {offsets = [0, 0, 0], sizes = [4, 64, 32], strides = [1, 1, 1]} : vector<4x64x128xi32> to vector<4x64x32xi32>
      %concatenate3A_1695 = tpu.concatenate %slice3A_1693, %slice3A_1694 in 2 : vector<4x64x96xi32>, vector<4x64x32xi32> -> vector<4x64x128xi32>
      %slice3A_1696 = vector.extract_strided_slice %select_n3A_1679 {offsets = [0, 0, 96], sizes = [4, 64, 32], strides = [1, 1, 1]} : vector<4x64x128xi32> to vector<4x64x32xi32>
      %slice3A_1697 = vector.extract_strided_slice %select_n3A_1679 {offsets = [0, 0, 0], sizes = [4, 64, 96], strides = [1, 1, 1]} : vector<4x64x128xi32> to vector<4x64x96xi32>
      %concatenate3A_1698 = tpu.concatenate %slice3A_1696, %slice3A_1697 in 2 : vector<4x64x32xi32>, vector<4x64x96xi32> -> vector<4x64x128xi32>
      %select_n3A_1699 = arith.select %eq3A_1685, %concatenate3A_1695, %concatenate3A_1698 : vector<4x64x128xi1>, vector<4x64x128xi32>
      %gt3A_1700 = arith.cmpf ogt, %select_n3A_1692, %select_n3A_1678 : vector<4x64x128xf32>
      %eq3A_1701 = arith.cmpf oeq, %select_n3A_1692, %select_n3A_1678 : vector<4x64x128xf32>
      %lt3A_1702 = arith.cmpi slt, %select_n3A_1699, %select_n3A_1679 : vector<4x64x128xi32>
      %and3A_1703 = arith.andi %eq3A_1701, %lt3A_1702 : vector<4x64x128xi1>
      %or3A_1704 = arith.ori %gt3A_1700, %and3A_1703 : vector<4x64x128xi1>
      %eq3A_1705 = arith.xori %or3A_1704, %eq3A_1685 : vector<4x64x128xi1>
      %eq3A_1706 = arith.constant dense<true> : vector<4x64x128xi1>
      %eq3A_1707 = arith.xori %eq3A_1705, %eq3A_1706 : vector<4x64x128xi1>
      %ne3A_1708 = arith.xori %eq3A_1707, %eq3A_1555 : vector<4x64x128xi1>
      %select_n3A_1709 = arith.select %ne3A_1708, %select_n3A_1692, %select_n3A_1678 : vector<4x64x128xi1>, vector<4x64x128xf32>
      %select_n3A_1710 = arith.select %ne3A_1708, %select_n3A_1699, %select_n3A_1679 : vector<4x64x128xi1>, vector<4x64x128xi32>
      %and3A_1711 = arith.constant 16 : i32
      %and3A_1712 = vector.broadcast %and3A_1711 : i32 to vector<4x64x128xi32>
      %and3A_1713 = arith.andi %add3A_78, %and3A_1712 : vector<4x64x128xi32>
      %eq3A_1714 = arith.constant 0 : i32
      %eq3A_1715 = vector.broadcast %eq3A_1714 : i32 to vector<4x64x128xi32>
      %eq3A_1716 = arith.cmpi eq, %and3A_1713, %eq3A_1715 : vector<4x64x128xi32>
      %slice3A_1717 = vector.extract_strided_slice %select_n3A_1709 {offsets = [0, 0, 16], sizes = [4, 64, 112], strides = [1, 1, 1]} : vector<4x64x128xf32> to vector<4x64x112xf32>
      %slice3A_1718 = vector.extract_strided_slice %select_n3A_1709 {offsets = [0, 0, 0], sizes = [4, 64, 16], strides = [1, 1, 1]} : vector<4x64x128xf32> to vector<4x64x16xf32>
      %concatenate3A_1719 = tpu.concatenate %slice3A_1717, %slice3A_1718 in 2 : vector<4x64x112xf32>, vector<4x64x16xf32> -> vector<4x64x128xf32>
      %slice3A_1720 = vector.extract_strided_slice %select_n3A_1709 {offsets = [0, 0, 112], sizes = [4, 64, 16], strides = [1, 1, 1]} : vector<4x64x128xf32> to vector<4x64x16xf32>
      %slice3A_1721 = vector.extract_strided_slice %select_n3A_1709 {offsets = [0, 0, 0], sizes = [4, 64, 112], strides = [1, 1, 1]} : vector<4x64x128xf32> to vector<4x64x112xf32>
      %concatenate3A_1722 = tpu.concatenate %slice3A_1720, %slice3A_1721 in 2 : vector<4x64x16xf32>, vector<4x64x112xf32> -> vector<4x64x128xf32>
      %select_n3A_1723 = arith.select %eq3A_1716, %concatenate3A_1719, %concatenate3A_1722 : vector<4x64x128xi1>, vector<4x64x128xf32>
      %slice3A_1724 = vector.extract_strided_slice %select_n3A_1710 {offsets = [0, 0, 16], sizes = [4, 64, 112], strides = [1, 1, 1]} : vector<4x64x128xi32> to vector<4x64x112xi32>
      %slice3A_1725 = vector.extract_strided_slice %select_n3A_1710 {offsets = [0, 0, 0], sizes = [4, 64, 16], strides = [1, 1, 1]} : vector<4x64x128xi32> to vector<4x64x16xi32>
      %concatenate3A_1726 = tpu.concatenate %slice3A_1724, %slice3A_1725 in 2 : vector<4x64x112xi32>, vector<4x64x16xi32> -> vector<4x64x128xi32>
      %slice3A_1727 = vector.extract_strided_slice %select_n3A_1710 {offsets = [0, 0, 112], sizes = [4, 64, 16], strides = [1, 1, 1]} : vector<4x64x128xi32> to vector<4x64x16xi32>
      %slice3A_1728 = vector.extract_strided_slice %select_n3A_1710 {offsets = [0, 0, 0], sizes = [4, 64, 112], strides = [1, 1, 1]} : vector<4x64x128xi32> to vector<4x64x112xi32>
      %concatenate3A_1729 = tpu.concatenate %slice3A_1727, %slice3A_1728 in 2 : vector<4x64x16xi32>, vector<4x64x112xi32> -> vector<4x64x128xi32>
      %select_n3A_1730 = arith.select %eq3A_1716, %concatenate3A_1726, %concatenate3A_1729 : vector<4x64x128xi1>, vector<4x64x128xi32>
      %gt3A_1731 = arith.cmpf ogt, %select_n3A_1723, %select_n3A_1709 : vector<4x64x128xf32>
      %eq3A_1732 = arith.cmpf oeq, %select_n3A_1723, %select_n3A_1709 : vector<4x64x128xf32>
      %lt3A_1733 = arith.cmpi slt, %select_n3A_1730, %select_n3A_1710 : vector<4x64x128xi32>
      %and3A_1734 = arith.andi %eq3A_1732, %lt3A_1733 : vector<4x64x128xi1>
      %or3A_1735 = arith.ori %gt3A_1731, %and3A_1734 : vector<4x64x128xi1>
      %eq3A_1736 = arith.xori %or3A_1735, %eq3A_1716 : vector<4x64x128xi1>
      %eq3A_1737 = arith.constant dense<true> : vector<4x64x128xi1>
      %eq3A_1738 = arith.xori %eq3A_1736, %eq3A_1737 : vector<4x64x128xi1>
      %ne3A_1739 = arith.xori %eq3A_1738, %eq3A_1555 : vector<4x64x128xi1>
      %select_n3A_1740 = arith.select %ne3A_1739, %select_n3A_1723, %select_n3A_1709 : vector<4x64x128xi1>, vector<4x64x128xf32>
      %select_n3A_1741 = arith.select %ne3A_1739, %select_n3A_1730, %select_n3A_1710 : vector<4x64x128xi1>, vector<4x64x128xi32>
      %and3A_1742 = arith.constant 8 : i32
      %and3A_1743 = vector.broadcast %and3A_1742 : i32 to vector<4x64x128xi32>
      %and3A_1744 = arith.andi %add3A_78, %and3A_1743 : vector<4x64x128xi32>
      %eq3A_1745 = arith.constant 0 : i32
      %eq3A_1746 = vector.broadcast %eq3A_1745 : i32 to vector<4x64x128xi32>
      %eq3A_1747 = arith.cmpi eq, %and3A_1744, %eq3A_1746 : vector<4x64x128xi32>
      %slice3A_1748 = vector.extract_strided_slice %select_n3A_1740 {offsets = [0, 0, 8], sizes = [4, 64, 120], strides = [1, 1, 1]} : vector<4x64x128xf32> to vector<4x64x120xf32>
      %slice3A_1749 = vector.extract_strided_slice %select_n3A_1740 {offsets = [0, 0, 0], sizes = [4, 64, 8], strides = [1, 1, 1]} : vector<4x64x128xf32> to vector<4x64x8xf32>
      %concatenate3A_1750 = tpu.concatenate %slice3A_1748, %slice3A_1749 in 2 : vector<4x64x120xf32>, vector<4x64x8xf32> -> vector<4x64x128xf32>
      %slice3A_1751 = vector.extract_strided_slice %select_n3A_1740 {offsets = [0, 0, 120], sizes = [4, 64, 8], strides = [1, 1, 1]} : vector<4x64x128xf32> to vector<4x64x8xf32>
      %slice3A_1752 = vector.extract_strided_slice %select_n3A_1740 {offsets = [0, 0, 0], sizes = [4, 64, 120], strides = [1, 1, 1]} : vector<4x64x128xf32> to vector<4x64x120xf32>
      %concatenate3A_1753 = tpu.concatenate %slice3A_1751, %slice3A_1752 in 2 : vector<4x64x8xf32>, vector<4x64x120xf32> -> vector<4x64x128xf32>
      %select_n3A_1754 = arith.select %eq3A_1747, %concatenate3A_1750, %concatenate3A_1753 : vector<4x64x128xi1>, vector<4x64x128xf32>
      %slice3A_1755 = vector.extract_strided_slice %select_n3A_1741 {offsets = [0, 0, 8], sizes = [4, 64, 120], strides = [1, 1, 1]} : vector<4x64x128xi32> to vector<4x64x120xi32>
      %slice3A_1756 = vector.extract_strided_slice %select_n3A_1741 {offsets = [0, 0, 0], sizes = [4, 64, 8], strides = [1, 1, 1]} : vector<4x64x128xi32> to vector<4x64x8xi32>
      %concatenate3A_1757 = tpu.concatenate %slice3A_1755, %slice3A_1756 in 2 : vector<4x64x120xi32>, vector<4x64x8xi32> -> vector<4x64x128xi32>
      %slice3A_1758 = vector.extract_strided_slice %select_n3A_1741 {offsets = [0, 0, 120], sizes = [4, 64, 8], strides = [1, 1, 1]} : vector<4x64x128xi32> to vector<4x64x8xi32>
      %slice3A_1759 = vector.extract_strided_slice %select_n3A_1741 {offsets = [0, 0, 0], sizes = [4, 64, 120], strides = [1, 1, 1]} : vector<4x64x128xi32> to vector<4x64x120xi32>
      %concatenate3A_1760 = tpu.concatenate %slice3A_1758, %slice3A_1759 in 2 : vector<4x64x8xi32>, vector<4x64x120xi32> -> vector<4x64x128xi32>
      %select_n3A_1761 = arith.select %eq3A_1747, %concatenate3A_1757, %concatenate3A_1760 : vector<4x64x128xi1>, vector<4x64x128xi32>
      %gt3A_1762 = arith.cmpf ogt, %select_n3A_1754, %select_n3A_1740 : vector<4x64x128xf32>
      %eq3A_1763 = arith.cmpf oeq, %select_n3A_1754, %select_n3A_1740 : vector<4x64x128xf32>
      %lt3A_1764 = arith.cmpi slt, %select_n3A_1761, %select_n3A_1741 : vector<4x64x128xi32>
      %and3A_1765 = arith.andi %eq3A_1763, %lt3A_1764 : vector<4x64x128xi1>
      %or3A_1766 = arith.ori %gt3A_1762, %and3A_1765 : vector<4x64x128xi1>
      %eq3A_1767 = arith.xori %or3A_1766, %eq3A_1747 : vector<4x64x128xi1>
      %eq3A_1768 = arith.constant dense<true> : vector<4x64x128xi1>
      %eq3A_1769 = arith.xori %eq3A_1767, %eq3A_1768 : vector<4x64x128xi1>
      %ne3A_1770 = arith.xori %eq3A_1769, %eq3A_1555 : vector<4x64x128xi1>
      %select_n3A_1771 = arith.select %ne3A_1770, %select_n3A_1754, %select_n3A_1740 : vector<4x64x128xi1>, vector<4x64x128xf32>
      %select_n3A_1772 = arith.select %ne3A_1770, %select_n3A_1761, %select_n3A_1741 : vector<4x64x128xi1>, vector<4x64x128xi32>
      %and3A_1773 = arith.constant 4 : i32
      %and3A_1774 = vector.broadcast %and3A_1773 : i32 to vector<4x64x128xi32>
      %and3A_1775 = arith.andi %add3A_78, %and3A_1774 : vector<4x64x128xi32>
      %eq3A_1776 = arith.constant 0 : i32
      %eq3A_1777 = vector.broadcast %eq3A_1776 : i32 to vector<4x64x128xi32>
      %eq3A_1778 = arith.cmpi eq, %and3A_1775, %eq3A_1777 : vector<4x64x128xi32>
      %slice3A_1779 = vector.extract_strided_slice %select_n3A_1771 {offsets = [0, 0, 4], sizes = [4, 64, 124], strides = [1, 1, 1]} : vector<4x64x128xf32> to vector<4x64x124xf32>
      %slice3A_1780 = vector.extract_strided_slice %select_n3A_1771 {offsets = [0, 0, 0], sizes = [4, 64, 4], strides = [1, 1, 1]} : vector<4x64x128xf32> to vector<4x64x4xf32>
      %concatenate3A_1781 = tpu.concatenate %slice3A_1779, %slice3A_1780 in 2 : vector<4x64x124xf32>, vector<4x64x4xf32> -> vector<4x64x128xf32>
      %slice3A_1782 = vector.extract_strided_slice %select_n3A_1771 {offsets = [0, 0, 124], sizes = [4, 64, 4], strides = [1, 1, 1]} : vector<4x64x128xf32> to vector<4x64x4xf32>
      %slice3A_1783 = vector.extract_strided_slice %select_n3A_1771 {offsets = [0, 0, 0], sizes = [4, 64, 124], strides = [1, 1, 1]} : vector<4x64x128xf32> to vector<4x64x124xf32>
      %concatenate3A_1784 = tpu.concatenate %slice3A_1782, %slice3A_1783 in 2 : vector<4x64x4xf32>, vector<4x64x124xf32> -> vector<4x64x128xf32>
      %select_n3A_1785 = arith.select %eq3A_1778, %concatenate3A_1781, %concatenate3A_1784 : vector<4x64x128xi1>, vector<4x64x128xf32>
      %slice3A_1786 = vector.extract_strided_slice %select_n3A_1772 {offsets = [0, 0, 4], sizes = [4, 64, 124], strides = [1, 1, 1]} : vector<4x64x128xi32> to vector<4x64x124xi32>
      %slice3A_1787 = vector.extract_strided_slice %select_n3A_1772 {offsets = [0, 0, 0], sizes = [4, 64, 4], strides = [1, 1, 1]} : vector<4x64x128xi32> to vector<4x64x4xi32>
      %concatenate3A_1788 = tpu.concatenate %slice3A_1786, %slice3A_1787 in 2 : vector<4x64x124xi32>, vector<4x64x4xi32> -> vector<4x64x128xi32>
      %slice3A_1789 = vector.extract_strided_slice %select_n3A_1772 {offsets = [0, 0, 124], sizes = [4, 64, 4], strides = [1, 1, 1]} : vector<4x64x128xi32> to vector<4x64x4xi32>
      %slice3A_1790 = vector.extract_strided_slice %select_n3A_1772 {offsets = [0, 0, 0], sizes = [4, 64, 124], strides = [1, 1, 1]} : vector<4x64x128xi32> to vector<4x64x124xi32>
      %concatenate3A_1791 = tpu.concatenate %slice3A_1789, %slice3A_1790 in 2 : vector<4x64x4xi32>, vector<4x64x124xi32> -> vector<4x64x128xi32>
      %select_n3A_1792 = arith.select %eq3A_1778, %concatenate3A_1788, %concatenate3A_1791 : vector<4x64x128xi1>, vector<4x64x128xi32>
      %gt3A_1793 = arith.cmpf ogt, %select_n3A_1785, %select_n3A_1771 : vector<4x64x128xf32>
      %eq3A_1794 = arith.cmpf oeq, %select_n3A_1785, %select_n3A_1771 : vector<4x64x128xf32>
      %lt3A_1795 = arith.cmpi slt, %select_n3A_1792, %select_n3A_1772 : vector<4x64x128xi32>
      %and3A_1796 = arith.andi %eq3A_1794, %lt3A_1795 : vector<4x64x128xi1>
      %or3A_1797 = arith.ori %gt3A_1793, %and3A_1796 : vector<4x64x128xi1>
      %eq3A_1798 = arith.xori %or3A_1797, %eq3A_1778 : vector<4x64x128xi1>
      %eq3A_1799 = arith.constant dense<true> : vector<4x64x128xi1>
      %eq3A_1800 = arith.xori %eq3A_1798, %eq3A_1799 : vector<4x64x128xi1>
      %ne3A_1801 = arith.xori %eq3A_1800, %eq3A_1555 : vector<4x64x128xi1>
      %select_n3A_1802 = arith.select %ne3A_1801, %select_n3A_1785, %select_n3A_1771 : vector<4x64x128xi1>, vector<4x64x128xf32>
      %select_n3A_1803 = arith.select %ne3A_1801, %select_n3A_1792, %select_n3A_1772 : vector<4x64x128xi1>, vector<4x64x128xi32>
      %and3A_1804 = arith.constant 2 : i32
      %and3A_1805 = vector.broadcast %and3A_1804 : i32 to vector<4x64x128xi32>
      %and3A_1806 = arith.andi %add3A_78, %and3A_1805 : vector<4x64x128xi32>
      %eq3A_1807 = arith.constant 0 : i32
      %eq3A_1808 = vector.broadcast %eq3A_1807 : i32 to vector<4x64x128xi32>
      %eq3A_1809 = arith.cmpi eq, %and3A_1806, %eq3A_1808 : vector<4x64x128xi32>
      %slice3A_1810 = vector.extract_strided_slice %select_n3A_1802 {offsets = [0, 0, 2], sizes = [4, 64, 126], strides = [1, 1, 1]} : vector<4x64x128xf32> to vector<4x64x126xf32>
      %slice3A_1811 = vector.extract_strided_slice %select_n3A_1802 {offsets = [0, 0, 0], sizes = [4, 64, 2], strides = [1, 1, 1]} : vector<4x64x128xf32> to vector<4x64x2xf32>
      %concatenate3A_1812 = tpu.concatenate %slice3A_1810, %slice3A_1811 in 2 : vector<4x64x126xf32>, vector<4x64x2xf32> -> vector<4x64x128xf32>
      %slice3A_1813 = vector.extract_strided_slice %select_n3A_1802 {offsets = [0, 0, 126], sizes = [4, 64, 2], strides = [1, 1, 1]} : vector<4x64x128xf32> to vector<4x64x2xf32>
      %slice3A_1814 = vector.extract_strided_slice %select_n3A_1802 {offsets = [0, 0, 0], sizes = [4, 64, 126], strides = [1, 1, 1]} : vector<4x64x128xf32> to vector<4x64x126xf32>
      %concatenate3A_1815 = tpu.concatenate %slice3A_1813, %slice3A_1814 in 2 : vector<4x64x2xf32>, vector<4x64x126xf32> -> vector<4x64x128xf32>
      %select_n3A_1816 = arith.select %eq3A_1809, %concatenate3A_1812, %concatenate3A_1815 : vector<4x64x128xi1>, vector<4x64x128xf32>
      %slice3A_1817 = vector.extract_strided_slice %select_n3A_1803 {offsets = [0, 0, 2], sizes = [4, 64, 126], strides = [1, 1, 1]} : vector<4x64x128xi32> to vector<4x64x126xi32>
      %slice3A_1818 = vector.extract_strided_slice %select_n3A_1803 {offsets = [0, 0, 0], sizes = [4, 64, 2], strides = [1, 1, 1]} : vector<4x64x128xi32> to vector<4x64x2xi32>
      %concatenate3A_1819 = tpu.concatenate %slice3A_1817, %slice3A_1818 in 2 : vector<4x64x126xi32>, vector<4x64x2xi32> -> vector<4x64x128xi32>
      %slice3A_1820 = vector.extract_strided_slice %select_n3A_1803 {offsets = [0, 0, 126], sizes = [4, 64, 2], strides = [1, 1, 1]} : vector<4x64x128xi32> to vector<4x64x2xi32>
      %slice3A_1821 = vector.extract_strided_slice %select_n3A_1803 {offsets = [0, 0, 0], sizes = [4, 64, 126], strides = [1, 1, 1]} : vector<4x64x128xi32> to vector<4x64x126xi32>
      %concatenate3A_1822 = tpu.concatenate %slice3A_1820, %slice3A_1821 in 2 : vector<4x64x2xi32>, vector<4x64x126xi32> -> vector<4x64x128xi32>
      %select_n3A_1823 = arith.select %eq3A_1809, %concatenate3A_1819, %concatenate3A_1822 : vector<4x64x128xi1>, vector<4x64x128xi32>
      %gt3A_1824 = arith.cmpf ogt, %select_n3A_1816, %select_n3A_1802 : vector<4x64x128xf32>
      %eq3A_1825 = arith.cmpf oeq, %select_n3A_1816, %select_n3A_1802 : vector<4x64x128xf32>
      %lt3A_1826 = arith.cmpi slt, %select_n3A_1823, %select_n3A_1803 : vector<4x64x128xi32>
      %and3A_1827 = arith.andi %eq3A_1825, %lt3A_1826 : vector<4x64x128xi1>
      %or3A_1828 = arith.ori %gt3A_1824, %and3A_1827 : vector<4x64x128xi1>
      %eq3A_1829 = arith.xori %or3A_1828, %eq3A_1809 : vector<4x64x128xi1>
      %eq3A_1830 = arith.constant dense<true> : vector<4x64x128xi1>
      %eq3A_1831 = arith.xori %eq3A_1829, %eq3A_1830 : vector<4x64x128xi1>
      %ne3A_1832 = arith.xori %eq3A_1831, %eq3A_1555 : vector<4x64x128xi1>
      %select_n3A_1833 = arith.select %ne3A_1832, %select_n3A_1816, %select_n3A_1802 : vector<4x64x128xi1>, vector<4x64x128xf32>
      %select_n3A_1834 = arith.select %ne3A_1832, %select_n3A_1823, %select_n3A_1803 : vector<4x64x128xi1>, vector<4x64x128xi32>
      %and3A_1835 = arith.constant 1 : i32
      %and3A_1836 = vector.broadcast %and3A_1835 : i32 to vector<4x64x128xi32>
      %and3A_1837 = arith.andi %add3A_78, %and3A_1836 : vector<4x64x128xi32>
      %eq3A_1838 = arith.constant 0 : i32
      %eq3A_1839 = vector.broadcast %eq3A_1838 : i32 to vector<4x64x128xi32>
      %eq3A_1840 = arith.cmpi eq, %and3A_1837, %eq3A_1839 : vector<4x64x128xi32>
      %slice3A_1841 = vector.extract_strided_slice %select_n3A_1833 {offsets = [0, 0, 1], sizes = [4, 64, 127], strides = [1, 1, 1]} : vector<4x64x128xf32> to vector<4x64x127xf32>
      %slice3A_1842 = vector.extract_strided_slice %select_n3A_1833 {offsets = [0, 0, 0], sizes = [4, 64, 1], strides = [1, 1, 1]} : vector<4x64x128xf32> to vector<4x64x1xf32>
      %concatenate3A_1843 = tpu.concatenate %slice3A_1841, %slice3A_1842 in 2 : vector<4x64x127xf32>, vector<4x64x1xf32> -> vector<4x64x128xf32>
      %slice3A_1844 = vector.extract_strided_slice %select_n3A_1833 {offsets = [0, 0, 127], sizes = [4, 64, 1], strides = [1, 1, 1]} : vector<4x64x128xf32> to vector<4x64x1xf32>
      %slice3A_1845 = vector.extract_strided_slice %select_n3A_1833 {offsets = [0, 0, 0], sizes = [4, 64, 127], strides = [1, 1, 1]} : vector<4x64x128xf32> to vector<4x64x127xf32>
      %concatenate3A_1846 = tpu.concatenate %slice3A_1844, %slice3A_1845 in 2 : vector<4x64x1xf32>, vector<4x64x127xf32> -> vector<4x64x128xf32>
      %select_n3A_1847 = arith.select %eq3A_1840, %concatenate3A_1843, %concatenate3A_1846 : vector<4x64x128xi1>, vector<4x64x128xf32>
      %slice3A_1848 = vector.extract_strided_slice %select_n3A_1834 {offsets = [0, 0, 1], sizes = [4, 64, 127], strides = [1, 1, 1]} : vector<4x64x128xi32> to vector<4x64x127xi32>
      %slice3A_1849 = vector.extract_strided_slice %select_n3A_1834 {offsets = [0, 0, 0], sizes = [4, 64, 1], strides = [1, 1, 1]} : vector<4x64x128xi32> to vector<4x64x1xi32>
      %concatenate3A_1850 = tpu.concatenate %slice3A_1848, %slice3A_1849 in 2 : vector<4x64x127xi32>, vector<4x64x1xi32> -> vector<4x64x128xi32>
      %slice3A_1851 = vector.extract_strided_slice %select_n3A_1834 {offsets = [0, 0, 127], sizes = [4, 64, 1], strides = [1, 1, 1]} : vector<4x64x128xi32> to vector<4x64x1xi32>
      %slice3A_1852 = vector.extract_strided_slice %select_n3A_1834 {offsets = [0, 0, 0], sizes = [4, 64, 127], strides = [1, 1, 1]} : vector<4x64x128xi32> to vector<4x64x127xi32>
      %concatenate3A_1853 = tpu.concatenate %slice3A_1851, %slice3A_1852 in 2 : vector<4x64x1xi32>, vector<4x64x127xi32> -> vector<4x64x128xi32>
      %select_n3A_1854 = arith.select %eq3A_1840, %concatenate3A_1850, %concatenate3A_1853 : vector<4x64x128xi1>, vector<4x64x128xi32>
      %gt3A_1855 = arith.cmpf ogt, %select_n3A_1847, %select_n3A_1833 : vector<4x64x128xf32>
      %eq3A_1856 = arith.cmpf oeq, %select_n3A_1847, %select_n3A_1833 : vector<4x64x128xf32>
      %lt3A_1857 = arith.cmpi slt, %select_n3A_1854, %select_n3A_1834 : vector<4x64x128xi32>
      %and3A_1858 = arith.andi %eq3A_1856, %lt3A_1857 : vector<4x64x128xi1>
      %or3A_1859 = arith.ori %gt3A_1855, %and3A_1858 : vector<4x64x128xi1>
      %eq3A_1860 = arith.xori %or3A_1859, %eq3A_1840 : vector<4x64x128xi1>
      %eq3A_1861 = arith.constant dense<true> : vector<4x64x128xi1>
      %eq3A_1862 = arith.xori %eq3A_1860, %eq3A_1861 : vector<4x64x128xi1>
      %ne3A_1863 = arith.xori %eq3A_1862, %eq3A_1555 : vector<4x64x128xi1>
      %select_n3A_1864 = arith.select %ne3A_1863, %select_n3A_1847, %select_n3A_1833 : vector<4x64x128xi1>, vector<4x64x128xf32>
      %select_n3A_1865 = arith.select %ne3A_1863, %select_n3A_1854, %select_n3A_1834 : vector<4x64x128xi1>, vector<4x64x128xi32>
      %shift_right_arithmetic3A_1866 = arith.constant 11 : i32
      %shift_right_arithmetic3A_1867 = vector.broadcast %shift_right_arithmetic3A_1866 : i32 to vector<4x64x128xi32>
      %shift_right_arithmetic3A_1868 = arith.shrsi %add3A_78, %shift_right_arithmetic3A_1867 : vector<4x64x128xi32>
      %and3A_1869 = arith.constant 1 : i32
      %and3A_1870 = vector.broadcast %and3A_1869 : i32 to vector<4x64x128xi32>
      %and3A_1871 = arith.andi %shift_right_arithmetic3A_1868, %and3A_1870 : vector<4x64x128xi32>
      %eq3A_1872 = arith.constant 1 : i32
      %eq3A_1873 = vector.broadcast %eq3A_1872 : i32 to vector<4x64x128xi32>
      %eq3A_1874 = arith.cmpi eq, %and3A_1871, %eq3A_1873 : vector<4x64x128xi32>
      %and3A_1875 = arith.constant 1024 : i32
      %and3A_1876 = vector.broadcast %and3A_1875 : i32 to vector<4x64x128xi32>
      %and3A_1877 = arith.andi %add3A_78, %and3A_1876 : vector<4x64x128xi32>
      %eq3A_1878 = arith.constant 0 : i32
      %eq3A_1879 = vector.broadcast %eq3A_1878 : i32 to vector<4x64x128xi32>
      %eq3A_1880 = arith.cmpi eq, %and3A_1877, %eq3A_1879 : vector<4x64x128xi32>
      %slice3A_1881 = vector.extract_strided_slice %select_n3A_1864 {offsets = [0, 8, 0], sizes = [4, 56, 128], strides = [1, 1, 1]} : vector<4x64x128xf32> to vector<4x56x128xf32>
      %slice3A_1882 = vector.extract_strided_slice %select_n3A_1864 {offsets = [0, 0, 0], sizes = [4, 8, 128], strides = [1, 1, 1]} : vector<4x64x128xf32> to vector<4x8x128xf32>
      %concatenate3A_1883 = tpu.concatenate %slice3A_1881, %slice3A_1882 in 1 : vector<4x56x128xf32>, vector<4x8x128xf32> -> vector<4x64x128xf32>
      %slice3A_1884 = vector.extract_strided_slice %select_n3A_1864 {offsets = [0, 56, 0], sizes = [4, 8, 128], strides = [1, 1, 1]} : vector<4x64x128xf32> to vector<4x8x128xf32>
      %slice3A_1885 = vector.extract_strided_slice %select_n3A_1864 {offsets = [0, 0, 0], sizes = [4, 56, 128], strides = [1, 1, 1]} : vector<4x64x128xf32> to vector<4x56x128xf32>
      %concatenate3A_1886 = tpu.concatenate %slice3A_1884, %slice3A_1885 in 1 : vector<4x8x128xf32>, vector<4x56x128xf32> -> vector<4x64x128xf32>
      %select_n3A_1887 = arith.select %eq3A_1880, %concatenate3A_1883, %concatenate3A_1886 : vector<4x64x128xi1>, vector<4x64x128xf32>
      %slice3A_1888 = vector.extract_strided_slice %select_n3A_1865 {offsets = [0, 8, 0], sizes = [4, 56, 128], strides = [1, 1, 1]} : vector<4x64x128xi32> to vector<4x56x128xi32>
      %slice3A_1889 = vector.extract_strided_slice %select_n3A_1865 {offsets = [0, 0, 0], sizes = [4, 8, 128], strides = [1, 1, 1]} : vector<4x64x128xi32> to vector<4x8x128xi32>
      %concatenate3A_1890 = tpu.concatenate %slice3A_1888, %slice3A_1889 in 1 : vector<4x56x128xi32>, vector<4x8x128xi32> -> vector<4x64x128xi32>
      %slice3A_1891 = vector.extract_strided_slice %select_n3A_1865 {offsets = [0, 56, 0], sizes = [4, 8, 128], strides = [1, 1, 1]} : vector<4x64x128xi32> to vector<4x8x128xi32>
      %slice3A_1892 = vector.extract_strided_slice %select_n3A_1865 {offsets = [0, 0, 0], sizes = [4, 56, 128], strides = [1, 1, 1]} : vector<4x64x128xi32> to vector<4x56x128xi32>
      %concatenate3A_1893 = tpu.concatenate %slice3A_1891, %slice3A_1892 in 1 : vector<4x8x128xi32>, vector<4x56x128xi32> -> vector<4x64x128xi32>
      %select_n3A_1894 = arith.select %eq3A_1880, %concatenate3A_1890, %concatenate3A_1893 : vector<4x64x128xi1>, vector<4x64x128xi32>
      %gt3A_1895 = arith.cmpf ogt, %select_n3A_1887, %select_n3A_1864 : vector<4x64x128xf32>
      %eq3A_1896 = arith.cmpf oeq, %select_n3A_1887, %select_n3A_1864 : vector<4x64x128xf32>
      %lt3A_1897 = arith.cmpi slt, %select_n3A_1894, %select_n3A_1865 : vector<4x64x128xi32>
      %and3A_1898 = arith.andi %eq3A_1896, %lt3A_1897 : vector<4x64x128xi1>
      %or3A_1899 = arith.ori %gt3A_1895, %and3A_1898 : vector<4x64x128xi1>
      %eq3A_1900 = arith.xori %or3A_1899, %eq3A_1880 : vector<4x64x128xi1>
      %eq3A_1901 = arith.constant dense<true> : vector<4x64x128xi1>
      %eq3A_1902 = arith.xori %eq3A_1900, %eq3A_1901 : vector<4x64x128xi1>
      %ne3A_1903 = arith.xori %eq3A_1902, %eq3A_1874 : vector<4x64x128xi1>
      %select_n3A_1904 = arith.select %ne3A_1903, %select_n3A_1887, %select_n3A_1864 : vector<4x64x128xi1>, vector<4x64x128xf32>
      %select_n3A_1905 = arith.select %ne3A_1903, %select_n3A_1894, %select_n3A_1865 : vector<4x64x128xi1>, vector<4x64x128xi32>
      %and3A_1906 = arith.constant 512 : i32
      %and3A_1907 = vector.broadcast %and3A_1906 : i32 to vector<4x64x128xi32>
      %and3A_1908 = arith.andi %add3A_78, %and3A_1907 : vector<4x64x128xi32>
      %eq3A_1909 = arith.constant 0 : i32
      %eq3A_1910 = vector.broadcast %eq3A_1909 : i32 to vector<4x64x128xi32>
      %eq3A_1911 = arith.cmpi eq, %and3A_1908, %eq3A_1910 : vector<4x64x128xi32>
      %slice3A_1912 = vector.extract_strided_slice %select_n3A_1904 {offsets = [0, 4, 0], sizes = [4, 60, 128], strides = [1, 1, 1]} : vector<4x64x128xf32> to vector<4x60x128xf32>
      %slice3A_1913 = vector.extract_strided_slice %select_n3A_1904 {offsets = [0, 0, 0], sizes = [4, 4, 128], strides = [1, 1, 1]} : vector<4x64x128xf32> to vector<4x4x128xf32>
      %concatenate3A_1914 = tpu.concatenate %slice3A_1912, %slice3A_1913 in 1 : vector<4x60x128xf32>, vector<4x4x128xf32> -> vector<4x64x128xf32>
      %slice3A_1915 = vector.extract_strided_slice %select_n3A_1904 {offsets = [0, 60, 0], sizes = [4, 4, 128], strides = [1, 1, 1]} : vector<4x64x128xf32> to vector<4x4x128xf32>
      %slice3A_1916 = vector.extract_strided_slice %select_n3A_1904 {offsets = [0, 0, 0], sizes = [4, 60, 128], strides = [1, 1, 1]} : vector<4x64x128xf32> to vector<4x60x128xf32>
      %concatenate3A_1917 = tpu.concatenate %slice3A_1915, %slice3A_1916 in 1 : vector<4x4x128xf32>, vector<4x60x128xf32> -> vector<4x64x128xf32>
      %select_n3A_1918 = arith.select %eq3A_1911, %concatenate3A_1914, %concatenate3A_1917 : vector<4x64x128xi1>, vector<4x64x128xf32>
      %slice3A_1919 = vector.extract_strided_slice %select_n3A_1905 {offsets = [0, 4, 0], sizes = [4, 60, 128], strides = [1, 1, 1]} : vector<4x64x128xi32> to vector<4x60x128xi32>
      %slice3A_1920 = vector.extract_strided_slice %select_n3A_1905 {offsets = [0, 0, 0], sizes = [4, 4, 128], strides = [1, 1, 1]} : vector<4x64x128xi32> to vector<4x4x128xi32>
      %concatenate3A_1921 = tpu.concatenate %slice3A_1919, %slice3A_1920 in 1 : vector<4x60x128xi32>, vector<4x4x128xi32> -> vector<4x64x128xi32>
      %slice3A_1922 = vector.extract_strided_slice %select_n3A_1905 {offsets = [0, 60, 0], sizes = [4, 4, 128], strides = [1, 1, 1]} : vector<4x64x128xi32> to vector<4x4x128xi32>
      %slice3A_1923 = vector.extract_strided_slice %select_n3A_1905 {offsets = [0, 0, 0], sizes = [4, 60, 128], strides = [1, 1, 1]} : vector<4x64x128xi32> to vector<4x60x128xi32>
      %concatenate3A_1924 = tpu.concatenate %slice3A_1922, %slice3A_1923 in 1 : vector<4x4x128xi32>, vector<4x60x128xi32> -> vector<4x64x128xi32>
      %select_n3A_1925 = arith.select %eq3A_1911, %concatenate3A_1921, %concatenate3A_1924 : vector<4x64x128xi1>, vector<4x64x128xi32>
      %gt3A_1926 = arith.cmpf ogt, %select_n3A_1918, %select_n3A_1904 : vector<4x64x128xf32>
      %eq3A_1927 = arith.cmpf oeq, %select_n3A_1918, %select_n3A_1904 : vector<4x64x128xf32>
      %lt3A_1928 = arith.cmpi slt, %select_n3A_1925, %select_n3A_1905 : vector<4x64x128xi32>
      %and3A_1929 = arith.andi %eq3A_1927, %lt3A_1928 : vector<4x64x128xi1>
      %or3A_1930 = arith.ori %gt3A_1926, %and3A_1929 : vector<4x64x128xi1>
      %eq3A_1931 = arith.xori %or3A_1930, %eq3A_1911 : vector<4x64x128xi1>
      %eq3A_1932 = arith.constant dense<true> : vector<4x64x128xi1>
      %eq3A_1933 = arith.xori %eq3A_1931, %eq3A_1932 : vector<4x64x128xi1>
      %ne3A_1934 = arith.xori %eq3A_1933, %eq3A_1874 : vector<4x64x128xi1>
      %select_n3A_1935 = arith.select %ne3A_1934, %select_n3A_1918, %select_n3A_1904 : vector<4x64x128xi1>, vector<4x64x128xf32>
      %select_n3A_1936 = arith.select %ne3A_1934, %select_n3A_1925, %select_n3A_1905 : vector<4x64x128xi1>, vector<4x64x128xi32>
      %and3A_1937 = arith.constant 256 : i32
      %and3A_1938 = vector.broadcast %and3A_1937 : i32 to vector<4x64x128xi32>
      %and3A_1939 = arith.andi %add3A_78, %and3A_1938 : vector<4x64x128xi32>
      %eq3A_1940 = arith.constant 0 : i32
      %eq3A_1941 = vector.broadcast %eq3A_1940 : i32 to vector<4x64x128xi32>
      %eq3A_1942 = arith.cmpi eq, %and3A_1939, %eq3A_1941 : vector<4x64x128xi32>
      %slice3A_1943 = vector.extract_strided_slice %select_n3A_1935 {offsets = [0, 2, 0], sizes = [4, 62, 128], strides = [1, 1, 1]} : vector<4x64x128xf32> to vector<4x62x128xf32>
      %slice3A_1944 = vector.extract_strided_slice %select_n3A_1935 {offsets = [0, 0, 0], sizes = [4, 2, 128], strides = [1, 1, 1]} : vector<4x64x128xf32> to vector<4x2x128xf32>
      %concatenate3A_1945 = tpu.concatenate %slice3A_1943, %slice3A_1944 in 1 : vector<4x62x128xf32>, vector<4x2x128xf32> -> vector<4x64x128xf32>
      %slice3A_1946 = vector.extract_strided_slice %select_n3A_1935 {offsets = [0, 62, 0], sizes = [4, 2, 128], strides = [1, 1, 1]} : vector<4x64x128xf32> to vector<4x2x128xf32>
      %slice3A_1947 = vector.extract_strided_slice %select_n3A_1935 {offsets = [0, 0, 0], sizes = [4, 62, 128], strides = [1, 1, 1]} : vector<4x64x128xf32> to vector<4x62x128xf32>
      %concatenate3A_1948 = tpu.concatenate %slice3A_1946, %slice3A_1947 in 1 : vector<4x2x128xf32>, vector<4x62x128xf32> -> vector<4x64x128xf32>
      %select_n3A_1949 = arith.select %eq3A_1942, %concatenate3A_1945, %concatenate3A_1948 : vector<4x64x128xi1>, vector<4x64x128xf32>
      %slice3A_1950 = vector.extract_strided_slice %select_n3A_1936 {offsets = [0, 2, 0], sizes = [4, 62, 128], strides = [1, 1, 1]} : vector<4x64x128xi32> to vector<4x62x128xi32>
      %slice3A_1951 = vector.extract_strided_slice %select_n3A_1936 {offsets = [0, 0, 0], sizes = [4, 2, 128], strides = [1, 1, 1]} : vector<4x64x128xi32> to vector<4x2x128xi32>
      %concatenate3A_1952 = tpu.concatenate %slice3A_1950, %slice3A_1951 in 1 : vector<4x62x128xi32>, vector<4x2x128xi32> -> vector<4x64x128xi32>
      %slice3A_1953 = vector.extract_strided_slice %select_n3A_1936 {offsets = [0, 62, 0], sizes = [4, 2, 128], strides = [1, 1, 1]} : vector<4x64x128xi32> to vector<4x2x128xi32>
      %slice3A_1954 = vector.extract_strided_slice %select_n3A_1936 {offsets = [0, 0, 0], sizes = [4, 62, 128], strides = [1, 1, 1]} : vector<4x64x128xi32> to vector<4x62x128xi32>
      %concatenate3A_1955 = tpu.concatenate %slice3A_1953, %slice3A_1954 in 1 : vector<4x2x128xi32>, vector<4x62x128xi32> -> vector<4x64x128xi32>
      %select_n3A_1956 = arith.select %eq3A_1942, %concatenate3A_1952, %concatenate3A_1955 : vector<4x64x128xi1>, vector<4x64x128xi32>
      %gt3A_1957 = arith.cmpf ogt, %select_n3A_1949, %select_n3A_1935 : vector<4x64x128xf32>
      %eq3A_1958 = arith.cmpf oeq, %select_n3A_1949, %select_n3A_1935 : vector<4x64x128xf32>
      %lt3A_1959 = arith.cmpi slt, %select_n3A_1956, %select_n3A_1936 : vector<4x64x128xi32>
      %and3A_1960 = arith.andi %eq3A_1958, %lt3A_1959 : vector<4x64x128xi1>
      %or3A_1961 = arith.ori %gt3A_1957, %and3A_1960 : vector<4x64x128xi1>
      %eq3A_1962 = arith.xori %or3A_1961, %eq3A_1942 : vector<4x64x128xi1>
      %eq3A_1963 = arith.constant dense<true> : vector<4x64x128xi1>
      %eq3A_1964 = arith.xori %eq3A_1962, %eq3A_1963 : vector<4x64x128xi1>
      %ne3A_1965 = arith.xori %eq3A_1964, %eq3A_1874 : vector<4x64x128xi1>
      %select_n3A_1966 = arith.select %ne3A_1965, %select_n3A_1949, %select_n3A_1935 : vector<4x64x128xi1>, vector<4x64x128xf32>
      %select_n3A_1967 = arith.select %ne3A_1965, %select_n3A_1956, %select_n3A_1936 : vector<4x64x128xi1>, vector<4x64x128xi32>
      %and3A_1968 = arith.constant 128 : i32
      %and3A_1969 = vector.broadcast %and3A_1968 : i32 to vector<4x64x128xi32>
      %and3A_1970 = arith.andi %add3A_78, %and3A_1969 : vector<4x64x128xi32>
      %eq3A_1971 = arith.constant 0 : i32
      %eq3A_1972 = vector.broadcast %eq3A_1971 : i32 to vector<4x64x128xi32>
      %eq3A_1973 = arith.cmpi eq, %and3A_1970, %eq3A_1972 : vector<4x64x128xi32>
      %slice3A_1974 = vector.extract_strided_slice %select_n3A_1966 {offsets = [0, 1, 0], sizes = [4, 63, 128], strides = [1, 1, 1]} : vector<4x64x128xf32> to vector<4x63x128xf32>
      %slice3A_1975 = vector.extract_strided_slice %select_n3A_1966 {offsets = [0, 0, 0], sizes = [4, 1, 128], strides = [1, 1, 1]} : vector<4x64x128xf32> to vector<4x1x128xf32>
      %concatenate3A_1976 = tpu.concatenate %slice3A_1974, %slice3A_1975 in 1 : vector<4x63x128xf32>, vector<4x1x128xf32> -> vector<4x64x128xf32>
      %slice3A_1977 = vector.extract_strided_slice %select_n3A_1966 {offsets = [0, 63, 0], sizes = [4, 1, 128], strides = [1, 1, 1]} : vector<4x64x128xf32> to vector<4x1x128xf32>
      %slice3A_1978 = vector.extract_strided_slice %select_n3A_1966 {offsets = [0, 0, 0], sizes = [4, 63, 128], strides = [1, 1, 1]} : vector<4x64x128xf32> to vector<4x63x128xf32>
      %concatenate3A_1979 = tpu.concatenate %slice3A_1977, %slice3A_1978 in 1 : vector<4x1x128xf32>, vector<4x63x128xf32> -> vector<4x64x128xf32>
      %select_n3A_1980 = arith.select %eq3A_1973, %concatenate3A_1976, %concatenate3A_1979 : vector<4x64x128xi1>, vector<4x64x128xf32>
      %slice3A_1981 = vector.extract_strided_slice %select_n3A_1967 {offsets = [0, 1, 0], sizes = [4, 63, 128], strides = [1, 1, 1]} : vector<4x64x128xi32> to vector<4x63x128xi32>
      %slice3A_1982 = vector.extract_strided_slice %select_n3A_1967 {offsets = [0, 0, 0], sizes = [4, 1, 128], strides = [1, 1, 1]} : vector<4x64x128xi32> to vector<4x1x128xi32>
      %concatenate3A_1983 = tpu.concatenate %slice3A_1981, %slice3A_1982 in 1 : vector<4x63x128xi32>, vector<4x1x128xi32> -> vector<4x64x128xi32>
      %slice3A_1984 = vector.extract_strided_slice %select_n3A_1967 {offsets = [0, 63, 0], sizes = [4, 1, 128], strides = [1, 1, 1]} : vector<4x64x128xi32> to vector<4x1x128xi32>
      %slice3A_1985 = vector.extract_strided_slice %select_n3A_1967 {offsets = [0, 0, 0], sizes = [4, 63, 128], strides = [1, 1, 1]} : vector<4x64x128xi32> to vector<4x63x128xi32>
      %concatenate3A_1986 = tpu.concatenate %slice3A_1984, %slice3A_1985 in 1 : vector<4x1x128xi32>, vector<4x63x128xi32> -> vector<4x64x128xi32>
      %select_n3A_1987 = arith.select %eq3A_1973, %concatenate3A_1983, %concatenate3A_1986 : vector<4x64x128xi1>, vector<4x64x128xi32>
      %gt3A_1988 = arith.cmpf ogt, %select_n3A_1980, %select_n3A_1966 : vector<4x64x128xf32>
      %eq3A_1989 = arith.cmpf oeq, %select_n3A_1980, %select_n3A_1966 : vector<4x64x128xf32>
      %lt3A_1990 = arith.cmpi slt, %select_n3A_1987, %select_n3A_1967 : vector<4x64x128xi32>
      %and3A_1991 = arith.andi %eq3A_1989, %lt3A_1990 : vector<4x64x128xi1>
      %or3A_1992 = arith.ori %gt3A_1988, %and3A_1991 : vector<4x64x128xi1>
      %eq3A_1993 = arith.xori %or3A_1992, %eq3A_1973 : vector<4x64x128xi1>
      %eq3A_1994 = arith.constant dense<true> : vector<4x64x128xi1>
      %eq3A_1995 = arith.xori %eq3A_1993, %eq3A_1994 : vector<4x64x128xi1>
      %ne3A_1996 = arith.xori %eq3A_1995, %eq3A_1874 : vector<4x64x128xi1>
      %select_n3A_1997 = arith.select %ne3A_1996, %select_n3A_1980, %select_n3A_1966 : vector<4x64x128xi1>, vector<4x64x128xf32>
      %select_n3A_1998 = arith.select %ne3A_1996, %select_n3A_1987, %select_n3A_1967 : vector<4x64x128xi1>, vector<4x64x128xi32>
      %and3A_1999 = arith.constant 64 : i32
      %and3A_2000 = vector.broadcast %and3A_1999 : i32 to vector<4x64x128xi32>
      %and3A_2001 = arith.andi %add3A_78, %and3A_2000 : vector<4x64x128xi32>
      %eq3A_2002 = arith.constant 0 : i32
      %eq3A_2003 = vector.broadcast %eq3A_2002 : i32 to vector<4x64x128xi32>
      %eq3A_2004 = arith.cmpi eq, %and3A_2001, %eq3A_2003 : vector<4x64x128xi32>
      %slice3A_2005 = vector.extract_strided_slice %select_n3A_1997 {offsets = [0, 0, 64], sizes = [4, 64, 64], strides = [1, 1, 1]} : vector<4x64x128xf32> to vector<4x64x64xf32>
      %slice3A_2006 = vector.extract_strided_slice %select_n3A_1997 {offsets = [0, 0, 0], sizes = [4, 64, 64], strides = [1, 1, 1]} : vector<4x64x128xf32> to vector<4x64x64xf32>
      %concatenate3A_2007 = tpu.concatenate %slice3A_2005, %slice3A_2006 in 2 : vector<4x64x64xf32>, vector<4x64x64xf32> -> vector<4x64x128xf32>
      %slice3A_2008 = vector.extract_strided_slice %select_n3A_1997 {offsets = [0, 0, 64], sizes = [4, 64, 64], strides = [1, 1, 1]} : vector<4x64x128xf32> to vector<4x64x64xf32>
      %slice3A_2009 = vector.extract_strided_slice %select_n3A_1997 {offsets = [0, 0, 0], sizes = [4, 64, 64], strides = [1, 1, 1]} : vector<4x64x128xf32> to vector<4x64x64xf32>
      %concatenate3A_2010 = tpu.concatenate %slice3A_2008, %slice3A_2009 in 2 : vector<4x64x64xf32>, vector<4x64x64xf32> -> vector<4x64x128xf32>
      %select_n3A_2011 = arith.select %eq3A_2004, %concatenate3A_2007, %concatenate3A_2010 : vector<4x64x128xi1>, vector<4x64x128xf32>
      %slice3A_2012 = vector.extract_strided_slice %select_n3A_1998 {offsets = [0, 0, 64], sizes = [4, 64, 64], strides = [1, 1, 1]} : vector<4x64x128xi32> to vector<4x64x64xi32>
      %slice3A_2013 = vector.extract_strided_slice %select_n3A_1998 {offsets = [0, 0, 0], sizes = [4, 64, 64], strides = [1, 1, 1]} : vector<4x64x128xi32> to vector<4x64x64xi32>
      %concatenate3A_2014 = tpu.concatenate %slice3A_2012, %slice3A_2013 in 2 : vector<4x64x64xi32>, vector<4x64x64xi32> -> vector<4x64x128xi32>
      %slice3A_2015 = vector.extract_strided_slice %select_n3A_1998 {offsets = [0, 0, 64], sizes = [4, 64, 64], strides = [1, 1, 1]} : vector<4x64x128xi32> to vector<4x64x64xi32>
      %slice3A_2016 = vector.extract_strided_slice %select_n3A_1998 {offsets = [0, 0, 0], sizes = [4, 64, 64], strides = [1, 1, 1]} : vector<4x64x128xi32> to vector<4x64x64xi32>
      %concatenate3A_2017 = tpu.concatenate %slice3A_2015, %slice3A_2016 in 2 : vector<4x64x64xi32>, vector<4x64x64xi32> -> vector<4x64x128xi32>
      %select_n3A_2018 = arith.select %eq3A_2004, %concatenate3A_2014, %concatenate3A_2017 : vector<4x64x128xi1>, vector<4x64x128xi32>
      %gt3A_2019 = arith.cmpf ogt, %select_n3A_2011, %select_n3A_1997 : vector<4x64x128xf32>
      %eq3A_2020 = arith.cmpf oeq, %select_n3A_2011, %select_n3A_1997 : vector<4x64x128xf32>
      %lt3A_2021 = arith.cmpi slt, %select_n3A_2018, %select_n3A_1998 : vector<4x64x128xi32>
      %and3A_2022 = arith.andi %eq3A_2020, %lt3A_2021 : vector<4x64x128xi1>
      %or3A_2023 = arith.ori %gt3A_2019, %and3A_2022 : vector<4x64x128xi1>
      %eq3A_2024 = arith.xori %or3A_2023, %eq3A_2004 : vector<4x64x128xi1>
      %eq3A_2025 = arith.constant dense<true> : vector<4x64x128xi1>
      %eq3A_2026 = arith.xori %eq3A_2024, %eq3A_2025 : vector<4x64x128xi1>
      %ne3A_2027 = arith.xori %eq3A_2026, %eq3A_1874 : vector<4x64x128xi1>
      %select_n3A_2028 = arith.select %ne3A_2027, %select_n3A_2011, %select_n3A_1997 : vector<4x64x128xi1>, vector<4x64x128xf32>
      %select_n3A_2029 = arith.select %ne3A_2027, %select_n3A_2018, %select_n3A_1998 : vector<4x64x128xi1>, vector<4x64x128xi32>
      %and3A_2030 = arith.constant 32 : i32
      %and3A_2031 = vector.broadcast %and3A_2030 : i32 to vector<4x64x128xi32>
      %and3A_2032 = arith.andi %add3A_78, %and3A_2031 : vector<4x64x128xi32>
      %eq3A_2033 = arith.constant 0 : i32
      %eq3A_2034 = vector.broadcast %eq3A_2033 : i32 to vector<4x64x128xi32>
      %eq3A_2035 = arith.cmpi eq, %and3A_2032, %eq3A_2034 : vector<4x64x128xi32>
      %slice3A_2036 = vector.extract_strided_slice %select_n3A_2028 {offsets = [0, 0, 32], sizes = [4, 64, 96], strides = [1, 1, 1]} : vector<4x64x128xf32> to vector<4x64x96xf32>
      %slice3A_2037 = vector.extract_strided_slice %select_n3A_2028 {offsets = [0, 0, 0], sizes = [4, 64, 32], strides = [1, 1, 1]} : vector<4x64x128xf32> to vector<4x64x32xf32>
      %concatenate3A_2038 = tpu.concatenate %slice3A_2036, %slice3A_2037 in 2 : vector<4x64x96xf32>, vector<4x64x32xf32> -> vector<4x64x128xf32>
      %slice3A_2039 = vector.extract_strided_slice %select_n3A_2028 {offsets = [0, 0, 96], sizes = [4, 64, 32], strides = [1, 1, 1]} : vector<4x64x128xf32> to vector<4x64x32xf32>
      %slice3A_2040 = vector.extract_strided_slice %select_n3A_2028 {offsets = [0, 0, 0], sizes = [4, 64, 96], strides = [1, 1, 1]} : vector<4x64x128xf32> to vector<4x64x96xf32>
      %concatenate3A_2041 = tpu.concatenate %slice3A_2039, %slice3A_2040 in 2 : vector<4x64x32xf32>, vector<4x64x96xf32> -> vector<4x64x128xf32>
      %select_n3A_2042 = arith.select %eq3A_2035, %concatenate3A_2038, %concatenate3A_2041 : vector<4x64x128xi1>, vector<4x64x128xf32>
      %slice3A_2043 = vector.extract_strided_slice %select_n3A_2029 {offsets = [0, 0, 32], sizes = [4, 64, 96], strides = [1, 1, 1]} : vector<4x64x128xi32> to vector<4x64x96xi32>
      %slice3A_2044 = vector.extract_strided_slice %select_n3A_2029 {offsets = [0, 0, 0], sizes = [4, 64, 32], strides = [1, 1, 1]} : vector<4x64x128xi32> to vector<4x64x32xi32>
      %concatenate3A_2045 = tpu.concatenate %slice3A_2043, %slice3A_2044 in 2 : vector<4x64x96xi32>, vector<4x64x32xi32> -> vector<4x64x128xi32>
      %slice3A_2046 = vector.extract_strided_slice %select_n3A_2029 {offsets = [0, 0, 96], sizes = [4, 64, 32], strides = [1, 1, 1]} : vector<4x64x128xi32> to vector<4x64x32xi32>
      %slice3A_2047 = vector.extract_strided_slice %select_n3A_2029 {offsets = [0, 0, 0], sizes = [4, 64, 96], strides = [1, 1, 1]} : vector<4x64x128xi32> to vector<4x64x96xi32>
      %concatenate3A_2048 = tpu.concatenate %slice3A_2046, %slice3A_2047 in 2 : vector<4x64x32xi32>, vector<4x64x96xi32> -> vector<4x64x128xi32>
      %select_n3A_2049 = arith.select %eq3A_2035, %concatenate3A_2045, %concatenate3A_2048 : vector<4x64x128xi1>, vector<4x64x128xi32>
      %gt3A_2050 = arith.cmpf ogt, %select_n3A_2042, %select_n3A_2028 : vector<4x64x128xf32>
      %eq3A_2051 = arith.cmpf oeq, %select_n3A_2042, %select_n3A_2028 : vector<4x64x128xf32>
      %lt3A_2052 = arith.cmpi slt, %select_n3A_2049, %select_n3A_2029 : vector<4x64x128xi32>
      %and3A_2053 = arith.andi %eq3A_2051, %lt3A_2052 : vector<4x64x128xi1>
      %or3A_2054 = arith.ori %gt3A_2050, %and3A_2053 : vector<4x64x128xi1>
      %eq3A_2055 = arith.xori %or3A_2054, %eq3A_2035 : vector<4x64x128xi1>
      %eq3A_2056 = arith.constant dense<true> : vector<4x64x128xi1>
      %eq3A_2057 = arith.xori %eq3A_2055, %eq3A_2056 : vector<4x64x128xi1>
      %ne3A_2058 = arith.xori %eq3A_2057, %eq3A_1874 : vector<4x64x128xi1>
      %select_n3A_2059 = arith.select %ne3A_2058, %select_n3A_2042, %select_n3A_2028 : vector<4x64x128xi1>, vector<4x64x128xf32>
      %select_n3A_2060 = arith.select %ne3A_2058, %select_n3A_2049, %select_n3A_2029 : vector<4x64x128xi1>, vector<4x64x128xi32>
      %and3A_2061 = arith.constant 16 : i32
      %and3A_2062 = vector.broadcast %and3A_2061 : i32 to vector<4x64x128xi32>
      %and3A_2063 = arith.andi %add3A_78, %and3A_2062 : vector<4x64x128xi32>
      %eq3A_2064 = arith.constant 0 : i32
      %eq3A_2065 = vector.broadcast %eq3A_2064 : i32 to vector<4x64x128xi32>
      %eq3A_2066 = arith.cmpi eq, %and3A_2063, %eq3A_2065 : vector<4x64x128xi32>
      %slice3A_2067 = vector.extract_strided_slice %select_n3A_2059 {offsets = [0, 0, 16], sizes = [4, 64, 112], strides = [1, 1, 1]} : vector<4x64x128xf32> to vector<4x64x112xf32>
      %slice3A_2068 = vector.extract_strided_slice %select_n3A_2059 {offsets = [0, 0, 0], sizes = [4, 64, 16], strides = [1, 1, 1]} : vector<4x64x128xf32> to vector<4x64x16xf32>
      %concatenate3A_2069 = tpu.concatenate %slice3A_2067, %slice3A_2068 in 2 : vector<4x64x112xf32>, vector<4x64x16xf32> -> vector<4x64x128xf32>
      %slice3A_2070 = vector.extract_strided_slice %select_n3A_2059 {offsets = [0, 0, 112], sizes = [4, 64, 16], strides = [1, 1, 1]} : vector<4x64x128xf32> to vector<4x64x16xf32>
      %slice3A_2071 = vector.extract_strided_slice %select_n3A_2059 {offsets = [0, 0, 0], sizes = [4, 64, 112], strides = [1, 1, 1]} : vector<4x64x128xf32> to vector<4x64x112xf32>
      %concatenate3A_2072 = tpu.concatenate %slice3A_2070, %slice3A_2071 in 2 : vector<4x64x16xf32>, vector<4x64x112xf32> -> vector<4x64x128xf32>
      %select_n3A_2073 = arith.select %eq3A_2066, %concatenate3A_2069, %concatenate3A_2072 : vector<4x64x128xi1>, vector<4x64x128xf32>
      %slice3A_2074 = vector.extract_strided_slice %select_n3A_2060 {offsets = [0, 0, 16], sizes = [4, 64, 112], strides = [1, 1, 1]} : vector<4x64x128xi32> to vector<4x64x112xi32>
      %slice3A_2075 = vector.extract_strided_slice %select_n3A_2060 {offsets = [0, 0, 0], sizes = [4, 64, 16], strides = [1, 1, 1]} : vector<4x64x128xi32> to vector<4x64x16xi32>
      %concatenate3A_2076 = tpu.concatenate %slice3A_2074, %slice3A_2075 in 2 : vector<4x64x112xi32>, vector<4x64x16xi32> -> vector<4x64x128xi32>
      %slice3A_2077 = vector.extract_strided_slice %select_n3A_2060 {offsets = [0, 0, 112], sizes = [4, 64, 16], strides = [1, 1, 1]} : vector<4x64x128xi32> to vector<4x64x16xi32>
      %slice3A_2078 = vector.extract_strided_slice %select_n3A_2060 {offsets = [0, 0, 0], sizes = [4, 64, 112], strides = [1, 1, 1]} : vector<4x64x128xi32> to vector<4x64x112xi32>
      %concatenate3A_2079 = tpu.concatenate %slice3A_2077, %slice3A_2078 in 2 : vector<4x64x16xi32>, vector<4x64x112xi32> -> vector<4x64x128xi32>
      %select_n3A_2080 = arith.select %eq3A_2066, %concatenate3A_2076, %concatenate3A_2079 : vector<4x64x128xi1>, vector<4x64x128xi32>
      %gt3A_2081 = arith.cmpf ogt, %select_n3A_2073, %select_n3A_2059 : vector<4x64x128xf32>
      %eq3A_2082 = arith.cmpf oeq, %select_n3A_2073, %select_n3A_2059 : vector<4x64x128xf32>
      %lt3A_2083 = arith.cmpi slt, %select_n3A_2080, %select_n3A_2060 : vector<4x64x128xi32>
      %and3A_2084 = arith.andi %eq3A_2082, %lt3A_2083 : vector<4x64x128xi1>
      %or3A_2085 = arith.ori %gt3A_2081, %and3A_2084 : vector<4x64x128xi1>
      %eq3A_2086 = arith.xori %or3A_2085, %eq3A_2066 : vector<4x64x128xi1>
      %eq3A_2087 = arith.constant dense<true> : vector<4x64x128xi1>
      %eq3A_2088 = arith.xori %eq3A_2086, %eq3A_2087 : vector<4x64x128xi1>
      %ne3A_2089 = arith.xori %eq3A_2088, %eq3A_1874 : vector<4x64x128xi1>
      %select_n3A_2090 = arith.select %ne3A_2089, %select_n3A_2073, %select_n3A_2059 : vector<4x64x128xi1>, vector<4x64x128xf32>
      %select_n3A_2091 = arith.select %ne3A_2089, %select_n3A_2080, %select_n3A_2060 : vector<4x64x128xi1>, vector<4x64x128xi32>
      %and3A_2092 = arith.constant 8 : i32
      %and3A_2093 = vector.broadcast %and3A_2092 : i32 to vector<4x64x128xi32>
      %and3A_2094 = arith.andi %add3A_78, %and3A_2093 : vector<4x64x128xi32>
      %eq3A_2095 = arith.constant 0 : i32
      %eq3A_2096 = vector.broadcast %eq3A_2095 : i32 to vector<4x64x128xi32>
      %eq3A_2097 = arith.cmpi eq, %and3A_2094, %eq3A_2096 : vector<4x64x128xi32>
      %slice3A_2098 = vector.extract_strided_slice %select_n3A_2090 {offsets = [0, 0, 8], sizes = [4, 64, 120], strides = [1, 1, 1]} : vector<4x64x128xf32> to vector<4x64x120xf32>
      %slice3A_2099 = vector.extract_strided_slice %select_n3A_2090 {offsets = [0, 0, 0], sizes = [4, 64, 8], strides = [1, 1, 1]} : vector<4x64x128xf32> to vector<4x64x8xf32>
      %concatenate3A_2100 = tpu.concatenate %slice3A_2098, %slice3A_2099 in 2 : vector<4x64x120xf32>, vector<4x64x8xf32> -> vector<4x64x128xf32>
      %slice3A_2101 = vector.extract_strided_slice %select_n3A_2090 {offsets = [0, 0, 120], sizes = [4, 64, 8], strides = [1, 1, 1]} : vector<4x64x128xf32> to vector<4x64x8xf32>
      %slice3A_2102 = vector.extract_strided_slice %select_n3A_2090 {offsets = [0, 0, 0], sizes = [4, 64, 120], strides = [1, 1, 1]} : vector<4x64x128xf32> to vector<4x64x120xf32>
      %concatenate3A_2103 = tpu.concatenate %slice3A_2101, %slice3A_2102 in 2 : vector<4x64x8xf32>, vector<4x64x120xf32> -> vector<4x64x128xf32>
      %select_n3A_2104 = arith.select %eq3A_2097, %concatenate3A_2100, %concatenate3A_2103 : vector<4x64x128xi1>, vector<4x64x128xf32>
      %slice3A_2105 = vector.extract_strided_slice %select_n3A_2091 {offsets = [0, 0, 8], sizes = [4, 64, 120], strides = [1, 1, 1]} : vector<4x64x128xi32> to vector<4x64x120xi32>
      %slice3A_2106 = vector.extract_strided_slice %select_n3A_2091 {offsets = [0, 0, 0], sizes = [4, 64, 8], strides = [1, 1, 1]} : vector<4x64x128xi32> to vector<4x64x8xi32>
      %concatenate3A_2107 = tpu.concatenate %slice3A_2105, %slice3A_2106 in 2 : vector<4x64x120xi32>, vector<4x64x8xi32> -> vector<4x64x128xi32>
      %slice3A_2108 = vector.extract_strided_slice %select_n3A_2091 {offsets = [0, 0, 120], sizes = [4, 64, 8], strides = [1, 1, 1]} : vector<4x64x128xi32> to vector<4x64x8xi32>
      %slice3A_2109 = vector.extract_strided_slice %select_n3A_2091 {offsets = [0, 0, 0], sizes = [4, 64, 120], strides = [1, 1, 1]} : vector<4x64x128xi32> to vector<4x64x120xi32>
      %concatenate3A_2110 = tpu.concatenate %slice3A_2108, %slice3A_2109 in 2 : vector<4x64x8xi32>, vector<4x64x120xi32> -> vector<4x64x128xi32>
      %select_n3A_2111 = arith.select %eq3A_2097, %concatenate3A_2107, %concatenate3A_2110 : vector<4x64x128xi1>, vector<4x64x128xi32>
      %gt3A_2112 = arith.cmpf ogt, %select_n3A_2104, %select_n3A_2090 : vector<4x64x128xf32>
      %eq3A_2113 = arith.cmpf oeq, %select_n3A_2104, %select_n3A_2090 : vector<4x64x128xf32>
      %lt3A_2114 = arith.cmpi slt, %select_n3A_2111, %select_n3A_2091 : vector<4x64x128xi32>
      %and3A_2115 = arith.andi %eq3A_2113, %lt3A_2114 : vector<4x64x128xi1>
      %or3A_2116 = arith.ori %gt3A_2112, %and3A_2115 : vector<4x64x128xi1>
      %eq3A_2117 = arith.xori %or3A_2116, %eq3A_2097 : vector<4x64x128xi1>
      %eq3A_2118 = arith.constant dense<true> : vector<4x64x128xi1>
      %eq3A_2119 = arith.xori %eq3A_2117, %eq3A_2118 : vector<4x64x128xi1>
      %ne3A_2120 = arith.xori %eq3A_2119, %eq3A_1874 : vector<4x64x128xi1>
      %select_n3A_2121 = arith.select %ne3A_2120, %select_n3A_2104, %select_n3A_2090 : vector<4x64x128xi1>, vector<4x64x128xf32>
      %select_n3A_2122 = arith.select %ne3A_2120, %select_n3A_2111, %select_n3A_2091 : vector<4x64x128xi1>, vector<4x64x128xi32>
      %and3A_2123 = arith.constant 4 : i32
      %and3A_2124 = vector.broadcast %and3A_2123 : i32 to vector<4x64x128xi32>
      %and3A_2125 = arith.andi %add3A_78, %and3A_2124 : vector<4x64x128xi32>
      %eq3A_2126 = arith.constant 0 : i32
      %eq3A_2127 = vector.broadcast %eq3A_2126 : i32 to vector<4x64x128xi32>
      %eq3A_2128 = arith.cmpi eq, %and3A_2125, %eq3A_2127 : vector<4x64x128xi32>
      %slice3A_2129 = vector.extract_strided_slice %select_n3A_2121 {offsets = [0, 0, 4], sizes = [4, 64, 124], strides = [1, 1, 1]} : vector<4x64x128xf32> to vector<4x64x124xf32>
      %slice3A_2130 = vector.extract_strided_slice %select_n3A_2121 {offsets = [0, 0, 0], sizes = [4, 64, 4], strides = [1, 1, 1]} : vector<4x64x128xf32> to vector<4x64x4xf32>
      %concatenate3A_2131 = tpu.concatenate %slice3A_2129, %slice3A_2130 in 2 : vector<4x64x124xf32>, vector<4x64x4xf32> -> vector<4x64x128xf32>
      %slice3A_2132 = vector.extract_strided_slice %select_n3A_2121 {offsets = [0, 0, 124], sizes = [4, 64, 4], strides = [1, 1, 1]} : vector<4x64x128xf32> to vector<4x64x4xf32>
      %slice3A_2133 = vector.extract_strided_slice %select_n3A_2121 {offsets = [0, 0, 0], sizes = [4, 64, 124], strides = [1, 1, 1]} : vector<4x64x128xf32> to vector<4x64x124xf32>
      %concatenate3A_2134 = tpu.concatenate %slice3A_2132, %slice3A_2133 in 2 : vector<4x64x4xf32>, vector<4x64x124xf32> -> vector<4x64x128xf32>
      %select_n3A_2135 = arith.select %eq3A_2128, %concatenate3A_2131, %concatenate3A_2134 : vector<4x64x128xi1>, vector<4x64x128xf32>
      %slice3A_2136 = vector.extract_strided_slice %select_n3A_2122 {offsets = [0, 0, 4], sizes = [4, 64, 124], strides = [1, 1, 1]} : vector<4x64x128xi32> to vector<4x64x124xi32>
      %slice3A_2137 = vector.extract_strided_slice %select_n3A_2122 {offsets = [0, 0, 0], sizes = [4, 64, 4], strides = [1, 1, 1]} : vector<4x64x128xi32> to vector<4x64x4xi32>
      %concatenate3A_2138 = tpu.concatenate %slice3A_2136, %slice3A_2137 in 2 : vector<4x64x124xi32>, vector<4x64x4xi32> -> vector<4x64x128xi32>
      %slice3A_2139 = vector.extract_strided_slice %select_n3A_2122 {offsets = [0, 0, 124], sizes = [4, 64, 4], strides = [1, 1, 1]} : vector<4x64x128xi32> to vector<4x64x4xi32>
      %slice3A_2140 = vector.extract_strided_slice %select_n3A_2122 {offsets = [0, 0, 0], sizes = [4, 64, 124], strides = [1, 1, 1]} : vector<4x64x128xi32> to vector<4x64x124xi32>
      %concatenate3A_2141 = tpu.concatenate %slice3A_2139, %slice3A_2140 in 2 : vector<4x64x4xi32>, vector<4x64x124xi32> -> vector<4x64x128xi32>
      %select_n3A_2142 = arith.select %eq3A_2128, %concatenate3A_2138, %concatenate3A_2141 : vector<4x64x128xi1>, vector<4x64x128xi32>
      %gt3A_2143 = arith.cmpf ogt, %select_n3A_2135, %select_n3A_2121 : vector<4x64x128xf32>
      %eq3A_2144 = arith.cmpf oeq, %select_n3A_2135, %select_n3A_2121 : vector<4x64x128xf32>
      %lt3A_2145 = arith.cmpi slt, %select_n3A_2142, %select_n3A_2122 : vector<4x64x128xi32>
      %and3A_2146 = arith.andi %eq3A_2144, %lt3A_2145 : vector<4x64x128xi1>
      %or3A_2147 = arith.ori %gt3A_2143, %and3A_2146 : vector<4x64x128xi1>
      %eq3A_2148 = arith.xori %or3A_2147, %eq3A_2128 : vector<4x64x128xi1>
      %eq3A_2149 = arith.constant dense<true> : vector<4x64x128xi1>
      %eq3A_2150 = arith.xori %eq3A_2148, %eq3A_2149 : vector<4x64x128xi1>
      %ne3A_2151 = arith.xori %eq3A_2150, %eq3A_1874 : vector<4x64x128xi1>
      %select_n3A_2152 = arith.select %ne3A_2151, %select_n3A_2135, %select_n3A_2121 : vector<4x64x128xi1>, vector<4x64x128xf32>
      %select_n3A_2153 = arith.select %ne3A_2151, %select_n3A_2142, %select_n3A_2122 : vector<4x64x128xi1>, vector<4x64x128xi32>
      %and3A_2154 = arith.constant 2 : i32
      %and3A_2155 = vector.broadcast %and3A_2154 : i32 to vector<4x64x128xi32>
      %and3A_2156 = arith.andi %add3A_78, %and3A_2155 : vector<4x64x128xi32>
      %eq3A_2157 = arith.constant 0 : i32
      %eq3A_2158 = vector.broadcast %eq3A_2157 : i32 to vector<4x64x128xi32>
      %eq3A_2159 = arith.cmpi eq, %and3A_2156, %eq3A_2158 : vector<4x64x128xi32>
      %slice3A_2160 = vector.extract_strided_slice %select_n3A_2152 {offsets = [0, 0, 2], sizes = [4, 64, 126], strides = [1, 1, 1]} : vector<4x64x128xf32> to vector<4x64x126xf32>
      %slice3A_2161 = vector.extract_strided_slice %select_n3A_2152 {offsets = [0, 0, 0], sizes = [4, 64, 2], strides = [1, 1, 1]} : vector<4x64x128xf32> to vector<4x64x2xf32>
      %concatenate3A_2162 = tpu.concatenate %slice3A_2160, %slice3A_2161 in 2 : vector<4x64x126xf32>, vector<4x64x2xf32> -> vector<4x64x128xf32>
      %slice3A_2163 = vector.extract_strided_slice %select_n3A_2152 {offsets = [0, 0, 126], sizes = [4, 64, 2], strides = [1, 1, 1]} : vector<4x64x128xf32> to vector<4x64x2xf32>
      %slice3A_2164 = vector.extract_strided_slice %select_n3A_2152 {offsets = [0, 0, 0], sizes = [4, 64, 126], strides = [1, 1, 1]} : vector<4x64x128xf32> to vector<4x64x126xf32>
      %concatenate3A_2165 = tpu.concatenate %slice3A_2163, %slice3A_2164 in 2 : vector<4x64x2xf32>, vector<4x64x126xf32> -> vector<4x64x128xf32>
      %select_n3A_2166 = arith.select %eq3A_2159, %concatenate3A_2162, %concatenate3A_2165 : vector<4x64x128xi1>, vector<4x64x128xf32>
      %slice3A_2167 = vector.extract_strided_slice %select_n3A_2153 {offsets = [0, 0, 2], sizes = [4, 64, 126], strides = [1, 1, 1]} : vector<4x64x128xi32> to vector<4x64x126xi32>
      %slice3A_2168 = vector.extract_strided_slice %select_n3A_2153 {offsets = [0, 0, 0], sizes = [4, 64, 2], strides = [1, 1, 1]} : vector<4x64x128xi32> to vector<4x64x2xi32>
      %concatenate3A_2169 = tpu.concatenate %slice3A_2167, %slice3A_2168 in 2 : vector<4x64x126xi32>, vector<4x64x2xi32> -> vector<4x64x128xi32>
      %slice3A_2170 = vector.extract_strided_slice %select_n3A_2153 {offsets = [0, 0, 126], sizes = [4, 64, 2], strides = [1, 1, 1]} : vector<4x64x128xi32> to vector<4x64x2xi32>
      %slice3A_2171 = vector.extract_strided_slice %select_n3A_2153 {offsets = [0, 0, 0], sizes = [4, 64, 126], strides = [1, 1, 1]} : vector<4x64x128xi32> to vector<4x64x126xi32>
      %concatenate3A_2172 = tpu.concatenate %slice3A_2170, %slice3A_2171 in 2 : vector<4x64x2xi32>, vector<4x64x126xi32> -> vector<4x64x128xi32>
      %select_n3A_2173 = arith.select %eq3A_2159, %concatenate3A_2169, %concatenate3A_2172 : vector<4x64x128xi1>, vector<4x64x128xi32>
      %gt3A_2174 = arith.cmpf ogt, %select_n3A_2166, %select_n3A_2152 : vector<4x64x128xf32>
      %eq3A_2175 = arith.cmpf oeq, %select_n3A_2166, %select_n3A_2152 : vector<4x64x128xf32>
      %lt3A_2176 = arith.cmpi slt, %select_n3A_2173, %select_n3A_2153 : vector<4x64x128xi32>
      %and3A_2177 = arith.andi %eq3A_2175, %lt3A_2176 : vector<4x64x128xi1>
      %or3A_2178 = arith.ori %gt3A_2174, %and3A_2177 : vector<4x64x128xi1>
      %eq3A_2179 = arith.xori %or3A_2178, %eq3A_2159 : vector<4x64x128xi1>
      %eq3A_2180 = arith.constant dense<true> : vector<4x64x128xi1>
      %eq3A_2181 = arith.xori %eq3A_2179, %eq3A_2180 : vector<4x64x128xi1>
      %ne3A_2182 = arith.xori %eq3A_2181, %eq3A_1874 : vector<4x64x128xi1>
      %select_n3A_2183 = arith.select %ne3A_2182, %select_n3A_2166, %select_n3A_2152 : vector<4x64x128xi1>, vector<4x64x128xf32>
      %select_n3A_2184 = arith.select %ne3A_2182, %select_n3A_2173, %select_n3A_2153 : vector<4x64x128xi1>, vector<4x64x128xi32>
      %and3A_2185 = arith.constant 1 : i32
      %and3A_2186 = vector.broadcast %and3A_2185 : i32 to vector<4x64x128xi32>
      %and3A_2187 = arith.andi %add3A_78, %and3A_2186 : vector<4x64x128xi32>
      %eq3A_2188 = arith.constant 0 : i32
      %eq3A_2189 = vector.broadcast %eq3A_2188 : i32 to vector<4x64x128xi32>
      %eq3A_2190 = arith.cmpi eq, %and3A_2187, %eq3A_2189 : vector<4x64x128xi32>
      %slice3A_2191 = vector.extract_strided_slice %select_n3A_2183 {offsets = [0, 0, 1], sizes = [4, 64, 127], strides = [1, 1, 1]} : vector<4x64x128xf32> to vector<4x64x127xf32>
      %slice3A_2192 = vector.extract_strided_slice %select_n3A_2183 {offsets = [0, 0, 0], sizes = [4, 64, 1], strides = [1, 1, 1]} : vector<4x64x128xf32> to vector<4x64x1xf32>
      %concatenate3A_2193 = tpu.concatenate %slice3A_2191, %slice3A_2192 in 2 : vector<4x64x127xf32>, vector<4x64x1xf32> -> vector<4x64x128xf32>
      %slice3A_2194 = vector.extract_strided_slice %select_n3A_2183 {offsets = [0, 0, 127], sizes = [4, 64, 1], strides = [1, 1, 1]} : vector<4x64x128xf32> to vector<4x64x1xf32>
      %slice3A_2195 = vector.extract_strided_slice %select_n3A_2183 {offsets = [0, 0, 0], sizes = [4, 64, 127], strides = [1, 1, 1]} : vector<4x64x128xf32> to vector<4x64x127xf32>
      %concatenate3A_2196 = tpu.concatenate %slice3A_2194, %slice3A_2195 in 2 : vector<4x64x1xf32>, vector<4x64x127xf32> -> vector<4x64x128xf32>
      %select_n3A_2197 = arith.select %eq3A_2190, %concatenate3A_2193, %concatenate3A_2196 : vector<4x64x128xi1>, vector<4x64x128xf32>
      %slice3A_2198 = vector.extract_strided_slice %select_n3A_2184 {offsets = [0, 0, 1], sizes = [4, 64, 127], strides = [1, 1, 1]} : vector<4x64x128xi32> to vector<4x64x127xi32>
      %slice3A_2199 = vector.extract_strided_slice %select_n3A_2184 {offsets = [0, 0, 0], sizes = [4, 64, 1], strides = [1, 1, 1]} : vector<4x64x128xi32> to vector<4x64x1xi32>
      %concatenate3A_2200 = tpu.concatenate %slice3A_2198, %slice3A_2199 in 2 : vector<4x64x127xi32>, vector<4x64x1xi32> -> vector<4x64x128xi32>
      %slice3A_2201 = vector.extract_strided_slice %select_n3A_2184 {offsets = [0, 0, 127], sizes = [4, 64, 1], strides = [1, 1, 1]} : vector<4x64x128xi32> to vector<4x64x1xi32>
      %slice3A_2202 = vector.extract_strided_slice %select_n3A_2184 {offsets = [0, 0, 0], sizes = [4, 64, 127], strides = [1, 1, 1]} : vector<4x64x128xi32> to vector<4x64x127xi32>
      %concatenate3A_2203 = tpu.concatenate %slice3A_2201, %slice3A_2202 in 2 : vector<4x64x1xi32>, vector<4x64x127xi32> -> vector<4x64x128xi32>
      %select_n3A_2204 = arith.select %eq3A_2190, %concatenate3A_2200, %concatenate3A_2203 : vector<4x64x128xi1>, vector<4x64x128xi32>
      %gt3A_2205 = arith.cmpf ogt, %select_n3A_2197, %select_n3A_2183 : vector<4x64x128xf32>
      %eq3A_2206 = arith.cmpf oeq, %select_n3A_2197, %select_n3A_2183 : vector<4x64x128xf32>
      %lt3A_2207 = arith.cmpi slt, %select_n3A_2204, %select_n3A_2184 : vector<4x64x128xi32>
      %and3A_2208 = arith.andi %eq3A_2206, %lt3A_2207 : vector<4x64x128xi1>
      %or3A_2209 = arith.ori %gt3A_2205, %and3A_2208 : vector<4x64x128xi1>
      %eq3A_2210 = arith.xori %or3A_2209, %eq3A_2190 : vector<4x64x128xi1>
      %eq3A_2211 = arith.constant dense<true> : vector<4x64x128xi1>
      %eq3A_2212 = arith.xori %eq3A_2210, %eq3A_2211 : vector<4x64x128xi1>
      %ne3A_2213 = arith.xori %eq3A_2212, %eq3A_1874 : vector<4x64x128xi1>
      %select_n3A_2214 = arith.select %ne3A_2213, %select_n3A_2197, %select_n3A_2183 : vector<4x64x128xi1>, vector<4x64x128xf32>
      %select_n3A_2215 = arith.select %ne3A_2213, %select_n3A_2204, %select_n3A_2184 : vector<4x64x128xi1>, vector<4x64x128xi32>
      %slice3A_2216 = vector.extract_strided_slice %select_n3A_2214 {offsets = [0, 16, 0], sizes = [4, 16, 128], strides = [1, 1, 1]} : vector<4x64x128xf32> to vector<4x16x128xf32>
      %slice3A_2217 = vector.extract_strided_slice %select_n3A_2215 {offsets = [0, 16, 0], sizes = [4, 16, 128], strides = [1, 1, 1]} : vector<4x64x128xi32> to vector<4x16x128xi32>
      %slice3A_2218 = vector.extract_strided_slice %select_n3A_2214 {offsets = [0, 0, 0], sizes = [4, 16, 128], strides = [1, 1, 1]} : vector<4x64x128xf32> to vector<4x16x128xf32>
      %slice3A_2219 = vector.extract_strided_slice %select_n3A_2215 {offsets = [0, 0, 0], sizes = [4, 16, 128], strides = [1, 1, 1]} : vector<4x64x128xi32> to vector<4x16x128xi32>
      %gt3A_2220 = arith.cmpf ogt, %slice3A_2216, %slice3A_2218 : vector<4x16x128xf32>
      %eq3A_2221 = arith.cmpf oeq, %slice3A_2216, %slice3A_2218 : vector<4x16x128xf32>
      %lt3A_2222 = arith.cmpi slt, %slice3A_2217, %slice3A_2219 : vector<4x16x128xi32>
      %and3A_2223 = arith.andi %eq3A_2221, %lt3A_2222 : vector<4x16x128xi1>
      %or3A_2224 = arith.ori %gt3A_2220, %and3A_2223 : vector<4x16x128xi1>
      %slice3A_2225 = vector.extract_strided_slice %select_n3A_2214 {offsets = [0, 48, 0], sizes = [4, 16, 128], strides = [1, 1, 1]} : vector<4x64x128xf32> to vector<4x16x128xf32>
      %slice3A_2226 = vector.extract_strided_slice %select_n3A_2215 {offsets = [0, 48, 0], sizes = [4, 16, 128], strides = [1, 1, 1]} : vector<4x64x128xi32> to vector<4x16x128xi32>
      %slice3A_2227 = vector.extract_strided_slice %select_n3A_2214 {offsets = [0, 32, 0], sizes = [4, 16, 128], strides = [1, 1, 1]} : vector<4x64x128xf32> to vector<4x16x128xf32>
      %slice3A_2228 = vector.extract_strided_slice %select_n3A_2215 {offsets = [0, 32, 0], sizes = [4, 16, 128], strides = [1, 1, 1]} : vector<4x64x128xi32> to vector<4x16x128xi32>
      %gt3A_2229 = arith.cmpf ogt, %slice3A_2225, %slice3A_2227 : vector<4x16x128xf32>
      %eq3A_2230 = arith.cmpf oeq, %slice3A_2225, %slice3A_2227 : vector<4x16x128xf32>
      %lt3A_2231 = arith.cmpi slt, %slice3A_2226, %slice3A_2228 : vector<4x16x128xi32>
      %and3A_2232 = arith.andi %eq3A_2230, %lt3A_2231 : vector<4x16x128xi1>
      %or3A_2233 = arith.ori %gt3A_2229, %and3A_2232 : vector<4x16x128xi1>
      %slice3A_2234 = vector.extract_strided_slice %select_n3A_2214 {offsets = [0, 16, 0], sizes = [4, 16, 128], strides = [1, 1, 1]} : vector<4x64x128xf32> to vector<4x16x128xf32>
      %slice3A_2235 = vector.extract_strided_slice %select_n3A_2214 {offsets = [0, 0, 0], sizes = [4, 16, 128], strides = [1, 1, 1]} : vector<4x64x128xf32> to vector<4x16x128xf32>
      %select_n3A_2236 = arith.select %or3A_2224, %slice3A_2234, %slice3A_2235 : vector<4x16x128xi1>, vector<4x16x128xf32>
      %slice3A_2237 = vector.extract_strided_slice %select_n3A_2214 {offsets = [0, 48, 0], sizes = [4, 16, 128], strides = [1, 1, 1]} : vector<4x64x128xf32> to vector<4x16x128xf32>
      %slice3A_2238 = vector.extract_strided_slice %select_n3A_2214 {offsets = [0, 32, 0], sizes = [4, 16, 128], strides = [1, 1, 1]} : vector<4x64x128xf32> to vector<4x16x128xf32>
      %select_n3A_2239 = arith.select %or3A_2233, %slice3A_2237, %slice3A_2238 : vector<4x16x128xi1>, vector<4x16x128xf32>
      %concatenate3A_2240 = tpu.concatenate %select_n3A_2236, %select_n3A_2239 in 1 : vector<4x16x128xf32>, vector<4x16x128xf32> -> vector<4x32x128xf32>
      %slice3A_2241 = vector.extract_strided_slice %select_n3A_2215 {offsets = [0, 16, 0], sizes = [4, 16, 128], strides = [1, 1, 1]} : vector<4x64x128xi32> to vector<4x16x128xi32>
      %slice3A_2242 = vector.extract_strided_slice %select_n3A_2215 {offsets = [0, 0, 0], sizes = [4, 16, 128], strides = [1, 1, 1]} : vector<4x64x128xi32> to vector<4x16x128xi32>
      %select_n3A_2243 = arith.select %or3A_2224, %slice3A_2241, %slice3A_2242 : vector<4x16x128xi1>, vector<4x16x128xi32>
      %slice3A_2244 = vector.extract_strided_slice %select_n3A_2215 {offsets = [0, 48, 0], sizes = [4, 16, 128], strides = [1, 1, 1]} : vector<4x64x128xi32> to vector<4x16x128xi32>
      %slice3A_2245 = vector.extract_strided_slice %select_n3A_2215 {offsets = [0, 32, 0], sizes = [4, 16, 128], strides = [1, 1, 1]} : vector<4x64x128xi32> to vector<4x16x128xi32>
      %select_n3A_2246 = arith.select %or3A_2233, %slice3A_2244, %slice3A_2245 : vector<4x16x128xi1>, vector<4x16x128xi32>
      %concatenate3A_2247 = tpu.concatenate %select_n3A_2243, %select_n3A_2246 in 1 : vector<4x16x128xi32>, vector<4x16x128xi32> -> vector<4x32x128xi32>
      %iota3A_2248 = tpu.iota {dimensions = array<i32: 1>} : vector<4x32x128xi32>
      %iota3A_2249 = tpu.iota {dimensions = array<i32: 2>} : vector<4x32x128xi32>
      %jit3A = arith.constant 16 : i32
      %eq3A_2250 = arith.constant 0 : i32
      %eq3A_2251 = arith.cmpi eq, %jit3A, %eq3A_2250 : i32
      %jit3A_2252 = arith.constant 1 : i32
      %select_n3A_2253 = arith.select %eq3A_2251, %jit3A_2252, %jit3A : i32
      %rem3A = vector.broadcast %select_n3A_2253 : i32 to vector<4x32x128xi32>
      %rem3A_2254 = arith.remsi %iota3A_2248, %rem3A : vector<4x32x128xi32>
      %ne3A_2255 = arith.constant 0 : i32
      %ne3A_2256 = vector.broadcast %ne3A_2255 : i32 to vector<4x32x128xi32>
      %ne3A_2257 = arith.cmpi ne, %rem3A_2254, %ne3A_2256 : vector<4x32x128xi32>
      %lt3A_2258 = arith.constant 0 : i32
      %lt3A_2259 = vector.broadcast %lt3A_2258 : i32 to vector<4x32x128xi32>
      %lt3A_2260 = arith.cmpi slt, %rem3A_2254, %lt3A_2259 : vector<4x32x128xi32>
      %lt3A_2261 = arith.constant 0 : i32
      %lt3A_2262 = arith.cmpi slt, %select_n3A_2253, %lt3A_2261 : i32
      %ne3A_2263 = vector.broadcast %lt3A_2262 : i1 to vector<4x32x128xi1>
      %ne3A_2264 = vector.broadcast %ne3A_2263 : vector<4x32x128xi1> to vector<4x32x128xi1>
      %ne3A_2265 = arith.xori %lt3A_2260, %ne3A_2264 : vector<4x32x128xi1>
      %and3A_2266 = arith.andi %ne3A_2265, %ne3A_2257 : vector<4x32x128xi1>
      %add3A_2267 = vector.broadcast %select_n3A_2253 : i32 to vector<4x32x128xi32>
      %add3A_2268 = arith.addi %rem3A_2254, %add3A_2267 : vector<4x32x128xi32>
      %select_n3A_2269 = arith.select %and3A_2266, %add3A_2268, %rem3A_2254 : vector<4x32x128xi1>, vector<4x32x128xi32>
      %mul3A_2270 = arith.constant 128 : i32
      %mul3A_2271 = vector.broadcast %mul3A_2270 : i32 to vector<4x32x128xi32>
      %mul3A_2272 = arith.muli %select_n3A_2269, %mul3A_2271 : vector<4x32x128xi32>
      %add3A_2273 = arith.addi %mul3A_2272, %iota3A_2249 : vector<4x32x128xi32>
      %ge3A = arith.constant 16 : i32
      %ge3A_2274 = vector.broadcast %ge3A : i32 to vector<4x32x128xi32>
      %ge3A_2275 = arith.cmpi sge, %iota3A_2248, %ge3A_2274 : vector<4x32x128xi32>
      %and3A_2276 = arith.constant 1024 : i32
      %and3A_2277 = vector.broadcast %and3A_2276 : i32 to vector<4x32x128xi32>
      %and3A_2278 = arith.andi %add3A_2273, %and3A_2277 : vector<4x32x128xi32>
      %eq3A_2279 = arith.constant 0 : i32
      %eq3A_2280 = vector.broadcast %eq3A_2279 : i32 to vector<4x32x128xi32>
      %eq3A_2281 = arith.cmpi eq, %and3A_2278, %eq3A_2280 : vector<4x32x128xi32>
      %slice3A_2282 = vector.extract_strided_slice %concatenate3A_2240 {offsets = [0, 8, 0], sizes = [4, 24, 128], strides = [1, 1, 1]} : vector<4x32x128xf32> to vector<4x24x128xf32>
      %slice3A_2283 = vector.extract_strided_slice %concatenate3A_2240 {offsets = [0, 0, 0], sizes = [4, 8, 128], strides = [1, 1, 1]} : vector<4x32x128xf32> to vector<4x8x128xf32>
      %concatenate3A_2284 = tpu.concatenate %slice3A_2282, %slice3A_2283 in 1 : vector<4x24x128xf32>, vector<4x8x128xf32> -> vector<4x32x128xf32>
      %slice3A_2285 = vector.extract_strided_slice %concatenate3A_2240 {offsets = [0, 24, 0], sizes = [4, 8, 128], strides = [1, 1, 1]} : vector<4x32x128xf32> to vector<4x8x128xf32>
      %slice3A_2286 = vector.extract_strided_slice %concatenate3A_2240 {offsets = [0, 0, 0], sizes = [4, 24, 128], strides = [1, 1, 1]} : vector<4x32x128xf32> to vector<4x24x128xf32>
      %concatenate3A_2287 = tpu.concatenate %slice3A_2285, %slice3A_2286 in 1 : vector<4x8x128xf32>, vector<4x24x128xf32> -> vector<4x32x128xf32>
      %select_n3A_2288 = arith.select %eq3A_2281, %concatenate3A_2284, %concatenate3A_2287 : vector<4x32x128xi1>, vector<4x32x128xf32>
      %slice3A_2289 = vector.extract_strided_slice %concatenate3A_2247 {offsets = [0, 8, 0], sizes = [4, 24, 128], strides = [1, 1, 1]} : vector<4x32x128xi32> to vector<4x24x128xi32>
      %slice3A_2290 = vector.extract_strided_slice %concatenate3A_2247 {offsets = [0, 0, 0], sizes = [4, 8, 128], strides = [1, 1, 1]} : vector<4x32x128xi32> to vector<4x8x128xi32>
      %concatenate3A_2291 = tpu.concatenate %slice3A_2289, %slice3A_2290 in 1 : vector<4x24x128xi32>, vector<4x8x128xi32> -> vector<4x32x128xi32>
      %slice3A_2292 = vector.extract_strided_slice %concatenate3A_2247 {offsets = [0, 24, 0], sizes = [4, 8, 128], strides = [1, 1, 1]} : vector<4x32x128xi32> to vector<4x8x128xi32>
      %slice3A_2293 = vector.extract_strided_slice %concatenate3A_2247 {offsets = [0, 0, 0], sizes = [4, 24, 128], strides = [1, 1, 1]} : vector<4x32x128xi32> to vector<4x24x128xi32>
      %concatenate3A_2294 = tpu.concatenate %slice3A_2292, %slice3A_2293 in 1 : vector<4x8x128xi32>, vector<4x24x128xi32> -> vector<4x32x128xi32>
      %select_n3A_2295 = arith.select %eq3A_2281, %concatenate3A_2291, %concatenate3A_2294 : vector<4x32x128xi1>, vector<4x32x128xi32>
      %gt3A_2296 = arith.cmpf ogt, %select_n3A_2288, %concatenate3A_2240 : vector<4x32x128xf32>
      %eq3A_2297 = arith.cmpf oeq, %select_n3A_2288, %concatenate3A_2240 : vector<4x32x128xf32>
      %lt3A_2298 = arith.cmpi slt, %select_n3A_2295, %concatenate3A_2247 : vector<4x32x128xi32>
      %and3A_2299 = arith.andi %eq3A_2297, %lt3A_2298 : vector<4x32x128xi1>
      %or3A_2300 = arith.ori %gt3A_2296, %and3A_2299 : vector<4x32x128xi1>
      %eq3A_2301 = arith.xori %or3A_2300, %eq3A_2281 : vector<4x32x128xi1>
      %eq3A_2302 = arith.constant dense<true> : vector<4x32x128xi1>
      %eq3A_2303 = arith.xori %eq3A_2301, %eq3A_2302 : vector<4x32x128xi1>
      %ne3A_2304 = arith.xori %eq3A_2303, %ge3A_2275 : vector<4x32x128xi1>
      %select_n3A_2305 = arith.select %ne3A_2304, %select_n3A_2288, %concatenate3A_2240 : vector<4x32x128xi1>, vector<4x32x128xf32>
      %select_n3A_2306 = arith.select %ne3A_2304, %select_n3A_2295, %concatenate3A_2247 : vector<4x32x128xi1>, vector<4x32x128xi32>
      %and3A_2307 = arith.constant 512 : i32
      %and3A_2308 = vector.broadcast %and3A_2307 : i32 to vector<4x32x128xi32>
      %and3A_2309 = arith.andi %add3A_2273, %and3A_2308 : vector<4x32x128xi32>
      %eq3A_2310 = arith.constant 0 : i32
      %eq3A_2311 = vector.broadcast %eq3A_2310 : i32 to vector<4x32x128xi32>
      %eq3A_2312 = arith.cmpi eq, %and3A_2309, %eq3A_2311 : vector<4x32x128xi32>
      %slice3A_2313 = vector.extract_strided_slice %select_n3A_2305 {offsets = [0, 4, 0], sizes = [4, 28, 128], strides = [1, 1, 1]} : vector<4x32x128xf32> to vector<4x28x128xf32>
      %slice3A_2314 = vector.extract_strided_slice %select_n3A_2305 {offsets = [0, 0, 0], sizes = [4, 4, 128], strides = [1, 1, 1]} : vector<4x32x128xf32> to vector<4x4x128xf32>
      %concatenate3A_2315 = tpu.concatenate %slice3A_2313, %slice3A_2314 in 1 : vector<4x28x128xf32>, vector<4x4x128xf32> -> vector<4x32x128xf32>
      %slice3A_2316 = vector.extract_strided_slice %select_n3A_2305 {offsets = [0, 28, 0], sizes = [4, 4, 128], strides = [1, 1, 1]} : vector<4x32x128xf32> to vector<4x4x128xf32>
      %slice3A_2317 = vector.extract_strided_slice %select_n3A_2305 {offsets = [0, 0, 0], sizes = [4, 28, 128], strides = [1, 1, 1]} : vector<4x32x128xf32> to vector<4x28x128xf32>
      %concatenate3A_2318 = tpu.concatenate %slice3A_2316, %slice3A_2317 in 1 : vector<4x4x128xf32>, vector<4x28x128xf32> -> vector<4x32x128xf32>
      %select_n3A_2319 = arith.select %eq3A_2312, %concatenate3A_2315, %concatenate3A_2318 : vector<4x32x128xi1>, vector<4x32x128xf32>
      %slice3A_2320 = vector.extract_strided_slice %select_n3A_2306 {offsets = [0, 4, 0], sizes = [4, 28, 128], strides = [1, 1, 1]} : vector<4x32x128xi32> to vector<4x28x128xi32>
      %slice3A_2321 = vector.extract_strided_slice %select_n3A_2306 {offsets = [0, 0, 0], sizes = [4, 4, 128], strides = [1, 1, 1]} : vector<4x32x128xi32> to vector<4x4x128xi32>
      %concatenate3A_2322 = tpu.concatenate %slice3A_2320, %slice3A_2321 in 1 : vector<4x28x128xi32>, vector<4x4x128xi32> -> vector<4x32x128xi32>
      %slice3A_2323 = vector.extract_strided_slice %select_n3A_2306 {offsets = [0, 28, 0], sizes = [4, 4, 128], strides = [1, 1, 1]} : vector<4x32x128xi32> to vector<4x4x128xi32>
      %slice3A_2324 = vector.extract_strided_slice %select_n3A_2306 {offsets = [0, 0, 0], sizes = [4, 28, 128], strides = [1, 1, 1]} : vector<4x32x128xi32> to vector<4x28x128xi32>
      %concatenate3A_2325 = tpu.concatenate %slice3A_2323, %slice3A_2324 in 1 : vector<4x4x128xi32>, vector<4x28x128xi32> -> vector<4x32x128xi32>
      %select_n3A_2326 = arith.select %eq3A_2312, %concatenate3A_2322, %concatenate3A_2325 : vector<4x32x128xi1>, vector<4x32x128xi32>
      %gt3A_2327 = arith.cmpf ogt, %select_n3A_2319, %select_n3A_2305 : vector<4x32x128xf32>
      %eq3A_2328 = arith.cmpf oeq, %select_n3A_2319, %select_n3A_2305 : vector<4x32x128xf32>
      %lt3A_2329 = arith.cmpi slt, %select_n3A_2326, %select_n3A_2306 : vector<4x32x128xi32>
      %and3A_2330 = arith.andi %eq3A_2328, %lt3A_2329 : vector<4x32x128xi1>
      %or3A_2331 = arith.ori %gt3A_2327, %and3A_2330 : vector<4x32x128xi1>
      %eq3A_2332 = arith.xori %or3A_2331, %eq3A_2312 : vector<4x32x128xi1>
      %eq3A_2333 = arith.constant dense<true> : vector<4x32x128xi1>
      %eq3A_2334 = arith.xori %eq3A_2332, %eq3A_2333 : vector<4x32x128xi1>
      %ne3A_2335 = arith.xori %eq3A_2334, %ge3A_2275 : vector<4x32x128xi1>
      %select_n3A_2336 = arith.select %ne3A_2335, %select_n3A_2319, %select_n3A_2305 : vector<4x32x128xi1>, vector<4x32x128xf32>
      %select_n3A_2337 = arith.select %ne3A_2335, %select_n3A_2326, %select_n3A_2306 : vector<4x32x128xi1>, vector<4x32x128xi32>
      %and3A_2338 = arith.constant 256 : i32
      %and3A_2339 = vector.broadcast %and3A_2338 : i32 to vector<4x32x128xi32>
      %and3A_2340 = arith.andi %add3A_2273, %and3A_2339 : vector<4x32x128xi32>
      %eq3A_2341 = arith.constant 0 : i32
      %eq3A_2342 = vector.broadcast %eq3A_2341 : i32 to vector<4x32x128xi32>
      %eq3A_2343 = arith.cmpi eq, %and3A_2340, %eq3A_2342 : vector<4x32x128xi32>
      %slice3A_2344 = vector.extract_strided_slice %select_n3A_2336 {offsets = [0, 2, 0], sizes = [4, 30, 128], strides = [1, 1, 1]} : vector<4x32x128xf32> to vector<4x30x128xf32>
      %slice3A_2345 = vector.extract_strided_slice %select_n3A_2336 {offsets = [0, 0, 0], sizes = [4, 2, 128], strides = [1, 1, 1]} : vector<4x32x128xf32> to vector<4x2x128xf32>
      %concatenate3A_2346 = tpu.concatenate %slice3A_2344, %slice3A_2345 in 1 : vector<4x30x128xf32>, vector<4x2x128xf32> -> vector<4x32x128xf32>
      %slice3A_2347 = vector.extract_strided_slice %select_n3A_2336 {offsets = [0, 30, 0], sizes = [4, 2, 128], strides = [1, 1, 1]} : vector<4x32x128xf32> to vector<4x2x128xf32>
      %slice3A_2348 = vector.extract_strided_slice %select_n3A_2336 {offsets = [0, 0, 0], sizes = [4, 30, 128], strides = [1, 1, 1]} : vector<4x32x128xf32> to vector<4x30x128xf32>
      %concatenate3A_2349 = tpu.concatenate %slice3A_2347, %slice3A_2348 in 1 : vector<4x2x128xf32>, vector<4x30x128xf32> -> vector<4x32x128xf32>
      %select_n3A_2350 = arith.select %eq3A_2343, %concatenate3A_2346, %concatenate3A_2349 : vector<4x32x128xi1>, vector<4x32x128xf32>
      %slice3A_2351 = vector.extract_strided_slice %select_n3A_2337 {offsets = [0, 2, 0], sizes = [4, 30, 128], strides = [1, 1, 1]} : vector<4x32x128xi32> to vector<4x30x128xi32>
      %slice3A_2352 = vector.extract_strided_slice %select_n3A_2337 {offsets = [0, 0, 0], sizes = [4, 2, 128], strides = [1, 1, 1]} : vector<4x32x128xi32> to vector<4x2x128xi32>
      %concatenate3A_2353 = tpu.concatenate %slice3A_2351, %slice3A_2352 in 1 : vector<4x30x128xi32>, vector<4x2x128xi32> -> vector<4x32x128xi32>
      %slice3A_2354 = vector.extract_strided_slice %select_n3A_2337 {offsets = [0, 30, 0], sizes = [4, 2, 128], strides = [1, 1, 1]} : vector<4x32x128xi32> to vector<4x2x128xi32>
      %slice3A_2355 = vector.extract_strided_slice %select_n3A_2337 {offsets = [0, 0, 0], sizes = [4, 30, 128], strides = [1, 1, 1]} : vector<4x32x128xi32> to vector<4x30x128xi32>
      %concatenate3A_2356 = tpu.concatenate %slice3A_2354, %slice3A_2355 in 1 : vector<4x2x128xi32>, vector<4x30x128xi32> -> vector<4x32x128xi32>
      %select_n3A_2357 = arith.select %eq3A_2343, %concatenate3A_2353, %concatenate3A_2356 : vector<4x32x128xi1>, vector<4x32x128xi32>
      %gt3A_2358 = arith.cmpf ogt, %select_n3A_2350, %select_n3A_2336 : vector<4x32x128xf32>
      %eq3A_2359 = arith.cmpf oeq, %select_n3A_2350, %select_n3A_2336 : vector<4x32x128xf32>
      %lt3A_2360 = arith.cmpi slt, %select_n3A_2357, %select_n3A_2337 : vector<4x32x128xi32>
      %and3A_2361 = arith.andi %eq3A_2359, %lt3A_2360 : vector<4x32x128xi1>
      %or3A_2362 = arith.ori %gt3A_2358, %and3A_2361 : vector<4x32x128xi1>
      %eq3A_2363 = arith.xori %or3A_2362, %eq3A_2343 : vector<4x32x128xi1>
      %eq3A_2364 = arith.constant dense<true> : vector<4x32x128xi1>
      %eq3A_2365 = arith.xori %eq3A_2363, %eq3A_2364 : vector<4x32x128xi1>
      %ne3A_2366 = arith.xori %eq3A_2365, %ge3A_2275 : vector<4x32x128xi1>
      %select_n3A_2367 = arith.select %ne3A_2366, %select_n3A_2350, %select_n3A_2336 : vector<4x32x128xi1>, vector<4x32x128xf32>
      %select_n3A_2368 = arith.select %ne3A_2366, %select_n3A_2357, %select_n3A_2337 : vector<4x32x128xi1>, vector<4x32x128xi32>
      %and3A_2369 = arith.constant 128 : i32
      %and3A_2370 = vector.broadcast %and3A_2369 : i32 to vector<4x32x128xi32>
      %and3A_2371 = arith.andi %add3A_2273, %and3A_2370 : vector<4x32x128xi32>
      %eq3A_2372 = arith.constant 0 : i32
      %eq3A_2373 = vector.broadcast %eq3A_2372 : i32 to vector<4x32x128xi32>
      %eq3A_2374 = arith.cmpi eq, %and3A_2371, %eq3A_2373 : vector<4x32x128xi32>
      %slice3A_2375 = vector.extract_strided_slice %select_n3A_2367 {offsets = [0, 1, 0], sizes = [4, 31, 128], strides = [1, 1, 1]} : vector<4x32x128xf32> to vector<4x31x128xf32>
      %slice3A_2376 = vector.extract_strided_slice %select_n3A_2367 {offsets = [0, 0, 0], sizes = [4, 1, 128], strides = [1, 1, 1]} : vector<4x32x128xf32> to vector<4x1x128xf32>
      %concatenate3A_2377 = tpu.concatenate %slice3A_2375, %slice3A_2376 in 1 : vector<4x31x128xf32>, vector<4x1x128xf32> -> vector<4x32x128xf32>
      %slice3A_2378 = vector.extract_strided_slice %select_n3A_2367 {offsets = [0, 31, 0], sizes = [4, 1, 128], strides = [1, 1, 1]} : vector<4x32x128xf32> to vector<4x1x128xf32>
      %slice3A_2379 = vector.extract_strided_slice %select_n3A_2367 {offsets = [0, 0, 0], sizes = [4, 31, 128], strides = [1, 1, 1]} : vector<4x32x128xf32> to vector<4x31x128xf32>
      %concatenate3A_2380 = tpu.concatenate %slice3A_2378, %slice3A_2379 in 1 : vector<4x1x128xf32>, vector<4x31x128xf32> -> vector<4x32x128xf32>
      %select_n3A_2381 = arith.select %eq3A_2374, %concatenate3A_2377, %concatenate3A_2380 : vector<4x32x128xi1>, vector<4x32x128xf32>
      %slice3A_2382 = vector.extract_strided_slice %select_n3A_2368 {offsets = [0, 1, 0], sizes = [4, 31, 128], strides = [1, 1, 1]} : vector<4x32x128xi32> to vector<4x31x128xi32>
      %slice3A_2383 = vector.extract_strided_slice %select_n3A_2368 {offsets = [0, 0, 0], sizes = [4, 1, 128], strides = [1, 1, 1]} : vector<4x32x128xi32> to vector<4x1x128xi32>
      %concatenate3A_2384 = tpu.concatenate %slice3A_2382, %slice3A_2383 in 1 : vector<4x31x128xi32>, vector<4x1x128xi32> -> vector<4x32x128xi32>
      %slice3A_2385 = vector.extract_strided_slice %select_n3A_2368 {offsets = [0, 31, 0], sizes = [4, 1, 128], strides = [1, 1, 1]} : vector<4x32x128xi32> to vector<4x1x128xi32>
      %slice3A_2386 = vector.extract_strided_slice %select_n3A_2368 {offsets = [0, 0, 0], sizes = [4, 31, 128], strides = [1, 1, 1]} : vector<4x32x128xi32> to vector<4x31x128xi32>
      %concatenate3A_2387 = tpu.concatenate %slice3A_2385, %slice3A_2386 in 1 : vector<4x1x128xi32>, vector<4x31x128xi32> -> vector<4x32x128xi32>
      %select_n3A_2388 = arith.select %eq3A_2374, %concatenate3A_2384, %concatenate3A_2387 : vector<4x32x128xi1>, vector<4x32x128xi32>
      %gt3A_2389 = arith.cmpf ogt, %select_n3A_2381, %select_n3A_2367 : vector<4x32x128xf32>
      %eq3A_2390 = arith.cmpf oeq, %select_n3A_2381, %select_n3A_2367 : vector<4x32x128xf32>
      %lt3A_2391 = arith.cmpi slt, %select_n3A_2388, %select_n3A_2368 : vector<4x32x128xi32>
      %and3A_2392 = arith.andi %eq3A_2390, %lt3A_2391 : vector<4x32x128xi1>
      %or3A_2393 = arith.ori %gt3A_2389, %and3A_2392 : vector<4x32x128xi1>
      %eq3A_2394 = arith.xori %or3A_2393, %eq3A_2374 : vector<4x32x128xi1>
      %eq3A_2395 = arith.constant dense<true> : vector<4x32x128xi1>
      %eq3A_2396 = arith.xori %eq3A_2394, %eq3A_2395 : vector<4x32x128xi1>
      %ne3A_2397 = arith.xori %eq3A_2396, %ge3A_2275 : vector<4x32x128xi1>
      %select_n3A_2398 = arith.select %ne3A_2397, %select_n3A_2381, %select_n3A_2367 : vector<4x32x128xi1>, vector<4x32x128xf32>
      %select_n3A_2399 = arith.select %ne3A_2397, %select_n3A_2388, %select_n3A_2368 : vector<4x32x128xi1>, vector<4x32x128xi32>
      %and3A_2400 = arith.constant 64 : i32
      %and3A_2401 = vector.broadcast %and3A_2400 : i32 to vector<4x32x128xi32>
      %and3A_2402 = arith.andi %add3A_2273, %and3A_2401 : vector<4x32x128xi32>
      %eq3A_2403 = arith.constant 0 : i32
      %eq3A_2404 = vector.broadcast %eq3A_2403 : i32 to vector<4x32x128xi32>
      %eq3A_2405 = arith.cmpi eq, %and3A_2402, %eq3A_2404 : vector<4x32x128xi32>
      %slice3A_2406 = vector.extract_strided_slice %select_n3A_2398 {offsets = [0, 0, 64], sizes = [4, 32, 64], strides = [1, 1, 1]} : vector<4x32x128xf32> to vector<4x32x64xf32>
      %slice3A_2407 = vector.extract_strided_slice %select_n3A_2398 {offsets = [0, 0, 0], sizes = [4, 32, 64], strides = [1, 1, 1]} : vector<4x32x128xf32> to vector<4x32x64xf32>
      %concatenate3A_2408 = tpu.concatenate %slice3A_2406, %slice3A_2407 in 2 : vector<4x32x64xf32>, vector<4x32x64xf32> -> vector<4x32x128xf32>
      %slice3A_2409 = vector.extract_strided_slice %select_n3A_2398 {offsets = [0, 0, 64], sizes = [4, 32, 64], strides = [1, 1, 1]} : vector<4x32x128xf32> to vector<4x32x64xf32>
      %slice3A_2410 = vector.extract_strided_slice %select_n3A_2398 {offsets = [0, 0, 0], sizes = [4, 32, 64], strides = [1, 1, 1]} : vector<4x32x128xf32> to vector<4x32x64xf32>
      %concatenate3A_2411 = tpu.concatenate %slice3A_2409, %slice3A_2410 in 2 : vector<4x32x64xf32>, vector<4x32x64xf32> -> vector<4x32x128xf32>
      %select_n3A_2412 = arith.select %eq3A_2405, %concatenate3A_2408, %concatenate3A_2411 : vector<4x32x128xi1>, vector<4x32x128xf32>
      %slice3A_2413 = vector.extract_strided_slice %select_n3A_2399 {offsets = [0, 0, 64], sizes = [4, 32, 64], strides = [1, 1, 1]} : vector<4x32x128xi32> to vector<4x32x64xi32>
      %slice3A_2414 = vector.extract_strided_slice %select_n3A_2399 {offsets = [0, 0, 0], sizes = [4, 32, 64], strides = [1, 1, 1]} : vector<4x32x128xi32> to vector<4x32x64xi32>
      %concatenate3A_2415 = tpu.concatenate %slice3A_2413, %slice3A_2414 in 2 : vector<4x32x64xi32>, vector<4x32x64xi32> -> vector<4x32x128xi32>
      %slice3A_2416 = vector.extract_strided_slice %select_n3A_2399 {offsets = [0, 0, 64], sizes = [4, 32, 64], strides = [1, 1, 1]} : vector<4x32x128xi32> to vector<4x32x64xi32>
      %slice3A_2417 = vector.extract_strided_slice %select_n3A_2399 {offsets = [0, 0, 0], sizes = [4, 32, 64], strides = [1, 1, 1]} : vector<4x32x128xi32> to vector<4x32x64xi32>
      %concatenate3A_2418 = tpu.concatenate %slice3A_2416, %slice3A_2417 in 2 : vector<4x32x64xi32>, vector<4x32x64xi32> -> vector<4x32x128xi32>
      %select_n3A_2419 = arith.select %eq3A_2405, %concatenate3A_2415, %concatenate3A_2418 : vector<4x32x128xi1>, vector<4x32x128xi32>
      %gt3A_2420 = arith.cmpf ogt, %select_n3A_2412, %select_n3A_2398 : vector<4x32x128xf32>
      %eq3A_2421 = arith.cmpf oeq, %select_n3A_2412, %select_n3A_2398 : vector<4x32x128xf32>
      %lt3A_2422 = arith.cmpi slt, %select_n3A_2419, %select_n3A_2399 : vector<4x32x128xi32>
      %and3A_2423 = arith.andi %eq3A_2421, %lt3A_2422 : vector<4x32x128xi1>
      %or3A_2424 = arith.ori %gt3A_2420, %and3A_2423 : vector<4x32x128xi1>
      %eq3A_2425 = arith.xori %or3A_2424, %eq3A_2405 : vector<4x32x128xi1>
      %eq3A_2426 = arith.constant dense<true> : vector<4x32x128xi1>
      %eq3A_2427 = arith.xori %eq3A_2425, %eq3A_2426 : vector<4x32x128xi1>
      %ne3A_2428 = arith.xori %eq3A_2427, %ge3A_2275 : vector<4x32x128xi1>
      %select_n3A_2429 = arith.select %ne3A_2428, %select_n3A_2412, %select_n3A_2398 : vector<4x32x128xi1>, vector<4x32x128xf32>
      %select_n3A_2430 = arith.select %ne3A_2428, %select_n3A_2419, %select_n3A_2399 : vector<4x32x128xi1>, vector<4x32x128xi32>
      %and3A_2431 = arith.constant 32 : i32
      %and3A_2432 = vector.broadcast %and3A_2431 : i32 to vector<4x32x128xi32>
      %and3A_2433 = arith.andi %add3A_2273, %and3A_2432 : vector<4x32x128xi32>
      %eq3A_2434 = arith.constant 0 : i32
      %eq3A_2435 = vector.broadcast %eq3A_2434 : i32 to vector<4x32x128xi32>
      %eq3A_2436 = arith.cmpi eq, %and3A_2433, %eq3A_2435 : vector<4x32x128xi32>
      %slice3A_2437 = vector.extract_strided_slice %select_n3A_2429 {offsets = [0, 0, 32], sizes = [4, 32, 96], strides = [1, 1, 1]} : vector<4x32x128xf32> to vector<4x32x96xf32>
      %slice3A_2438 = vector.extract_strided_slice %select_n3A_2429 {offsets = [0, 0, 0], sizes = [4, 32, 32], strides = [1, 1, 1]} : vector<4x32x128xf32> to vector<4x32x32xf32>
      %concatenate3A_2439 = tpu.concatenate %slice3A_2437, %slice3A_2438 in 2 : vector<4x32x96xf32>, vector<4x32x32xf32> -> vector<4x32x128xf32>
      %slice3A_2440 = vector.extract_strided_slice %select_n3A_2429 {offsets = [0, 0, 96], sizes = [4, 32, 32], strides = [1, 1, 1]} : vector<4x32x128xf32> to vector<4x32x32xf32>
      %slice3A_2441 = vector.extract_strided_slice %select_n3A_2429 {offsets = [0, 0, 0], sizes = [4, 32, 96], strides = [1, 1, 1]} : vector<4x32x128xf32> to vector<4x32x96xf32>
      %concatenate3A_2442 = tpu.concatenate %slice3A_2440, %slice3A_2441 in 2 : vector<4x32x32xf32>, vector<4x32x96xf32> -> vector<4x32x128xf32>
      %select_n3A_2443 = arith.select %eq3A_2436, %concatenate3A_2439, %concatenate3A_2442 : vector<4x32x128xi1>, vector<4x32x128xf32>
      %slice3A_2444 = vector.extract_strided_slice %select_n3A_2430 {offsets = [0, 0, 32], sizes = [4, 32, 96], strides = [1, 1, 1]} : vector<4x32x128xi32> to vector<4x32x96xi32>
      %slice3A_2445 = vector.extract_strided_slice %select_n3A_2430 {offsets = [0, 0, 0], sizes = [4, 32, 32], strides = [1, 1, 1]} : vector<4x32x128xi32> to vector<4x32x32xi32>
      %concatenate3A_2446 = tpu.concatenate %slice3A_2444, %slice3A_2445 in 2 : vector<4x32x96xi32>, vector<4x32x32xi32> -> vector<4x32x128xi32>
      %slice3A_2447 = vector.extract_strided_slice %select_n3A_2430 {offsets = [0, 0, 96], sizes = [4, 32, 32], strides = [1, 1, 1]} : vector<4x32x128xi32> to vector<4x32x32xi32>
      %slice3A_2448 = vector.extract_strided_slice %select_n3A_2430 {offsets = [0, 0, 0], sizes = [4, 32, 96], strides = [1, 1, 1]} : vector<4x32x128xi32> to vector<4x32x96xi32>
      %concatenate3A_2449 = tpu.concatenate %slice3A_2447, %slice3A_2448 in 2 : vector<4x32x32xi32>, vector<4x32x96xi32> -> vector<4x32x128xi32>
      %select_n3A_2450 = arith.select %eq3A_2436, %concatenate3A_2446, %concatenate3A_2449 : vector<4x32x128xi1>, vector<4x32x128xi32>
      %gt3A_2451 = arith.cmpf ogt, %select_n3A_2443, %select_n3A_2429 : vector<4x32x128xf32>
      %eq3A_2452 = arith.cmpf oeq, %select_n3A_2443, %select_n3A_2429 : vector<4x32x128xf32>
      %lt3A_2453 = arith.cmpi slt, %select_n3A_2450, %select_n3A_2430 : vector<4x32x128xi32>
      %and3A_2454 = arith.andi %eq3A_2452, %lt3A_2453 : vector<4x32x128xi1>
      %or3A_2455 = arith.ori %gt3A_2451, %and3A_2454 : vector<4x32x128xi1>
      %eq3A_2456 = arith.xori %or3A_2455, %eq3A_2436 : vector<4x32x128xi1>
      %eq3A_2457 = arith.constant dense<true> : vector<4x32x128xi1>
      %eq3A_2458 = arith.xori %eq3A_2456, %eq3A_2457 : vector<4x32x128xi1>
      %ne3A_2459 = arith.xori %eq3A_2458, %ge3A_2275 : vector<4x32x128xi1>
      %select_n3A_2460 = arith.select %ne3A_2459, %select_n3A_2443, %select_n3A_2429 : vector<4x32x128xi1>, vector<4x32x128xf32>
      %select_n3A_2461 = arith.select %ne3A_2459, %select_n3A_2450, %select_n3A_2430 : vector<4x32x128xi1>, vector<4x32x128xi32>
      %and3A_2462 = arith.constant 16 : i32
      %and3A_2463 = vector.broadcast %and3A_2462 : i32 to vector<4x32x128xi32>
      %and3A_2464 = arith.andi %add3A_2273, %and3A_2463 : vector<4x32x128xi32>
      %eq3A_2465 = arith.constant 0 : i32
      %eq3A_2466 = vector.broadcast %eq3A_2465 : i32 to vector<4x32x128xi32>
      %eq3A_2467 = arith.cmpi eq, %and3A_2464, %eq3A_2466 : vector<4x32x128xi32>
      %slice3A_2468 = vector.extract_strided_slice %select_n3A_2460 {offsets = [0, 0, 16], sizes = [4, 32, 112], strides = [1, 1, 1]} : vector<4x32x128xf32> to vector<4x32x112xf32>
      %slice3A_2469 = vector.extract_strided_slice %select_n3A_2460 {offsets = [0, 0, 0], sizes = [4, 32, 16], strides = [1, 1, 1]} : vector<4x32x128xf32> to vector<4x32x16xf32>
      %concatenate3A_2470 = tpu.concatenate %slice3A_2468, %slice3A_2469 in 2 : vector<4x32x112xf32>, vector<4x32x16xf32> -> vector<4x32x128xf32>
      %slice3A_2471 = vector.extract_strided_slice %select_n3A_2460 {offsets = [0, 0, 112], sizes = [4, 32, 16], strides = [1, 1, 1]} : vector<4x32x128xf32> to vector<4x32x16xf32>
      %slice3A_2472 = vector.extract_strided_slice %select_n3A_2460 {offsets = [0, 0, 0], sizes = [4, 32, 112], strides = [1, 1, 1]} : vector<4x32x128xf32> to vector<4x32x112xf32>
      %concatenate3A_2473 = tpu.concatenate %slice3A_2471, %slice3A_2472 in 2 : vector<4x32x16xf32>, vector<4x32x112xf32> -> vector<4x32x128xf32>
      %select_n3A_2474 = arith.select %eq3A_2467, %concatenate3A_2470, %concatenate3A_2473 : vector<4x32x128xi1>, vector<4x32x128xf32>
      %slice3A_2475 = vector.extract_strided_slice %select_n3A_2461 {offsets = [0, 0, 16], sizes = [4, 32, 112], strides = [1, 1, 1]} : vector<4x32x128xi32> to vector<4x32x112xi32>
      %slice3A_2476 = vector.extract_strided_slice %select_n3A_2461 {offsets = [0, 0, 0], sizes = [4, 32, 16], strides = [1, 1, 1]} : vector<4x32x128xi32> to vector<4x32x16xi32>
      %concatenate3A_2477 = tpu.concatenate %slice3A_2475, %slice3A_2476 in 2 : vector<4x32x112xi32>, vector<4x32x16xi32> -> vector<4x32x128xi32>
      %slice3A_2478 = vector.extract_strided_slice %select_n3A_2461 {offsets = [0, 0, 112], sizes = [4, 32, 16], strides = [1, 1, 1]} : vector<4x32x128xi32> to vector<4x32x16xi32>
      %slice3A_2479 = vector.extract_strided_slice %select_n3A_2461 {offsets = [0, 0, 0], sizes = [4, 32, 112], strides = [1, 1, 1]} : vector<4x32x128xi32> to vector<4x32x112xi32>
      %concatenate3A_2480 = tpu.concatenate %slice3A_2478, %slice3A_2479 in 2 : vector<4x32x16xi32>, vector<4x32x112xi32> -> vector<4x32x128xi32>
      %select_n3A_2481 = arith.select %eq3A_2467, %concatenate3A_2477, %concatenate3A_2480 : vector<4x32x128xi1>, vector<4x32x128xi32>
      %gt3A_2482 = arith.cmpf ogt, %select_n3A_2474, %select_n3A_2460 : vector<4x32x128xf32>
      %eq3A_2483 = arith.cmpf oeq, %select_n3A_2474, %select_n3A_2460 : vector<4x32x128xf32>
      %lt3A_2484 = arith.cmpi slt, %select_n3A_2481, %select_n3A_2461 : vector<4x32x128xi32>
      %and3A_2485 = arith.andi %eq3A_2483, %lt3A_2484 : vector<4x32x128xi1>
      %or3A_2486 = arith.ori %gt3A_2482, %and3A_2485 : vector<4x32x128xi1>
      %eq3A_2487 = arith.xori %or3A_2486, %eq3A_2467 : vector<4x32x128xi1>
      %eq3A_2488 = arith.constant dense<true> : vector<4x32x128xi1>
      %eq3A_2489 = arith.xori %eq3A_2487, %eq3A_2488 : vector<4x32x128xi1>
      %ne3A_2490 = arith.xori %eq3A_2489, %ge3A_2275 : vector<4x32x128xi1>
      %select_n3A_2491 = arith.select %ne3A_2490, %select_n3A_2474, %select_n3A_2460 : vector<4x32x128xi1>, vector<4x32x128xf32>
      %select_n3A_2492 = arith.select %ne3A_2490, %select_n3A_2481, %select_n3A_2461 : vector<4x32x128xi1>, vector<4x32x128xi32>
      %and3A_2493 = arith.constant 8 : i32
      %and3A_2494 = vector.broadcast %and3A_2493 : i32 to vector<4x32x128xi32>
      %and3A_2495 = arith.andi %add3A_2273, %and3A_2494 : vector<4x32x128xi32>
      %eq3A_2496 = arith.constant 0 : i32
      %eq3A_2497 = vector.broadcast %eq3A_2496 : i32 to vector<4x32x128xi32>
      %eq3A_2498 = arith.cmpi eq, %and3A_2495, %eq3A_2497 : vector<4x32x128xi32>
      %slice3A_2499 = vector.extract_strided_slice %select_n3A_2491 {offsets = [0, 0, 8], sizes = [4, 32, 120], strides = [1, 1, 1]} : vector<4x32x128xf32> to vector<4x32x120xf32>
      %slice3A_2500 = vector.extract_strided_slice %select_n3A_2491 {offsets = [0, 0, 0], sizes = [4, 32, 8], strides = [1, 1, 1]} : vector<4x32x128xf32> to vector<4x32x8xf32>
      %concatenate3A_2501 = tpu.concatenate %slice3A_2499, %slice3A_2500 in 2 : vector<4x32x120xf32>, vector<4x32x8xf32> -> vector<4x32x128xf32>
      %slice3A_2502 = vector.extract_strided_slice %select_n3A_2491 {offsets = [0, 0, 120], sizes = [4, 32, 8], strides = [1, 1, 1]} : vector<4x32x128xf32> to vector<4x32x8xf32>
      %slice3A_2503 = vector.extract_strided_slice %select_n3A_2491 {offsets = [0, 0, 0], sizes = [4, 32, 120], strides = [1, 1, 1]} : vector<4x32x128xf32> to vector<4x32x120xf32>
      %concatenate3A_2504 = tpu.concatenate %slice3A_2502, %slice3A_2503 in 2 : vector<4x32x8xf32>, vector<4x32x120xf32> -> vector<4x32x128xf32>
      %select_n3A_2505 = arith.select %eq3A_2498, %concatenate3A_2501, %concatenate3A_2504 : vector<4x32x128xi1>, vector<4x32x128xf32>
      %slice3A_2506 = vector.extract_strided_slice %select_n3A_2492 {offsets = [0, 0, 8], sizes = [4, 32, 120], strides = [1, 1, 1]} : vector<4x32x128xi32> to vector<4x32x120xi32>
      %slice3A_2507 = vector.extract_strided_slice %select_n3A_2492 {offsets = [0, 0, 0], sizes = [4, 32, 8], strides = [1, 1, 1]} : vector<4x32x128xi32> to vector<4x32x8xi32>
      %concatenate3A_2508 = tpu.concatenate %slice3A_2506, %slice3A_2507 in 2 : vector<4x32x120xi32>, vector<4x32x8xi32> -> vector<4x32x128xi32>
      %slice3A_2509 = vector.extract_strided_slice %select_n3A_2492 {offsets = [0, 0, 120], sizes = [4, 32, 8], strides = [1, 1, 1]} : vector<4x32x128xi32> to vector<4x32x8xi32>
      %slice3A_2510 = vector.extract_strided_slice %select_n3A_2492 {offsets = [0, 0, 0], sizes = [4, 32, 120], strides = [1, 1, 1]} : vector<4x32x128xi32> to vector<4x32x120xi32>
      %concatenate3A_2511 = tpu.concatenate %slice3A_2509, %slice3A_2510 in 2 : vector<4x32x8xi32>, vector<4x32x120xi32> -> vector<4x32x128xi32>
      %select_n3A_2512 = arith.select %eq3A_2498, %concatenate3A_2508, %concatenate3A_2511 : vector<4x32x128xi1>, vector<4x32x128xi32>
      %gt3A_2513 = arith.cmpf ogt, %select_n3A_2505, %select_n3A_2491 : vector<4x32x128xf32>
      %eq3A_2514 = arith.cmpf oeq, %select_n3A_2505, %select_n3A_2491 : vector<4x32x128xf32>
      %lt3A_2515 = arith.cmpi slt, %select_n3A_2512, %select_n3A_2492 : vector<4x32x128xi32>
      %and3A_2516 = arith.andi %eq3A_2514, %lt3A_2515 : vector<4x32x128xi1>
      %or3A_2517 = arith.ori %gt3A_2513, %and3A_2516 : vector<4x32x128xi1>
      %eq3A_2518 = arith.xori %or3A_2517, %eq3A_2498 : vector<4x32x128xi1>
      %eq3A_2519 = arith.constant dense<true> : vector<4x32x128xi1>
      %eq3A_2520 = arith.xori %eq3A_2518, %eq3A_2519 : vector<4x32x128xi1>
      %ne3A_2521 = arith.xori %eq3A_2520, %ge3A_2275 : vector<4x32x128xi1>
      %select_n3A_2522 = arith.select %ne3A_2521, %select_n3A_2505, %select_n3A_2491 : vector<4x32x128xi1>, vector<4x32x128xf32>
      %select_n3A_2523 = arith.select %ne3A_2521, %select_n3A_2512, %select_n3A_2492 : vector<4x32x128xi1>, vector<4x32x128xi32>
      %and3A_2524 = arith.constant 4 : i32
      %and3A_2525 = vector.broadcast %and3A_2524 : i32 to vector<4x32x128xi32>
      %and3A_2526 = arith.andi %add3A_2273, %and3A_2525 : vector<4x32x128xi32>
      %eq3A_2527 = arith.constant 0 : i32
      %eq3A_2528 = vector.broadcast %eq3A_2527 : i32 to vector<4x32x128xi32>
      %eq3A_2529 = arith.cmpi eq, %and3A_2526, %eq3A_2528 : vector<4x32x128xi32>
      %slice3A_2530 = vector.extract_strided_slice %select_n3A_2522 {offsets = [0, 0, 4], sizes = [4, 32, 124], strides = [1, 1, 1]} : vector<4x32x128xf32> to vector<4x32x124xf32>
      %slice3A_2531 = vector.extract_strided_slice %select_n3A_2522 {offsets = [0, 0, 0], sizes = [4, 32, 4], strides = [1, 1, 1]} : vector<4x32x128xf32> to vector<4x32x4xf32>
      %concatenate3A_2532 = tpu.concatenate %slice3A_2530, %slice3A_2531 in 2 : vector<4x32x124xf32>, vector<4x32x4xf32> -> vector<4x32x128xf32>
      %slice3A_2533 = vector.extract_strided_slice %select_n3A_2522 {offsets = [0, 0, 124], sizes = [4, 32, 4], strides = [1, 1, 1]} : vector<4x32x128xf32> to vector<4x32x4xf32>
      %slice3A_2534 = vector.extract_strided_slice %select_n3A_2522 {offsets = [0, 0, 0], sizes = [4, 32, 124], strides = [1, 1, 1]} : vector<4x32x128xf32> to vector<4x32x124xf32>
      %concatenate3A_2535 = tpu.concatenate %slice3A_2533, %slice3A_2534 in 2 : vector<4x32x4xf32>, vector<4x32x124xf32> -> vector<4x32x128xf32>
      %select_n3A_2536 = arith.select %eq3A_2529, %concatenate3A_2532, %concatenate3A_2535 : vector<4x32x128xi1>, vector<4x32x128xf32>
      %slice3A_2537 = vector.extract_strided_slice %select_n3A_2523 {offsets = [0, 0, 4], sizes = [4, 32, 124], strides = [1, 1, 1]} : vector<4x32x128xi32> to vector<4x32x124xi32>
      %slice3A_2538 = vector.extract_strided_slice %select_n3A_2523 {offsets = [0, 0, 0], sizes = [4, 32, 4], strides = [1, 1, 1]} : vector<4x32x128xi32> to vector<4x32x4xi32>
      %concatenate3A_2539 = tpu.concatenate %slice3A_2537, %slice3A_2538 in 2 : vector<4x32x124xi32>, vector<4x32x4xi32> -> vector<4x32x128xi32>
      %slice3A_2540 = vector.extract_strided_slice %select_n3A_2523 {offsets = [0, 0, 124], sizes = [4, 32, 4], strides = [1, 1, 1]} : vector<4x32x128xi32> to vector<4x32x4xi32>
      %slice3A_2541 = vector.extract_strided_slice %select_n3A_2523 {offsets = [0, 0, 0], sizes = [4, 32, 124], strides = [1, 1, 1]} : vector<4x32x128xi32> to vector<4x32x124xi32>
      %concatenate3A_2542 = tpu.concatenate %slice3A_2540, %slice3A_2541 in 2 : vector<4x32x4xi32>, vector<4x32x124xi32> -> vector<4x32x128xi32>
      %select_n3A_2543 = arith.select %eq3A_2529, %concatenate3A_2539, %concatenate3A_2542 : vector<4x32x128xi1>, vector<4x32x128xi32>
      %gt3A_2544 = arith.cmpf ogt, %select_n3A_2536, %select_n3A_2522 : vector<4x32x128xf32>
      %eq3A_2545 = arith.cmpf oeq, %select_n3A_2536, %select_n3A_2522 : vector<4x32x128xf32>
      %lt3A_2546 = arith.cmpi slt, %select_n3A_2543, %select_n3A_2523 : vector<4x32x128xi32>
      %and3A_2547 = arith.andi %eq3A_2545, %lt3A_2546 : vector<4x32x128xi1>
      %or3A_2548 = arith.ori %gt3A_2544, %and3A_2547 : vector<4x32x128xi1>
      %eq3A_2549 = arith.xori %or3A_2548, %eq3A_2529 : vector<4x32x128xi1>
      %eq3A_2550 = arith.constant dense<true> : vector<4x32x128xi1>
      %eq3A_2551 = arith.xori %eq3A_2549, %eq3A_2550 : vector<4x32x128xi1>
      %ne3A_2552 = arith.xori %eq3A_2551, %ge3A_2275 : vector<4x32x128xi1>
      %select_n3A_2553 = arith.select %ne3A_2552, %select_n3A_2536, %select_n3A_2522 : vector<4x32x128xi1>, vector<4x32x128xf32>
      %select_n3A_2554 = arith.select %ne3A_2552, %select_n3A_2543, %select_n3A_2523 : vector<4x32x128xi1>, vector<4x32x128xi32>
      %and3A_2555 = arith.constant 2 : i32
      %and3A_2556 = vector.broadcast %and3A_2555 : i32 to vector<4x32x128xi32>
      %and3A_2557 = arith.andi %add3A_2273, %and3A_2556 : vector<4x32x128xi32>
      %eq3A_2558 = arith.constant 0 : i32
      %eq3A_2559 = vector.broadcast %eq3A_2558 : i32 to vector<4x32x128xi32>
      %eq3A_2560 = arith.cmpi eq, %and3A_2557, %eq3A_2559 : vector<4x32x128xi32>
      %slice3A_2561 = vector.extract_strided_slice %select_n3A_2553 {offsets = [0, 0, 2], sizes = [4, 32, 126], strides = [1, 1, 1]} : vector<4x32x128xf32> to vector<4x32x126xf32>
      %slice3A_2562 = vector.extract_strided_slice %select_n3A_2553 {offsets = [0, 0, 0], sizes = [4, 32, 2], strides = [1, 1, 1]} : vector<4x32x128xf32> to vector<4x32x2xf32>
      %concatenate3A_2563 = tpu.concatenate %slice3A_2561, %slice3A_2562 in 2 : vector<4x32x126xf32>, vector<4x32x2xf32> -> vector<4x32x128xf32>
      %slice3A_2564 = vector.extract_strided_slice %select_n3A_2553 {offsets = [0, 0, 126], sizes = [4, 32, 2], strides = [1, 1, 1]} : vector<4x32x128xf32> to vector<4x32x2xf32>
      %slice3A_2565 = vector.extract_strided_slice %select_n3A_2553 {offsets = [0, 0, 0], sizes = [4, 32, 126], strides = [1, 1, 1]} : vector<4x32x128xf32> to vector<4x32x126xf32>
      %concatenate3A_2566 = tpu.concatenate %slice3A_2564, %slice3A_2565 in 2 : vector<4x32x2xf32>, vector<4x32x126xf32> -> vector<4x32x128xf32>
      %select_n3A_2567 = arith.select %eq3A_2560, %concatenate3A_2563, %concatenate3A_2566 : vector<4x32x128xi1>, vector<4x32x128xf32>
      %slice3A_2568 = vector.extract_strided_slice %select_n3A_2554 {offsets = [0, 0, 2], sizes = [4, 32, 126], strides = [1, 1, 1]} : vector<4x32x128xi32> to vector<4x32x126xi32>
      %slice3A_2569 = vector.extract_strided_slice %select_n3A_2554 {offsets = [0, 0, 0], sizes = [4, 32, 2], strides = [1, 1, 1]} : vector<4x32x128xi32> to vector<4x32x2xi32>
      %concatenate3A_2570 = tpu.concatenate %slice3A_2568, %slice3A_2569 in 2 : vector<4x32x126xi32>, vector<4x32x2xi32> -> vector<4x32x128xi32>
      %slice3A_2571 = vector.extract_strided_slice %select_n3A_2554 {offsets = [0, 0, 126], sizes = [4, 32, 2], strides = [1, 1, 1]} : vector<4x32x128xi32> to vector<4x32x2xi32>
      %slice3A_2572 = vector.extract_strided_slice %select_n3A_2554 {offsets = [0, 0, 0], sizes = [4, 32, 126], strides = [1, 1, 1]} : vector<4x32x128xi32> to vector<4x32x126xi32>
      %concatenate3A_2573 = tpu.concatenate %slice3A_2571, %slice3A_2572 in 2 : vector<4x32x2xi32>, vector<4x32x126xi32> -> vector<4x32x128xi32>
      %select_n3A_2574 = arith.select %eq3A_2560, %concatenate3A_2570, %concatenate3A_2573 : vector<4x32x128xi1>, vector<4x32x128xi32>
      %gt3A_2575 = arith.cmpf ogt, %select_n3A_2567, %select_n3A_2553 : vector<4x32x128xf32>
      %eq3A_2576 = arith.cmpf oeq, %select_n3A_2567, %select_n3A_2553 : vector<4x32x128xf32>
      %lt3A_2577 = arith.cmpi slt, %select_n3A_2574, %select_n3A_2554 : vector<4x32x128xi32>
      %and3A_2578 = arith.andi %eq3A_2576, %lt3A_2577 : vector<4x32x128xi1>
      %or3A_2579 = arith.ori %gt3A_2575, %and3A_2578 : vector<4x32x128xi1>
      %eq3A_2580 = arith.xori %or3A_2579, %eq3A_2560 : vector<4x32x128xi1>
      %eq3A_2581 = arith.constant dense<true> : vector<4x32x128xi1>
      %eq3A_2582 = arith.xori %eq3A_2580, %eq3A_2581 : vector<4x32x128xi1>
      %ne3A_2583 = arith.xori %eq3A_2582, %ge3A_2275 : vector<4x32x128xi1>
      %select_n3A_2584 = arith.select %ne3A_2583, %select_n3A_2567, %select_n3A_2553 : vector<4x32x128xi1>, vector<4x32x128xf32>
      %select_n3A_2585 = arith.select %ne3A_2583, %select_n3A_2574, %select_n3A_2554 : vector<4x32x128xi1>, vector<4x32x128xi32>
      %and3A_2586 = arith.constant 1 : i32
      %and3A_2587 = vector.broadcast %and3A_2586 : i32 to vector<4x32x128xi32>
      %and3A_2588 = arith.andi %add3A_2273, %and3A_2587 : vector<4x32x128xi32>
      %eq3A_2589 = arith.constant 0 : i32
      %eq3A_2590 = vector.broadcast %eq3A_2589 : i32 to vector<4x32x128xi32>
      %eq3A_2591 = arith.cmpi eq, %and3A_2588, %eq3A_2590 : vector<4x32x128xi32>
      %slice3A_2592 = vector.extract_strided_slice %select_n3A_2584 {offsets = [0, 0, 1], sizes = [4, 32, 127], strides = [1, 1, 1]} : vector<4x32x128xf32> to vector<4x32x127xf32>
      %slice3A_2593 = vector.extract_strided_slice %select_n3A_2584 {offsets = [0, 0, 0], sizes = [4, 32, 1], strides = [1, 1, 1]} : vector<4x32x128xf32> to vector<4x32x1xf32>
      %concatenate3A_2594 = tpu.concatenate %slice3A_2592, %slice3A_2593 in 2 : vector<4x32x127xf32>, vector<4x32x1xf32> -> vector<4x32x128xf32>
      %slice3A_2595 = vector.extract_strided_slice %select_n3A_2584 {offsets = [0, 0, 127], sizes = [4, 32, 1], strides = [1, 1, 1]} : vector<4x32x128xf32> to vector<4x32x1xf32>
      %slice3A_2596 = vector.extract_strided_slice %select_n3A_2584 {offsets = [0, 0, 0], sizes = [4, 32, 127], strides = [1, 1, 1]} : vector<4x32x128xf32> to vector<4x32x127xf32>
      %concatenate3A_2597 = tpu.concatenate %slice3A_2595, %slice3A_2596 in 2 : vector<4x32x1xf32>, vector<4x32x127xf32> -> vector<4x32x128xf32>
      %select_n3A_2598 = arith.select %eq3A_2591, %concatenate3A_2594, %concatenate3A_2597 : vector<4x32x128xi1>, vector<4x32x128xf32>
      %slice3A_2599 = vector.extract_strided_slice %select_n3A_2585 {offsets = [0, 0, 1], sizes = [4, 32, 127], strides = [1, 1, 1]} : vector<4x32x128xi32> to vector<4x32x127xi32>
      %slice3A_2600 = vector.extract_strided_slice %select_n3A_2585 {offsets = [0, 0, 0], sizes = [4, 32, 1], strides = [1, 1, 1]} : vector<4x32x128xi32> to vector<4x32x1xi32>
      %concatenate3A_2601 = tpu.concatenate %slice3A_2599, %slice3A_2600 in 2 : vector<4x32x127xi32>, vector<4x32x1xi32> -> vector<4x32x128xi32>
      %slice3A_2602 = vector.extract_strided_slice %select_n3A_2585 {offsets = [0, 0, 127], sizes = [4, 32, 1], strides = [1, 1, 1]} : vector<4x32x128xi32> to vector<4x32x1xi32>
      %slice3A_2603 = vector.extract_strided_slice %select_n3A_2585 {offsets = [0, 0, 0], sizes = [4, 32, 127], strides = [1, 1, 1]} : vector<4x32x128xi32> to vector<4x32x127xi32>
      %concatenate3A_2604 = tpu.concatenate %slice3A_2602, %slice3A_2603 in 2 : vector<4x32x1xi32>, vector<4x32x127xi32> -> vector<4x32x128xi32>
      %select_n3A_2605 = arith.select %eq3A_2591, %concatenate3A_2601, %concatenate3A_2604 : vector<4x32x128xi1>, vector<4x32x128xi32>
      %gt3A_2606 = arith.cmpf ogt, %select_n3A_2598, %select_n3A_2584 : vector<4x32x128xf32>
      %eq3A_2607 = arith.cmpf oeq, %select_n3A_2598, %select_n3A_2584 : vector<4x32x128xf32>
      %lt3A_2608 = arith.cmpi slt, %select_n3A_2605, %select_n3A_2585 : vector<4x32x128xi32>
      %and3A_2609 = arith.andi %eq3A_2607, %lt3A_2608 : vector<4x32x128xi1>
      %or3A_2610 = arith.ori %gt3A_2606, %and3A_2609 : vector<4x32x128xi1>
      %eq3A_2611 = arith.xori %or3A_2610, %eq3A_2591 : vector<4x32x128xi1>
      %eq3A_2612 = arith.constant dense<true> : vector<4x32x128xi1>
      %eq3A_2613 = arith.xori %eq3A_2611, %eq3A_2612 : vector<4x32x128xi1>
      %ne3A_2614 = arith.xori %eq3A_2613, %ge3A_2275 : vector<4x32x128xi1>
      %select_n3A_2615 = arith.select %ne3A_2614, %select_n3A_2598, %select_n3A_2584 : vector<4x32x128xi1>, vector<4x32x128xf32>
      %select_n3A_2616 = arith.select %ne3A_2614, %select_n3A_2605, %select_n3A_2585 : vector<4x32x128xi1>, vector<4x32x128xi32>
      %slice3A_2617 = vector.extract_strided_slice %select_n3A_2615 {offsets = [0, 16, 0], sizes = [4, 16, 128], strides = [1, 1, 1]} : vector<4x32x128xf32> to vector<4x16x128xf32>
      %slice3A_2618 = vector.extract_strided_slice %select_n3A_2616 {offsets = [0, 16, 0], sizes = [4, 16, 128], strides = [1, 1, 1]} : vector<4x32x128xi32> to vector<4x16x128xi32>
      %slice3A_2619 = vector.extract_strided_slice %select_n3A_2615 {offsets = [0, 0, 0], sizes = [4, 16, 128], strides = [1, 1, 1]} : vector<4x32x128xf32> to vector<4x16x128xf32>
      %slice3A_2620 = vector.extract_strided_slice %select_n3A_2616 {offsets = [0, 0, 0], sizes = [4, 16, 128], strides = [1, 1, 1]} : vector<4x32x128xi32> to vector<4x16x128xi32>
      %gt3A_2621 = arith.cmpf ogt, %slice3A_2617, %slice3A_2619 : vector<4x16x128xf32>
      %eq3A_2622 = arith.cmpf oeq, %slice3A_2617, %slice3A_2619 : vector<4x16x128xf32>
      %lt3A_2623 = arith.cmpi slt, %slice3A_2618, %slice3A_2620 : vector<4x16x128xi32>
      %and3A_2624 = arith.andi %eq3A_2622, %lt3A_2623 : vector<4x16x128xi1>
      %or3A_2625 = arith.ori %gt3A_2621, %and3A_2624 : vector<4x16x128xi1>
      %slice3A_2626 = vector.extract_strided_slice %select_n3A_2615 {offsets = [0, 16, 0], sizes = [4, 16, 128], strides = [1, 1, 1]} : vector<4x32x128xf32> to vector<4x16x128xf32>
      %slice3A_2627 = vector.extract_strided_slice %select_n3A_2615 {offsets = [0, 0, 0], sizes = [4, 16, 128], strides = [1, 1, 1]} : vector<4x32x128xf32> to vector<4x16x128xf32>
      %select_n3A_2628 = arith.select %or3A_2625, %slice3A_2626, %slice3A_2627 : vector<4x16x128xi1>, vector<4x16x128xf32>
      %slice3A_2629 = vector.extract_strided_slice %select_n3A_2616 {offsets = [0, 16, 0], sizes = [4, 16, 128], strides = [1, 1, 1]} : vector<4x32x128xi32> to vector<4x16x128xi32>
      %slice3A_2630 = vector.extract_strided_slice %select_n3A_2616 {offsets = [0, 0, 0], sizes = [4, 16, 128], strides = [1, 1, 1]} : vector<4x32x128xi32> to vector<4x16x128xi32>
      %select_n3A_2631 = arith.select %or3A_2625, %slice3A_2629, %slice3A_2630 : vector<4x16x128xi1>, vector<4x16x128xi32>
      %iota3A_2632 = tpu.iota {dimensions = array<i32: 1>} : vector<4x16x128xi32>
      %iota3A_2633 = tpu.iota {dimensions = array<i32: 2>} : vector<4x16x128xi32>
      %mul3A_2634 = arith.constant 128 : i32
      %mul3A_2635 = vector.broadcast %mul3A_2634 : i32 to vector<4x16x128xi32>
      %mul3A_2636 = arith.muli %iota3A_2632, %mul3A_2635 : vector<4x16x128xi32>
      %add3A_2637 = arith.addi %mul3A_2636, %iota3A_2633 : vector<4x16x128xi32>
      %broadcast_in_dim3A = arith.constant false
      %broadcast_in_dim3A_2638 = vector.broadcast %broadcast_in_dim3A : i1 to vector<4x16x128xi1>
      %and3A_2639 = arith.constant 1024 : i32
      %and3A_2640 = vector.broadcast %and3A_2639 : i32 to vector<4x16x128xi32>
      %and3A_2641 = arith.andi %add3A_2637, %and3A_2640 : vector<4x16x128xi32>
      %eq3A_2642 = arith.constant 0 : i32
      %eq3A_2643 = vector.broadcast %eq3A_2642 : i32 to vector<4x16x128xi32>
      %eq3A_2644 = arith.cmpi eq, %and3A_2641, %eq3A_2643 : vector<4x16x128xi32>
      %slice3A_2645 = vector.extract_strided_slice %select_n3A_2628 {offsets = [0, 8, 0], sizes = [4, 8, 128], strides = [1, 1, 1]} : vector<4x16x128xf32> to vector<4x8x128xf32>
      %slice3A_2646 = vector.extract_strided_slice %select_n3A_2628 {offsets = [0, 0, 0], sizes = [4, 8, 128], strides = [1, 1, 1]} : vector<4x16x128xf32> to vector<4x8x128xf32>
      %concatenate3A_2647 = tpu.concatenate %slice3A_2645, %slice3A_2646 in 1 : vector<4x8x128xf32>, vector<4x8x128xf32> -> vector<4x16x128xf32>
      %slice3A_2648 = vector.extract_strided_slice %select_n3A_2628 {offsets = [0, 8, 0], sizes = [4, 8, 128], strides = [1, 1, 1]} : vector<4x16x128xf32> to vector<4x8x128xf32>
      %slice3A_2649 = vector.extract_strided_slice %select_n3A_2628 {offsets = [0, 0, 0], sizes = [4, 8, 128], strides = [1, 1, 1]} : vector<4x16x128xf32> to vector<4x8x128xf32>
      %concatenate3A_2650 = tpu.concatenate %slice3A_2648, %slice3A_2649 in 1 : vector<4x8x128xf32>, vector<4x8x128xf32> -> vector<4x16x128xf32>
      %select_n3A_2651 = arith.select %eq3A_2644, %concatenate3A_2647, %concatenate3A_2650 : vector<4x16x128xi1>, vector<4x16x128xf32>
      %slice3A_2652 = vector.extract_strided_slice %select_n3A_2631 {offsets = [0, 8, 0], sizes = [4, 8, 128], strides = [1, 1, 1]} : vector<4x16x128xi32> to vector<4x8x128xi32>
      %slice3A_2653 = vector.extract_strided_slice %select_n3A_2631 {offsets = [0, 0, 0], sizes = [4, 8, 128], strides = [1, 1, 1]} : vector<4x16x128xi32> to vector<4x8x128xi32>
      %concatenate3A_2654 = tpu.concatenate %slice3A_2652, %slice3A_2653 in 1 : vector<4x8x128xi32>, vector<4x8x128xi32> -> vector<4x16x128xi32>
      %slice3A_2655 = vector.extract_strided_slice %select_n3A_2631 {offsets = [0, 8, 0], sizes = [4, 8, 128], strides = [1, 1, 1]} : vector<4x16x128xi32> to vector<4x8x128xi32>
      %slice3A_2656 = vector.extract_strided_slice %select_n3A_2631 {offsets = [0, 0, 0], sizes = [4, 8, 128], strides = [1, 1, 1]} : vector<4x16x128xi32> to vector<4x8x128xi32>
      %concatenate3A_2657 = tpu.concatenate %slice3A_2655, %slice3A_2656 in 1 : vector<4x8x128xi32>, vector<4x8x128xi32> -> vector<4x16x128xi32>
      %select_n3A_2658 = arith.select %eq3A_2644, %concatenate3A_2654, %concatenate3A_2657 : vector<4x16x128xi1>, vector<4x16x128xi32>
      %gt3A_2659 = arith.cmpf ogt, %select_n3A_2651, %select_n3A_2628 : vector<4x16x128xf32>
      %eq3A_2660 = arith.cmpf oeq, %select_n3A_2651, %select_n3A_2628 : vector<4x16x128xf32>
      %lt3A_2661 = arith.cmpi slt, %select_n3A_2658, %select_n3A_2631 : vector<4x16x128xi32>
      %and3A_2662 = arith.andi %eq3A_2660, %lt3A_2661 : vector<4x16x128xi1>
      %or3A_2663 = arith.ori %gt3A_2659, %and3A_2662 : vector<4x16x128xi1>
      %eq3A_2664 = arith.xori %or3A_2663, %eq3A_2644 : vector<4x16x128xi1>
      %eq3A_2665 = arith.constant dense<true> : vector<4x16x128xi1>
      %eq3A_2666 = arith.xori %eq3A_2664, %eq3A_2665 : vector<4x16x128xi1>
      %ne3A_2667 = arith.xori %eq3A_2666, %broadcast_in_dim3A_2638 : vector<4x16x128xi1>
      %select_n3A_2668 = arith.select %ne3A_2667, %select_n3A_2651, %select_n3A_2628 : vector<4x16x128xi1>, vector<4x16x128xf32>
      %select_n3A_2669 = arith.select %ne3A_2667, %select_n3A_2658, %select_n3A_2631 : vector<4x16x128xi1>, vector<4x16x128xi32>
      %and3A_2670 = arith.constant 512 : i32
      %and3A_2671 = vector.broadcast %and3A_2670 : i32 to vector<4x16x128xi32>
      %and3A_2672 = arith.andi %add3A_2637, %and3A_2671 : vector<4x16x128xi32>
      %eq3A_2673 = arith.constant 0 : i32
      %eq3A_2674 = vector.broadcast %eq3A_2673 : i32 to vector<4x16x128xi32>
      %eq3A_2675 = arith.cmpi eq, %and3A_2672, %eq3A_2674 : vector<4x16x128xi32>
      %slice3A_2676 = vector.extract_strided_slice %select_n3A_2668 {offsets = [0, 4, 0], sizes = [4, 12, 128], strides = [1, 1, 1]} : vector<4x16x128xf32> to vector<4x12x128xf32>
      %slice3A_2677 = vector.extract_strided_slice %select_n3A_2668 {offsets = [0, 0, 0], sizes = [4, 4, 128], strides = [1, 1, 1]} : vector<4x16x128xf32> to vector<4x4x128xf32>
      %concatenate3A_2678 = tpu.concatenate %slice3A_2676, %slice3A_2677 in 1 : vector<4x12x128xf32>, vector<4x4x128xf32> -> vector<4x16x128xf32>
      %slice3A_2679 = vector.extract_strided_slice %select_n3A_2668 {offsets = [0, 12, 0], sizes = [4, 4, 128], strides = [1, 1, 1]} : vector<4x16x128xf32> to vector<4x4x128xf32>
      %slice3A_2680 = vector.extract_strided_slice %select_n3A_2668 {offsets = [0, 0, 0], sizes = [4, 12, 128], strides = [1, 1, 1]} : vector<4x16x128xf32> to vector<4x12x128xf32>
      %concatenate3A_2681 = tpu.concatenate %slice3A_2679, %slice3A_2680 in 1 : vector<4x4x128xf32>, vector<4x12x128xf32> -> vector<4x16x128xf32>
      %select_n3A_2682 = arith.select %eq3A_2675, %concatenate3A_2678, %concatenate3A_2681 : vector<4x16x128xi1>, vector<4x16x128xf32>
      %slice3A_2683 = vector.extract_strided_slice %select_n3A_2669 {offsets = [0, 4, 0], sizes = [4, 12, 128], strides = [1, 1, 1]} : vector<4x16x128xi32> to vector<4x12x128xi32>
      %slice3A_2684 = vector.extract_strided_slice %select_n3A_2669 {offsets = [0, 0, 0], sizes = [4, 4, 128], strides = [1, 1, 1]} : vector<4x16x128xi32> to vector<4x4x128xi32>
      %concatenate3A_2685 = tpu.concatenate %slice3A_2683, %slice3A_2684 in 1 : vector<4x12x128xi32>, vector<4x4x128xi32> -> vector<4x16x128xi32>
      %slice3A_2686 = vector.extract_strided_slice %select_n3A_2669 {offsets = [0, 12, 0], sizes = [4, 4, 128], strides = [1, 1, 1]} : vector<4x16x128xi32> to vector<4x4x128xi32>
      %slice3A_2687 = vector.extract_strided_slice %select_n3A_2669 {offsets = [0, 0, 0], sizes = [4, 12, 128], strides = [1, 1, 1]} : vector<4x16x128xi32> to vector<4x12x128xi32>
      %concatenate3A_2688 = tpu.concatenate %slice3A_2686, %slice3A_2687 in 1 : vector<4x4x128xi32>, vector<4x12x128xi32> -> vector<4x16x128xi32>
      %select_n3A_2689 = arith.select %eq3A_2675, %concatenate3A_2685, %concatenate3A_2688 : vector<4x16x128xi1>, vector<4x16x128xi32>
      %gt3A_2690 = arith.cmpf ogt, %select_n3A_2682, %select_n3A_2668 : vector<4x16x128xf32>
      %eq3A_2691 = arith.cmpf oeq, %select_n3A_2682, %select_n3A_2668 : vector<4x16x128xf32>
      %lt3A_2692 = arith.cmpi slt, %select_n3A_2689, %select_n3A_2669 : vector<4x16x128xi32>
      %and3A_2693 = arith.andi %eq3A_2691, %lt3A_2692 : vector<4x16x128xi1>
      %or3A_2694 = arith.ori %gt3A_2690, %and3A_2693 : vector<4x16x128xi1>
      %eq3A_2695 = arith.xori %or3A_2694, %eq3A_2675 : vector<4x16x128xi1>
      %eq3A_2696 = arith.constant dense<true> : vector<4x16x128xi1>
      %eq3A_2697 = arith.xori %eq3A_2695, %eq3A_2696 : vector<4x16x128xi1>
      %ne3A_2698 = arith.xori %eq3A_2697, %broadcast_in_dim3A_2638 : vector<4x16x128xi1>
      %select_n3A_2699 = arith.select %ne3A_2698, %select_n3A_2682, %select_n3A_2668 : vector<4x16x128xi1>, vector<4x16x128xf32>
      %select_n3A_2700 = arith.select %ne3A_2698, %select_n3A_2689, %select_n3A_2669 : vector<4x16x128xi1>, vector<4x16x128xi32>
      %and3A_2701 = arith.constant 256 : i32
      %and3A_2702 = vector.broadcast %and3A_2701 : i32 to vector<4x16x128xi32>
      %and3A_2703 = arith.andi %add3A_2637, %and3A_2702 : vector<4x16x128xi32>
      %eq3A_2704 = arith.constant 0 : i32
      %eq3A_2705 = vector.broadcast %eq3A_2704 : i32 to vector<4x16x128xi32>
      %eq3A_2706 = arith.cmpi eq, %and3A_2703, %eq3A_2705 : vector<4x16x128xi32>
      %slice3A_2707 = vector.extract_strided_slice %select_n3A_2699 {offsets = [0, 2, 0], sizes = [4, 14, 128], strides = [1, 1, 1]} : vector<4x16x128xf32> to vector<4x14x128xf32>
      %slice3A_2708 = vector.extract_strided_slice %select_n3A_2699 {offsets = [0, 0, 0], sizes = [4, 2, 128], strides = [1, 1, 1]} : vector<4x16x128xf32> to vector<4x2x128xf32>
      %concatenate3A_2709 = tpu.concatenate %slice3A_2707, %slice3A_2708 in 1 : vector<4x14x128xf32>, vector<4x2x128xf32> -> vector<4x16x128xf32>
      %slice3A_2710 = vector.extract_strided_slice %select_n3A_2699 {offsets = [0, 14, 0], sizes = [4, 2, 128], strides = [1, 1, 1]} : vector<4x16x128xf32> to vector<4x2x128xf32>
      %slice3A_2711 = vector.extract_strided_slice %select_n3A_2699 {offsets = [0, 0, 0], sizes = [4, 14, 128], strides = [1, 1, 1]} : vector<4x16x128xf32> to vector<4x14x128xf32>
      %concatenate3A_2712 = tpu.concatenate %slice3A_2710, %slice3A_2711 in 1 : vector<4x2x128xf32>, vector<4x14x128xf32> -> vector<4x16x128xf32>
      %select_n3A_2713 = arith.select %eq3A_2706, %concatenate3A_2709, %concatenate3A_2712 : vector<4x16x128xi1>, vector<4x16x128xf32>
      %slice3A_2714 = vector.extract_strided_slice %select_n3A_2700 {offsets = [0, 2, 0], sizes = [4, 14, 128], strides = [1, 1, 1]} : vector<4x16x128xi32> to vector<4x14x128xi32>
      %slice3A_2715 = vector.extract_strided_slice %select_n3A_2700 {offsets = [0, 0, 0], sizes = [4, 2, 128], strides = [1, 1, 1]} : vector<4x16x128xi32> to vector<4x2x128xi32>
      %concatenate3A_2716 = tpu.concatenate %slice3A_2714, %slice3A_2715 in 1 : vector<4x14x128xi32>, vector<4x2x128xi32> -> vector<4x16x128xi32>
      %slice3A_2717 = vector.extract_strided_slice %select_n3A_2700 {offsets = [0, 14, 0], sizes = [4, 2, 128], strides = [1, 1, 1]} : vector<4x16x128xi32> to vector<4x2x128xi32>
      %slice3A_2718 = vector.extract_strided_slice %select_n3A_2700 {offsets = [0, 0, 0], sizes = [4, 14, 128], strides = [1, 1, 1]} : vector<4x16x128xi32> to vector<4x14x128xi32>
      %concatenate3A_2719 = tpu.concatenate %slice3A_2717, %slice3A_2718 in 1 : vector<4x2x128xi32>, vector<4x14x128xi32> -> vector<4x16x128xi32>
      %select_n3A_2720 = arith.select %eq3A_2706, %concatenate3A_2716, %concatenate3A_2719 : vector<4x16x128xi1>, vector<4x16x128xi32>
      %gt3A_2721 = arith.cmpf ogt, %select_n3A_2713, %select_n3A_2699 : vector<4x16x128xf32>
      %eq3A_2722 = arith.cmpf oeq, %select_n3A_2713, %select_n3A_2699 : vector<4x16x128xf32>
      %lt3A_2723 = arith.cmpi slt, %select_n3A_2720, %select_n3A_2700 : vector<4x16x128xi32>
      %and3A_2724 = arith.andi %eq3A_2722, %lt3A_2723 : vector<4x16x128xi1>
      %or3A_2725 = arith.ori %gt3A_2721, %and3A_2724 : vector<4x16x128xi1>
      %eq3A_2726 = arith.xori %or3A_2725, %eq3A_2706 : vector<4x16x128xi1>
      %eq3A_2727 = arith.constant dense<true> : vector<4x16x128xi1>
      %eq3A_2728 = arith.xori %eq3A_2726, %eq3A_2727 : vector<4x16x128xi1>
      %ne3A_2729 = arith.xori %eq3A_2728, %broadcast_in_dim3A_2638 : vector<4x16x128xi1>
      %select_n3A_2730 = arith.select %ne3A_2729, %select_n3A_2713, %select_n3A_2699 : vector<4x16x128xi1>, vector<4x16x128xf32>
      %select_n3A_2731 = arith.select %ne3A_2729, %select_n3A_2720, %select_n3A_2700 : vector<4x16x128xi1>, vector<4x16x128xi32>
      %and3A_2732 = arith.constant 128 : i32
      %and3A_2733 = vector.broadcast %and3A_2732 : i32 to vector<4x16x128xi32>
      %and3A_2734 = arith.andi %add3A_2637, %and3A_2733 : vector<4x16x128xi32>
      %eq3A_2735 = arith.constant 0 : i32
      %eq3A_2736 = vector.broadcast %eq3A_2735 : i32 to vector<4x16x128xi32>
      %eq3A_2737 = arith.cmpi eq, %and3A_2734, %eq3A_2736 : vector<4x16x128xi32>
      %slice3A_2738 = vector.extract_strided_slice %select_n3A_2730 {offsets = [0, 1, 0], sizes = [4, 15, 128], strides = [1, 1, 1]} : vector<4x16x128xf32> to vector<4x15x128xf32>
      %slice3A_2739 = vector.extract_strided_slice %select_n3A_2730 {offsets = [0, 0, 0], sizes = [4, 1, 128], strides = [1, 1, 1]} : vector<4x16x128xf32> to vector<4x1x128xf32>
      %concatenate3A_2740 = tpu.concatenate %slice3A_2738, %slice3A_2739 in 1 : vector<4x15x128xf32>, vector<4x1x128xf32> -> vector<4x16x128xf32>
      %slice3A_2741 = vector.extract_strided_slice %select_n3A_2730 {offsets = [0, 15, 0], sizes = [4, 1, 128], strides = [1, 1, 1]} : vector<4x16x128xf32> to vector<4x1x128xf32>
      %slice3A_2742 = vector.extract_strided_slice %select_n3A_2730 {offsets = [0, 0, 0], sizes = [4, 15, 128], strides = [1, 1, 1]} : vector<4x16x128xf32> to vector<4x15x128xf32>
      %concatenate3A_2743 = tpu.concatenate %slice3A_2741, %slice3A_2742 in 1 : vector<4x1x128xf32>, vector<4x15x128xf32> -> vector<4x16x128xf32>
      %select_n3A_2744 = arith.select %eq3A_2737, %concatenate3A_2740, %concatenate3A_2743 : vector<4x16x128xi1>, vector<4x16x128xf32>
      %slice3A_2745 = vector.extract_strided_slice %select_n3A_2731 {offsets = [0, 1, 0], sizes = [4, 15, 128], strides = [1, 1, 1]} : vector<4x16x128xi32> to vector<4x15x128xi32>
      %slice3A_2746 = vector.extract_strided_slice %select_n3A_2731 {offsets = [0, 0, 0], sizes = [4, 1, 128], strides = [1, 1, 1]} : vector<4x16x128xi32> to vector<4x1x128xi32>
      %concatenate3A_2747 = tpu.concatenate %slice3A_2745, %slice3A_2746 in 1 : vector<4x15x128xi32>, vector<4x1x128xi32> -> vector<4x16x128xi32>
      %slice3A_2748 = vector.extract_strided_slice %select_n3A_2731 {offsets = [0, 15, 0], sizes = [4, 1, 128], strides = [1, 1, 1]} : vector<4x16x128xi32> to vector<4x1x128xi32>
      %slice3A_2749 = vector.extract_strided_slice %select_n3A_2731 {offsets = [0, 0, 0], sizes = [4, 15, 128], strides = [1, 1, 1]} : vector<4x16x128xi32> to vector<4x15x128xi32>
      %concatenate3A_2750 = tpu.concatenate %slice3A_2748, %slice3A_2749 in 1 : vector<4x1x128xi32>, vector<4x15x128xi32> -> vector<4x16x128xi32>
      %select_n3A_2751 = arith.select %eq3A_2737, %concatenate3A_2747, %concatenate3A_2750 : vector<4x16x128xi1>, vector<4x16x128xi32>
      %gt3A_2752 = arith.cmpf ogt, %select_n3A_2744, %select_n3A_2730 : vector<4x16x128xf32>
      %eq3A_2753 = arith.cmpf oeq, %select_n3A_2744, %select_n3A_2730 : vector<4x16x128xf32>
      %lt3A_2754 = arith.cmpi slt, %select_n3A_2751, %select_n3A_2731 : vector<4x16x128xi32>
      %and3A_2755 = arith.andi %eq3A_2753, %lt3A_2754 : vector<4x16x128xi1>
      %or3A_2756 = arith.ori %gt3A_2752, %and3A_2755 : vector<4x16x128xi1>
      %eq3A_2757 = arith.xori %or3A_2756, %eq3A_2737 : vector<4x16x128xi1>
      %eq3A_2758 = arith.constant dense<true> : vector<4x16x128xi1>
      %eq3A_2759 = arith.xori %eq3A_2757, %eq3A_2758 : vector<4x16x128xi1>
      %ne3A_2760 = arith.xori %eq3A_2759, %broadcast_in_dim3A_2638 : vector<4x16x128xi1>
      %select_n3A_2761 = arith.select %ne3A_2760, %select_n3A_2744, %select_n3A_2730 : vector<4x16x128xi1>, vector<4x16x128xf32>
      %select_n3A_2762 = arith.select %ne3A_2760, %select_n3A_2751, %select_n3A_2731 : vector<4x16x128xi1>, vector<4x16x128xi32>
      %and3A_2763 = arith.constant 64 : i32
      %and3A_2764 = vector.broadcast %and3A_2763 : i32 to vector<4x16x128xi32>
      %and3A_2765 = arith.andi %add3A_2637, %and3A_2764 : vector<4x16x128xi32>
      %eq3A_2766 = arith.constant 0 : i32
      %eq3A_2767 = vector.broadcast %eq3A_2766 : i32 to vector<4x16x128xi32>
      %eq3A_2768 = arith.cmpi eq, %and3A_2765, %eq3A_2767 : vector<4x16x128xi32>
      %slice3A_2769 = vector.extract_strided_slice %select_n3A_2761 {offsets = [0, 0, 64], sizes = [4, 16, 64], strides = [1, 1, 1]} : vector<4x16x128xf32> to vector<4x16x64xf32>
      %slice3A_2770 = vector.extract_strided_slice %select_n3A_2761 {offsets = [0, 0, 0], sizes = [4, 16, 64], strides = [1, 1, 1]} : vector<4x16x128xf32> to vector<4x16x64xf32>
      %concatenate3A_2771 = tpu.concatenate %slice3A_2769, %slice3A_2770 in 2 : vector<4x16x64xf32>, vector<4x16x64xf32> -> vector<4x16x128xf32>
      %slice3A_2772 = vector.extract_strided_slice %select_n3A_2761 {offsets = [0, 0, 64], sizes = [4, 16, 64], strides = [1, 1, 1]} : vector<4x16x128xf32> to vector<4x16x64xf32>
      %slice3A_2773 = vector.extract_strided_slice %select_n3A_2761 {offsets = [0, 0, 0], sizes = [4, 16, 64], strides = [1, 1, 1]} : vector<4x16x128xf32> to vector<4x16x64xf32>
      %concatenate3A_2774 = tpu.concatenate %slice3A_2772, %slice3A_2773 in 2 : vector<4x16x64xf32>, vector<4x16x64xf32> -> vector<4x16x128xf32>
      %select_n3A_2775 = arith.select %eq3A_2768, %concatenate3A_2771, %concatenate3A_2774 : vector<4x16x128xi1>, vector<4x16x128xf32>
      %slice3A_2776 = vector.extract_strided_slice %select_n3A_2762 {offsets = [0, 0, 64], sizes = [4, 16, 64], strides = [1, 1, 1]} : vector<4x16x128xi32> to vector<4x16x64xi32>
      %slice3A_2777 = vector.extract_strided_slice %select_n3A_2762 {offsets = [0, 0, 0], sizes = [4, 16, 64], strides = [1, 1, 1]} : vector<4x16x128xi32> to vector<4x16x64xi32>
      %concatenate3A_2778 = tpu.concatenate %slice3A_2776, %slice3A_2777 in 2 : vector<4x16x64xi32>, vector<4x16x64xi32> -> vector<4x16x128xi32>
      %slice3A_2779 = vector.extract_strided_slice %select_n3A_2762 {offsets = [0, 0, 64], sizes = [4, 16, 64], strides = [1, 1, 1]} : vector<4x16x128xi32> to vector<4x16x64xi32>
      %slice3A_2780 = vector.extract_strided_slice %select_n3A_2762 {offsets = [0, 0, 0], sizes = [4, 16, 64], strides = [1, 1, 1]} : vector<4x16x128xi32> to vector<4x16x64xi32>
      %concatenate3A_2781 = tpu.concatenate %slice3A_2779, %slice3A_2780 in 2 : vector<4x16x64xi32>, vector<4x16x64xi32> -> vector<4x16x128xi32>
      %select_n3A_2782 = arith.select %eq3A_2768, %concatenate3A_2778, %concatenate3A_2781 : vector<4x16x128xi1>, vector<4x16x128xi32>
      %gt3A_2783 = arith.cmpf ogt, %select_n3A_2775, %select_n3A_2761 : vector<4x16x128xf32>
      %eq3A_2784 = arith.cmpf oeq, %select_n3A_2775, %select_n3A_2761 : vector<4x16x128xf32>
      %lt3A_2785 = arith.cmpi slt, %select_n3A_2782, %select_n3A_2762 : vector<4x16x128xi32>
      %and3A_2786 = arith.andi %eq3A_2784, %lt3A_2785 : vector<4x16x128xi1>
      %or3A_2787 = arith.ori %gt3A_2783, %and3A_2786 : vector<4x16x128xi1>
      %eq3A_2788 = arith.xori %or3A_2787, %eq3A_2768 : vector<4x16x128xi1>
      %eq3A_2789 = arith.constant dense<true> : vector<4x16x128xi1>
      %eq3A_2790 = arith.xori %eq3A_2788, %eq3A_2789 : vector<4x16x128xi1>
      %ne3A_2791 = arith.xori %eq3A_2790, %broadcast_in_dim3A_2638 : vector<4x16x128xi1>
      %select_n3A_2792 = arith.select %ne3A_2791, %select_n3A_2775, %select_n3A_2761 : vector<4x16x128xi1>, vector<4x16x128xf32>
      %select_n3A_2793 = arith.select %ne3A_2791, %select_n3A_2782, %select_n3A_2762 : vector<4x16x128xi1>, vector<4x16x128xi32>
      %and3A_2794 = arith.constant 32 : i32
      %and3A_2795 = vector.broadcast %and3A_2794 : i32 to vector<4x16x128xi32>
      %and3A_2796 = arith.andi %add3A_2637, %and3A_2795 : vector<4x16x128xi32>
      %eq3A_2797 = arith.constant 0 : i32
      %eq3A_2798 = vector.broadcast %eq3A_2797 : i32 to vector<4x16x128xi32>
      %eq3A_2799 = arith.cmpi eq, %and3A_2796, %eq3A_2798 : vector<4x16x128xi32>
      %slice3A_2800 = vector.extract_strided_slice %select_n3A_2792 {offsets = [0, 0, 32], sizes = [4, 16, 96], strides = [1, 1, 1]} : vector<4x16x128xf32> to vector<4x16x96xf32>
      %slice3A_2801 = vector.extract_strided_slice %select_n3A_2792 {offsets = [0, 0, 0], sizes = [4, 16, 32], strides = [1, 1, 1]} : vector<4x16x128xf32> to vector<4x16x32xf32>
      %concatenate3A_2802 = tpu.concatenate %slice3A_2800, %slice3A_2801 in 2 : vector<4x16x96xf32>, vector<4x16x32xf32> -> vector<4x16x128xf32>
      %slice3A_2803 = vector.extract_strided_slice %select_n3A_2792 {offsets = [0, 0, 96], sizes = [4, 16, 32], strides = [1, 1, 1]} : vector<4x16x128xf32> to vector<4x16x32xf32>
      %slice3A_2804 = vector.extract_strided_slice %select_n3A_2792 {offsets = [0, 0, 0], sizes = [4, 16, 96], strides = [1, 1, 1]} : vector<4x16x128xf32> to vector<4x16x96xf32>
      %concatenate3A_2805 = tpu.concatenate %slice3A_2803, %slice3A_2804 in 2 : vector<4x16x32xf32>, vector<4x16x96xf32> -> vector<4x16x128xf32>
      %select_n3A_2806 = arith.select %eq3A_2799, %concatenate3A_2802, %concatenate3A_2805 : vector<4x16x128xi1>, vector<4x16x128xf32>
      %slice3A_2807 = vector.extract_strided_slice %select_n3A_2793 {offsets = [0, 0, 32], sizes = [4, 16, 96], strides = [1, 1, 1]} : vector<4x16x128xi32> to vector<4x16x96xi32>
      %slice3A_2808 = vector.extract_strided_slice %select_n3A_2793 {offsets = [0, 0, 0], sizes = [4, 16, 32], strides = [1, 1, 1]} : vector<4x16x128xi32> to vector<4x16x32xi32>
      %concatenate3A_2809 = tpu.concatenate %slice3A_2807, %slice3A_2808 in 2 : vector<4x16x96xi32>, vector<4x16x32xi32> -> vector<4x16x128xi32>
      %slice3A_2810 = vector.extract_strided_slice %select_n3A_2793 {offsets = [0, 0, 96], sizes = [4, 16, 32], strides = [1, 1, 1]} : vector<4x16x128xi32> to vector<4x16x32xi32>
      %slice3A_2811 = vector.extract_strided_slice %select_n3A_2793 {offsets = [0, 0, 0], sizes = [4, 16, 96], strides = [1, 1, 1]} : vector<4x16x128xi32> to vector<4x16x96xi32>
      %concatenate3A_2812 = tpu.concatenate %slice3A_2810, %slice3A_2811 in 2 : vector<4x16x32xi32>, vector<4x16x96xi32> -> vector<4x16x128xi32>
      %select_n3A_2813 = arith.select %eq3A_2799, %concatenate3A_2809, %concatenate3A_2812 : vector<4x16x128xi1>, vector<4x16x128xi32>
      %gt3A_2814 = arith.cmpf ogt, %select_n3A_2806, %select_n3A_2792 : vector<4x16x128xf32>
      %eq3A_2815 = arith.cmpf oeq, %select_n3A_2806, %select_n3A_2792 : vector<4x16x128xf32>
      %lt3A_2816 = arith.cmpi slt, %select_n3A_2813, %select_n3A_2793 : vector<4x16x128xi32>
      %and3A_2817 = arith.andi %eq3A_2815, %lt3A_2816 : vector<4x16x128xi1>
      %or3A_2818 = arith.ori %gt3A_2814, %and3A_2817 : vector<4x16x128xi1>
      %eq3A_2819 = arith.xori %or3A_2818, %eq3A_2799 : vector<4x16x128xi1>
      %eq3A_2820 = arith.constant dense<true> : vector<4x16x128xi1>
      %eq3A_2821 = arith.xori %eq3A_2819, %eq3A_2820 : vector<4x16x128xi1>
      %ne3A_2822 = arith.xori %eq3A_2821, %broadcast_in_dim3A_2638 : vector<4x16x128xi1>
      %select_n3A_2823 = arith.select %ne3A_2822, %select_n3A_2806, %select_n3A_2792 : vector<4x16x128xi1>, vector<4x16x128xf32>
      %select_n3A_2824 = arith.select %ne3A_2822, %select_n3A_2813, %select_n3A_2793 : vector<4x16x128xi1>, vector<4x16x128xi32>
      %and3A_2825 = arith.constant 16 : i32
      %and3A_2826 = vector.broadcast %and3A_2825 : i32 to vector<4x16x128xi32>
      %and3A_2827 = arith.andi %add3A_2637, %and3A_2826 : vector<4x16x128xi32>
      %eq3A_2828 = arith.constant 0 : i32
      %eq3A_2829 = vector.broadcast %eq3A_2828 : i32 to vector<4x16x128xi32>
      %eq3A_2830 = arith.cmpi eq, %and3A_2827, %eq3A_2829 : vector<4x16x128xi32>
      %slice3A_2831 = vector.extract_strided_slice %select_n3A_2823 {offsets = [0, 0, 16], sizes = [4, 16, 112], strides = [1, 1, 1]} : vector<4x16x128xf32> to vector<4x16x112xf32>
      %slice3A_2832 = vector.extract_strided_slice %select_n3A_2823 {offsets = [0, 0, 0], sizes = [4, 16, 16], strides = [1, 1, 1]} : vector<4x16x128xf32> to vector<4x16x16xf32>
      %concatenate3A_2833 = tpu.concatenate %slice3A_2831, %slice3A_2832 in 2 : vector<4x16x112xf32>, vector<4x16x16xf32> -> vector<4x16x128xf32>
      %slice3A_2834 = vector.extract_strided_slice %select_n3A_2823 {offsets = [0, 0, 112], sizes = [4, 16, 16], strides = [1, 1, 1]} : vector<4x16x128xf32> to vector<4x16x16xf32>
      %slice3A_2835 = vector.extract_strided_slice %select_n3A_2823 {offsets = [0, 0, 0], sizes = [4, 16, 112], strides = [1, 1, 1]} : vector<4x16x128xf32> to vector<4x16x112xf32>
      %concatenate3A_2836 = tpu.concatenate %slice3A_2834, %slice3A_2835 in 2 : vector<4x16x16xf32>, vector<4x16x112xf32> -> vector<4x16x128xf32>
      %select_n3A_2837 = arith.select %eq3A_2830, %concatenate3A_2833, %concatenate3A_2836 : vector<4x16x128xi1>, vector<4x16x128xf32>
      %slice3A_2838 = vector.extract_strided_slice %select_n3A_2824 {offsets = [0, 0, 16], sizes = [4, 16, 112], strides = [1, 1, 1]} : vector<4x16x128xi32> to vector<4x16x112xi32>
      %slice3A_2839 = vector.extract_strided_slice %select_n3A_2824 {offsets = [0, 0, 0], sizes = [4, 16, 16], strides = [1, 1, 1]} : vector<4x16x128xi32> to vector<4x16x16xi32>
      %concatenate3A_2840 = tpu.concatenate %slice3A_2838, %slice3A_2839 in 2 : vector<4x16x112xi32>, vector<4x16x16xi32> -> vector<4x16x128xi32>
      %slice3A_2841 = vector.extract_strided_slice %select_n3A_2824 {offsets = [0, 0, 112], sizes = [4, 16, 16], strides = [1, 1, 1]} : vector<4x16x128xi32> to vector<4x16x16xi32>
      %slice3A_2842 = vector.extract_strided_slice %select_n3A_2824 {offsets = [0, 0, 0], sizes = [4, 16, 112], strides = [1, 1, 1]} : vector<4x16x128xi32> to vector<4x16x112xi32>
      %concatenate3A_2843 = tpu.concatenate %slice3A_2841, %slice3A_2842 in 2 : vector<4x16x16xi32>, vector<4x16x112xi32> -> vector<4x16x128xi32>
      %select_n3A_2844 = arith.select %eq3A_2830, %concatenate3A_2840, %concatenate3A_2843 : vector<4x16x128xi1>, vector<4x16x128xi32>
      %gt3A_2845 = arith.cmpf ogt, %select_n3A_2837, %select_n3A_2823 : vector<4x16x128xf32>
      %eq3A_2846 = arith.cmpf oeq, %select_n3A_2837, %select_n3A_2823 : vector<4x16x128xf32>
      %lt3A_2847 = arith.cmpi slt, %select_n3A_2844, %select_n3A_2824 : vector<4x16x128xi32>
      %and3A_2848 = arith.andi %eq3A_2846, %lt3A_2847 : vector<4x16x128xi1>
      %or3A_2849 = arith.ori %gt3A_2845, %and3A_2848 : vector<4x16x128xi1>
      %eq3A_2850 = arith.xori %or3A_2849, %eq3A_2830 : vector<4x16x128xi1>
      %eq3A_2851 = arith.constant dense<true> : vector<4x16x128xi1>
      %eq3A_2852 = arith.xori %eq3A_2850, %eq3A_2851 : vector<4x16x128xi1>
      %ne3A_2853 = arith.xori %eq3A_2852, %broadcast_in_dim3A_2638 : vector<4x16x128xi1>
      %select_n3A_2854 = arith.select %ne3A_2853, %select_n3A_2837, %select_n3A_2823 : vector<4x16x128xi1>, vector<4x16x128xf32>
      %select_n3A_2855 = arith.select %ne3A_2853, %select_n3A_2844, %select_n3A_2824 : vector<4x16x128xi1>, vector<4x16x128xi32>
      %and3A_2856 = arith.constant 8 : i32
      %and3A_2857 = vector.broadcast %and3A_2856 : i32 to vector<4x16x128xi32>
      %and3A_2858 = arith.andi %add3A_2637, %and3A_2857 : vector<4x16x128xi32>
      %eq3A_2859 = arith.constant 0 : i32
      %eq3A_2860 = vector.broadcast %eq3A_2859 : i32 to vector<4x16x128xi32>
      %eq3A_2861 = arith.cmpi eq, %and3A_2858, %eq3A_2860 : vector<4x16x128xi32>
      %slice3A_2862 = vector.extract_strided_slice %select_n3A_2854 {offsets = [0, 0, 8], sizes = [4, 16, 120], strides = [1, 1, 1]} : vector<4x16x128xf32> to vector<4x16x120xf32>
      %slice3A_2863 = vector.extract_strided_slice %select_n3A_2854 {offsets = [0, 0, 0], sizes = [4, 16, 8], strides = [1, 1, 1]} : vector<4x16x128xf32> to vector<4x16x8xf32>
      %concatenate3A_2864 = tpu.concatenate %slice3A_2862, %slice3A_2863 in 2 : vector<4x16x120xf32>, vector<4x16x8xf32> -> vector<4x16x128xf32>
      %slice3A_2865 = vector.extract_strided_slice %select_n3A_2854 {offsets = [0, 0, 120], sizes = [4, 16, 8], strides = [1, 1, 1]} : vector<4x16x128xf32> to vector<4x16x8xf32>
      %slice3A_2866 = vector.extract_strided_slice %select_n3A_2854 {offsets = [0, 0, 0], sizes = [4, 16, 120], strides = [1, 1, 1]} : vector<4x16x128xf32> to vector<4x16x120xf32>
      %concatenate3A_2867 = tpu.concatenate %slice3A_2865, %slice3A_2866 in 2 : vector<4x16x8xf32>, vector<4x16x120xf32> -> vector<4x16x128xf32>
      %select_n3A_2868 = arith.select %eq3A_2861, %concatenate3A_2864, %concatenate3A_2867 : vector<4x16x128xi1>, vector<4x16x128xf32>
      %slice3A_2869 = vector.extract_strided_slice %select_n3A_2855 {offsets = [0, 0, 8], sizes = [4, 16, 120], strides = [1, 1, 1]} : vector<4x16x128xi32> to vector<4x16x120xi32>
      %slice3A_2870 = vector.extract_strided_slice %select_n3A_2855 {offsets = [0, 0, 0], sizes = [4, 16, 8], strides = [1, 1, 1]} : vector<4x16x128xi32> to vector<4x16x8xi32>
      %concatenate3A_2871 = tpu.concatenate %slice3A_2869, %slice3A_2870 in 2 : vector<4x16x120xi32>, vector<4x16x8xi32> -> vector<4x16x128xi32>
      %slice3A_2872 = vector.extract_strided_slice %select_n3A_2855 {offsets = [0, 0, 120], sizes = [4, 16, 8], strides = [1, 1, 1]} : vector<4x16x128xi32> to vector<4x16x8xi32>
      %slice3A_2873 = vector.extract_strided_slice %select_n3A_2855 {offsets = [0, 0, 0], sizes = [4, 16, 120], strides = [1, 1, 1]} : vector<4x16x128xi32> to vector<4x16x120xi32>
      %concatenate3A_2874 = tpu.concatenate %slice3A_2872, %slice3A_2873 in 2 : vector<4x16x8xi32>, vector<4x16x120xi32> -> vector<4x16x128xi32>
      %select_n3A_2875 = arith.select %eq3A_2861, %concatenate3A_2871, %concatenate3A_2874 : vector<4x16x128xi1>, vector<4x16x128xi32>
      %gt3A_2876 = arith.cmpf ogt, %select_n3A_2868, %select_n3A_2854 : vector<4x16x128xf32>
      %eq3A_2877 = arith.cmpf oeq, %select_n3A_2868, %select_n3A_2854 : vector<4x16x128xf32>
      %lt3A_2878 = arith.cmpi slt, %select_n3A_2875, %select_n3A_2855 : vector<4x16x128xi32>
      %and3A_2879 = arith.andi %eq3A_2877, %lt3A_2878 : vector<4x16x128xi1>
      %or3A_2880 = arith.ori %gt3A_2876, %and3A_2879 : vector<4x16x128xi1>
      %eq3A_2881 = arith.xori %or3A_2880, %eq3A_2861 : vector<4x16x128xi1>
      %eq3A_2882 = arith.constant dense<true> : vector<4x16x128xi1>
      %eq3A_2883 = arith.xori %eq3A_2881, %eq3A_2882 : vector<4x16x128xi1>
      %ne3A_2884 = arith.xori %eq3A_2883, %broadcast_in_dim3A_2638 : vector<4x16x128xi1>
      %select_n3A_2885 = arith.select %ne3A_2884, %select_n3A_2868, %select_n3A_2854 : vector<4x16x128xi1>, vector<4x16x128xf32>
      %select_n3A_2886 = arith.select %ne3A_2884, %select_n3A_2875, %select_n3A_2855 : vector<4x16x128xi1>, vector<4x16x128xi32>
      %and3A_2887 = arith.constant 4 : i32
      %and3A_2888 = vector.broadcast %and3A_2887 : i32 to vector<4x16x128xi32>
      %and3A_2889 = arith.andi %add3A_2637, %and3A_2888 : vector<4x16x128xi32>
      %eq3A_2890 = arith.constant 0 : i32
      %eq3A_2891 = vector.broadcast %eq3A_2890 : i32 to vector<4x16x128xi32>
      %eq3A_2892 = arith.cmpi eq, %and3A_2889, %eq3A_2891 : vector<4x16x128xi32>
      %slice3A_2893 = vector.extract_strided_slice %select_n3A_2885 {offsets = [0, 0, 4], sizes = [4, 16, 124], strides = [1, 1, 1]} : vector<4x16x128xf32> to vector<4x16x124xf32>
      %slice3A_2894 = vector.extract_strided_slice %select_n3A_2885 {offsets = [0, 0, 0], sizes = [4, 16, 4], strides = [1, 1, 1]} : vector<4x16x128xf32> to vector<4x16x4xf32>
      %concatenate3A_2895 = tpu.concatenate %slice3A_2893, %slice3A_2894 in 2 : vector<4x16x124xf32>, vector<4x16x4xf32> -> vector<4x16x128xf32>
      %slice3A_2896 = vector.extract_strided_slice %select_n3A_2885 {offsets = [0, 0, 124], sizes = [4, 16, 4], strides = [1, 1, 1]} : vector<4x16x128xf32> to vector<4x16x4xf32>
      %slice3A_2897 = vector.extract_strided_slice %select_n3A_2885 {offsets = [0, 0, 0], sizes = [4, 16, 124], strides = [1, 1, 1]} : vector<4x16x128xf32> to vector<4x16x124xf32>
      %concatenate3A_2898 = tpu.concatenate %slice3A_2896, %slice3A_2897 in 2 : vector<4x16x4xf32>, vector<4x16x124xf32> -> vector<4x16x128xf32>
      %select_n3A_2899 = arith.select %eq3A_2892, %concatenate3A_2895, %concatenate3A_2898 : vector<4x16x128xi1>, vector<4x16x128xf32>
      %slice3A_2900 = vector.extract_strided_slice %select_n3A_2886 {offsets = [0, 0, 4], sizes = [4, 16, 124], strides = [1, 1, 1]} : vector<4x16x128xi32> to vector<4x16x124xi32>
      %slice3A_2901 = vector.extract_strided_slice %select_n3A_2886 {offsets = [0, 0, 0], sizes = [4, 16, 4], strides = [1, 1, 1]} : vector<4x16x128xi32> to vector<4x16x4xi32>
      %concatenate3A_2902 = tpu.concatenate %slice3A_2900, %slice3A_2901 in 2 : vector<4x16x124xi32>, vector<4x16x4xi32> -> vector<4x16x128xi32>
      %slice3A_2903 = vector.extract_strided_slice %select_n3A_2886 {offsets = [0, 0, 124], sizes = [4, 16, 4], strides = [1, 1, 1]} : vector<4x16x128xi32> to vector<4x16x4xi32>
      %slice3A_2904 = vector.extract_strided_slice %select_n3A_2886 {offsets = [0, 0, 0], sizes = [4, 16, 124], strides = [1, 1, 1]} : vector<4x16x128xi32> to vector<4x16x124xi32>
      %concatenate3A_2905 = tpu.concatenate %slice3A_2903, %slice3A_2904 in 2 : vector<4x16x4xi32>, vector<4x16x124xi32> -> vector<4x16x128xi32>
      %select_n3A_2906 = arith.select %eq3A_2892, %concatenate3A_2902, %concatenate3A_2905 : vector<4x16x128xi1>, vector<4x16x128xi32>
      %gt3A_2907 = arith.cmpf ogt, %select_n3A_2899, %select_n3A_2885 : vector<4x16x128xf32>
      %eq3A_2908 = arith.cmpf oeq, %select_n3A_2899, %select_n3A_2885 : vector<4x16x128xf32>
      %lt3A_2909 = arith.cmpi slt, %select_n3A_2906, %select_n3A_2886 : vector<4x16x128xi32>
      %and3A_2910 = arith.andi %eq3A_2908, %lt3A_2909 : vector<4x16x128xi1>
      %or3A_2911 = arith.ori %gt3A_2907, %and3A_2910 : vector<4x16x128xi1>
      %eq3A_2912 = arith.xori %or3A_2911, %eq3A_2892 : vector<4x16x128xi1>
      %eq3A_2913 = arith.constant dense<true> : vector<4x16x128xi1>
      %eq3A_2914 = arith.xori %eq3A_2912, %eq3A_2913 : vector<4x16x128xi1>
      %ne3A_2915 = arith.xori %eq3A_2914, %broadcast_in_dim3A_2638 : vector<4x16x128xi1>
      %select_n3A_2916 = arith.select %ne3A_2915, %select_n3A_2899, %select_n3A_2885 : vector<4x16x128xi1>, vector<4x16x128xf32>
      %select_n3A_2917 = arith.select %ne3A_2915, %select_n3A_2906, %select_n3A_2886 : vector<4x16x128xi1>, vector<4x16x128xi32>
      %and3A_2918 = arith.constant 2 : i32
      %and3A_2919 = vector.broadcast %and3A_2918 : i32 to vector<4x16x128xi32>
      %and3A_2920 = arith.andi %add3A_2637, %and3A_2919 : vector<4x16x128xi32>
      %eq3A_2921 = arith.constant 0 : i32
      %eq3A_2922 = vector.broadcast %eq3A_2921 : i32 to vector<4x16x128xi32>
      %eq3A_2923 = arith.cmpi eq, %and3A_2920, %eq3A_2922 : vector<4x16x128xi32>
      %slice3A_2924 = vector.extract_strided_slice %select_n3A_2916 {offsets = [0, 0, 2], sizes = [4, 16, 126], strides = [1, 1, 1]} : vector<4x16x128xf32> to vector<4x16x126xf32>
      %slice3A_2925 = vector.extract_strided_slice %select_n3A_2916 {offsets = [0, 0, 0], sizes = [4, 16, 2], strides = [1, 1, 1]} : vector<4x16x128xf32> to vector<4x16x2xf32>
      %concatenate3A_2926 = tpu.concatenate %slice3A_2924, %slice3A_2925 in 2 : vector<4x16x126xf32>, vector<4x16x2xf32> -> vector<4x16x128xf32>
      %slice3A_2927 = vector.extract_strided_slice %select_n3A_2916 {offsets = [0, 0, 126], sizes = [4, 16, 2], strides = [1, 1, 1]} : vector<4x16x128xf32> to vector<4x16x2xf32>
      %slice3A_2928 = vector.extract_strided_slice %select_n3A_2916 {offsets = [0, 0, 0], sizes = [4, 16, 126], strides = [1, 1, 1]} : vector<4x16x128xf32> to vector<4x16x126xf32>
      %concatenate3A_2929 = tpu.concatenate %slice3A_2927, %slice3A_2928 in 2 : vector<4x16x2xf32>, vector<4x16x126xf32> -> vector<4x16x128xf32>
      %select_n3A_2930 = arith.select %eq3A_2923, %concatenate3A_2926, %concatenate3A_2929 : vector<4x16x128xi1>, vector<4x16x128xf32>
      %slice3A_2931 = vector.extract_strided_slice %select_n3A_2917 {offsets = [0, 0, 2], sizes = [4, 16, 126], strides = [1, 1, 1]} : vector<4x16x128xi32> to vector<4x16x126xi32>
      %slice3A_2932 = vector.extract_strided_slice %select_n3A_2917 {offsets = [0, 0, 0], sizes = [4, 16, 2], strides = [1, 1, 1]} : vector<4x16x128xi32> to vector<4x16x2xi32>
      %concatenate3A_2933 = tpu.concatenate %slice3A_2931, %slice3A_2932 in 2 : vector<4x16x126xi32>, vector<4x16x2xi32> -> vector<4x16x128xi32>
      %slice3A_2934 = vector.extract_strided_slice %select_n3A_2917 {offsets = [0, 0, 126], sizes = [4, 16, 2], strides = [1, 1, 1]} : vector<4x16x128xi32> to vector<4x16x2xi32>
      %slice3A_2935 = vector.extract_strided_slice %select_n3A_2917 {offsets = [0, 0, 0], sizes = [4, 16, 126], strides = [1, 1, 1]} : vector<4x16x128xi32> to vector<4x16x126xi32>
      %concatenate3A_2936 = tpu.concatenate %slice3A_2934, %slice3A_2935 in 2 : vector<4x16x2xi32>, vector<4x16x126xi32> -> vector<4x16x128xi32>
      %select_n3A_2937 = arith.select %eq3A_2923, %concatenate3A_2933, %concatenate3A_2936 : vector<4x16x128xi1>, vector<4x16x128xi32>
      %gt3A_2938 = arith.cmpf ogt, %select_n3A_2930, %select_n3A_2916 : vector<4x16x128xf32>
      %eq3A_2939 = arith.cmpf oeq, %select_n3A_2930, %select_n3A_2916 : vector<4x16x128xf32>
      %lt3A_2940 = arith.cmpi slt, %select_n3A_2937, %select_n3A_2917 : vector<4x16x128xi32>
      %and3A_2941 = arith.andi %eq3A_2939, %lt3A_2940 : vector<4x16x128xi1>
      %or3A_2942 = arith.ori %gt3A_2938, %and3A_2941 : vector<4x16x128xi1>
      %eq3A_2943 = arith.xori %or3A_2942, %eq3A_2923 : vector<4x16x128xi1>
      %eq3A_2944 = arith.constant dense<true> : vector<4x16x128xi1>
      %eq3A_2945 = arith.xori %eq3A_2943, %eq3A_2944 : vector<4x16x128xi1>
      %ne3A_2946 = arith.xori %eq3A_2945, %broadcast_in_dim3A_2638 : vector<4x16x128xi1>
      %select_n3A_2947 = arith.select %ne3A_2946, %select_n3A_2930, %select_n3A_2916 : vector<4x16x128xi1>, vector<4x16x128xf32>
      %select_n3A_2948 = arith.select %ne3A_2946, %select_n3A_2937, %select_n3A_2917 : vector<4x16x128xi1>, vector<4x16x128xi32>
      %and3A_2949 = arith.constant 1 : i32
      %and3A_2950 = vector.broadcast %and3A_2949 : i32 to vector<4x16x128xi32>
      %and3A_2951 = arith.andi %add3A_2637, %and3A_2950 : vector<4x16x128xi32>
      %eq3A_2952 = arith.constant 0 : i32
      %eq3A_2953 = vector.broadcast %eq3A_2952 : i32 to vector<4x16x128xi32>
      %eq3A_2954 = arith.cmpi eq, %and3A_2951, %eq3A_2953 : vector<4x16x128xi32>
      %slice3A_2955 = vector.extract_strided_slice %select_n3A_2947 {offsets = [0, 0, 1], sizes = [4, 16, 127], strides = [1, 1, 1]} : vector<4x16x128xf32> to vector<4x16x127xf32>
      %slice3A_2956 = vector.extract_strided_slice %select_n3A_2947 {offsets = [0, 0, 0], sizes = [4, 16, 1], strides = [1, 1, 1]} : vector<4x16x128xf32> to vector<4x16x1xf32>
      %concatenate3A_2957 = tpu.concatenate %slice3A_2955, %slice3A_2956 in 2 : vector<4x16x127xf32>, vector<4x16x1xf32> -> vector<4x16x128xf32>
      %slice3A_2958 = vector.extract_strided_slice %select_n3A_2947 {offsets = [0, 0, 127], sizes = [4, 16, 1], strides = [1, 1, 1]} : vector<4x16x128xf32> to vector<4x16x1xf32>
      %slice3A_2959 = vector.extract_strided_slice %select_n3A_2947 {offsets = [0, 0, 0], sizes = [4, 16, 127], strides = [1, 1, 1]} : vector<4x16x128xf32> to vector<4x16x127xf32>
      %concatenate3A_2960 = tpu.concatenate %slice3A_2958, %slice3A_2959 in 2 : vector<4x16x1xf32>, vector<4x16x127xf32> -> vector<4x16x128xf32>
      %select_n3A_2961 = arith.select %eq3A_2954, %concatenate3A_2957, %concatenate3A_2960 : vector<4x16x128xi1>, vector<4x16x128xf32>
      %slice3A_2962 = vector.extract_strided_slice %select_n3A_2948 {offsets = [0, 0, 1], sizes = [4, 16, 127], strides = [1, 1, 1]} : vector<4x16x128xi32> to vector<4x16x127xi32>
      %slice3A_2963 = vector.extract_strided_slice %select_n3A_2948 {offsets = [0, 0, 0], sizes = [4, 16, 1], strides = [1, 1, 1]} : vector<4x16x128xi32> to vector<4x16x1xi32>
      %concatenate3A_2964 = tpu.concatenate %slice3A_2962, %slice3A_2963 in 2 : vector<4x16x127xi32>, vector<4x16x1xi32> -> vector<4x16x128xi32>
      %slice3A_2965 = vector.extract_strided_slice %select_n3A_2948 {offsets = [0, 0, 127], sizes = [4, 16, 1], strides = [1, 1, 1]} : vector<4x16x128xi32> to vector<4x16x1xi32>
      %slice3A_2966 = vector.extract_strided_slice %select_n3A_2948 {offsets = [0, 0, 0], sizes = [4, 16, 127], strides = [1, 1, 1]} : vector<4x16x128xi32> to vector<4x16x127xi32>
      %concatenate3A_2967 = tpu.concatenate %slice3A_2965, %slice3A_2966 in 2 : vector<4x16x1xi32>, vector<4x16x127xi32> -> vector<4x16x128xi32>
      %select_n3A_2968 = arith.select %eq3A_2954, %concatenate3A_2964, %concatenate3A_2967 : vector<4x16x128xi1>, vector<4x16x128xi32>
      %gt3A_2969 = arith.cmpf ogt, %select_n3A_2961, %select_n3A_2947 : vector<4x16x128xf32>
      %eq3A_2970 = arith.cmpf oeq, %select_n3A_2961, %select_n3A_2947 : vector<4x16x128xf32>
      %lt3A_2971 = arith.cmpi slt, %select_n3A_2968, %select_n3A_2948 : vector<4x16x128xi32>
      %and3A_2972 = arith.andi %eq3A_2970, %lt3A_2971 : vector<4x16x128xi1>
      %or3A_2973 = arith.ori %gt3A_2969, %and3A_2972 : vector<4x16x128xi1>
      %eq3A_2974 = arith.xori %or3A_2973, %eq3A_2954 : vector<4x16x128xi1>
      %eq3A_2975 = arith.constant dense<true> : vector<4x16x128xi1>
      %eq3A_2976 = arith.xori %eq3A_2974, %eq3A_2975 : vector<4x16x128xi1>
      %ne3A_2977 = arith.xori %eq3A_2976, %broadcast_in_dim3A_2638 : vector<4x16x128xi1>
      %select_n3A_2978 = arith.select %ne3A_2977, %select_n3A_2968, %select_n3A_2948 : vector<4x16x128xi1>, vector<4x16x128xi32>
      %iota3A_2979 = tpu.iota {dimensions = array<i32: 0>} : vector<4x16x128xi32>
      %mul3A_2980 = arith.constant 8192 : i32
      %mul3A_2981 = vector.broadcast %mul3A_2980 : i32 to vector<4x16x128xi32>
      %mul3A_2982 = arith.muli %iota3A_2979, %mul3A_2981 : vector<4x16x128xi32>
      %add3A_2983 = arith.addi %select_n3A_2978, %mul3A_2982 : vector<4x16x128xi32>
      %swap3A_2984 = arith.constant 0 : index
      %swap3A_2985 = arith.constant 0 : index
      %swap3A_2986 = arith.constant 0 : index
      %swap3A_2987 = vector.load %arg2[%swap3A_2984, %swap3A_2985, %swap3A_2986] : memref<4x16x128xi32, #tpu.memory_space<vmem>>, vector<4x16x128xi32>
      tpu.vector_store %arg2[%swap3A_2984, %swap3A_2985, %swap3A_2986], %add3A_2983 {strides = array<i32>} : memref<4x16x128xi32, #tpu.memory_space<vmem>>, vector<4x16x128xi32>,
    } else {
    }
    return
  }
  func.func @transform_0(%arg0: i32) -> (i32, i32, i32) {
    %c0_i32 = arith.constant 0 : i32
    %c0_i32_0 = arith.constant 0 : i32
    %c0_i32_1 = arith.constant 0 : i32
    return %arg0, %c0_i32, %c0_i32_0 : i32, i32, i32
  }
  func.func @transform_1(%arg0: i32) -> (i32, i32, i32) {
    %c0_i32 = arith.constant 0 : i32
    %c0_i32_0 = arith.constant 0 : i32
    %c0_i32_1 = arith.constant 0 : i32
    %c0_i32_2 = arith.constant 0 : i32
    return %c0_i32, %c0_i32_0, %c0_i32_1 : i32, i32, i32
  }
}

</mosaic_0001>

<sc_bundles>
// kernel: kernel.4.cloned.1.call-start
scs
__scs_entry_jumppad:
0x0: {  	(pc) =	sbr.rel $0x88, $3  }
0x1: {  	(tag) =	ssettag $0x0;
	lr =	simm.s32 $0x1  }
0x2: {  	[smem:$0x3FA0] =	sst lr;
	_ =	strace $0xD0000000  }
0x3: {  	_ = 	snop  }
0x4: {  	_ = 	snop  }
0x5: {  	_ = 	snop  }
0x6: {  	_ = 	snop  }
0x7: {  	_ = 	snop  }
__scs_overlays_trampoline_lowered:
0x8: {  	[smem:$0x3FAF] =	sst s0  }
0x9: {  	[smem:$0x3FB0] =	sst s1  }
0xa: {  	[smem:$0x3FB1] =	sst s2  }
0xb: {  	[smem:$0x3FB2] =	sst s3  }
0xc: {  	[smem:$0x3FB3] =	sst s4  }
0xd: {  	[smem:$0x3FB4] =	sst s5  }
0xe: {  	[smem:$0x3FB5] =	sst s6  }
0xf: {  	[smem:$0x3FB6] =	sst s7  }
0x10: {  	[smem:$0x3FB7] =	sst s8  }
0x11: {  	[smem:$0x3FB8] =	sst s9;
	s0 =	simm.s32 @!p0 $0x0  }
0x12: {  	s1 =	sld [smem:$0x3F9E];
	s0 =	simm.s32 @p0 $0x1  }
0x13: {  	[smem:$0x3FB9] =	sst s0;
	s0 =	simm.s32 @!p1 $0x0  }
0x14: {  	s2 =	sld [smem:$0x3F9D];
	s0 =	simm.s32 @p1 $0x1  }
0x15: {  	[smem:$0x3FBA] =	sst s0;
	s0 =	simm.s32 @!p2 $0x0  }
0x16: {  	s3 =	sld [smem:$0x3FDB];
	s0 =	simm.s32 @p2 $0x1  }
0x17: {  	s4 =	simm.s32 $0x1BF5;
	[smem:$0x3FBC] =	sst s0  }
0x18: {  	s0 =	sld [smem:$0x3F9F];
	_ =	swait.ge [sflag:s4], $0x0  }
0x19: {  	s7 =	sld [smem:$0x3FA0]  }
0x1a: {  	s8 =	sadd.s32 $0xFFFFE003, lr  }
0x1b: {  	s9 =	sadd.s32 $0xFFFFFEF7, lr;
	s5 =	simm.s32 $0xFFFFFFFF;
	p2 =	slt.u32 s8, $0xFFFFF086  }
0x1c: {  	p1 =	slt.u32 s9, $0xF7A;
	s5 =	simm.s32 @!p2 $0x0  }
0x1d: {  	s5 =	simm.s32 @p1 $0x1;
	p0 =	seq.s32 s7, s2  }
0x1e: {  	s7 =	smul.u32 @!p0 $0xF7A, s2;
	p2 =	seq.s32 @!p0 s5, $0x0  }
0x1f: {  	s9 =	smul.u32 $0xF7A, s1;
	s8 =	simm.s32 @!p0 $0x1BF5;
	p2 =	por !p2, p0  }
0x20: {  	[sflag:s8] =	ssyncset.s32 @!p0 $0xFFFFF086;
	s6 =	sadd.s32 @!p0 s3, s7;
	s7 =	simm.s32 @!p0 $0x108  }
0x21: {  	s3 =	sadd.s32 s3, s9;
	s6 =	sadd.s32 @!p0 $0x88, s6;
	s7 =	simm.s32 @p2 $0x1082  }
0x22: {  	[simem:s7], [sflag:s8] =	dma.local @!p0 [hbm:s6], $0xF7A  }
0x23: {  	s9 =	sor.u32 $0xD0000000, s2;
	s6 =	simm.s32 $0x108;
	_ =	swait.ge @!p0 [sflag:s8], $0x0  }
0x24: {  	s3 =	sadd.s32 $0x88, s3;
	s6 =	simm.s32 @!p1 $0x1082;
	[sflag:s4] =	ssyncset.s32 $0xFFFFF086  }
0x25: {  	[simem:s6], [sflag:s4] =	dma.local [hbm:s3], $0xF7A  }
0x26: {  	[smem:$0x3FA0] =	sst s1;
	(tag) =	ssettag s2;
	_ =	strace s9  }
0x27: {  	s1 =	sld [smem:$0x3FB0]  }
0x28: {  	s2 =	sld [smem:$0x3FB1]  }
0x29: {  	s4 =	sld [smem:$0x3FB3]  }
0x2a: {  	p0 =	seq.s32 s5, $0x0;
	s5 =	sld [smem:$0x3FB4]  }
0x2b: {  	s6 =	sld [smem:$0x3FB5]  }
0x2c: {  	s7 =	sld [smem:$0x3FB6]  }
0x2d: {  	s3 =	simm.s32 $0x108;
	s8 =	sld [smem:$0x3FB7]  }
0x2e: {  	s3 =	simm.s32 @!p0 $0x1082;
	s9 =	sld [smem:$0x3FB8]  }
0x2f: {  	lr =	sadd.s32 s0, s3;
	s0 =	sld [smem:$0x3FAF]  }
0x30: {  	s3 =	sld [smem:$0x3FB2]  }
0x31: {  	[smem:$0x3FBB] =	sst s10  }
0x32: {  	s10 =	sld [smem:$0x3FB9];
	_ =	sdelay $0x3  }
0x33: {  	p0 =	seq.s32 s10, $0x1;
	s10 =	sld [smem:$0x3FBB];
	_ =	sdelay $0x3  }
0x34: {  	[smem:$0x3FBB] =	sst s10  }
0x35: {  	s10 =	sld [smem:$0x3FBA];
	_ =	sdelay $0x3  }
0x36: {  	p1 =	seq.s32 s10, $0x1;
	s10 =	sld [smem:$0x3FBB];
	_ =	sdelay $0x3  }
0x37: {  	[smem:$0x3FBB] =	sst s10  }
0x38: {  	s10 =	sld [smem:$0x3FBC]  }
0x39: {  	_ = 	snop;
	(pc) =	sbr.ind lr, $3  }
0x3a: {  	_ = 	snop  }
0x3b: {  	_ = 	snop  }
0x3c: {  	p2 =	seq.s32 s10, $0x1;
	s10 =	sld [smem:$0x3FBB]  }
0x3d: {  	_ =	shalt  }
0x3e: {  	_ =	shalt  }
0x3f: {  	_ =	shalt  }
0x40: {  	_ =	shalt  }
0x41: {  	_ =	shalt  }
0x42: {  	_ =	shalt  }
0x43: {  	_ =	shalt  }
0x44: {  	_ =	shalt  }
0x45: {  	_ =	shalt  }
0x46: {  	_ =	shalt  }
0x47: {  	_ =	shalt  }
0x48: {  	_ =	shalt  }
0x49: {  	_ =	shalt  }
0x4a: {  	_ =	shalt  }
0x4b: {  	_ =	shalt  }
0x4c: {  	_ =	shalt  }
0x4d: {  	_ =	shalt  }
0x4e: {  	_ =	shalt  }
0x4f: {  	_ =	shalt  }
0x50: {  	_ =	shalt  }
0x51: {  	_ =	shalt  }
0x52: {  	_ =	shalt  }
0x53: {  	_ =	shalt  }
0x54: {  	_ =	shalt  }
0x55: {  	_ =	shalt  }
0x56: {  	_ =	shalt  }
0x57: {  	_ =	shalt  }
0x58: {  	_ =	shalt  }
0x59: {  	_ =	shalt  }
0x5a: {  	_ =	shalt  }
0x5b: {  	_ =	shalt  }
0x5c: {  	_ =	shalt  }
0x5d: {  	_ =	shalt  }
0x5e: {  	_ =	shalt  }
0x5f: {  	_ =	shalt  }
0x60: {  	_ =	shalt  }
0x61: {  	_ =	shalt  }
0x62: {  	_ =	shalt  }
0x63: {  	_ =	shalt  }
0x64: {  	_ =	shalt  }
0x65: {  	_ =	shalt  }
0x66: {  	_ =	shalt  }
0x67: {  	_ =	shalt  }
0x68: {  	_ =	shalt  }
0x69: {  	_ =	shalt  }
0x6a: {  	_ =	shalt  }
0x6b: {  	_ =	shalt  }
0x6c: {  	_ =	shalt  }
0x6d: {  	_ =	shalt  }
0x6e: {  	_ =	shalt  }
0x6f: {  	_ =	shalt  }
0x70: {  	_ =	shalt  }
0x71: {  	_ =	shalt  }
0x72: {  	_ =	shalt  }
0x73: {  	_ =	shalt  }
0x74: {  	_ =	shalt  }
0x75: {  	_ =	shalt  }
0x76: {  	_ =	shalt  }
0x77: {  	_ =	shalt  }
0x78: {  	_ =	shalt  }
0x79: {  	_ =	shalt  }
0x7a: {  	_ =	shalt  }
0x7b: {  	_ =	shalt  }
0x7c: {  	_ =	shalt  }
0x7d: {  	_ =	shalt  }
0x7e: {  	_ =	shalt  }
0x7f: {  	_ =	shalt  }
0x80: {  	_ =	shalt  }
0x81: {  	_ =	shalt  }
0x82: {  	_ =	shalt  }
0x83: {  	_ =	shalt  }
0x84: {  	_ =	shalt  }
0x85: {  	_ =	shalt  }
0x86: {  	_ =	shalt  }
0x87: {  	_ =	shalt  }
.Lfunc_end0:
.L_simem_size_0:
called_computation_lowered:
.L_overlay_start_0:
0x88: {  	s2 =	sld [smem:$0x3FD9]  }
0x89: {  	s3 =	sld [smem:$0x3FFE];
	_ =	sdelay $0x1  }
0x8a: {  	s1 =	srdreg.scid  }
0x8b: {  	s0 =	sand.u32 $0x1, s1  }
0x8c: {  	s17 =	sshll.u32 s0, $0xA;
	s2 =	sadd.s32 s3, s2  }
0x8d: {  	s2 =	sadd.s32 s2, s17  }
0x8e: {  	[smem:$0x3FC7] =	sst s2  }
0x8f: {  	_ = 	snop  }
0x90: {  	s2 =	sld [smem:$0x3FC9]  }
0x91: {  	s18 =	sld [smem:$0x3FD0];
	(tm) =	ssettm $0x1  }
0x92: {  	s4 =	sld [smem:$0x3FFB];
	_ =	sdelay $0x3  }
0x93: {  	_ =	strace s4  }
0x94: {  	s4 =	sld [smem:$0x3FFC];
	_ =	sdelay $0x3  }
0x95: {  	_ =	strace s4  }
0x96: {  	s4 =	sld [smem:$0x3FFD];
	_ =	sdelay $0x3  }
0x97: {  	_ =	strace s4  }
0x98: {  	_ =	strace $0x8FFFFFFF  }
0x99: {  	s19 =	sld [smem:$0x3FDB];
	_ =	sdelay $0x1  }
0x9a: {  	s5 =	simm.s32 $_scs_section_size  }
0x9b: {  	s6 =	simm.s32 $_size__tile_overlayer_lowered;
	s7 =	simm.s32 $_tile_overlayer_lowered  }
0x9c: {  	s22 =	simm.s32 $0x1BFF;
	s21 =	sshll.u32 s7, $0x1;
	s4 =	sadd.s32 s5, s19  }
0x9d: {  	s8 =	simm.s32 $0x0;
	s20 =	sshll.u32 s6, $0x1;
	s6 =	sadd.s32 s21, s4  }
0x9e: {  	[timem:s8], [sflag:s22] =	dma.local [hbm:s6], s20  }
0x9f: {  	_ =	swait.ge [sflag:s22], s20  }
0xa0: {  	s5 =	ssub.s32 $0x0, s20;
	[sflag:s22] =	ssyncset.done $0x0  }
0xa1: {  	[sflag:s22] =	ssyncadd.s32 s5;
	_ =	sdelay $0x1  }
0xa2: {  	s23 =	simm.s32 $0x1B8B  }
0xa3: {  	_ =	swait.ge [sflag:s23], $0x1  }
0xa4: {  	[sflag:s23] =	ssyncset.done $0x0  }
0xa5: {  	s25 =	simm.s32 $0x1B8E;
	s24 =	sld [smem:$0x3FFE];
	[sflag:s23] =	ssyncadd.s32 $0xFFFFFFFF  }
0xa6: {  	s26 =	simm.s32 $execute0_lowered;
	[smem:$0x3FD2] =	sst s25  }
0xa7: {  	s6 =	sshll.u32 s26, $0x1;
	_ =	strace $0x80000046;
	[dreg:$0x1] =	wrdreg $0xFFFFFFFF  }
0xa8: {  	s28 =	simm.s32 $_size_execute0_lowered;
	s4 =	sadd.s32 s4, s6;
	[dreg:$0x0] =	wrdreg $0x0  }
0xa9: {  	s6 =	sshll.u32 s28, $0x1;
	[dreg:$0x2] =	wrdreg s4  }
0xaa: {  	[dreg:$0x3] =	wrdreg s6  }
0xab: {  	[dreg:$0x4] =	wrdreg $0xC0  }
0xac: {  	_ =	task [dreg:s8], $0x5FFFF  }
0xad: {  	[dreg:$0x1] =	wrdreg $0xFFFFFFFF  }
0xae: {  	[dreg:$0x0] =	wrdreg $0x60  }
0xaf: {  	[dreg:$0x2] =	wrdreg s2  }
0xb0: {  	[dreg:$0x3] =	wrdreg s24  }
0xb1: {  	[dreg:$0x4] =	wrdreg s18  }
0xb2: {  	[dreg:$0x5] =	wrdreg $0x9  }
0xb3: {  	_ =	task.clear_ibuf [dreg:s8], $0x6FFFF;
	_ =	strace $0x90000046  }
0xb4: {  	s29 =	simm.s32 $0x9;
	_ =	strace $0x80000048  }
0xb5: {  	_ =	swait.ge [sflag:s29], $0x1  }
0xb6: {  	[sflag:s29] =	ssyncadd.s32 $0xFFFFFFFF  }
0xb7: {  	_ =	strace $0x90000048  }
0xb8: {  	_ =	sfence  }
0xb9: {  	s30 =	sld [smem:$0x0];
	_ =	sdelay $0x2  }
0xba: {  	s31 =	sshll.u32 s1, $0xD;
	s1 =	sshrl.u32 s1, $0x2  }
0xbb: {  	s3 =	sand.u32 $0x4000, s31;
	s1 =	sadd.s32 s1, s30  }
0xbc: {  	s0 =	sor.u32 s3, s0;
	s1 =	sshll.u32 s1, $0x11  }
0xbd: {  	s0 =	sor.u32 s1, s0  }
0xbe: {  	s0 =	sadd.s32 $0x8F2B, s0  }
0xbf: {  	[sflag:s0] =	ssyncadd.remote.s32 $0x1  }
0xc0: {  	_ =	sfence.sel $0xFFFF  }
0xc1: {  	[dreg:$0x0] =	wrdreg $0xFFFFFFFF;
	(pc) =	sbr.abs _section_cstart, $3  }
0xc2: {  	[dreg:$0x1] =	wrdreg $0xFFFFFFFF  }
0xc3: {  	_ =	task.clear_ibuf [dreg:s8], $0x2FFFF;
	_ =	strace $0x9FFFFFFF  }
0xc4: {  	(tm) =	ssettm $0x7FFFFFFF  }
0xc5: {  	_ =	shalt  }
tec
execute0_lowered:
.L_overlay_start_1:
0x0: {  	(tag) =	ssettag $0x1  }
0x1: {  	s2 =	rddreg [dreg:$0x0]  }
0x2: {  	s0 =	rddreg [dreg:$0x1]  }
0x3: {  	s1 =	rddreg [dreg:$0x2];
	s6 =	stileid.u32  }
0x4: {  	s4 =	srdreg.scid;
	s3 =	simm.s32 $0x0;
	s25 =	simm.s32 $0x80  }
0x5: {  	s26 =	simm.s32 $0x400;
	s9 =	simm.s32 $0x2;
	s28 =	simm.s32 $0x5900  }
0x6: {  	s29 =	simm.s32 $0x6100;
	s30 =	simm.s32 $0x6900;
	s31 =	simm.s32 $0x7100  }
0x7: {  	s18 =	simm.s32 $0x8900;
	s19 =	simm.s32 $0x9100;
	s20 =	simm.s32 $0x9900  }
0x8: {  	s11 =	simm.s32 $0xB100;
	s10 =	simm.s32 $0xB900;
	s12 =	simm.s32 $0xC100  }
0x9: {  	s13 =	simm.s32 $0xC900;
	s14 =	simm.s32 $0xD100;
	s15 =	simm.s32 $0xD900  }
0xa: {  	s16 =	simm.s32 $0xE100;
	s17 =	simm.s32 $0xE900;
	s4 =	sand.u32 $0x1, s4  }
0xb: {  	s5 =	sshll.u32 s6, $0x1;
	[smem:$0x7FF] =	sst s3;
	s6 =	sshll.u32 s6, $0x6  }
0xc: {  	s5 =	sor.u32 s4, s5;
	_ =	strace $0x80000047;
	[dreg:$0x7] =	wrdreg s25  }
0xd: {  	s6 =	sand.u32 $0x300, s6;
	s4 =	ssub.s32 $0x2, s4;
	[dreg:$0x8] =	wrdreg s26  }
0xe: {  	s26 =	simm.s32 $0x5100;
	s7 =	sshll.u32 s5, $0x4;
	s0 =	sadd.s32 s6, s0  }
0xf: {  	s22 =	sshrl.u32 s4, $0x1;
	s5 =	sshll.u32 s5, $0xF;
	s6 =	sadd.s32 $0x200, s2  }
0x10: {  	s21 =	sand.u32 $0x70, s7;
	s4 =	ssub.s32 s4, s22;
	s1 =	sadd.s32 s1, s5  }
0x11: {  	s5 =	sadd.s32 $0x100, s2;
	s7 =	sadd.s32 $0x300, s2;
	s22 =	simm.s32 $0xA900  }
0x12: {  	s0 =	sadd.s32 s21, s0;
	s23 =	sadd.s32 $0x3C00, s1;
	[dreg:$0x9] =	wrdreg s1  }
0x13: {  	v2 =	vlaneseq.u32;
	s24 =	sadd.s32 $0x7800, s1;
	s8 =	smax.u32 s4, $0x1;
	[dreg:$0x5] =	wrdreg s23  }
0x14: {  	vm0 =	vmmov $0xffff;
	v1 =	vshrl.u32 v2, $0x3;
	s21 =	simm.s32 $0xA100;
	s0 =	sadd.s32 $0x400, s0;
	[dreg:$0x6] =	wrdreg s24  }
0x15: {  	v0 =	vand.u32 $0x7, v2;
	v2 =	vor.u32 $0x8, v2;
	v1 =	vmul.u32 $0x8, v1;
	s23 =	simm.s32 $0x1;
	[dreg:$0x4] =	wrdreg s0;
	s0 =	simm.s32 $0x100  }
.LBB2_1:
0x16: {  	s24 =	rddreg [dreg:$0x4]  }
0x17: {  	s4 =	rddreg [dreg:$0x7]  }
0x18: {  	s25 =	rddreg [dreg:$0x8]  }
0x19: {  	[tilespmem:s3], [sflag:$0x2] =	stream.strided.gather [hbm4b:s24+s4], $0x100, s25, s4, $0x38;
	[tilespmem:$0x1E100] =	vst v63  }
0x1a: {  	_ =	swait.ge [sflag:s9], $0x100  }
0x1b: {  	[sflag:s9] =	ssyncset.done $0x0  }
0x1c: {  	[sflag:s9] =	ssyncadd.s32 $0xFFFFFF00  }
0x1d: {  	v3 =	vld [tilespmem:$0x0];
	_ =	sdelay $0x4  }
0x1e: {  	v4 =	vshll.u32 v3, $0x3  }
0x1f: {  	v3 =	vand.u32 $0x7, v3;
	v4 =	vand.u32 $0xFFFFFFC0, v4  }
0x20: {  	v3 =	vor.u32 v3, v4  }
0x21: {  	v4 =	vperm.xlane v3, v0;
	_ =	sdelay $0x1  }
0x22: {  	v4 =	vadd.s32 v1, v4;
	_ =	sdelay $0x4  }
0x23: {  	[tilespmem:s0], [sflag:$0x1] =	stream.indirect_vreg.gather [hbm4b:s2+s3], $0x80, v4, vm0, $0xb8;
	[tilespmem:$0x1E100] =	vst v63  }
0x24: {  	s1 =	simm.s32 $0x900;
	v3 =	vperm.xlane v3, v2  }
0x25: {  	[tilespmem:s1], [sflag:$0x1] =	stream.indirect_vreg.gather [hbm4b:s5+s3], $0x80, v4, vm0, $0xb8;
	[tilespmem:$0x1E100] =	vst v63  }
0x26: {  	s4 =	simm.s32 $0x1100;
	v3 =	vadd.s32 v1, v3  }
0x27: {  	[tilespmem:s4], [sflag:$0x1] =	stream.indirect_vreg.gather [hbm4b:s6+s3], $0x80, v4, vm0, $0xb8;
	[tilespmem:$0x1E100] =	vst v63  }
0x28: {  	s24 =	simm.s32 $0x1900  }
0x29: {  	[tilespmem:s24], [sflag:$0x1] =	stream.indirect_vreg.gather [hbm4b:s7+s3], $0x80, v4, vm0, $0xb8;
	[tilespmem:$0x1E100] =	vst v63  }
0x2a: {  	s25 =	simm.s32 $0x2100  }
0x2b: {  	[tilespmem:s25], [sflag:$0x1] =	stream.indirect_vreg.gather [hbm4b:s2+s3], $0x80, v3, vm0, $0xb8;
	[tilespmem:$0x1E100] =	vst v63  }
0x2c: {  	s4 =	simm.s32 $0x2900  }
0x2d: {  	[tilespmem:s4], [sflag:$0x1] =	stream.indirect_vreg.gather [hbm4b:s5+s3], $0x80, v3, vm0, $0xb8;
	[tilespmem:$0x1E100] =	vst v63  }
0x2e: {  	s24 =	simm.s32 $0x3100  }
0x2f: {  	[tilespmem:s24], [sflag:$0x1] =	stream.indirect_vreg.gather [hbm4b:s6+s3], $0x80, v3, vm0, $0xb8;
	[tilespmem:$0x1E100] =	vst v63  }
0x30: {  	s25 =	simm.s32 $0x3900  }
0x31: {  	[tilespmem:s25], [sflag:$0x1] =	stream.indirect_vreg.gather [hbm4b:s7+s3], $0x80, v3, vm0, $0xb8;
	[tilespmem:$0x1E100] =	vst v63  }
0x32: {  	v3 =	vld [tilespmem:$0x10];
	_ =	sdelay $0x4  }
0x33: {  	v48 =	vshll.u32 v3, $0x3  }
0x34: {  	v3 =	vand.u32 $0x7, v3;
	v4 =	vand.u32 $0xFFFFFFC0, v48  }
0x35: {  	v3 =	vor.u32 v3, v4  }
0x36: {  	v4 =	vperm.xlane v3, v0;
	_ =	sdelay $0x1  }
0x37: {  	v4 =	vadd.s32 v1, v4;
	_ =	sdelay $0x3  }
0x38: {  	s24 =	simm.s32 $0x4100  }
0x39: {  	[tilespmem:s24], [sflag:$0x1] =	stream.indirect_vreg.gather [hbm4b:s2+s3], $0x80, v4, vm0, $0xb8;
	[tilespmem:$0x1E100] =	vst v63  }
0x3a: {  	s25 =	simm.s32 $0x4900;
	v3 =	vperm.xlane v3, v2  }
0x3b: {  	[tilespmem:s25], [sflag:$0x1] =	stream.indirect_vreg.gather [hbm4b:s5+s3], $0x80, v4, vm0, $0xb8;
	[tilespmem:$0x1E100] =	vst v63  }
0x3c: {  	v3 =	vadd.s32 v1, v3  }
0x3d: {  	[tilespmem:s26], [sflag:$0x1] =	stream.indirect_vreg.gather [hbm4b:s6+s3], $0x80, v4, vm0, $0xb8;
	[tilespmem:$0x1E100] =	vst v63  }
0x3e: {  	_ = 	snop  }
0x3f: {  	[tilespmem:s28], [sflag:$0x1] =	stream.indirect_vreg.gather [hbm4b:s7+s3], $0x80, v4, vm0, $0xb8;
	[tilespmem:$0x1E100] =	vst v63  }
0x40: {  	_ = 	snop  }
0x41: {  	[tilespmem:s29], [sflag:$0x1] =	stream.indirect_vreg.gather [hbm4b:s2+s3], $0x80, v3, vm0, $0xb8;
	[tilespmem:$0x1E100] =	vst v63  }
0x42: {  	_ = 	snop  }
0x43: {  	[tilespmem:s30], [sflag:$0x1] =	stream.indirect_vreg.gather [hbm4b:s5+s3], $0x80, v3, vm0, $0xb8;
	[tilespmem:$0x1E100] =	vst v63  }
0x44: {  	_ = 	snop  }
0x45: {  	[tilespmem:s31], [sflag:$0x1] =	stream.indirect_vreg.gather [hbm4b:s6+s3], $0x80, v3, vm0, $0xb8;
	[tilespmem:$0x1E100] =	vst v63  }
0x46: {  	s4 =	simm.s32 $0x7900  }
0x47: {  	[tilespmem:s4], [sflag:$0x1] =	stream.indirect_vreg.gather [hbm4b:s7+s3], $0x80, v3, vm0, $0xb8;
	[tilespmem:$0x1E100] =	vst v63  }
0x48: {  	v3 =	vld [tilespmem:$0x20];
	_ =	sdelay $0x4  }
0x49: {  	v49 =	vshll.u32 v3, $0x3  }
0x4a: {  	v3 =	vand.u32 $0x7, v3;
	v4 =	vand.u32 $0xFFFFFFC0, v49  }
0x4b: {  	v3 =	vor.u32 v3, v4  }
0x4c: {  	v4 =	vperm.xlane v3, v0;
	_ =	sdelay $0x1  }
0x4d: {  	v4 =	vadd.s32 v1, v4;
	_ =	sdelay $0x3  }
0x4e: {  	s1 =	simm.s32 $0x8100  }
0x4f: {  	[tilespmem:s1], [sflag:$0x1] =	stream.indirect_vreg.gather [hbm4b:s2+s3], $0x80, v4, vm0, $0xb8;
	[tilespmem:$0x1E100] =	vst v63  }
0x50: {  	v3 =	vperm.xlane v3, v2  }
0x51: {  	[tilespmem:s18], [sflag:$0x1] =	stream.indirect_vreg.gather [hbm4b:s5+s3], $0x80, v4, vm0, $0xb8;
	[tilespmem:$0x1E100] =	vst v63  }
0x52: {  	v3 =	vadd.s32 v1, v3  }
0x53: {  	[tilespmem:s19], [sflag:$0x1] =	stream.indirect_vreg.gather [hbm4b:s6+s3], $0x80, v4, vm0, $0xb8;
	[tilespmem:$0x1E100] =	vst v63  }
0x54: {  	_ = 	snop  }
0x55: {  	[tilespmem:s20], [sflag:$0x1] =	stream.indirect_vreg.gather [hbm4b:s7+s3], $0x80, v4, vm0, $0xb8;
	[tilespmem:$0x1E100] =	vst v63  }
0x56: {  	_ = 	snop  }
0x57: {  	[tilespmem:s21], [sflag:$0x1] =	stream.indirect_vreg.gather [hbm4b:s2+s3], $0x80, v3, vm0, $0xb8;
	[tilespmem:$0x1E100] =	vst v63  }
0x58: {  	_ = 	snop  }
0x59: {  	[tilespmem:s22], [sflag:$0x1] =	stream.indirect_vreg.gather [hbm4b:s5+s3], $0x80, v3, vm0, $0xb8;
	[tilespmem:$0x1E100] =	vst v63  }
0x5a: {  	_ = 	snop  }
0x5b: {  	[tilespmem:s11], [sflag:$0x1] =	stream.indirect_vreg.gather [hbm4b:s6+s3], $0x80, v3, vm0, $0xb8;
	[tilespmem:$0x1E100] =	vst v63  }
0x5c: {  	_ = 	snop  }
0x5d: {  	[tilespmem:s10], [sflag:$0x1] =	stream.indirect_vreg.gather [hbm4b:s7+s3], $0x80, v3, vm0, $0xb8;
	[tilespmem:$0x1E100] =	vst v63  }
0x5e: {  	v3 =	vld [tilespmem:$0x30];
	_ =	sdelay $0x4  }
0x5f: {  	v50 =	vshll.u32 v3, $0x3  }
0x60: {  	v3 =	vand.u32 $0x7, v3;
	v4 =	vand.u32 $0xFFFFFFC0, v50  }
0x61: {  	v3 =	vor.u32 v3, v4  }
0x62: {  	v4 =	vperm.xlane v3, v0;
	_ =	sdelay $0x1  }
0x63: {  	v4 =	vadd.s32 v1, v4;
	_ =	sdelay $0x4  }
0x64: {  	[tilespmem:s12], [sflag:$0x1] =	stream.indirect_vreg.gather [hbm4b:s2+s3], $0x80, v4, vm0, $0xb8;
	[tilespmem:$0x1E100] =	vst v63  }
0x65: {  	v3 =	vperm.xlane v3, v2  }
0x66: {  	[tilespmem:s13], [sflag:$0x1] =	stream.indirect_vreg.gather [hbm4b:s5+s3], $0x80, v4, vm0, $0xb8;
	[tilespmem:$0x1E100] =	vst v63  }
0x67: {  	v3 =	vadd.s32 v1, v3  }
0x68: {  	[tilespmem:s14], [sflag:$0x1] =	stream.indirect_vreg.gather [hbm4b:s6+s3], $0x80, v4, vm0, $0xb8;
	[tilespmem:$0x1E100] =	vst v63  }
0x69: {  	_ = 	snop  }
0x6a: {  	[tilespmem:s15], [sflag:$0x1] =	stream.indirect_vreg.gather [hbm4b:s7+s3], $0x80, v4, vm0, $0xb8;
	[tilespmem:$0x1E100] =	vst v63  }
0x6b: {  	_ = 	snop  }
0x6c: {  	[tilespmem:s16], [sflag:$0x1] =	stream.indirect_vreg.gather [hbm4b:s2+s3], $0x80, v3, vm0, $0xb8;
	[tilespmem:$0x1E100] =	vst v63  }
0x6d: {  	_ = 	snop  }
0x6e: {  	[tilespmem:s17], [sflag:$0x1] =	stream.indirect_vreg.gather [hbm4b:s5+s3], $0x80, v3, vm0, $0xb8;
	[tilespmem:$0x1E100] =	vst v63  }
0x6f: {  	s4 =	simm.s32 $0xF100  }
0x70: {  	[tilespmem:s4], [sflag:$0x1] =	stream.indirect_vreg.gather [hbm4b:s6+s3], $0x80, v3, vm0, $0xb8;
	[tilespmem:$0x1E100] =	vst v63  }
0x71: {  	s4 =	simm.s32 $0xF900  }
0x72: {  	[tilespmem:s4], [sflag:$0x1] =	stream.indirect_vreg.gather [hbm4b:s7+s3], $0x80, v3, vm0, $0xb8;
	[tilespmem:$0x1E100] =	vst v63  }
0x73: {  	v3 =	vld [tilespmem:$0x40];
	_ =	sdelay $0x4  }
0x74: {  	v51 =	vshll.u32 v3, $0x3  }
0x75: {  	v3 =	vand.u32 $0x7, v3;
	v4 =	vand.u32 $0xFFFFFFC0, v51  }
0x76: {  	v3 =	vor.u32 v3, v4  }
0x77: {  	v4 =	vperm.xlane v3, v0;
	_ =	sdelay $0x1  }
0x78: {  	v4 =	vadd.s32 v1, v4;
	_ =	sdelay $0x3  }
0x79: {  	s4 =	simm.s32 $0x10100  }
0x7a: {  	[tilespmem:s4], [sflag:$0x1] =	stream.indirect_vreg.gather [hbm4b:s2+s3], $0x80, v4, vm0, $0xb8;
	[tilespmem:$0x1E100] =	vst v63  }
0x7b: {  	v3 =	vperm.xlane v3, v2;
	s4 =	simm.s32 $0x10900  }
0x7c: {  	[tilespmem:s4], [sflag:$0x1] =	stream.indirect_vreg.gather [hbm4b:s5+s3], $0x80, v4, vm0, $0xb8;
	[tilespmem:$0x1E100] =	vst v63  }
0x7d: {  	v3 =	vadd.s32 v1, v3;
	s4 =	simm.s32 $0x11100  }
0x7e: {  	[tilespmem:s4], [sflag:$0x1] =	stream.indirect_vreg.gather [hbm4b:s6+s3], $0x80, v4, vm0, $0xb8;
	[tilespmem:$0x1E100] =	vst v63  }
0x7f: {  	s4 =	simm.s32 $0x11900  }
0x80: {  	[tilespmem:s4], [sflag:$0x1] =	stream.indirect_vreg.gather [hbm4b:s7+s3], $0x80, v4, vm0, $0xb8;
	[tilespmem:$0x1E100] =	vst v63  }
0x81: {  	s4 =	simm.s32 $0x12100  }
0x82: {  	[tilespmem:s4], [sflag:$0x1] =	stream.indirect_vreg.gather [hbm4b:s2+s3], $0x80, v3, vm0, $0xb8;
	[tilespmem:$0x1E100] =	vst v63  }
0x83: {  	s4 =	simm.s32 $0x12900  }
0x84: {  	[tilespmem:s4], [sflag:$0x1] =	stream.indirect_vreg.gather [hbm4b:s5+s3], $0x80, v3, vm0, $0xb8;
	[tilespmem:$0x1E100] =	vst v63  }
0x85: {  	s4 =	simm.s32 $0x13100  }
0x86: {  	[tilespmem:s4], [sflag:$0x1] =	stream.indirect_vreg.gather [hbm4b:s6+s3], $0x80, v3, vm0, $0xb8;
	[tilespmem:$0x1E100] =	vst v63  }
0x87: {  	s4 =	simm.s32 $0x13900  }
0x88: {  	[tilespmem:s4], [sflag:$0x1] =	stream.indirect_vreg.gather [hbm4b:s7+s3], $0x80, v3, vm0, $0xb8;
	[tilespmem:$0x1E100] =	vst v63  }
0x89: {  	v3 =	vld [tilespmem:$0x50];
	_ =	sdelay $0x4  }
0x8a: {  	v52 =	vshll.u32 v3, $0x3  }
0x8b: {  	v3 =	vand.u32 $0x7, v3;
	v4 =	vand.u32 $0xFFFFFFC0, v52  }
0x8c: {  	v3 =	vor.u32 v3, v4  }
0x8d: {  	v4 =	vperm.xlane v3, v0;
	_ =	sdelay $0x1  }
0x8e: {  	v4 =	vadd.s32 v1, v4;
	_ =	sdelay $0x3  }
0x8f: {  	s4 =	simm.s32 $0x14100  }
0x90: {  	[tilespmem:s4], [sflag:$0x1] =	stream.indirect_vreg.gather [hbm4b:s2+s3], $0x80, v4, vm0, $0xb8;
	[tilespmem:$0x1E100] =	vst v63  }
0x91: {  	v3 =	vperm.xlane v3, v2;
	s4 =	simm.s32 $0x14900  }
0x92: {  	[tilespmem:s4], [sflag:$0x1] =	stream.indirect_vreg.gather [hbm4b:s5+s3], $0x80, v4, vm0, $0xb8;
	[tilespmem:$0x1E100] =	vst v63  }
0x93: {  	v3 =	vadd.s32 v1, v3;
	s4 =	simm.s32 $0x15100  }
0x94: {  	[tilespmem:s4], [sflag:$0x1] =	stream.indirect_vreg.gather [hbm4b:s6+s3], $0x80, v4, vm0, $0xb8;
	[tilespmem:$0x1E100] =	vst v63  }
0x95: {  	s4 =	simm.s32 $0x15900  }
0x96: {  	[tilespmem:s4], [sflag:$0x1] =	stream.indirect_vreg.gather [hbm4b:s7+s3], $0x80, v4, vm0, $0xb8;
	[tilespmem:$0x1E100] =	vst v63  }
0x97: {  	s4 =	simm.s32 $0x16100  }
0x98: {  	[tilespmem:s4], [sflag:$0x1] =	stream.indirect_vreg.gather [hbm4b:s2+s3], $0x80, v3, vm0, $0xb8;
	[tilespmem:$0x1E100] =	vst v63  }
0x99: {  	s4 =	simm.s32 $0x16900  }
0x9a: {  	[tilespmem:s4], [sflag:$0x1] =	stream.indirect_vreg.gather [hbm4b:s5+s3], $0x80, v3, vm0, $0xb8;
	[tilespmem:$0x1E100] =	vst v63  }
0x9b: {  	s4 =	simm.s32 $0x17100  }
0x9c: {  	[tilespmem:s4], [sflag:$0x1] =	stream.indirect_vreg.gather [hbm4b:s6+s3], $0x80, v3, vm0, $0xb8;
	[tilespmem:$0x1E100] =	vst v63  }
0x9d: {  	s4 =	simm.s32 $0x17900  }
0x9e: {  	[tilespmem:s4], [sflag:$0x1] =	stream.indirect_vreg.gather [hbm4b:s7+s3], $0x80, v3, vm0, $0xb8;
	[tilespmem:$0x1E100] =	vst v63  }
0x9f: {  	v3 =	vld [tilespmem:$0x60];
	_ =	sdelay $0x4  }
0xa0: {  	v53 =	vshll.u32 v3, $0x3  }
0xa1: {  	v3 =	vand.u32 $0x7, v3;
	v4 =	vand.u32 $0xFFFFFFC0, v53  }
0xa2: {  	v3 =	vor.u32 v3, v4  }
0xa3: {  	v4 =	vperm.xlane v3, v0;
	_ =	sdelay $0x1  }
0xa4: {  	v4 =	vadd.s32 v1, v4;
	_ =	sdelay $0x3  }
0xa5: {  	s4 =	simm.s32 $0x18100  }
0xa6: {  	[tilespmem:s4], [sflag:$0x1] =	stream.indirect_vreg.gather [hbm4b:s2+s3], $0x80, v4, vm0, $0xb8;
	[tilespmem:$0x1E100] =	vst v63  }
0xa7: {  	v3 =	vperm.xlane v3, v2;
	s4 =	simm.s32 $0x18900  }
0xa8: {  	[tilespmem:s4], [sflag:$0x1] =	stream.indirect_vreg.gather [hbm4b:s5+s3], $0x80, v4, vm0, $0xb8;
	[tilespmem:$0x1E100] =	vst v63  }
0xa9: {  	v3 =	vadd.s32 v1, v3;
	s4 =	simm.s32 $0x19100  }
0xaa: {  	[tilespmem:s4], [sflag:$0x1] =	stream.indirect_vreg.gather [hbm4b:s6+s3], $0x80, v4, vm0, $0xb8;
	[tilespmem:$0x1E100] =	vst v63  }
0xab: {  	s4 =	simm.s32 $0x19900  }
0xac: {  	[tilespmem:s4], [sflag:$0x1] =	stream.indirect_vreg.gather [hbm4b:s7+s3], $0x80, v4, vm0, $0xb8;
	[tilespmem:$0x1E100] =	vst v63  }
0xad: {  	s4 =	simm.s32 $0x1A100  }
0xae: {  	[tilespmem:s4], [sflag:$0x1] =	stream.indirect_vreg.gather [hbm4b:s2+s3], $0x80, v3, vm0, $0xb8;
	[tilespmem:$0x1E100] =	vst v63  }
0xaf: {  	s4 =	simm.s32 $0x1A900  }
0xb0: {  	[tilespmem:s4], [sflag:$0x1] =	stream.indirect_vreg.gather [hbm4b:s5+s3], $0x80, v3, vm0, $0xb8;
	[tilespmem:$0x1E100] =	vst v63  }
0xb1: {  	s4 =	simm.s32 $0x1B100  }
0xb2: {  	[tilespmem:s4], [sflag:$0x1] =	stream.indirect_vreg.gather [hbm4b:s6+s3], $0x80, v3, vm0, $0xb8;
	[tilespmem:$0x1E100] =	vst v63  }
0xb3: {  	s4 =	simm.s32 $0x1B900  }
0xb4: {  	[tilespmem:s4], [sflag:$0x1] =	stream.indirect_vreg.gather [hbm4b:s7+s3], $0x80, v3, vm0, $0xb8;
	[tilespmem:$0x1E100] =	vst v63  }
0xb5: {  	v3 =	vld.msk [tilespmem:$0x70], $0xff;
	_ =	sdelay $0x4  }
0xb6: {  	v54 =	vshll.u32 v3, $0x3  }
0xb7: {  	v3 =	vand.u32 $0x7, v3;
	v4 =	vand.u32 $0xFFFFFFC0, v54  }
0xb8: {  	v3 =	vor.u32 v3, v4  }
0xb9: {  	v3 =	vperm.xlane v3, v0;
	_ =	sdelay $0x1  }
0xba: {  	v3 =	vadd.s32 v1, v3;
	_ =	sdelay $0x3  }
0xbb: {  	s4 =	simm.s32 $0x1C100  }
0xbc: {  	[tilespmem:s4], [sflag:$0x1] =	stream.indirect_vreg.gather [hbm4b:s2+s3], $0x80, v3, vm0, $0xb8;
	[tilespmem:$0x1E100] =	vst v63  }
0xbd: {  	s4 =	simm.s32 $0x1C900  }
0xbe: {  	[tilespmem:s4], [sflag:$0x1] =	stream.indirect_vreg.gather [hbm4b:s5+s3], $0x80, v3, vm0, $0xb8;
	[tilespmem:$0x1E100] =	vst v63  }
0xbf: {  	s4 =	simm.s32 $0x1D100  }
0xc0: {  	[tilespmem:s4], [sflag:$0x1] =	stream.indirect_vreg.gather [hbm4b:s6+s3], $0x80, v3, vm0, $0xb8;
	[tilespmem:$0x1E100] =	vst v63  }
0xc1: {  	s4 =	simm.s32 $0x1D900  }
0xc2: {  	[tilespmem:s4], [sflag:$0x1] =	stream.indirect_vreg.gather [hbm4b:s7+s3], $0x80, v3, vm0, $0xb8;
	[tilespmem:$0x1E100] =	vst v63  }
0xc3: {  	_ =	swait.ge [sflag:s23], $0x1E000  }
0xc4: {  	[sflag:s23] =	ssyncset.done $0x0  }
0xc5: {  	s4 =	rddreg [dreg:$0x9];
	[sflag:s23] =	ssyncadd.s32 $0xFFFE2000  }
0xc6: {  	[hbm4b:s4+s3] =	stream.linear.scatter [tilespmem:s0], [sflag:$0x2], $0x1E000, $0x38;
	[tilespmem:$0x1E100] =	vst v63  }
0xc7: {  	_ =	swait.ge [sflag:s9], $0x1E000  }
0xc8: {  	[sflag:s9] =	ssyncset.done $0x0  }
0xc9: {  	[sflag:s9] =	ssyncadd.s32 $0xFFFE2000  }
0xca: {  	v3 =	vld [tilespmem:$0x78];
	_ =	sdelay $0x4  }
0xcb: {  	v55 =	vshll.u32 v3, $0x3  }
0xcc: {  	v3 =	vand.u32 $0x7, v3;
	v4 =	vand.u32 $0xFFFFFFC0, v55  }
0xcd: {  	v3 =	vor.u32 v3, v4  }
0xce: {  	v4 =	vperm.xlane v3, v0;
	_ =	sdelay $0x1  }
0xcf: {  	v4 =	vadd.s32 v1, v4;
	_ =	sdelay $0x4  }
0xd0: {  	[tilespmem:s0], [sflag:$0x1] =	stream.indirect_vreg.gather [hbm4b:s2+s3], $0x80, v4, vm0, $0xb8;
	[tilespmem:$0x1E100] =	vst v63  }
0xd1: {  	s4 =	simm.s32 $0x900;
	v3 =	vperm.xlane v3, v2  }
0xd2: {  	[tilespmem:s4], [sflag:$0x1] =	stream.indirect_vreg.gather [hbm4b:s5+s3], $0x80, v4, vm0, $0xb8;
	[tilespmem:$0x1E100] =	vst v63  }
0xd3: {  	v3 =	vadd.s32 v1, v3;
	s4 =	simm.s32 $0x1100  }
0xd4: {  	[tilespmem:s4], [sflag:$0x1] =	stream.indirect_vreg.gather [hbm4b:s6+s3], $0x80, v4, vm0, $0xb8;
	[tilespmem:$0x1E100] =	vst v63  }
0xd5: {  	s4 =	simm.s32 $0x1900  }
0xd6: {  	[tilespmem:s4], [sflag:$0x1] =	stream.indirect_vreg.gather [hbm4b:s7+s3], $0x80, v4, vm0, $0xb8;
	[tilespmem:$0x1E100] =	vst v63  }
0xd7: {  	s4 =	simm.s32 $0x2100  }
0xd8: {  	[tilespmem:s4], [sflag:$0x1] =	stream.indirect_vreg.gather [hbm4b:s2+s3], $0x80, v3, vm0, $0xb8;
	[tilespmem:$0x1E100] =	vst v63  }
0xd9: {  	s4 =	simm.s32 $0x2900  }
0xda: {  	[tilespmem:s4], [sflag:$0x1] =	stream.indirect_vreg.gather [hbm4b:s5+s3], $0x80, v3, vm0, $0xb8;
	[tilespmem:$0x1E100] =	vst v63  }
0xdb: {  	s4 =	simm.s32 $0x3100  }
0xdc: {  	[tilespmem:s4], [sflag:$0x1] =	stream.indirect_vreg.gather [hbm4b:s6+s3], $0x80, v3, vm0, $0xb8;
	[tilespmem:$0x1E100] =	vst v63  }
0xdd: {  	s4 =	simm.s32 $0x3900  }
0xde: {  	[tilespmem:s4], [sflag:$0x1] =	stream.indirect_vreg.gather [hbm4b:s7+s3], $0x80, v3, vm0, $0xb8;
	[tilespmem:$0x1E100] =	vst v63  }
0xdf: {  	v3 =	vld [tilespmem:$0x88];
	_ =	sdelay $0x4  }
0xe0: {  	v56 =	vshll.u32 v3, $0x3  }
0xe1: {  	v3 =	vand.u32 $0x7, v3;
	v4 =	vand.u32 $0xFFFFFFC0, v56  }
0xe2: {  	v3 =	vor.u32 v3, v4  }
0xe3: {  	v4 =	vperm.xlane v3, v0;
	_ =	sdelay $0x1  }
0xe4: {  	v4 =	vadd.s32 v1, v4;
	_ =	sdelay $0x4  }
0xe5: {  	[tilespmem:s24], [sflag:$0x1] =	stream.indirect_vreg.gather [hbm4b:s2+s3], $0x80, v4, vm0, $0xb8;
	[tilespmem:$0x1E100] =	vst v63  }
0xe6: {  	v3 =	vperm.xlane v3, v2  }
0xe7: {  	[tilespmem:s25], [sflag:$0x1] =	stream.indirect_vreg.gather [hbm4b:s5+s3], $0x80, v4, vm0, $0xb8;
	[tilespmem:$0x1E100] =	vst v63  }
0xe8: {  	v3 =	vadd.s32 v1, v3  }
0xe9: {  	[tilespmem:s26], [sflag:$0x1] =	stream.indirect_vreg.gather [hbm4b:s6+s3], $0x80, v4, vm0, $0xb8;
	[tilespmem:$0x1E100] =	vst v63  }
0xea: {  	_ = 	snop  }
0xeb: {  	[tilespmem:s28], [sflag:$0x1] =	stream.indirect_vreg.gather [hbm4b:s7+s3], $0x80, v4, vm0, $0xb8;
	[tilespmem:$0x1E100] =	vst v63  }
0xec: {  	_ = 	snop  }
0xed: {  	[tilespmem:s29], [sflag:$0x1] =	stream.indirect_vreg.gather [hbm4b:s2+s3], $0x80, v3, vm0, $0xb8;
	[tilespmem:$0x1E100] =	vst v63  }
0xee: {  	_ = 	snop  }
0xef: {  	[tilespmem:s30], [sflag:$0x1] =	stream.indirect_vreg.gather [hbm4b:s5+s3], $0x80, v3, vm0, $0xb8;
	[tilespmem:$0x1E100] =	vst v63  }
0xf0: {  	_ = 	snop  }
0xf1: {  	[tilespmem:s31], [sflag:$0x1] =	stream.indirect_vreg.gather [hbm4b:s6+s3], $0x80, v3, vm0, $0xb8;
	[tilespmem:$0x1E100] =	vst v63  }
0xf2: {  	s25 =	simm.s32 $0x7900  }
0xf3: {  	[tilespmem:s25], [sflag:$0x1] =	stream.indirect_vreg.gather [hbm4b:s7+s3], $0x80, v3, vm0, $0xb8;
	[tilespmem:$0x1E100] =	vst v63  }
0xf4: {  	v3 =	vld [tilespmem:$0x98];
	_ =	sdelay $0x4  }
0xf5: {  	v57 =	vshll.u32 v3, $0x3  }
0xf6: {  	v3 =	vand.u32 $0x7, v3;
	v4 =	vand.u32 $0xFFFFFFC0, v57  }
0xf7: {  	v3 =	vor.u32 v3, v4  }
0xf8: {  	v4 =	vperm.xlane v3, v0;
	_ =	sdelay $0x1  }
0xf9: {  	v4 =	vadd.s32 v1, v4;
	_ =	sdelay $0x4  }
0xfa: {  	[tilespmem:s1], [sflag:$0x1] =	stream.indirect_vreg.gather [hbm4b:s2+s3], $0x80, v4, vm0, $0xb8;
	[tilespmem:$0x1E100] =	vst v63  }
0xfb: {  	v3 =	vperm.xlane v3, v2  }
0xfc: {  	[tilespmem:s18], [sflag:$0x1] =	stream.indirect_vreg.gather [hbm4b:s5+s3], $0x80, v4, vm0, $0xb8;
	[tilespmem:$0x1E100] =	vst v63  }
0xfd: {  	v3 =	vadd.s32 v1, v3  }
0xfe: {  	[tilespmem:s19], [sflag:$0x1] =	stream.indirect_vreg.gather [hbm4b:s6+s3], $0x80, v4, vm0, $0xb8;
	[tilespmem:$0x1E100] =	vst v63  }
0xff: {  	_ = 	snop  }
0x100: {  	[tilespmem:s20], [sflag:$0x1] =	stream.indirect_vreg.gather [hbm4b:s7+s3], $0x80, v4, vm0, $0xb8;
	[tilespmem:$0x1E100] =	vst v63  }
0x101: {  	_ = 	snop  }
0x102: {  	[tilespmem:s21], [sflag:$0x1] =	stream.indirect_vreg.gather [hbm4b:s2+s3], $0x80, v3, vm0, $0xb8;
	[tilespmem:$0x1E100] =	vst v63  }
0x103: {  	_ = 	snop  }
0x104: {  	[tilespmem:s22], [sflag:$0x1] =	stream.indirect_vreg.gather [hbm4b:s5+s3], $0x80, v3, vm0, $0xb8;
	[tilespmem:$0x1E100] =	vst v63  }
0x105: {  	_ = 	snop  }
0x106: {  	[tilespmem:s11], [sflag:$0x1] =	stream.indirect_vreg.gather [hbm4b:s6+s3], $0x80, v3, vm0, $0xb8;
	[tilespmem:$0x1E100] =	vst v63  }
0x107: {  	_ = 	snop  }
0x108: {  	[tilespmem:s10], [sflag:$0x1] =	stream.indirect_vreg.gather [hbm4b:s7+s3], $0x80, v3, vm0, $0xb8;
	[tilespmem:$0x1E100] =	vst v63  }
0x109: {  	v3 =	vld [tilespmem:$0xA8];
	_ =	sdelay $0x4  }
0x10a: {  	v58 =	vshll.u32 v3, $0x3  }
0x10b: {  	v3 =	vand.u32 $0x7, v3;
	v4 =	vand.u32 $0xFFFFFFC0, v58  }
0x10c: {  	v3 =	vor.u32 v3, v4  }
0x10d: {  	v4 =	vperm.xlane v3, v0;
	_ =	sdelay $0x1  }
0x10e: {  	v4 =	vadd.s32 v1, v4;
	_ =	sdelay $0x4  }
0x10f: {  	[tilespmem:s12], [sflag:$0x1] =	stream.indirect_vreg.gather [hbm4b:s2+s3], $0x80, v4, vm0, $0xb8;
	[tilespmem:$0x1E100] =	vst v63  }
0x110: {  	v3 =	vperm.xlane v3, v2  }
0x111: {  	[tilespmem:s13], [sflag:$0x1] =	stream.indirect_vreg.gather [hbm4b:s5+s3], $0x80, v4, vm0, $0xb8;
	[tilespmem:$0x1E100] =	vst v63  }
0x112: {  	v3 =	vadd.s32 v1, v3  }
0x113: {  	[tilespmem:s14], [sflag:$0x1] =	stream.indirect_vreg.gather [hbm4b:s6+s3], $0x80, v4, vm0, $0xb8;
	[tilespmem:$0x1E100] =	vst v63  }
0x114: {  	_ = 	snop  }
0x115: {  	[tilespmem:s15], [sflag:$0x1] =	stream.indirect_vreg.gather [hbm4b:s7+s3], $0x80, v4, vm0, $0xb8;
	[tilespmem:$0x1E100] =	vst v63  }
0x116: {  	_ = 	snop  }
0x117: {  	[tilespmem:s16], [sflag:$0x1] =	stream.indirect_vreg.gather [hbm4b:s2+s3], $0x80, v3, vm0, $0xb8;
	[tilespmem:$0x1E100] =	vst v63  }
0x118: {  	_ = 	snop  }
0x119: {  	[tilespmem:s17], [sflag:$0x1] =	stream.indirect_vreg.gather [hbm4b:s5+s3], $0x80, v3, vm0, $0xb8;
	[tilespmem:$0x1E100] =	vst v63  }
0x11a: {  	s4 =	simm.s32 $0xF100  }
0x11b: {  	[tilespmem:s4], [sflag:$0x1] =	stream.indirect_vreg.gather [hbm4b:s6+s3], $0x80, v3, vm0, $0xb8;
	[tilespmem:$0x1E100] =	vst v63  }
0x11c: {  	s24 =	simm.s32 $0xF900  }
0x11d: {  	[tilespmem:s24], [sflag:$0x1] =	stream.indirect_vreg.gather [hbm4b:s7+s3], $0x80, v3, vm0, $0xb8;
	[tilespmem:$0x1E100] =	vst v63  }
0x11e: {  	v3 =	vld [tilespmem:$0xB8];
	_ =	sdelay $0x4  }
0x11f: {  	v59 =	vshll.u32 v3, $0x3  }
0x120: {  	v3 =	vand.u32 $0x7, v3;
	v4 =	vand.u32 $0xFFFFFFC0, v59  }
0x121: {  	v3 =	vor.u32 v3, v4  }
0x122: {  	v4 =	vperm.xlane v3, v0;
	_ =	sdelay $0x1  }
0x123: {  	v4 =	vadd.s32 v1, v4;
	_ =	sdelay $0x3  }
0x124: {  	s25 =	simm.s32 $0x10100  }
0x125: {  	[tilespmem:s25], [sflag:$0x1] =	stream.indirect_vreg.gather [hbm4b:s2+s3], $0x80, v4, vm0, $0xb8;
	[tilespmem:$0x1E100] =	vst v63  }
0x126: {  	s4 =	simm.s32 $0x10900;
	v3 =	vperm.xlane v3, v2  }
0x127: {  	[tilespmem:s4], [sflag:$0x1] =	stream.indirect_vreg.gather [hbm4b:s5+s3], $0x80, v4, vm0, $0xb8;
	[tilespmem:$0x1E100] =	vst v63  }
0x128: {  	s24 =	simm.s32 $0x11100;
	v3 =	vadd.s32 v1, v3  }
0x129: {  	[tilespmem:s24], [sflag:$0x1] =	stream.indirect_vreg.gather [hbm4b:s6+s3], $0x80, v4, vm0, $0xb8;
	[tilespmem:$0x1E100] =	vst v63  }
0x12a: {  	s25 =	simm.s32 $0x11900  }
0x12b: {  	[tilespmem:s25], [sflag:$0x1] =	stream.indirect_vreg.gather [hbm4b:s7+s3], $0x80, v4, vm0, $0xb8;
	[tilespmem:$0x1E100] =	vst v63  }
0x12c: {  	s4 =	simm.s32 $0x12100  }
0x12d: {  	[tilespmem:s4], [sflag:$0x1] =	stream.indirect_vreg.gather [hbm4b:s2+s3], $0x80, v3, vm0, $0xb8;
	[tilespmem:$0x1E100] =	vst v63  }
0x12e: {  	s24 =	simm.s32 $0x12900  }
0x12f: {  	[tilespmem:s24], [sflag:$0x1] =	stream.indirect_vreg.gather [hbm4b:s5+s3], $0x80, v3, vm0, $0xb8;
	[tilespmem:$0x1E100] =	vst v63  }
0x130: {  	s25 =	simm.s32 $0x13100  }
0x131: {  	[tilespmem:s25], [sflag:$0x1] =	stream.indirect_vreg.gather [hbm4b:s6+s3], $0x80, v3, vm0, $0xb8;
	[tilespmem:$0x1E100] =	vst v63  }
0x132: {  	s4 =	simm.s32 $0x13900  }
0x133: {  	[tilespmem:s4], [sflag:$0x1] =	stream.indirect_vreg.gather [hbm4b:s7+s3], $0x80, v3, vm0, $0xb8;
	[tilespmem:$0x1E100] =	vst v63  }
0x134: {  	v3 =	vld [tilespmem:$0xC8];
	_ =	sdelay $0x4  }
0x135: {  	v60 =	vshll.u32 v3, $0x3  }
0x136: {  	v3 =	vand.u32 $0x7, v3;
	v4 =	vand.u32 $0xFFFFFFC0, v60  }
0x137: {  	v3 =	vor.u32 v3, v4  }
0x138: {  	v4 =	vperm.xlane v3, v0;
	_ =	sdelay $0x1  }
0x139: {  	v4 =	vadd.s32 v1, v4;
	_ =	sdelay $0x3  }
0x13a: {  	s24 =	simm.s32 $0x14100  }
0x13b: {  	[tilespmem:s24], [sflag:$0x1] =	stream.indirect_vreg.gather [hbm4b:s2+s3], $0x80, v4, vm0, $0xb8;
	[tilespmem:$0x1E100] =	vst v63  }
0x13c: {  	s25 =	simm.s32 $0x14900;
	v3 =	vperm.xlane v3, v2  }
0x13d: {  	[tilespmem:s25], [sflag:$0x1] =	stream.indirect_vreg.gather [hbm4b:s5+s3], $0x80, v4, vm0, $0xb8;
	[tilespmem:$0x1E100] =	vst v63  }
0x13e: {  	s4 =	simm.s32 $0x15100;
	v3 =	vadd.s32 v1, v3  }
0x13f: {  	[tilespmem:s4], [sflag:$0x1] =	stream.indirect_vreg.gather [hbm4b:s6+s3], $0x80, v4, vm0, $0xb8;
	[tilespmem:$0x1E100] =	vst v63  }
0x140: {  	s24 =	simm.s32 $0x15900  }
0x141: {  	[tilespmem:s24], [sflag:$0x1] =	stream.indirect_vreg.gather [hbm4b:s7+s3], $0x80, v4, vm0, $0xb8;
	[tilespmem:$0x1E100] =	vst v63  }
0x142: {  	s25 =	simm.s32 $0x16100  }
0x143: {  	[tilespmem:s25], [sflag:$0x1] =	stream.indirect_vreg.gather [hbm4b:s2+s3], $0x80, v3, vm0, $0xb8;
	[tilespmem:$0x1E100] =	vst v63  }
0x144: {  	s4 =	simm.s32 $0x16900  }
0x145: {  	[tilespmem:s4], [sflag:$0x1] =	stream.indirect_vreg.gather [hbm4b:s5+s3], $0x80, v3, vm0, $0xb8;
	[tilespmem:$0x1E100] =	vst v63  }
0x146: {  	s24 =	simm.s32 $0x17100  }
0x147: {  	[tilespmem:s24], [sflag:$0x1] =	stream.indirect_vreg.gather [hbm4b:s6+s3], $0x80, v3, vm0, $0xb8;
	[tilespmem:$0x1E100] =	vst v63  }
0x148: {  	s25 =	simm.s32 $0x17900  }
0x149: {  	[tilespmem:s25], [sflag:$0x1] =	stream.indirect_vreg.gather [hbm4b:s7+s3], $0x80, v3, vm0, $0xb8;
	[tilespmem:$0x1E100] =	vst v63  }
0x14a: {  	v3 =	vld [tilespmem:$0xD8];
	_ =	sdelay $0x4  }
0x14b: {  	v61 =	vshll.u32 v3, $0x3  }
0x14c: {  	v3 =	vand.u32 $0x7, v3;
	v4 =	vand.u32 $0xFFFFFFC0, v61  }
0x14d: {  	v3 =	vor.u32 v3, v4  }
0x14e: {  	v4 =	vperm.xlane v3, v0;
	_ =	sdelay $0x1  }
0x14f: {  	v4 =	vadd.s32 v1, v4;
	_ =	sdelay $0x3  }
0x150: {  	s4 =	simm.s32 $0x18100  }
0x151: {  	[tilespmem:s4], [sflag:$0x1] =	stream.indirect_vreg.gather [hbm4b:s2+s3], $0x80, v4, vm0, $0xb8;
	[tilespmem:$0x1E100] =	vst v63  }
0x152: {  	s24 =	simm.s32 $0x18900;
	v3 =	vperm.xlane v3, v2  }
0x153: {  	[tilespmem:s24], [sflag:$0x1] =	stream.indirect_vreg.gather [hbm4b:s5+s3], $0x80, v4, vm0, $0xb8;
	[tilespmem:$0x1E100] =	vst v63  }
0x154: {  	s25 =	simm.s32 $0x19100;
	v3 =	vadd.s32 v1, v3  }
0x155: {  	[tilespmem:s25], [sflag:$0x1] =	stream.indirect_vreg.gather [hbm4b:s6+s3], $0x80, v4, vm0, $0xb8;
	[tilespmem:$0x1E100] =	vst v63  }
0x156: {  	s4 =	simm.s32 $0x19900  }
0x157: {  	[tilespmem:s4], [sflag:$0x1] =	stream.indirect_vreg.gather [hbm4b:s7+s3], $0x80, v4, vm0, $0xb8;
	[tilespmem:$0x1E100] =	vst v63  }
0x158: {  	s24 =	simm.s32 $0x1A100  }
0x159: {  	[tilespmem:s24], [sflag:$0x1] =	stream.indirect_vreg.gather [hbm4b:s2+s3], $0x80, v3, vm0, $0xb8;
	[tilespmem:$0x1E100] =	vst v63  }
0x15a: {  	s25 =	simm.s32 $0x1A900  }
0x15b: {  	[tilespmem:s25], [sflag:$0x1] =	stream.indirect_vreg.gather [hbm4b:s5+s3], $0x80, v3, vm0, $0xb8;
	[tilespmem:$0x1E100] =	vst v63  }
0x15c: {  	s4 =	simm.s32 $0x1B100  }
0x15d: {  	[tilespmem:s4], [sflag:$0x1] =	stream.indirect_vreg.gather [hbm4b:s6+s3], $0x80, v3, vm0, $0xb8;
	[tilespmem:$0x1E100] =	vst v63  }
0x15e: {  	s24 =	simm.s32 $0x1B900  }
0x15f: {  	[tilespmem:s24], [sflag:$0x1] =	stream.indirect_vreg.gather [hbm4b:s7+s3], $0x80, v3, vm0, $0xb8;
	[tilespmem:$0x1E100] =	vst v63  }
0x160: {  	v3 =	vld.msk [tilespmem:$0xE8], $0xff;
	_ =	sdelay $0x4  }
0x161: {  	v62 =	vshll.u32 v3, $0x3  }
0x162: {  	v3 =	vand.u32 $0x7, v3;
	v4 =	vand.u32 $0xFFFFFFC0, v62  }
0x163: {  	v3 =	vor.u32 v3, v4  }
0x164: {  	v3 =	vperm.xlane v3, v0;
	_ =	sdelay $0x1  }
0x165: {  	v3 =	vadd.s32 v1, v3;
	_ =	sdelay $0x3  }
0x166: {  	s25 =	simm.s32 $0x1C100  }
0x167: {  	[tilespmem:s25], [sflag:$0x1] =	stream.indirect_vreg.gather [hbm4b:s2+s3], $0x80, v3, vm0, $0xb8;
	[tilespmem:$0x1E100] =	vst v63  }
0x168: {  	s4 =	simm.s32 $0x1C900  }
0x169: {  	[tilespmem:s4], [sflag:$0x1] =	stream.indirect_vreg.gather [hbm4b:s5+s3], $0x80, v3, vm0, $0xb8;
	[tilespmem:$0x1E100] =	vst v63  }
0x16a: {  	s24 =	simm.s32 $0x1D100  }
0x16b: {  	[tilespmem:s24], [sflag:$0x1] =	stream.indirect_vreg.gather [hbm4b:s6+s3], $0x80, v3, vm0, $0xb8;
	[tilespmem:$0x1E100] =	vst v63  }
0x16c: {  	s25 =	simm.s32 $0x1D900  }
0x16d: {  	[tilespmem:s25], [sflag:$0x1] =	stream.indirect_vreg.gather [hbm4b:s7+s3], $0x80, v3, vm0, $0xb8;
	[tilespmem:$0x1E100] =	vst v63  }
0x16e: {  	_ =	swait.ge [sflag:s23], $0x1E000  }
0x16f: {  	[sflag:s23] =	ssyncset.done $0x0  }
0x170: {  	s1 =	rddreg [dreg:$0x5];
	[sflag:s23] =	ssyncadd.s32 $0xFFFE2000  }
0x171: {  	[hbm4b:s1+s3] =	stream.linear.scatter [tilespmem:s0], [sflag:$0x2], $0x1E000, $0x38;
	[tilespmem:$0x1E100] =	vst v63  }
0x172: {  	_ =	swait.ge [sflag:s9], $0x1E000  }
0x173: {  	[sflag:s9] =	ssyncset.done $0x0  }
0x174: {  	[sflag:s9] =	ssyncadd.s32 $0xFFFE2000  }
0x175: {  	v3 =	vld [tilespmem:$0xF0];
	_ =	sdelay $0x4  }
0x176: {  	v63 =	vshll.u32 v3, $0x3  }
0x177: {  	v3 =	vand.u32 $0x7, v3;
	v4 =	vand.u32 $0xFFFFFFC0, v63  }
0x178: {  	v3 =	vor.u32 v3, v4  }
0x179: {  	v4 =	vperm.xlane v3, v0;
	_ =	sdelay $0x1  }
0x17a: {  	v4 =	vadd.s32 v1, v4;
	_ =	sdelay $0x4  }
0x17b: {  	[tilespmem:s0], [sflag:$0x1] =	stream.indirect_vreg.gather [hbm4b:s2+s3], $0x80, v4, vm0, $0xb8;
	[tilespmem:$0x1E100] =	vst v63  }
0x17c: {  	s24 =	simm.s32 $0x900;
	v3 =	vperm.xlane v3, v2  }
0x17d: {  	[tilespmem:s24], [sflag:$0x1] =	stream.indirect_vreg.gather [hbm4b:s5+s3], $0x80, v4, vm0, $0xb8;
	[tilespmem:$0x1E100] =	vst v63  }
0x17e: {  	s25 =	simm.s32 $0x1100;
	v3 =	vadd.s32 v1, v3  }
0x17f: {  	[tilespmem:s25], [sflag:$0x1] =	stream.indirect_vreg.gather [hbm4b:s6+s3], $0x80, v4, vm0, $0xb8;
	[tilespmem:$0x1E100] =	vst v63  }
0x180: {  	s4 =	simm.s32 $0x1900  }
0x181: {  	[tilespmem:s4], [sflag:$0x1] =	stream.indirect_vreg.gather [hbm4b:s7+s3], $0x80, v4, vm0, $0xb8;
	[tilespmem:$0x1E100] =	vst v63  }
0x182: {  	s24 =	simm.s32 $0x2100  }
0x183: {  	[tilespmem:s24], [sflag:$0x1] =	stream.indirect_vreg.gather [hbm4b:s2+s3], $0x80, v3, vm0, $0xb8;
	[tilespmem:$0x1E100] =	vst v63  }
0x184: {  	s25 =	simm.s32 $0x2900  }
0x185: {  	[tilespmem:s25], [sflag:$0x1] =	stream.indirect_vreg.gather [hbm4b:s5+s3], $0x80, v3, vm0, $0xb8;
	[tilespmem:$0x1E100] =	vst v63  }
0x186: {  	s4 =	simm.s32 $0x3100  }
0x187: {  	[tilespmem:s4], [sflag:$0x1] =	stream.indirect_vreg.gather [hbm4b:s6+s3], $0x80, v3, vm0, $0xb8;
	[tilespmem:$0x1E100] =	vst v63  }
0x188: {  	s24 =	simm.s32 $0x3900  }
0x189: {  	[tilespmem:s24], [sflag:$0x1] =	stream.indirect_vreg.gather [hbm4b:s7+s3], $0x80, v3, vm0, $0xb8;
	[tilespmem:$0x1E100] =	vst v63  }
0x18a: {  	_ =	swait.ge [sflag:s23], $0x4000  }
0x18b: {  	p0 =	sne.s32 s8, $0x1;
	[sflag:s23] =	ssyncset.done $0x0  }
.Ltmp0:
0x18c: {  	s25 =	rddreg [dreg:$0x6];
	[sflag:s23] =	ssyncadd.s32 $0xFFFFC000;
	(pc) =	sbr.rel @p0 .LBB2_1-.Ltmp0, $4  }
0x18d: {  	[hbm4b:s25+s3] =	stream.linear.scatter [tilespmem:s0], [sflag:$0x2], $0x4000, $0x38;
	[tilespmem:$0x1E100] =	vst v63  }
0x18e: {  	_ =	swait.ge [sflag:s9], $0x4000  }
0x18f: {  	[sflag:s9] =	ssyncset.done $0x0  }
0x190: {  	s8 =	sadd.s32 $0xFFFFFFFF, s8;
	[sflag:s9] =	ssyncadd.s32 $0xFFFFC000  }
0x191: {  	_ =	sfence.sel $0x180000  }
0x192: {  	[bflag:$0x0] =	sbarrier.arrive $0xFFFF  }
0x193: {  	_ =	strace $0x90000047  }
0x194: {  	s0 =	stileid.u32;
	[bflag:$0x2] =	sbarrier.arrive $0xFFFF  }
0x195: {  	p0 =	sne.s32 s0, $0x0;
	s0 =	rddreg [dreg:$0x3]  }
0x196: {  	s0 =	sadd.s32 @!p0 $0x100000, s0  }
0x197: {  	[sflag:s0] =	ssyncadd.tile.s32 @!p0 $0x1;
	_ =	shalt  }
.Lfunc_end2:
_tile_overlayer_lowered:
.L_overlay_start_2:
0x198: {  	(tag) =	ssettag $0x2  }
0x199: {  	s0 =	rddreg [dreg:$0x0];
	s2 =	stileid.u32  }
0x19a: {  	s1 =	rddreg [dreg:$0x1];
	p0 =	sne.s32 s2, $0x0  }
0x19b: {  	s3 =	rddreg [dreg:$0x2];
	[bflag:$0x3] =	sbarrier.arrive $0xFFFF;
	s2 =	simm.s32 @!p0 $0x1C02  }
0x19c: {  	[timem:s3], [sflag:s2] =	dma.local @!p0 [hbm:s0], s1  }
0x19d: {  	s0 =	simm.s32 @!p0 $0x2  }
0x19e: {  	_ =	swait.ge @!p0 [sflag:s0], s1  }
0x19f: {  	s1 =	ssub.s32 @!p0 $0x0, s1;
	[sflag:s0] =	ssyncset.done @!p0 $0x0  }
0x1a0: {  	[sflag:s0] =	ssyncadd.s32 @!p0 s1  }
0x1a1: {  	[bflag:$0x3] =	sbarrier.arrive $0xFFFF  }
0x1a2: {  	_ =	shalt  }

</sc_bundles>
